<compile_context>
chip_gen: v7x
topology: tpu7x:2x2x1
jax: 0.10.2.dev20260603
libtpu: 0.0.44.dev20260713+nightly
codegen_flags: <defaults>
</compile_context>

<pallas_src>
import functools

import jax
import jax.numpy as jnp
from jax import lax
from jax.experimental import pallas as pl
from jax.experimental.pallas import tpu as pltpu
from jax.experimental.pallas import tpu_sc as plsc

N = 10000
E = 320000
B = 100000
H = 128
LG = 64
PROX_W = 0.3

NC, NS = 2, 16
NW = NC * NS
CH = 128

NCH_E = 80
NCH_B = 26
EPAD = NW * NCH_E * CH
EPW = EPAD // NW
BPAD = NW * NCH_B * CH
BPW = BPAD // NW
NT = 10240
RPW = NT // NS
TW = 2 * H
BK = 1024

_f32 = jnp.float32


def _wid():
    return lax.axis_index("c") * NS + lax.axis_index("s")



def _sc_deg_sp_body(dst_hbm, idx_hbm, s_hbm, p_hbm, deg_out, s_out, p_out,
                    didx2, iidx2, ones, svals2, pvals2, zbuf, acc, sem, sem2):
    cid = lax.axis_index("c")
    sid = lax.axis_index("s")
    wid = _wid()

    @pl.loop(0, CH, step=16)
    def _(i):
        ones[pl.ds(i, 16)] = jnp.ones((16,), _f32)

    @pl.loop(0, RPW, step=16)
    def _(i):
        zbuf[pl.ds(i, 16)] = jnp.zeros((16,), _f32)

    pltpu.sync_copy(zbuf, acc.at[pl.ds(sid * RPW, RPW)])
    pltpu.sync_copy(dst_hbm.at[wid], didx2)
    pltpu.sync_copy(idx_hbm.at[wid], iidx2)
    plsc.subcore_barrier()

    @pl.loop(0, NCH_E // 8)
    def _(q):
        for j in range(8):
            pltpu.async_copy(ones, acc.at[didx2.at[8 * q + j]], sem, add=True)
        for j in range(8):
            pltpu.make_async_copy(ones, acc.at[didx2.at[0]], sem).wait()

    for tab, buf, sm in ((s_hbm, svals2, sem), (p_hbm, pvals2, sem2)):
        for half in range(2):
            base = half * (NCH_B // 2)
            for j in range(NCH_B // 2):
                pltpu.async_copy(tab.at[iidx2.at[base + j]],
                                 buf.at[base + j], sm)
            for j in range(NCH_B // 2):
                pltpu.make_async_copy(tab.at[iidx2.at[0]], buf.at[0], sm).wait()
    pltpu.sync_copy(svals2, s_out.at[wid])
    pltpu.sync_copy(pvals2, p_out.at[wid])

    plsc.subcore_barrier()
    pltpu.sync_copy(acc.at[pl.ds(sid * RPW, RPW)],
                    deg_out.at[cid, pl.ds(sid * RPW, RPW)])


def _sc_agg_body(g_hbm, src_hbm, dst_hbm, part_out, sidx2, didx2, r0, r1,
                 acc, gs0, gs1, ss0, ss1):
    cid = lax.axis_index("c")
    sid = lax.axis_index("s")
    wid = _wid()

    @pl.loop(0, CH)
    def _(i):
        for j in range(H // 16):
            r0[i, pl.ds(j * 16, 16)] = jnp.zeros((16,), _f32)

    for t in range(RPW // CH):
        pltpu.sync_copy(r0, acc.at[pl.ds(sid * RPW + t * CH, CH)])
    plsc.subcore_barrier()

    HC = NCH_E // 2
    for half in range(2):
        pltpu.sync_copy(src_hbm.at[wid, pl.ds(half * HC, HC)], sidx2)
        pltpu.sync_copy(dst_hbm.at[wid, pl.ds(half * HC, HC)], didx2)

        @pl.loop(0, HC)
        def _(k):
            pltpu.async_copy(g_hbm.at[sidx2.at[k]], r0, gs0).wait()
            pltpu.sync_copy(r0, acc.at[didx2.at[k]], add=True)

    plsc.subcore_barrier()
    pltpu.sync_copy(acc.at[pl.ds(sid * RPW, RPW)],
                    part_out.at[cid, pl.ds(sid * RPW, RPW)])


def _sc_egather_body(t_hbm, e0_hbm, e1_hbm, a_out, b_out,
                     i0, i1, ra, rb, ga, gb, wa, wb):
    wid = _wid()
    bbase = wid * BPW
    pltpu.sync_copy(e0_hbm.at[wid], i0)
    pltpu.sync_copy(e1_hbm.at[wid], i1)

    @pl.loop(0, NCH_B)
    def _(k):
        off = pl.multiple_of(bbase + k * CH, CH)
        c0 = pltpu.async_copy(t_hbm.at[i0.at[k]], ra, ga)
        c1 = pltpu.async_copy(t_hbm.at[i1.at[k]], rb, gb)
        c0.wait()
        pltpu.sync_copy(ra, a_out.at[pl.ds(off, CH)])
        c1.wait()
        pltpu.sync_copy(rb, b_out.at[pl.ds(off, CH)])


@functools.cache
def _sc_kernels():
    mesh = plsc.VectorSubcoreMesh(
        core_axis_name="c", subcore_axis_name="s",
        num_cores=NC, num_subcores=NS)
    deg_sp = pl.kernel(
        _sc_deg_sp_body,
        out_type=(
            jax.ShapeDtypeStruct((NC, NT), _f32),
            jax.ShapeDtypeStruct((NW, NCH_B, CH), _f32),
            jax.ShapeDtypeStruct((NW, NCH_B, CH), _f32),
        ),
        mesh=mesh,
        scratch_types=[
            pltpu.VMEM((NCH_E, CH), jnp.int32),
            pltpu.VMEM((NCH_B, CH), jnp.int32),
            pltpu.VMEM((CH,), _f32),
            pltpu.VMEM((NCH_B, CH), _f32),
            pltpu.VMEM((NCH_B, CH), _f32),
            pltpu.VMEM((RPW,), _f32),
            pltpu.VMEM_SHARED((NT,), _f32),
            pltpu.SemaphoreType.DMA,
            pltpu.SemaphoreType.DMA,
        ],
    )
    agg = pl.kernel(
        _sc_agg_body,
        out_type=jax.ShapeDtypeStruct((NC, NT, H), _f32),
        mesh=mesh,
        scratch_types=[
            pltpu.VMEM((NCH_E // 2, CH), jnp.int32),
            pltpu.VMEM((NCH_E // 2, CH), jnp.int32),
            pltpu.VMEM((CH, H), _f32),
            pltpu.VMEM((CH, H), _f32),
            pltpu.VMEM_SHARED((NT, H), _f32),
            pltpu.SemaphoreType.DMA,
            pltpu.SemaphoreType.DMA,
            pltpu.SemaphoreType.DMA,
            pltpu.SemaphoreType.DMA,
        ],
    )
    egather = pl.kernel(
        _sc_egather_body,
        out_type=(
            jax.ShapeDtypeStruct((BPAD, TW), _f32),
            jax.ShapeDtypeStruct((BPAD, TW), _f32),
        ),
        mesh=mesh,
        scratch_types=[
            pltpu.VMEM((NCH_B, CH), jnp.int32),
            pltpu.VMEM((NCH_B, CH), jnp.int32),
            pltpu.VMEM((CH, TW), _f32),
            pltpu.VMEM((CH, TW), _f32),
            pltpu.SemaphoreType.DMA,
            pltpu.SemaphoreType.DMA,
            pltpu.SemaphoreType.DMA,
            pltpu.SemaphoreType.DMA,
        ],
    )
    return deg_sp, agg, egather



_HI = jax.lax.Precision.HIGHEST


def _dot(a, b):
    return jnp.dot(a, b, preferred_element_type=_f32, precision=_HI)


def _k2_body(x_ref, deg_ref, w_ref, dinv_ref, g1_ref):
    d = deg_ref[0, :] + deg_ref[1, :] + 1.0
    dv = lax.rsqrt(d)
    dinv_ref[...] = dv
    g1_ref[...] = _dot(x_ref[...], w_ref[...]) * dv[:, None]


_tc_prep = pl.pallas_call(
    _k2_body,
    grid=(NT // BK,),
    in_specs=[
        pl.BlockSpec((BK, H), lambda i: (i, 0)),
        pl.BlockSpec((NC, BK), lambda i: (0, i)),
        pl.BlockSpec((H, H), lambda i: (0, 0)),
    ],
    out_specs=[
        pl.BlockSpec((BK,), lambda i: (i,)),
        pl.BlockSpec((BK, H), lambda i: (i, 0)),
    ],
    out_shape=[
        jax.ShapeDtypeStruct((NT,), _f32),
        jax.ShapeDtypeStruct((NT, H), _f32),
    ],
)


def _k4_body(part_ref, g1_ref, dinv_ref, b1_ref, w2_ref, g2_ref):
    dv = dinv_ref[...]
    h1 = jnp.tanh((part_ref[0] + part_ref[1] + g1_ref[...]) * dv[:, None]
                  + b1_ref[...])
    g2_ref[...] = _dot(h1, w2_ref[...]) * dv[:, None]


_tc_layer = pl.pallas_call(
    _k4_body,
    grid=(NT // BK,),
    in_specs=[
        pl.BlockSpec((NC, BK, H), lambda i: (0, i, 0)),
        pl.BlockSpec((BK, H), lambda i: (i, 0)),
        pl.BlockSpec((BK,), lambda i: (i,)),
        pl.BlockSpec((H,), lambda i: (0,)),
        pl.BlockSpec((H, H), lambda i: (0, 0)),
    ],
    out_specs=pl.BlockSpec((BK, H), lambda i: (i, 0)),
    out_shape=jax.ShapeDtypeStruct((NT, H), _f32),
)


def _k6_body(part_ref, g2_ref, dinv_ref, b2_ref, wv_ref, linw_ref, linb_ref,
             logits_ref, redw_ref, redb_ref, t_ref):
    dv = dinv_ref[...]
    emb0 = jnp.tanh((part_ref[0] + part_ref[1] + g2_ref[...]) * dv[:, None]
                    + b2_ref[...])
    ae = _dot(emb0, wv_ref[...])
    emb = jnp.tanh(_dot(emb0, linw_ref[:H]) + _dot(ae, linw_ref[H:])
                   + linb_ref[...])
    r = jnp.tanh(_dot(logits_ref[...], redw_ref[...]) + redb_ref[...])
    t_ref[...] = jnp.concatenate([emb, r], axis=1)


_tc_emb = pl.pallas_call(
    _k6_body,
    grid=(NT // BK,),
    in_specs=[
        pl.BlockSpec((NC, BK, H), lambda i: (0, i, 0)),
        pl.BlockSpec((BK, H), lambda i: (i, 0)),
        pl.BlockSpec((BK,), lambda i: (i,)),
        pl.BlockSpec((H,), lambda i: (0,)),
        pl.BlockSpec((H, H), lambda i: (0, 0)),
        pl.BlockSpec((2 * H, H), lambda i: (0, 0)),
        pl.BlockSpec((H,), lambda i: (0,)),
        pl.BlockSpec((BK, LG), lambda i: (i, 0)),
        pl.BlockSpec((LG, H), lambda i: (0, 0)),
        pl.BlockSpec((H,), lambda i: (0,)),
    ],
    out_specs=pl.BlockSpec((BK, TW), lambda i: (i, 0)),
    out_shape=jax.ShapeDtypeStruct((NT, TW), _f32),
)


def _k8_body(a_ref, b_ref, s_ref, p_ref, wl_ref, blin_ref, mlw1_ref, mlb1_ref,
             mlw2_ref, mlb2_ref, msw1_ref, msb1_ref, msw2_ref, msb2_ref,
             out_ref):
    a = a_ref[:, :H]
    ra = a_ref[:, H:]
    b = b_ref[:, :H]
    rb = b_ref[:, H:]
    wl = wl_ref[...]
    sym = (wl + wl.T) * 0.5
    sim = jnp.sum(_dot(a, sym) * b, axis=1) + jnp.sum(blin_ref[...])
    mls = jax.nn.sigmoid(sim)

    mean = (a + b) * 0.5
    mx = jnp.maximum(a, b)
    hml = jnp.tanh(_dot(mean, mlw1_ref[:H]) + _dot(mx, mlw1_ref[H:])
                   + mlb1_ref[...])
    mlw = jnp.tanh(jnp.sum(hml * mlw2_ref[...], axis=1) + mlb2_ref[...])

    rmean = (ra + rb) * 0.5
    rmx = jnp.maximum(ra, rb)
    hms = jnp.tanh(_dot(rmean, msw1_ref[:H]) + _dot(rmx, msw1_ref[H:])
                   + msb1_ref[...])
    msw = jnp.tanh(jnp.sum(hms * msw2_ref[...], axis=1) + msb2_ref[...])

    m = jnp.maximum(jnp.maximum(mlw, msw), PROX_W)
    ea = jnp.exp(mlw - m)
    eb = jnp.exp(msw - m)
    ec = jnp.exp(PROX_W - m)
    z = ea + eb + ec
    s1 = s_ref[...]
    s2 = p_ref[...]
    out_ref[...] = jnp.clip((mls * ea + s1 * eb + s2 * ec) / z, 0.0, 1.0)


_tc_edge = pl.pallas_call(
    _k8_body,
    grid=(BPAD // BK,),
    in_specs=[
        pl.BlockSpec((BK, TW), lambda i: (i, 0)),
        pl.BlockSpec((BK, TW), lambda i: (i, 0)),
        pl.BlockSpec((BK,), lambda i: (i,)),
        pl.BlockSpec((BK,), lambda i: (i,)),
        pl.BlockSpec((H, H), lambda i: (0, 0)),
        pl.BlockSpec((H,), lambda i: (0,)),
        pl.BlockSpec((2 * H, H), lambda i: (0, 0)),
        pl.BlockSpec((H,), lambda i: (0,)),
        pl.BlockSpec((H,), lambda i: (0,)),
        pl.BlockSpec((1,), lambda i: (0,)),
        pl.BlockSpec((2 * H, H), lambda i: (0, 0)),
        pl.BlockSpec((H,), lambda i: (0,)),
        pl.BlockSpec((H,), lambda i: (0,)),
        pl.BlockSpec((1,), lambda i: (0,)),
    ],
    out_specs=pl.BlockSpec((BK,), lambda i: (i,)),
    out_shape=jax.ShapeDtypeStruct((BPAD,), _f32),
)



def kernel(x, mp_adj, edges, index, prev_embs, gc1_W, gc1_b, gc2_W, gc2_b,
           lin_W, lin_b, weight_lin, bias_lin, w_v, train_s, train_p,
           ms_logits, ml_W1, ml_b1, ml_W2, ml_b2, ms_W1, ms_b1, ms_W2, ms_b2,
           red_W, red_b):
    it = mp_adj.dtype
    srcp = jnp.concatenate([mp_adj[0], jnp.zeros((EPAD - E,), it)])
    dstp = jnp.concatenate([mp_adj[1], jnp.full((EPAD - E,), N, it)])
    e0p = jnp.concatenate([edges[0], jnp.zeros((BPAD - B,), edges.dtype)])
    e1p = jnp.concatenate([edges[1], jnp.zeros((BPAD - B,), edges.dtype)])
    idxp = jnp.concatenate([index, jnp.zeros((BPAD - B,), index.dtype)])
    srcp = srcp.reshape(NW, NCH_E, CH)
    dstp = dstp.reshape(NW, NCH_E, CH)
    e0p = e0p.reshape(NW, NCH_B, CH)
    e1p = e1p.reshape(NW, NCH_B, CH)
    idxp = idxp.reshape(NW, NCH_B, CH)
    x_pad = jnp.pad(x, ((0, NT - N), (0, 0)))
    logits_pad = jnp.pad(ms_logits, ((0, NT - N), (0, 0)))

    sc_deg_sp, sc_agg, sc_egather = _sc_kernels()
    deg_parts, s_g, p_g = sc_deg_sp(dstp, idxp, train_s, train_p)
    s_g = s_g.reshape(BPAD)
    p_g = p_g.reshape(BPAD)
    dinv, g1 = _tc_prep(x_pad, deg_parts, gc1_W)
    part1 = sc_agg(g1, srcp, dstp)
    g2 = _tc_layer(part1, g1, dinv, gc1_b, gc2_W)
    part2 = sc_agg(g2, srcp, dstp)
    t_tab = _tc_emb(part2, g2, dinv, gc2_b, w_v, lin_W, lin_b, logits_pad,
                    red_W, red_b)
    a_rows, b_rows = sc_egather(t_tab, e0p, e1p)
    final = _tc_edge(a_rows, b_rows, s_g, p_g, weight_lin, bias_lin,
                     ml_W1, ml_b1, ml_W2[:, 0], ml_b2, ms_W1, ms_b1,
                     ms_W2[:, 0], ms_b2)
    return final[:B]

# --- scband reference (transcript-rebuilt; emitter-appended) ---
"""Pipeline reference for scband-ti-ger-model-3607772529226 (READ-ONLY COPY).

The authoritative reference and input builder live on the scoring server;
editing this copy changes nothing except your own understanding.
"""

import jax, jax.numpy as jnp
import numpy as np

N = 10000
E = 320000
B = 100000
F = 128
H = 128
L = 64
PROX_W = 0.3


def _xavier(k, shape):
    lim = np.sqrt(6.0 / (shape[0] + shape[1]))
    return jax.random.uniform(k, shape, jnp.float32, -lim, lim)


def setup_inputs(seed: int = 0) -> dict:
    key = jax.random.key(seed)
    ks = jax.random.split(key, 24)
    inp = {
        "x": jax.random.normal(ks[0], (N, F), jnp.float32),
        "mp_adj": jax.random.randint(ks[1], (2, E), 0, N),
        "edges": jax.random.randint(ks[2], (2, B), 0, N),
        "index": jax.random.randint(ks[3], (B,), 0, B),
        "prev_embs": jnp.zeros((0, H), jnp.float32),
        "gc1_W": _xavier(ks[4], (F, H)), "gc1_b": jnp.zeros((H,), jnp.float32),
        "gc2_W": _xavier(ks[5], (H, H)), "gc2_b": jnp.zeros((H,), jnp.float32),
        "lin_W": _xavier(ks[6], (2 * H, H)), "lin_b": jnp.zeros((H,), jnp.float32),
        "weight_lin": _xavier(ks[7], (H, H)), "bias_lin": jnp.zeros((H,), jnp.float32),
        "w_v": _xavier(ks[8], (H, H)),
        "train_s": jax.random.uniform(ks[9], (B,), jnp.float32),
        "train_p": jax.random.uniform(ks[10], (B,), jnp.float32),
        "ms_logits": jax.random.normal(ks[11], (N, L), jnp.float32),
        "ml_W1": _xavier(ks[12], (2 * H, H)), "ml_b1": jnp.zeros((H,), jnp.float32),
        "ml_W2": _xavier(ks[13], (H, 1)), "ml_b2": jnp.zeros((1,), jnp.float32),
        "ms_W1": _xavier(ks[14], (2 * H, H)), "ms_b1": jnp.zeros((H,), jnp.float32),
        "ms_W2": _xavier(ks[15], (H, 1)), "ms_b2": jnp.zeros((1,), jnp.float32),
        "red_W": _xavier(ks[16], (L, H)), "red_b": jnp.zeros((H,), jnp.float32),
    }
    return inp


def _gcn(x, ei, W, b):
    n = x.shape[0]
    loop = jnp.arange(n)
    src = jnp.concatenate([ei[0], loop])
    dst = jnp.concatenate([ei[1], loop])
    h = x @ W
    deg = jnp.zeros((n,), h.dtype).at[dst].add(1.0)
    dinv = 1.0 / jnp.sqrt(jnp.maximum(deg, 1.0))
    norm = (dinv[src] * dinv[dst])[:, None]
    out = jnp.zeros((n, W.shape[1]), h.dtype).at[dst].add(h[src] * norm)
    return out + b


def _mmp(a, b):
    return jnp.concatenate([(a + b) / 2.0, jnp.maximum(a, b)], axis=1)


def reference(x, mp_adj, edges, index, prev_embs,
              gc1_W, gc1_b, gc2_W, gc2_b, lin_W, lin_b,
              weight_lin, bias_lin, w_v,
              train_s, train_p, ms_logits,
              ml_W1, ml_b1, ml_W2, ml_b2,
              ms_W1, ms_b1, ms_W2, ms_b2,
              red_W, red_b):
    # Module_L (dropout in eval mode = identity; prev_embs empty -> attn = emb @ w_v)
    h = jnp.tanh(_gcn(x, mp_adj, gc1_W, gc1_b))
    h = jnp.tanh(_gcn(h, mp_adj, gc2_W, gc2_b))
    emb0 = h
    attn_emb = emb0 @ w_v
    emb = jnp.tanh(jnp.concatenate([emb0, attn_emb], axis=1) @ lin_W + lin_b)
    sym = (weight_lin + weight_lin.T) / 2.0
    e0, e1 = edges[0], edges[1]
    sim = ((emb[e0] @ sym) * emb[e1] + bias_lin).sum(axis=1)
    ml_scores = jax.nn.sigmoid(sim)
    # Module_S / Proximity (mode='train')
    ms_scores = train_s[index]
    prox_scores = train_p[index]
    scores = jnp.stack([ml_scores, ms_scores, prox_scores], axis=1)
    # ensemble
    ml_p = _mmp(emb[e0], emb[e1])
    ml_w = jnp.tanh(jnp.tanh(ml_p @ ml_W1 + ml_b1) @ ml_W2 + ml_b2)
    ra = jnp.tanh(ms_logits[e0] @ red_W + red_b)
    rb = jnp.tanh(ms_logits[e1] @ red_W + red_b)
    ms_p = _mmp(ra, rb)
    ms_w = jnp.tanh(jnp.tanh(ms_p @ ms_W1 + ms_b1) @ ms_W2 + ms_b2)
    pw = jnp.ones_like(ml_w) * PROX_W
    attn = jax.nn.softmax(jnp.concatenate([ml_w, ms_w, pw], axis=1), axis=1)
    final = jnp.clip((scores * attn).sum(axis=1), 0.0, 1.0)
    return final

if __name__ == "__main__":
    import jax
    _d = setup_inputs()
    print(jax.jit(kernel)(*tuple(_d.values())))

</pallas_src>

<mosaic_0001>
#map = affine_map<(d0, d1) -> (0, 0)>
#map1 = affine_map<(d0, d1) -> (0, 0, 0)>
module attributes {stable_mosaic.version = 14 : i64} {
  func.func @_sc_agg_body(%arg0: i32, %arg1: i32, %arg2: memref<10240x128xf32, #tpu.memory_space<hbm>>, %arg3: memref<32x80x128xi32, #tpu.memory_space<hbm>>, %arg4: memref<32x80x128xi32, #tpu.memory_space<hbm>>, %arg5: memref<2x10240x128xf32, #tpu.memory_space<hbm>>, %arg6: memref<40x128xi32, #tpu.memory_space<vmem>>, %arg7: memref<40x128xi32, #tpu.memory_space<vmem>>, %arg8: memref<128x128xf32, #tpu.memory_space<vmem>>, %arg9: memref<128x128xf32, #tpu.memory_space<vmem>>, %arg10: memref<10240x128xf32, #tpu.memory_space<vmem_shared>>, %arg11: memref<!tpu.dma_semaphore, #tpu.memory_space<semaphore_mem>>, %arg12: memref<!tpu.dma_semaphore, #tpu.memory_space<semaphore_mem>>, %arg13: memref<!tpu.dma_semaphore, #tpu.memory_space<semaphore_mem>>, %arg14: memref<!tpu.dma_semaphore, #tpu.memory_space<semaphore_mem>>) attributes {dimension_semantics = [#tpu.dimension_semantics<core_parallel>, #tpu.dimension_semantics<subcore_parallel>], iteration_bounds = array<i64: 2, 16>, scalar_prefetch = 0 : i64, scratch_operands = 9 : i64, tpu.core_type = #tpu.core_type<sc_vector_subcore>, window_params = [{transform_indices = #map}, {transform_indices = #map1}, {transform_indices = #map1}, {transform_indices = #map1}]} {
    %mul3A = arith.constant 16 : i32
    %mul3A_0 = arith.muli %arg0, %mul3A : i32
    %add3A = arith.addi %mul3A_0, %arg1 : i32
    %scan3A = arith.constant 0 : i32
    %scan3A_1 = arith.constant 128 : i32
    %scan3A_2 = arith.addi %scan3A, %scan3A_1 : i32
    %scan3A_3 = arith.constant 1 : i32
    scf.for %scan3A_40 = %scan3A to %scan3A_2 step %scan3A_3  : i32 {
      %mul3A_41 = arith.constant 1 : i32
      %mul3A_42 = arith.muli %scan3A_40, %mul3A_41 : i32
      %add3A_43 = arith.constant 0 : i32
      %add3A_44 = arith.addi %add3A_43, %mul3A_42 : i32
      %broadcast_in_dim3A = arith.constant 0.000000e+00 : f32
      %broadcast_in_dim3A_45 = vector.broadcast %broadcast_in_dim3A : f32 to vector<16xf32>
      %swap3A = arith.index_cast %add3A_44 : i32 to index
      %swap3A_46 = arith.constant 0 : index
      %swap3A_47 = tpu.vector_load %arg8[%swap3A, %swap3A_46] {strides = array<i32>} : memref<128x128xf32, #tpu.memory_space<vmem>>, vector<1x16xf32>,
      %swap3A_48 = vector.shape_cast %swap3A_47 : vector<1x16xf32> to vector<16xf32>
      %swap3A_49 = vector.shape_cast %broadcast_in_dim3A_45 : vector<16xf32> to vector<1x16xf32>
      tpu.vector_store %arg8[%swap3A, %swap3A_46], %swap3A_49 {strides = array<i32>} : memref<128x128xf32, #tpu.memory_space<vmem>>, vector<1x16xf32>,
      %broadcast_in_dim3A_50 = arith.constant 0.000000e+00 : f32
      %broadcast_in_dim3A_51 = vector.broadcast %broadcast_in_dim3A_50 : f32 to vector<16xf32>
      %swap3A_52 = arith.index_cast %add3A_44 : i32 to index
      %swap3A_53 = arith.constant 16 : index
      %swap3A_54 = tpu.vector_load %arg8[%swap3A_52, %swap3A_53] {strides = array<i32>} : memref<128x128xf32, #tpu.memory_space<vmem>>, vector<1x16xf32>,
      %swap3A_55 = vector.shape_cast %swap3A_54 : vector<1x16xf32> to vector<16xf32>
      %swap3A_56 = vector.shape_cast %broadcast_in_dim3A_51 : vector<16xf32> to vector<1x16xf32>
      tpu.vector_store %arg8[%swap3A_52, %swap3A_53], %swap3A_56 {strides = array<i32>} : memref<128x128xf32, #tpu.memory_space<vmem>>, vector<1x16xf32>,
      %broadcast_in_dim3A_57 = arith.constant 0.000000e+00 : f32
      %broadcast_in_dim3A_58 = vector.broadcast %broadcast_in_dim3A_57 : f32 to vector<16xf32>
      %swap3A_59 = arith.index_cast %add3A_44 : i32 to index
      %swap3A_60 = arith.constant 32 : index
      %swap3A_61 = tpu.vector_load %arg8[%swap3A_59, %swap3A_60] {strides = array<i32>} : memref<128x128xf32, #tpu.memory_space<vmem>>, vector<1x16xf32>,
      %swap3A_62 = vector.shape_cast %swap3A_61 : vector<1x16xf32> to vector<16xf32>
      %swap3A_63 = vector.shape_cast %broadcast_in_dim3A_58 : vector<16xf32> to vector<1x16xf32>
      tpu.vector_store %arg8[%swap3A_59, %swap3A_60], %swap3A_63 {strides = array<i32>} : memref<128x128xf32, #tpu.memory_space<vmem>>, vector<1x16xf32>,
      %broadcast_in_dim3A_64 = arith.constant 0.000000e+00 : f32
      %broadcast_in_dim3A_65 = vector.broadcast %broadcast_in_dim3A_64 : f32 to vector<16xf32>
      %swap3A_66 = arith.index_cast %add3A_44 : i32 to index
      %swap3A_67 = arith.constant 48 : index
      %swap3A_68 = tpu.vector_load %arg8[%swap3A_66, %swap3A_67] {strides = array<i32>} : memref<128x128xf32, #tpu.memory_space<vmem>>, vector<1x16xf32>,
      %swap3A_69 = vector.shape_cast %swap3A_68 : vector<1x16xf32> to vector<16xf32>
      %swap3A_70 = vector.shape_cast %broadcast_in_dim3A_65 : vector<16xf32> to vector<1x16xf32>
      tpu.vector_store %arg8[%swap3A_66, %swap3A_67], %swap3A_70 {strides = array<i32>} : memref<128x128xf32, #tpu.memory_space<vmem>>, vector<1x16xf32>,
      %broadcast_in_dim3A_71 = arith.constant 0.000000e+00 : f32
      %broadcast_in_dim3A_72 = vector.broadcast %broadcast_in_dim3A_71 : f32 to vector<16xf32>
      %swap3A_73 = arith.index_cast %add3A_44 : i32 to index
      %swap3A_74 = arith.constant 64 : index
      %swap3A_75 = tpu.vector_load %arg8[%swap3A_73, %swap3A_74] {strides = array<i32>} : memref<128x128xf32, #tpu.memory_space<vmem>>, vector<1x16xf32>,
      %swap3A_76 = vector.shape_cast %swap3A_75 : vector<1x16xf32> to vector<16xf32>
      %swap3A_77 = vector.shape_cast %broadcast_in_dim3A_72 : vector<16xf32> to vector<1x16xf32>
      tpu.vector_store %arg8[%swap3A_73, %swap3A_74], %swap3A_77 {strides = array<i32>} : memref<128x128xf32, #tpu.memory_space<vmem>>, vector<1x16xf32>,
      %broadcast_in_dim3A_78 = arith.constant 0.000000e+00 : f32
      %broadcast_in_dim3A_79 = vector.broadcast %broadcast_in_dim3A_78 : f32 to vector<16xf32>
      %swap3A_80 = arith.index_cast %add3A_44 : i32 to index
      %swap3A_81 = arith.constant 80 : index
      %swap3A_82 = tpu.vector_load %arg8[%swap3A_80, %swap3A_81] {strides = array<i32>} : memref<128x128xf32, #tpu.memory_space<vmem>>, vector<1x16xf32>,
      %swap3A_83 = vector.shape_cast %swap3A_82 : vector<1x16xf32> to vector<16xf32>
      %swap3A_84 = vector.shape_cast %broadcast_in_dim3A_79 : vector<16xf32> to vector<1x16xf32>
      tpu.vector_store %arg8[%swap3A_80, %swap3A_81], %swap3A_84 {strides = array<i32>} : memref<128x128xf32, #tpu.memory_space<vmem>>, vector<1x16xf32>,
      %broadcast_in_dim3A_85 = arith.constant 0.000000e+00 : f32
      %broadcast_in_dim3A_86 = vector.broadcast %broadcast_in_dim3A_85 : f32 to vector<16xf32>
      %swap3A_87 = arith.index_cast %add3A_44 : i32 to index
      %swap3A_88 = arith.constant 96 : index
      %swap3A_89 = tpu.vector_load %arg8[%swap3A_87, %swap3A_88] {strides = array<i32>} : memref<128x128xf32, #tpu.memory_space<vmem>>, vector<1x16xf32>,
      %swap3A_90 = vector.shape_cast %swap3A_89 : vector<1x16xf32> to vector<16xf32>
      %swap3A_91 = vector.shape_cast %broadcast_in_dim3A_86 : vector<16xf32> to vector<1x16xf32>
      tpu.vector_store %arg8[%swap3A_87, %swap3A_88], %swap3A_91 {strides = array<i32>} : memref<128x128xf32, #tpu.memory_space<vmem>>, vector<1x16xf32>,
      %broadcast_in_dim3A_92 = arith.constant 0.000000e+00 : f32
      %broadcast_in_dim3A_93 = vector.broadcast %broadcast_in_dim3A_92 : f32 to vector<16xf32>
      %swap3A_94 = arith.index_cast %add3A_44 : i32 to index
      %swap3A_95 = arith.constant 112 : index
      %swap3A_96 = tpu.vector_load %arg8[%swap3A_94, %swap3A_95] {strides = array<i32>} : memref<128x128xf32, #tpu.memory_space<vmem>>, vector<1x16xf32>,
      %swap3A_97 = vector.shape_cast %swap3A_96 : vector<1x16xf32> to vector<16xf32>
      %swap3A_98 = vector.shape_cast %broadcast_in_dim3A_93 : vector<16xf32> to vector<1x16xf32>
      tpu.vector_store %arg8[%swap3A_94, %swap3A_95], %swap3A_98 {strides = array<i32>} : memref<128x128xf32, #tpu.memory_space<vmem>>, vector<1x16xf32>,
    }
    %scan3A_4 = arith.constant 128 : i32
    %mul3A_5 = arith.constant 640 : i32
    %mul3A_6 = arith.muli %arg1, %mul3A_5 : i32
    %add3A_7 = arith.constant 0 : i32
    %add3A_8 = arith.addi %mul3A_6, %add3A_7 : i32
    "tpu.region"() ({
      %run_scoped3A = tpu.sem_alloc : memref<!tpu.dma_semaphore, #tpu.memory_space<semaphore_mem>>
      %dma_start3A = arith.constant 0 : i32
      %dma_start3A_40 = tpu.memref_slice %arg10[%add3A_8, %dma_start3A] : memref<10240x128xf32, #tpu.memory_space<vmem_shared>> -> memref<128x128xf32, #tpu.memory_space<vmem_shared>>
      %dma_start3A_41 = arith.constant 0 : i32
      %dma_start3A_42 = tpu.memref_slice %arg10[%add3A_8, %dma_start3A_41] : memref<10240x128xf32, #tpu.memory_space<vmem_shared>> -> memref<128x128xf32, #tpu.memory_space<vmem_shared>>
      tpu.enqueue_dma source(%arg8 : memref<128x128xf32, #tpu.memory_space<vmem>>) target(%dma_start3A_42 : memref<128x128xf32, #tpu.memory_space<vmem_shared>>) target_semaphore(%run_scoped3A : memref<!tpu.dma_semaphore, #tpu.memory_space<semaphore_mem>>)
      %dma_wait3A = arith.constant 0 : i32
      %dma_wait3A_43 = tpu.memref_slice %arg10[%add3A_8, %dma_wait3A] : memref<10240x128xf32, #tpu.memory_space<vmem_shared>> -> memref<128x128xf32, #tpu.memory_space<vmem_shared>>
      %dma_wait3A_44 = arith.constant 0 : i32
      %dma_wait3A_45 = tpu.memref_slice %arg10[%add3A_8, %dma_wait3A_44] : memref<10240x128xf32, #tpu.memory_space<vmem_shared>> -> memref<128x128xf32, #tpu.memory_space<vmem_shared>>
      tpu.wait_dma2 semaphore(%run_scoped3A : memref<!tpu.dma_semaphore, #tpu.memory_space<semaphore_mem>>) src(%arg8 : memref<128x128xf32, #tpu.memory_space<vmem>>) dst(%dma_wait3A_45 : memref<128x128xf32, #tpu.memory_space<vmem_shared>>)
      tpu.yield
    }) : () -> ()
    %mul3A_9 = arith.constant 640 : i32
    %mul3A_10 = arith.muli %arg1, %mul3A_9 : i32
    %add3A_11 = arith.constant 128 : i32
    %add3A_12 = arith.addi %mul3A_10, %add3A_11 : i32
    "tpu.region"() ({
      %run_scoped3A = tpu.sem_alloc : memref<!tpu.dma_semaphore, #tpu.memory_space<semaphore_mem>>
      %dma_start3A = arith.constant 0 : i32
      %dma_start3A_40 = tpu.memref_slice %arg10[%add3A_12, %dma_start3A] : memref<10240x128xf32, #tpu.memory_space<vmem_shared>> -> memref<128x128xf32, #tpu.memory_space<vmem_shared>>
      %dma_start3A_41 = arith.constant 0 : i32
      %dma_start3A_42 = tpu.memref_slice %arg10[%add3A_12, %dma_start3A_41] : memref<10240x128xf32, #tpu.memory_space<vmem_shared>> -> memref<128x128xf32, #tpu.memory_space<vmem_shared>>
      tpu.enqueue_dma source(%arg8 : memref<128x128xf32, #tpu.memory_space<vmem>>) target(%dma_start3A_42 : memref<128x128xf32, #tpu.memory_space<vmem_shared>>) target_semaphore(%run_scoped3A : memref<!tpu.dma_semaphore, #tpu.memory_space<semaphore_mem>>)
      %dma_wait3A = arith.constant 0 : i32
      %dma_wait3A_43 = tpu.memref_slice %arg10[%add3A_12, %dma_wait3A] : memref<10240x128xf32, #tpu.memory_space<vmem_shared>> -> memref<128x128xf32, #tpu.memory_space<vmem_shared>>
      %dma_wait3A_44 = arith.constant 0 : i32
      %dma_wait3A_45 = tpu.memref_slice %arg10[%add3A_12, %dma_wait3A_44] : memref<10240x128xf32, #tpu.memory_space<vmem_shared>> -> memref<128x128xf32, #tpu.memory_space<vmem_shared>>
      tpu.wait_dma2 semaphore(%run_scoped3A : memref<!tpu.dma_semaphore, #tpu.memory_space<semaphore_mem>>) src(%arg8 : memref<128x128xf32, #tpu.memory_space<vmem>>) dst(%dma_wait3A_45 : memref<128x128xf32, #tpu.memory_space<vmem_shared>>)
      tpu.yield
    }) : () -> ()
    %mul3A_13 = arith.constant 640 : i32
    %mul3A_14 = arith.muli %arg1, %mul3A_13 : i32
    %add3A_15 = arith.constant 256 : i32
    %add3A_16 = arith.addi %mul3A_14, %add3A_15 : i32
    "tpu.region"() ({
      %run_scoped3A = tpu.sem_alloc : memref<!tpu.dma_semaphore, #tpu.memory_space<semaphore_mem>>
      %dma_start3A = arith.constant 0 : i32
      %dma_start3A_40 = tpu.memref_slice %arg10[%add3A_16, %dma_start3A] : memref<10240x128xf32, #tpu.memory_space<vmem_shared>> -> memref<128x128xf32, #tpu.memory_space<vmem_shared>>
      %dma_start3A_41 = arith.constant 0 : i32
      %dma_start3A_42 = tpu.memref_slice %arg10[%add3A_16, %dma_start3A_41] : memref<10240x128xf32, #tpu.memory_space<vmem_shared>> -> memref<128x128xf32, #tpu.memory_space<vmem_shared>>
      tpu.enqueue_dma source(%arg8 : memref<128x128xf32, #tpu.memory_space<vmem>>) target(%dma_start3A_42 : memref<128x128xf32, #tpu.memory_space<vmem_shared>>) target_semaphore(%run_scoped3A : memref<!tpu.dma_semaphore, #tpu.memory_space<semaphore_mem>>)
      %dma_wait3A = arith.constant 0 : i32
      %dma_wait3A_43 = tpu.memref_slice %arg10[%add3A_16, %dma_wait3A] : memref<10240x128xf32, #tpu.memory_space<vmem_shared>> -> memref<128x128xf32, #tpu.memory_space<vmem_shared>>
      %dma_wait3A_44 = arith.constant 0 : i32
      %dma_wait3A_45 = tpu.memref_slice %arg10[%add3A_16, %dma_wait3A_44] : memref<10240x128xf32, #tpu.memory_space<vmem_shared>> -> memref<128x128xf32, #tpu.memory_space<vmem_shared>>
      tpu.wait_dma2 semaphore(%run_scoped3A : memref<!tpu.dma_semaphore, #tpu.memory_space<semaphore_mem>>) src(%arg8 : memref<128x128xf32, #tpu.memory_space<vmem>>) dst(%dma_wait3A_45 : memref<128x128xf32, #tpu.memory_space<vmem_shared>>)
      tpu.yield
    }) : () -> ()
    %mul3A_17 = arith.constant 640 : i32
    %mul3A_18 = arith.muli %arg1, %mul3A_17 : i32
    %add3A_19 = arith.constant 384 : i32
    %add3A_20 = arith.addi %mul3A_18, %add3A_19 : i32
    "tpu.region"() ({
      %run_scoped3A = tpu.sem_alloc : memref<!tpu.dma_semaphore, #tpu.memory_space<semaphore_mem>>
      %dma_start3A = arith.constant 0 : i32
      %dma_start3A_40 = tpu.memref_slice %arg10[%add3A_20, %dma_start3A] : memref<10240x128xf32, #tpu.memory_space<vmem_shared>> -> memref<128x128xf32, #tpu.memory_space<vmem_shared>>
      %dma_start3A_41 = arith.constant 0 : i32
      %dma_start3A_42 = tpu.memref_slice %arg10[%add3A_20, %dma_start3A_41] : memref<10240x128xf32, #tpu.memory_space<vmem_shared>> -> memref<128x128xf32, #tpu.memory_space<vmem_shared>>
      tpu.enqueue_dma source(%arg8 : memref<128x128xf32, #tpu.memory_space<vmem>>) target(%dma_start3A_42 : memref<128x128xf32, #tpu.memory_space<vmem_shared>>) target_semaphore(%run_scoped3A : memref<!tpu.dma_semaphore, #tpu.memory_space<semaphore_mem>>)
      %dma_wait3A = arith.constant 0 : i32
      %dma_wait3A_43 = tpu.memref_slice %arg10[%add3A_20, %dma_wait3A] : memref<10240x128xf32, #tpu.memory_space<vmem_shared>> -> memref<128x128xf32, #tpu.memory_space<vmem_shared>>
      %dma_wait3A_44 = arith.constant 0 : i32
      %dma_wait3A_45 = tpu.memref_slice %arg10[%add3A_20, %dma_wait3A_44] : memref<10240x128xf32, #tpu.memory_space<vmem_shared>> -> memref<128x128xf32, #tpu.memory_space<vmem_shared>>
      tpu.wait_dma2 semaphore(%run_scoped3A : memref<!tpu.dma_semaphore, #tpu.memory_space<semaphore_mem>>) src(%arg8 : memref<128x128xf32, #tpu.memory_space<vmem>>) dst(%dma_wait3A_45 : memref<128x128xf32, #tpu.memory_space<vmem_shared>>)
      tpu.yield
    }) : () -> ()
    %mul3A_21 = arith.constant 640 : i32
    %mul3A_22 = arith.muli %arg1, %mul3A_21 : i32
    %add3A_23 = arith.constant 512 : i32
    %add3A_24 = arith.addi %mul3A_22, %add3A_23 : i32
    "tpu.region"() ({
      %run_scoped3A = tpu.sem_alloc : memref<!tpu.dma_semaphore, #tpu.memory_space<semaphore_mem>>
      %dma_start3A = arith.constant 0 : i32
      %dma_start3A_40 = tpu.memref_slice %arg10[%add3A_24, %dma_start3A] : memref<10240x128xf32, #tpu.memory_space<vmem_shared>> -> memref<128x128xf32, #tpu.memory_space<vmem_shared>>
      %dma_start3A_41 = arith.constant 0 : i32
      %dma_start3A_42 = tpu.memref_slice %arg10[%add3A_24, %dma_start3A_41] : memref<10240x128xf32, #tpu.memory_space<vmem_shared>> -> memref<128x128xf32, #tpu.memory_space<vmem_shared>>
      tpu.enqueue_dma source(%arg8 : memref<128x128xf32, #tpu.memory_space<vmem>>) target(%dma_start3A_42 : memref<128x128xf32, #tpu.memory_space<vmem_shared>>) target_semaphore(%run_scoped3A : memref<!tpu.dma_semaphore, #tpu.memory_space<semaphore_mem>>)
      %dma_wait3A = arith.constant 0 : i32
      %dma_wait3A_43 = tpu.memref_slice %arg10[%add3A_24, %dma_wait3A] : memref<10240x128xf32, #tpu.memory_space<vmem_shared>> -> memref<128x128xf32, #tpu.memory_space<vmem_shared>>
      %dma_wait3A_44 = arith.constant 0 : i32
      %dma_wait3A_45 = tpu.memref_slice %arg10[%add3A_24, %dma_wait3A_44] : memref<10240x128xf32, #tpu.memory_space<vmem_shared>> -> memref<128x128xf32, #tpu.memory_space<vmem_shared>>
      tpu.wait_dma2 semaphore(%run_scoped3A : memref<!tpu.dma_semaphore, #tpu.memory_space<semaphore_mem>>) src(%arg8 : memref<128x128xf32, #tpu.memory_space<vmem>>) dst(%dma_wait3A_45 : memref<128x128xf32, #tpu.memory_space<vmem_shared>>)
      tpu.yield
    }) : () -> ()
    %barrier3A = arith.constant 0 : index
    tpu.barrier barrier_id(%barrier3A)
    "tpu.region"() ({
      %run_scoped3A = tpu.sem_alloc : memref<!tpu.dma_semaphore, #tpu.memory_space<semaphore_mem>>
      %dma_start3A = arith.constant 0 : i32
      %dma_start3A_40 = arith.constant 0 : i32
      %dma_start3A_41 = tpu.memref_slice %arg3[%add3A, %dma_start3A, %dma_start3A_40] : memref<32x80x128xi32, #tpu.memory_space<hbm>> -> memref<1x40x128xi32, #tpu.memory_space<hbm>>
      %dma_start3A_42 = tpu.memref_squeeze %dma_start3A_41 : memref<1x40x128xi32, #tpu.memory_space<hbm>> -> memref<40x128xi32, #tpu.memory_space<hbm>>
      %dma_start3A_43 = arith.constant 0 : i32
      %dma_start3A_44 = arith.constant 0 : i32
      %dma_start3A_45 = tpu.memref_slice %arg3[%add3A, %dma_start3A_43, %dma_start3A_44] : memref<32x80x128xi32, #tpu.memory_space<hbm>> -> memref<1x40x128xi32, #tpu.memory_space<hbm>>
      %dma_start3A_46 = tpu.memref_squeeze %dma_start3A_45 : memref<1x40x128xi32, #tpu.memory_space<hbm>> -> memref<40x128xi32, #tpu.memory_space<hbm>>
      tpu.enqueue_dma source(%dma_start3A_46 : memref<40x128xi32, #tpu.memory_space<hbm>>) target(%arg6 : memref<40x128xi32, #tpu.memory_space<vmem>>) target_semaphore(%run_scoped3A : memref<!tpu.dma_semaphore, #tpu.memory_space<semaphore_mem>>)
      %dma_wait3A = arith.constant 0 : i32
      %dma_wait3A_47 = arith.constant 0 : i32
      %dma_wait3A_48 = tpu.memref_slice %arg3[%add3A, %dma_wait3A, %dma_wait3A_47] : memref<32x80x128xi32, #tpu.memory_space<hbm>> -> memref<1x40x128xi32, #tpu.memory_space<hbm>>
      %dma_wait3A_49 = tpu.memref_squeeze %dma_wait3A_48 : memref<1x40x128xi32, #tpu.memory_space<hbm>> -> memref<40x128xi32, #tpu.memory_space<hbm>>
      %dma_wait3A_50 = arith.constant 0 : i32
      %dma_wait3A_51 = arith.constant 0 : i32
      %dma_wait3A_52 = tpu.memref_slice %arg3[%add3A, %dma_wait3A_50, %dma_wait3A_51] : memref<32x80x128xi32, #tpu.memory_space<hbm>> -> memref<1x40x128xi32, #tpu.memory_space<hbm>>
      %dma_wait3A_53 = tpu.memref_squeeze %dma_wait3A_52 : memref<1x40x128xi32, #tpu.memory_space<hbm>> -> memref<40x128xi32, #tpu.memory_space<hbm>>
      tpu.wait_dma2 semaphore(%run_scoped3A : memref<!tpu.dma_semaphore, #tpu.memory_space<semaphore_mem>>) src(%dma_wait3A_53 : memref<40x128xi32, #tpu.memory_space<hbm>>) dst(%arg6 : memref<40x128xi32, #tpu.memory_space<vmem>>)
      tpu.yield
    }) : () -> ()
    "tpu.region"() ({
      %run_scoped3A = tpu.sem_alloc : memref<!tpu.dma_semaphore, #tpu.memory_space<semaphore_mem>>
      %dma_start3A = arith.constant 0 : i32
      %dma_start3A_40 = arith.constant 0 : i32
      %dma_start3A_41 = tpu.memref_slice %arg4[%add3A, %dma_start3A, %dma_start3A_40] : memref<32x80x128xi32, #tpu.memory_space<hbm>> -> memref<1x40x128xi32, #tpu.memory_space<hbm>>
      %dma_start3A_42 = tpu.memref_squeeze %dma_start3A_41 : memref<1x40x128xi32, #tpu.memory_space<hbm>> -> memref<40x128xi32, #tpu.memory_space<hbm>>
      %dma_start3A_43 = arith.constant 0 : i32
      %dma_start3A_44 = arith.constant 0 : i32
      %dma_start3A_45 = tpu.memref_slice %arg4[%add3A, %dma_start3A_43, %dma_start3A_44] : memref<32x80x128xi32, #tpu.memory_space<hbm>> -> memref<1x40x128xi32, #tpu.memory_space<hbm>>
      %dma_start3A_46 = tpu.memref_squeeze %dma_start3A_45 : memref<1x40x128xi32, #tpu.memory_space<hbm>> -> memref<40x128xi32, #tpu.memory_space<hbm>>
      tpu.enqueue_dma source(%dma_start3A_46 : memref<40x128xi32, #tpu.memory_space<hbm>>) target(%arg7 : memref<40x128xi32, #tpu.memory_space<vmem>>) target_semaphore(%run_scoped3A : memref<!tpu.dma_semaphore, #tpu.memory_space<semaphore_mem>>)
      %dma_wait3A = arith.constant 0 : i32
      %dma_wait3A_47 = arith.constant 0 : i32
      %dma_wait3A_48 = tpu.memref_slice %arg4[%add3A, %dma_wait3A, %dma_wait3A_47] : memref<32x80x128xi32, #tpu.memory_space<hbm>> -> memref<1x40x128xi32, #tpu.memory_space<hbm>>
      %dma_wait3A_49 = tpu.memref_squeeze %dma_wait3A_48 : memref<1x40x128xi32, #tpu.memory_space<hbm>> -> memref<40x128xi32, #tpu.memory_space<hbm>>
      %dma_wait3A_50 = arith.constant 0 : i32
      %dma_wait3A_51 = arith.constant 0 : i32
      %dma_wait3A_52 = tpu.memref_slice %arg4[%add3A, %dma_wait3A_50, %dma_wait3A_51] : memref<32x80x128xi32, #tpu.memory_space<hbm>> -> memref<1x40x128xi32, #tpu.memory_space<hbm>>
      %dma_wait3A_53 = tpu.memref_squeeze %dma_wait3A_52 : memref<1x40x128xi32, #tpu.memory_space<hbm>> -> memref<40x128xi32, #tpu.memory_space<hbm>>
      tpu.wait_dma2 semaphore(%run_scoped3A : memref<!tpu.dma_semaphore, #tpu.memory_space<semaphore_mem>>) src(%dma_wait3A_53 : memref<40x128xi32, #tpu.memory_space<hbm>>) dst(%arg7 : memref<40x128xi32, #tpu.memory_space<vmem>>)
      tpu.yield
    }) : () -> ()
    %scan3A_25 = arith.constant 0 : i32
    %scan3A_26 = arith.constant 40 : i32
    %scan3A_27 = arith.addi %scan3A_25, %scan3A_26 : i32
    %scan3A_28 = arith.constant 1 : i32
    scf.for %scan3A_40 = %scan3A_25 to %scan3A_27 step %scan3A_28  : i32 {
      %mul3A_41 = arith.constant 1 : i32
      %mul3A_42 = arith.muli %scan3A_40, %mul3A_41 : i32
      %add3A_43 = arith.constant 0 : i32
      %add3A_44 = arith.addi %add3A_43, %mul3A_42 : i32
      %dma_start3A = arith.constant 0 : i32
      %dma_start3A_45 = tpu.memref_slice %arg6[%add3A_44, %dma_start3A] : memref<40x128xi32, #tpu.memory_space<vmem>> -> memref<1x128xi32, #tpu.memory_space<vmem>>
      %dma_start3A_46 = tpu.memref_squeeze %dma_start3A_45 : memref<1x128xi32, #tpu.memory_space<vmem>> -> memref<128xi32, #tpu.memory_space<vmem>>
      %dma_start3A_47 = arith.constant 0 : i32
      %dma_start3A_48 = arith.constant 0 : i32
      %dma_start3A_49 = tpu.memref_slice %arg2[%dma_start3A_47, %dma_start3A_48] : memref<10240x128xf32, #tpu.memory_space<hbm>> -> memref<10240x128xf32, #tpu.memory_space<hbm>>
      tpu.enqueue_indirect_dma source(%dma_start3A_49 : memref<10240x128xf32, #tpu.memory_space<hbm>>) target(%arg8 : memref<128x128xf32, #tpu.memory_space<vmem>>) offsets(%dma_start3A_46 : memref<128xi32, #tpu.memory_space<vmem>>) semaphore(%arg11 : memref<!tpu.dma_semaphore, #tpu.memory_space<semaphore_mem>>)
      %dma_wait3A = arith.constant 0 : i32
      %dma_wait3A_50 = tpu.memref_slice %arg6[%add3A_44, %dma_wait3A] : memref<40x128xi32, #tpu.memory_space<vmem>> -> memref<1x128xi32, #tpu.memory_space<vmem>>
      %dma_wait3A_51 = tpu.memref_squeeze %dma_wait3A_50 : memref<1x128xi32, #tpu.memory_space<vmem>> -> memref<128xi32, #tpu.memory_space<vmem>>
      %dma_wait3A_52 = arith.constant 0 : i32
      %dma_wait3A_53 = arith.constant 0 : i32
      %dma_wait3A_54 = tpu.memref_slice %arg2[%dma_wait3A_52, %dma_wait3A_53] : memref<10240x128xf32, #tpu.memory_space<hbm>> -> memref<10240x128xf32, #tpu.memory_space<hbm>>
      tpu.wait_indirect_dma semaphore(%arg11 : memref<!tpu.dma_semaphore, #tpu.memory_space<semaphore_mem>>) src(%dma_wait3A_54 : memref<10240x128xf32, #tpu.memory_space<hbm>>) dst(%arg8 : memref<128x128xf32, #tpu.memory_space<vmem>>)
      "tpu.region"() ({
        %run_scoped3A = tpu.sem_alloc : memref<!tpu.dma_semaphore, #tpu.memory_space<semaphore_mem>>
        %dma_start3A_55 = arith.constant 0 : i32
        %dma_start3A_56 = tpu.memref_slice %arg7[%add3A_44, %dma_start3A_55] : memref<40x128xi32, #tpu.memory_space<vmem>> -> memref<1x128xi32, #tpu.memory_space<vmem>>
        %dma_start3A_57 = tpu.memref_squeeze %dma_start3A_56 : memref<1x128xi32, #tpu.memory_space<vmem>> -> memref<128xi32, #tpu.memory_space<vmem>>
        %dma_start3A_58 = arith.constant 0 : i32
        %dma_start3A_59 = arith.constant 0 : i32
        %dma_start3A_60 = tpu.memref_slice %arg10[%dma_start3A_58, %dma_start3A_59] : memref<10240x128xf32, #tpu.memory_space<vmem_shared>> -> memref<10240x128xf32, #tpu.memory_space<vmem_shared>>
        tpu.enqueue_indirect_dma source(%arg8 : memref<128x128xf32, #tpu.memory_space<vmem>>) target(%dma_start3A_60 : memref<10240x128xf32, #tpu.memory_space<vmem_shared>>) offsets(%dma_start3A_57 : memref<128xi32, #tpu.memory_space<vmem>>) semaphore(%run_scoped3A : memref<!tpu.dma_semaphore, #tpu.memory_space<semaphore_mem>>) {add = true}
        %dma_wait3A_61 = arith.constant 0 : i32
        %dma_wait3A_62 = tpu.memref_slice %arg7[%add3A_44, %dma_wait3A_61] : memref<40x128xi32, #tpu.memory_space<vmem>> -> memref<1x128xi32, #tpu.memory_space<vmem>>
        %dma_wait3A_63 = tpu.memref_squeeze %dma_wait3A_62 : memref<1x128xi32, #tpu.memory_space<vmem>> -> memref<128xi32, #tpu.memory_space<vmem>>
        %dma_wait3A_64 = arith.constant 0 : i32
        %dma_wait3A_65 = arith.constant 0 : i32
        %dma_wait3A_66 = tpu.memref_slice %arg10[%dma_wait3A_64, %dma_wait3A_65] : memref<10240x128xf32, #tpu.memory_space<vmem_shared>> -> memref<10240x128xf32, #tpu.memory_space<vmem_shared>>
        tpu.wait_indirect_dma semaphore(%run_scoped3A : memref<!tpu.dma_semaphore, #tpu.memory_space<semaphore_mem>>) src(%arg8 : memref<128x128xf32, #tpu.memory_space<vmem>>) dst(%dma_wait3A_66 : memref<10240x128xf32, #tpu.memory_space<vmem_shared>>)
        tpu.yield
      }) : () -> ()
    }
    %scan3A_29 = arith.constant 40 : i32
    "tpu.region"() ({
      %run_scoped3A = tpu.sem_alloc : memref<!tpu.dma_semaphore, #tpu.memory_space<semaphore_mem>>
      %dma_start3A = arith.constant 40 : i32
      %dma_start3A_40 = arith.constant 0 : i32
      %dma_start3A_41 = tpu.memref_slice %arg3[%add3A, %dma_start3A, %dma_start3A_40] : memref<32x80x128xi32, #tpu.memory_space<hbm>> -> memref<1x40x128xi32, #tpu.memory_space<hbm>>
      %dma_start3A_42 = tpu.memref_squeeze %dma_start3A_41 : memref<1x40x128xi32, #tpu.memory_space<hbm>> -> memref<40x128xi32, #tpu.memory_space<hbm>>
      %dma_start3A_43 = arith.constant 40 : i32
      %dma_start3A_44 = arith.constant 0 : i32
      %dma_start3A_45 = tpu.memref_slice %arg3[%add3A, %dma_start3A_43, %dma_start3A_44] : memref<32x80x128xi32, #tpu.memory_space<hbm>> -> memref<1x40x128xi32, #tpu.memory_space<hbm>>
      %dma_start3A_46 = tpu.memref_squeeze %dma_start3A_45 : memref<1x40x128xi32, #tpu.memory_space<hbm>> -> memref<40x128xi32, #tpu.memory_space<hbm>>
      tpu.enqueue_dma source(%dma_start3A_46 : memref<40x128xi32, #tpu.memory_space<hbm>>) target(%arg6 : memref<40x128xi32, #tpu.memory_space<vmem>>) target_semaphore(%run_scoped3A : memref<!tpu.dma_semaphore, #tpu.memory_space<semaphore_mem>>)
      %dma_wait3A = arith.constant 40 : i32
      %dma_wait3A_47 = arith.constant 0 : i32
      %dma_wait3A_48 = tpu.memref_slice %arg3[%add3A, %dma_wait3A, %dma_wait3A_47] : memref<32x80x128xi32, #tpu.memory_space<hbm>> -> memref<1x40x128xi32, #tpu.memory_space<hbm>>
      %dma_wait3A_49 = tpu.memref_squeeze %dma_wait3A_48 : memref<1x40x128xi32, #tpu.memory_space<hbm>> -> memref<40x128xi32, #tpu.memory_space<hbm>>
      %dma_wait3A_50 = arith.constant 40 : i32
      %dma_wait3A_51 = arith.constant 0 : i32
      %dma_wait3A_52 = tpu.memref_slice %arg3[%add3A, %dma_wait3A_50, %dma_wait3A_51] : memref<32x80x128xi32, #tpu.memory_space<hbm>> -> memref<1x40x128xi32, #tpu.memory_space<hbm>>
      %dma_wait3A_53 = tpu.memref_squeeze %dma_wait3A_52 : memref<1x40x128xi32, #tpu.memory_space<hbm>> -> memref<40x128xi32, #tpu.memory_space<hbm>>
      tpu.wait_dma2 semaphore(%run_scoped3A : memref<!tpu.dma_semaphore, #tpu.memory_space<semaphore_mem>>) src(%dma_wait3A_53 : memref<40x128xi32, #tpu.memory_space<hbm>>) dst(%arg6 : memref<40x128xi32, #tpu.memory_space<vmem>>)
      tpu.yield
    }) : () -> ()
    "tpu.region"() ({
      %run_scoped3A = tpu.sem_alloc : memref<!tpu.dma_semaphore, #tpu.memory_space<semaphore_mem>>
      %dma_start3A = arith.constant 40 : i32
      %dma_start3A_40 = arith.constant 0 : i32
      %dma_start3A_41 = tpu.memref_slice %arg4[%add3A, %dma_start3A, %dma_start3A_40] : memref<32x80x128xi32, #tpu.memory_space<hbm>> -> memref<1x40x128xi32, #tpu.memory_space<hbm>>
      %dma_start3A_42 = tpu.memref_squeeze %dma_start3A_41 : memref<1x40x128xi32, #tpu.memory_space<hbm>> -> memref<40x128xi32, #tpu.memory_space<hbm>>
      %dma_start3A_43 = arith.constant 40 : i32
      %dma_start3A_44 = arith.constant 0 : i32
      %dma_start3A_45 = tpu.memref_slice %arg4[%add3A, %dma_start3A_43, %dma_start3A_44] : memref<32x80x128xi32, #tpu.memory_space<hbm>> -> memref<1x40x128xi32, #tpu.memory_space<hbm>>
      %dma_start3A_46 = tpu.memref_squeeze %dma_start3A_45 : memref<1x40x128xi32, #tpu.memory_space<hbm>> -> memref<40x128xi32, #tpu.memory_space<hbm>>
      tpu.enqueue_dma source(%dma_start3A_46 : memref<40x128xi32, #tpu.memory_space<hbm>>) target(%arg7 : memref<40x128xi32, #tpu.memory_space<vmem>>) target_semaphore(%run_scoped3A : memref<!tpu.dma_semaphore, #tpu.memory_space<semaphore_mem>>)
      %dma_wait3A = arith.constant 40 : i32
      %dma_wait3A_47 = arith.constant 0 : i32
      %dma_wait3A_48 = tpu.memref_slice %arg4[%add3A, %dma_wait3A, %dma_wait3A_47] : memref<32x80x128xi32, #tpu.memory_space<hbm>> -> memref<1x40x128xi32, #tpu.memory_space<hbm>>
      %dma_wait3A_49 = tpu.memref_squeeze %dma_wait3A_48 : memref<1x40x128xi32, #tpu.memory_space<hbm>> -> memref<40x128xi32, #tpu.memory_space<hbm>>
      %dma_wait3A_50 = arith.constant 40 : i32
      %dma_wait3A_51 = arith.constant 0 : i32
      %dma_wait3A_52 = tpu.memref_slice %arg4[%add3A, %dma_wait3A_50, %dma_wait3A_51] : memref<32x80x128xi32, #tpu.memory_space<hbm>> -> memref<1x40x128xi32, #tpu.memory_space<hbm>>
      %dma_wait3A_53 = tpu.memref_squeeze %dma_wait3A_52 : memref<1x40x128xi32, #tpu.memory_space<hbm>> -> memref<40x128xi32, #tpu.memory_space<hbm>>
      tpu.wait_dma2 semaphore(%run_scoped3A : memref<!tpu.dma_semaphore, #tpu.memory_space<semaphore_mem>>) src(%dma_wait3A_53 : memref<40x128xi32, #tpu.memory_space<hbm>>) dst(%arg7 : memref<40x128xi32, #tpu.memory_space<vmem>>)
      tpu.yield
    }) : () -> ()
    %scan3A_30 = arith.constant 0 : i32
    %scan3A_31 = arith.constant 40 : i32
    %scan3A_32 = arith.addi %scan3A_30, %scan3A_31 : i32
    %scan3A_33 = arith.constant 1 : i32
    scf.for %scan3A_40 = %scan3A_30 to %scan3A_32 step %scan3A_33  : i32 {
      %mul3A_41 = arith.constant 1 : i32
      %mul3A_42 = arith.muli %scan3A_40, %mul3A_41 : i32
      %add3A_43 = arith.constant 0 : i32
      %add3A_44 = arith.addi %add3A_43, %mul3A_42 : i32
      %dma_start3A = arith.constant 0 : i32
      %dma_start3A_45 = tpu.memref_slice %arg6[%add3A_44, %dma_start3A] : memref<40x128xi32, #tpu.memory_space<vmem>> -> memref<1x128xi32, #tpu.memory_space<vmem>>
      %dma_start3A_46 = tpu.memref_squeeze %dma_start3A_45 : memref<1x128xi32, #tpu.memory_space<vmem>> -> memref<128xi32, #tpu.memory_space<vmem>>
      %dma_start3A_47 = arith.constant 0 : i32
      %dma_start3A_48 = arith.constant 0 : i32
      %dma_start3A_49 = tpu.memref_slice %arg2[%dma_start3A_47, %dma_start3A_48] : memref<10240x128xf32, #tpu.memory_space<hbm>> -> memref<10240x128xf32, #tpu.memory_space<hbm>>
      tpu.enqueue_indirect_dma source(%dma_start3A_49 : memref<10240x128xf32, #tpu.memory_space<hbm>>) target(%arg8 : memref<128x128xf32, #tpu.memory_space<vmem>>) offsets(%dma_start3A_46 : memref<128xi32, #tpu.memory_space<vmem>>) semaphore(%arg11 : memref<!tpu.dma_semaphore, #tpu.memory_space<semaphore_mem>>)
      %dma_wait3A = arith.constant 0 : i32
      %dma_wait3A_50 = tpu.memref_slice %arg6[%add3A_44, %dma_wait3A] : memref<40x128xi32, #tpu.memory_space<vmem>> -> memref<1x128xi32, #tpu.memory_space<vmem>>
      %dma_wait3A_51 = tpu.memref_squeeze %dma_wait3A_50 : memref<1x128xi32, #tpu.memory_space<vmem>> -> memref<128xi32, #tpu.memory_space<vmem>>
      %dma_wait3A_52 = arith.constant 0 : i32
      %dma_wait3A_53 = arith.constant 0 : i32
      %dma_wait3A_54 = tpu.memref_slice %arg2[%dma_wait3A_52, %dma_wait3A_53] : memref<10240x128xf32, #tpu.memory_space<hbm>> -> memref<10240x128xf32, #tpu.memory_space<hbm>>
      tpu.wait_indirect_dma semaphore(%arg11 : memref<!tpu.dma_semaphore, #tpu.memory_space<semaphore_mem>>) src(%dma_wait3A_54 : memref<10240x128xf32, #tpu.memory_space<hbm>>) dst(%arg8 : memref<128x128xf32, #tpu.memory_space<vmem>>)
      "tpu.region"() ({
        %run_scoped3A = tpu.sem_alloc : memref<!tpu.dma_semaphore, #tpu.memory_space<semaphore_mem>>
        %dma_start3A_55 = arith.constant 0 : i32
        %dma_start3A_56 = tpu.memref_slice %arg7[%add3A_44, %dma_start3A_55] : memref<40x128xi32, #tpu.memory_space<vmem>> -> memref<1x128xi32, #tpu.memory_space<vmem>>
        %dma_start3A_57 = tpu.memref_squeeze %dma_start3A_56 : memref<1x128xi32, #tpu.memory_space<vmem>> -> memref<128xi32, #tpu.memory_space<vmem>>
        %dma_start3A_58 = arith.constant 0 : i32
        %dma_start3A_59 = arith.constant 0 : i32
        %dma_start3A_60 = tpu.memref_slice %arg10[%dma_start3A_58, %dma_start3A_59] : memref<10240x128xf32, #tpu.memory_space<vmem_shared>> -> memref<10240x128xf32, #tpu.memory_space<vmem_shared>>
        tpu.enqueue_indirect_dma source(%arg8 : memref<128x128xf32, #tpu.memory_space<vmem>>) target(%dma_start3A_60 : memref<10240x128xf32, #tpu.memory_space<vmem_shared>>) offsets(%dma_start3A_57 : memref<128xi32, #tpu.memory_space<vmem>>) semaphore(%run_scoped3A : memref<!tpu.dma_semaphore, #tpu.memory_space<semaphore_mem>>) {add = true}
        %dma_wait3A_61 = arith.constant 0 : i32
        %dma_wait3A_62 = tpu.memref_slice %arg7[%add3A_44, %dma_wait3A_61] : memref<40x128xi32, #tpu.memory_space<vmem>> -> memref<1x128xi32, #tpu.memory_space<vmem>>
        %dma_wait3A_63 = tpu.memref_squeeze %dma_wait3A_62 : memref<1x128xi32, #tpu.memory_space<vmem>> -> memref<128xi32, #tpu.memory_space<vmem>>
        %dma_wait3A_64 = arith.constant 0 : i32
        %dma_wait3A_65 = arith.constant 0 : i32
        %dma_wait3A_66 = tpu.memref_slice %arg10[%dma_wait3A_64, %dma_wait3A_65] : memref<10240x128xf32, #tpu.memory_space<vmem_shared>> -> memref<10240x128xf32, #tpu.memory_space<vmem_shared>>
        tpu.wait_indirect_dma semaphore(%run_scoped3A : memref<!tpu.dma_semaphore, #tpu.memory_space<semaphore_mem>>) src(%arg8 : memref<128x128xf32, #tpu.memory_space<vmem>>) dst(%dma_wait3A_66 : memref<10240x128xf32, #tpu.memory_space<vmem_shared>>)
        tpu.yield
      }) : () -> ()
    }
    %scan3A_34 = arith.constant 40 : i32
    %barrier3A_35 = arith.constant 0 : index
    tpu.barrier barrier_id(%barrier3A_35)
    %mul3A_36 = arith.constant 640 : i32
    %mul3A_37 = arith.muli %arg1, %mul3A_36 : i32
    %mul3A_38 = arith.constant 640 : i32
    %mul3A_39 = arith.muli %arg1, %mul3A_38 : i32
    "tpu.region"() ({
      %run_scoped3A = tpu.sem_alloc : memref<!tpu.dma_semaphore, #tpu.memory_space<semaphore_mem>>
      %dma_start3A = arith.constant 0 : i32
      %dma_start3A_40 = tpu.memref_slice %arg5[%arg0, %mul3A_39, %dma_start3A] : memref<2x10240x128xf32, #tpu.memory_space<hbm>> -> memref<1x640x128xf32, #tpu.memory_space<hbm>>
      %dma_start3A_41 = tpu.memref_squeeze %dma_start3A_40 : memref<1x640x128xf32, #tpu.memory_space<hbm>> -> memref<640x128xf32, #tpu.memory_space<hbm>>
      %dma_start3A_42 = arith.constant 0 : i32
      %dma_start3A_43 = tpu.memref_slice %arg10[%mul3A_37, %dma_start3A_42] : memref<10240x128xf32, #tpu.memory_space<vmem_shared>> -> memref<640x128xf32, #tpu.memory_space<vmem_shared>>
      tpu.enqueue_dma source(%dma_start3A_43 : memref<640x128xf32, #tpu.memory_space<vmem_shared>>) target(%dma_start3A_41 : memref<640x128xf32, #tpu.memory_space<hbm>>) target_semaphore(%run_scoped3A : memref<!tpu.dma_semaphore, #tpu.memory_space<semaphore_mem>>)
      %dma_wait3A = arith.constant 0 : i32
      %dma_wait3A_44 = tpu.memref_slice %arg5[%arg0, %mul3A_39, %dma_wait3A] : memref<2x10240x128xf32, #tpu.memory_space<hbm>> -> memref<1x640x128xf32, #tpu.memory_space<hbm>>
      %dma_wait3A_45 = tpu.memref_squeeze %dma_wait3A_44 : memref<1x640x128xf32, #tpu.memory_space<hbm>> -> memref<640x128xf32, #tpu.memory_space<hbm>>
      %dma_wait3A_46 = arith.constant 0 : i32
      %dma_wait3A_47 = tpu.memref_slice %arg10[%mul3A_37, %dma_wait3A_46] : memref<10240x128xf32, #tpu.memory_space<vmem_shared>> -> memref<640x128xf32, #tpu.memory_space<vmem_shared>>
      tpu.wait_dma2 semaphore(%run_scoped3A : memref<!tpu.dma_semaphore, #tpu.memory_space<semaphore_mem>>) src(%dma_wait3A_47 : memref<640x128xf32, #tpu.memory_space<vmem_shared>>) dst(%dma_wait3A_45 : memref<640x128xf32, #tpu.memory_space<hbm>>)
      tpu.yield
    }) : () -> ()
    return
  }
}

#map = affine_map<(d0, d1) -> (0, 0, 0)>
#map1 = affine_map<(d0, d1) -> (0)>
#map2 = affine_map<(d0, d1) -> (0, 0)>
module attributes {stable_mosaic.version = 14 : i64} {
  func.func @_sc_deg_sp_body(%arg0: i32, %arg1: i32, %arg2: memref<32x80x128xi32, #tpu.memory_space<hbm>>, %arg3: memref<32x26x128xi32, #tpu.memory_space<hbm>>, %arg4: memref<100000xf32, #tpu.memory_space<hbm>>, %arg5: memref<100000xf32, #tpu.memory_space<hbm>>, %arg6: memref<2x10240xf32, #tpu.memory_space<hbm>>, %arg7: memref<32x26x128xf32, #tpu.memory_space<hbm>>, %arg8: memref<32x26x128xf32, #tpu.memory_space<hbm>>, %arg9: memref<80x128xi32, #tpu.memory_space<vmem>>, %arg10: memref<26x128xi32, #tpu.memory_space<vmem>>, %arg11: memref<128xf32, #tpu.memory_space<vmem>>, %arg12: memref<26x128xf32, #tpu.memory_space<vmem>>, %arg13: memref<26x128xf32, #tpu.memory_space<vmem>>, %arg14: memref<640xf32, #tpu.memory_space<vmem>>, %arg15: memref<10240xf32, #tpu.memory_space<vmem_shared>>, %arg16: memref<!tpu.dma_semaphore, #tpu.memory_space<semaphore_mem>>, %arg17: memref<!tpu.dma_semaphore, #tpu.memory_space<semaphore_mem>>) attributes {dimension_semantics = [#tpu.dimension_semantics<core_parallel>, #tpu.dimension_semantics<subcore_parallel>], iteration_bounds = array<i64: 2, 16>, scalar_prefetch = 0 : i64, scratch_operands = 9 : i64, tpu.core_type = #tpu.core_type<sc_vector_subcore>, window_params = [{transform_indices = #map}, {transform_indices = #map}, {transform_indices = #map1}, {transform_indices = #map1}, {transform_indices = #map2}, {transform_indices = #map}, {transform_indices = #map}]} {
    %mul3A = arith.constant 16 : i32
    %mul3A_0 = arith.muli %arg0, %mul3A : i32
    %add3A = arith.addi %mul3A_0, %arg1 : i32
    %scan3A = arith.constant 0 : i32
    %scan3A_1 = arith.constant 8 : i32
    %scan3A_2 = arith.addi %scan3A, %scan3A_1 : i32
    %scan3A_3 = arith.constant 1 : i32
    scf.for %scan3A_1060 = %scan3A to %scan3A_2 step %scan3A_3  : i32 {
      %mul3A_1061 = arith.constant 16 : i32
      %mul3A_1062 = arith.muli %scan3A_1060, %mul3A_1061 : i32
      %add3A_1063 = arith.constant 0 : i32
      %add3A_1064 = arith.addi %add3A_1063, %mul3A_1062 : i32
      %broadcast_in_dim3A = arith.constant 1.000000e+00 : f32
      %broadcast_in_dim3A_1065 = vector.broadcast %broadcast_in_dim3A : f32 to vector<16xf32>
      %swap3A = arith.index_cast %add3A_1064 : i32 to index
      %swap3A_1066 = tpu.vector_load %arg11[%swap3A] {strides = array<i32>} : memref<128xf32, #tpu.memory_space<vmem>>, vector<16xf32>,
      %swap3A_1067 = vector.shape_cast %swap3A_1066 : vector<16xf32> to vector<16xf32>
      %swap3A_1068 = vector.shape_cast %broadcast_in_dim3A_1065 : vector<16xf32> to vector<16xf32>
      tpu.vector_store %arg11[%swap3A], %swap3A_1068 {strides = array<i32>} : memref<128xf32, #tpu.memory_space<vmem>>, vector<16xf32>,
    }
    %scan3A_4 = arith.constant 8 : i32
    %scan3A_5 = arith.constant 0 : i32
    %scan3A_6 = arith.constant 40 : i32
    %scan3A_7 = arith.addi %scan3A_5, %scan3A_6 : i32
    %scan3A_8 = arith.constant 1 : i32
    scf.for %scan3A_1060 = %scan3A_5 to %scan3A_7 step %scan3A_8  : i32 {
      %mul3A_1061 = arith.constant 16 : i32
      %mul3A_1062 = arith.muli %scan3A_1060, %mul3A_1061 : i32
      %add3A_1063 = arith.constant 0 : i32
      %add3A_1064 = arith.addi %add3A_1063, %mul3A_1062 : i32
      %broadcast_in_dim3A = arith.constant 0.000000e+00 : f32
      %broadcast_in_dim3A_1065 = vector.broadcast %broadcast_in_dim3A : f32 to vector<16xf32>
      %swap3A = arith.index_cast %add3A_1064 : i32 to index
      %swap3A_1066 = tpu.vector_load %arg14[%swap3A] {strides = array<i32>} : memref<640xf32, #tpu.memory_space<vmem>>, vector<16xf32>,
      %swap3A_1067 = vector.shape_cast %swap3A_1066 : vector<16xf32> to vector<16xf32>
      %swap3A_1068 = vector.shape_cast %broadcast_in_dim3A_1065 : vector<16xf32> to vector<16xf32>
      tpu.vector_store %arg14[%swap3A], %swap3A_1068 {strides = array<i32>} : memref<640xf32, #tpu.memory_space<vmem>>, vector<16xf32>,
    }
    %scan3A_9 = arith.constant 40 : i32
    %mul3A_10 = arith.constant 640 : i32
    %mul3A_11 = arith.muli %arg1, %mul3A_10 : i32
    "tpu.region"() ({
      %run_scoped3A = tpu.sem_alloc : memref<!tpu.dma_semaphore, #tpu.memory_space<semaphore_mem>>
      %dma_start3A_1060 = tpu.memref_slice %arg15[%mul3A_11] : memref<10240xf32, #tpu.memory_space<vmem_shared>> -> memref<640xf32, #tpu.memory_space<vmem_shared>>
      %dma_start3A_1061 = tpu.memref_slice %arg15[%mul3A_11] : memref<10240xf32, #tpu.memory_space<vmem_shared>> -> memref<640xf32, #tpu.memory_space<vmem_shared>>
      tpu.enqueue_dma source(%arg14 : memref<640xf32, #tpu.memory_space<vmem>>) target(%dma_start3A_1061 : memref<640xf32, #tpu.memory_space<vmem_shared>>) target_semaphore(%run_scoped3A : memref<!tpu.dma_semaphore, #tpu.memory_space<semaphore_mem>>)
      %dma_wait3A_1062 = tpu.memref_slice %arg15[%mul3A_11] : memref<10240xf32, #tpu.memory_space<vmem_shared>> -> memref<640xf32, #tpu.memory_space<vmem_shared>>
      %dma_wait3A_1063 = tpu.memref_slice %arg15[%mul3A_11] : memref<10240xf32, #tpu.memory_space<vmem_shared>> -> memref<640xf32, #tpu.memory_space<vmem_shared>>
      tpu.wait_dma2 semaphore(%run_scoped3A : memref<!tpu.dma_semaphore, #tpu.memory_space<semaphore_mem>>) src(%arg14 : memref<640xf32, #tpu.memory_space<vmem>>) dst(%dma_wait3A_1063 : memref<640xf32, #tpu.memory_space<vmem_shared>>)
      tpu.yield
    }) : () -> ()
    "tpu.region"() ({
      %run_scoped3A = tpu.sem_alloc : memref<!tpu.dma_semaphore, #tpu.memory_space<semaphore_mem>>
      %dma_start3A_1060 = arith.constant 0 : i32
      %dma_start3A_1061 = arith.constant 0 : i32
      %dma_start3A_1062 = tpu.memref_slice %arg2[%add3A, %dma_start3A_1060, %dma_start3A_1061] : memref<32x80x128xi32, #tpu.memory_space<hbm>> -> memref<1x80x128xi32, #tpu.memory_space<hbm>>
      %dma_start3A_1063 = tpu.memref_squeeze %dma_start3A_1062 : memref<1x80x128xi32, #tpu.memory_space<hbm>> -> memref<80x128xi32, #tpu.memory_space<hbm>>
      %dma_start3A_1064 = arith.constant 0 : i32
      %dma_start3A_1065 = arith.constant 0 : i32
      %dma_start3A_1066 = tpu.memref_slice %arg2[%add3A, %dma_start3A_1064, %dma_start3A_1065] : memref<32x80x128xi32, #tpu.memory_space<hbm>> -> memref<1x80x128xi32, #tpu.memory_space<hbm>>
      %dma_start3A_1067 = tpu.memref_squeeze %dma_start3A_1066 : memref<1x80x128xi32, #tpu.memory_space<hbm>> -> memref<80x128xi32, #tpu.memory_space<hbm>>
      tpu.enqueue_dma source(%dma_start3A_1067 : memref<80x128xi32, #tpu.memory_space<hbm>>) target(%arg9 : memref<80x128xi32, #tpu.memory_space<vmem>>) target_semaphore(%run_scoped3A : memref<!tpu.dma_semaphore, #tpu.memory_space<semaphore_mem>>)
      %dma_wait3A_1068 = arith.constant 0 : i32
      %dma_wait3A_1069 = arith.constant 0 : i32
      %dma_wait3A_1070 = tpu.memref_slice %arg2[%add3A, %dma_wait3A_1068, %dma_wait3A_1069] : memref<32x80x128xi32, #tpu.memory_space<hbm>> -> memref<1x80x128xi32, #tpu.memory_space<hbm>>
      %dma_wait3A_1071 = tpu.memref_squeeze %dma_wait3A_1070 : memref<1x80x128xi32, #tpu.memory_space<hbm>> -> memref<80x128xi32, #tpu.memory_space<hbm>>
      %dma_wait3A_1072 = arith.constant 0 : i32
      %dma_wait3A_1073 = arith.constant 0 : i32
      %dma_wait3A_1074 = tpu.memref_slice %arg2[%add3A, %dma_wait3A_1072, %dma_wait3A_1073] : memref<32x80x128xi32, #tpu.memory_space<hbm>> -> memref<1x80x128xi32, #tpu.memory_space<hbm>>
      %dma_wait3A_1075 = tpu.memref_squeeze %dma_wait3A_1074 : memref<1x80x128xi32, #tpu.memory_space<hbm>> -> memref<80x128xi32, #tpu.memory_space<hbm>>
      tpu.wait_dma2 semaphore(%run_scoped3A : memref<!tpu.dma_semaphore, #tpu.memory_space<semaphore_mem>>) src(%dma_wait3A_1075 : memref<80x128xi32, #tpu.memory_space<hbm>>) dst(%arg9 : memref<80x128xi32, #tpu.memory_space<vmem>>)
      tpu.yield
    }) : () -> ()
    "tpu.region"() ({
      %run_scoped3A = tpu.sem_alloc : memref<!tpu.dma_semaphore, #tpu.memory_space<semaphore_mem>>
      %dma_start3A_1060 = arith.constant 0 : i32
      %dma_start3A_1061 = arith.constant 0 : i32
      %dma_start3A_1062 = tpu.memref_slice %arg3[%add3A, %dma_start3A_1060, %dma_start3A_1061] : memref<32x26x128xi32, #tpu.memory_space<hbm>> -> memref<1x26x128xi32, #tpu.memory_space<hbm>>
      %dma_start3A_1063 = tpu.memref_squeeze %dma_start3A_1062 : memref<1x26x128xi32, #tpu.memory_space<hbm>> -> memref<26x128xi32, #tpu.memory_space<hbm>>
      %dma_start3A_1064 = arith.constant 0 : i32
      %dma_start3A_1065 = arith.constant 0 : i32
      %dma_start3A_1066 = tpu.memref_slice %arg3[%add3A, %dma_start3A_1064, %dma_start3A_1065] : memref<32x26x128xi32, #tpu.memory_space<hbm>> -> memref<1x26x128xi32, #tpu.memory_space<hbm>>
      %dma_start3A_1067 = tpu.memref_squeeze %dma_start3A_1066 : memref<1x26x128xi32, #tpu.memory_space<hbm>> -> memref<26x128xi32, #tpu.memory_space<hbm>>
      tpu.enqueue_dma source(%dma_start3A_1067 : memref<26x128xi32, #tpu.memory_space<hbm>>) target(%arg10 : memref<26x128xi32, #tpu.memory_space<vmem>>) target_semaphore(%run_scoped3A : memref<!tpu.dma_semaphore, #tpu.memory_space<semaphore_mem>>)
      %dma_wait3A_1068 = arith.constant 0 : i32
      %dma_wait3A_1069 = arith.constant 0 : i32
      %dma_wait3A_1070 = tpu.memref_slice %arg3[%add3A, %dma_wait3A_1068, %dma_wait3A_1069] : memref<32x26x128xi32, #tpu.memory_space<hbm>> -> memref<1x26x128xi32, #tpu.memory_space<hbm>>
      %dma_wait3A_1071 = tpu.memref_squeeze %dma_wait3A_1070 : memref<1x26x128xi32, #tpu.memory_space<hbm>> -> memref<26x128xi32, #tpu.memory_space<hbm>>
      %dma_wait3A_1072 = arith.constant 0 : i32
      %dma_wait3A_1073 = arith.constant 0 : i32
      %dma_wait3A_1074 = tpu.memref_slice %arg3[%add3A, %dma_wait3A_1072, %dma_wait3A_1073] : memref<32x26x128xi32, #tpu.memory_space<hbm>> -> memref<1x26x128xi32, #tpu.memory_space<hbm>>
      %dma_wait3A_1075 = tpu.memref_squeeze %dma_wait3A_1074 : memref<1x26x128xi32, #tpu.memory_space<hbm>> -> memref<26x128xi32, #tpu.memory_space<hbm>>
      tpu.wait_dma2 semaphore(%run_scoped3A : memref<!tpu.dma_semaphore, #tpu.memory_space<semaphore_mem>>) src(%dma_wait3A_1075 : memref<26x128xi32, #tpu.memory_space<hbm>>) dst(%arg10 : memref<26x128xi32, #tpu.memory_space<vmem>>)
      tpu.yield
    }) : () -> ()
    %barrier3A = arith.constant 0 : index
    tpu.barrier barrier_id(%barrier3A)
    %scan3A_12 = arith.constant 0 : i32
    %scan3A_13 = arith.constant 10 : i32
    %scan3A_14 = arith.addi %scan3A_12, %scan3A_13 : i32
    %scan3A_15 = arith.constant 1 : i32
    scf.for %scan3A_1060 = %scan3A_12 to %scan3A_14 step %scan3A_15  : i32 {
      %mul3A_1061 = arith.constant 1 : i32
      %mul3A_1062 = arith.muli %scan3A_1060, %mul3A_1061 : i32
      %add3A_1063 = arith.constant 0 : i32
      %add3A_1064 = arith.addi %add3A_1063, %mul3A_1062 : i32
      %mul3A_1065 = arith.constant 8 : i32
      %mul3A_1066 = arith.muli %mul3A_1065, %add3A_1064 : i32
      %add3A_1067 = arith.constant 0 : i32
      %add3A_1068 = arith.addi %mul3A_1066, %add3A_1067 : i32
      %dma_start3A_1069 = arith.constant 0 : i32
      %dma_start3A_1070 = tpu.memref_slice %arg9[%add3A_1068, %dma_start3A_1069] : memref<80x128xi32, #tpu.memory_space<vmem>> -> memref<1x128xi32, #tpu.memory_space<vmem>>
      %dma_start3A_1071 = tpu.memref_squeeze %dma_start3A_1070 : memref<1x128xi32, #tpu.memory_space<vmem>> -> memref<128xi32, #tpu.memory_space<vmem>>
      %dma_start3A_1072 = arith.constant 0 : i32
      %dma_start3A_1073 = tpu.memref_slice %arg15[%dma_start3A_1072] : memref<10240xf32, #tpu.memory_space<vmem_shared>> -> memref<10240xf32, #tpu.memory_space<vmem_shared>>
      tpu.enqueue_indirect_dma source(%arg11 : memref<128xf32, #tpu.memory_space<vmem>>) target(%dma_start3A_1073 : memref<10240xf32, #tpu.memory_space<vmem_shared>>) offsets(%dma_start3A_1071 : memref<128xi32, #tpu.memory_space<vmem>>) semaphore(%arg16 : memref<!tpu.dma_semaphore, #tpu.memory_space<semaphore_mem>>) {add = true}
      %mul3A_1074 = arith.constant 8 : i32
      %mul3A_1075 = arith.muli %mul3A_1074, %add3A_1064 : i32
      %add3A_1076 = arith.constant 1 : i32
      %add3A_1077 = arith.addi %mul3A_1075, %add3A_1076 : i32
      %dma_start3A_1078 = arith.constant 0 : i32
      %dma_start3A_1079 = tpu.memref_slice %arg9[%add3A_1077, %dma_start3A_1078] : memref<80x128xi32, #tpu.memory_space<vmem>> -> memref<1x128xi32, #tpu.memory_space<vmem>>
      %dma_start3A_1080 = tpu.memref_squeeze %dma_start3A_1079 : memref<1x128xi32, #tpu.memory_space<vmem>> -> memref<128xi32, #tpu.memory_space<vmem>>
      %dma_start3A_1081 = arith.constant 0 : i32
      %dma_start3A_1082 = tpu.memref_slice %arg15[%dma_start3A_1081] : memref<10240xf32, #tpu.memory_space<vmem_shared>> -> memref<10240xf32, #tpu.memory_space<vmem_shared>>
      tpu.enqueue_indirect_dma source(%arg11 : memref<128xf32, #tpu.memory_space<vmem>>) target(%dma_start3A_1082 : memref<10240xf32, #tpu.memory_space<vmem_shared>>) offsets(%dma_start3A_1080 : memref<128xi32, #tpu.memory_space<vmem>>) semaphore(%arg16 : memref<!tpu.dma_semaphore, #tpu.memory_space<semaphore_mem>>) {add = true}
      %mul3A_1083 = arith.constant 8 : i32
      %mul3A_1084 = arith.muli %mul3A_1083, %add3A_1064 : i32
      %add3A_1085 = arith.constant 2 : i32
      %add3A_1086 = arith.addi %mul3A_1084, %add3A_1085 : i32
      %dma_start3A_1087 = arith.constant 0 : i32
      %dma_start3A_1088 = tpu.memref_slice %arg9[%add3A_1086, %dma_start3A_1087] : memref<80x128xi32, #tpu.memory_space<vmem>> -> memref<1x128xi32, #tpu.memory_space<vmem>>
      %dma_start3A_1089 = tpu.memref_squeeze %dma_start3A_1088 : memref<1x128xi32, #tpu.memory_space<vmem>> -> memref<128xi32, #tpu.memory_space<vmem>>
      %dma_start3A_1090 = arith.constant 0 : i32
      %dma_start3A_1091 = tpu.memref_slice %arg15[%dma_start3A_1090] : memref<10240xf32, #tpu.memory_space<vmem_shared>> -> memref<10240xf32, #tpu.memory_space<vmem_shared>>
      tpu.enqueue_indirect_dma source(%arg11 : memref<128xf32, #tpu.memory_space<vmem>>) target(%dma_start3A_1091 : memref<10240xf32, #tpu.memory_space<vmem_shared>>) offsets(%dma_start3A_1089 : memref<128xi32, #tpu.memory_space<vmem>>) semaphore(%arg16 : memref<!tpu.dma_semaphore, #tpu.memory_space<semaphore_mem>>) {add = true}
      %mul3A_1092 = arith.constant 8 : i32
      %mul3A_1093 = arith.muli %mul3A_1092, %add3A_1064 : i32
      %add3A_1094 = arith.constant 3 : i32
      %add3A_1095 = arith.addi %mul3A_1093, %add3A_1094 : i32
      %dma_start3A_1096 = arith.constant 0 : i32
      %dma_start3A_1097 = tpu.memref_slice %arg9[%add3A_1095, %dma_start3A_1096] : memref<80x128xi32, #tpu.memory_space<vmem>> -> memref<1x128xi32, #tpu.memory_space<vmem>>
      %dma_start3A_1098 = tpu.memref_squeeze %dma_start3A_1097 : memref<1x128xi32, #tpu.memory_space<vmem>> -> memref<128xi32, #tpu.memory_space<vmem>>
      %dma_start3A_1099 = arith.constant 0 : i32
      %dma_start3A_1100 = tpu.memref_slice %arg15[%dma_start3A_1099] : memref<10240xf32, #tpu.memory_space<vmem_shared>> -> memref<10240xf32, #tpu.memory_space<vmem_shared>>
      tpu.enqueue_indirect_dma source(%arg11 : memref<128xf32, #tpu.memory_space<vmem>>) target(%dma_start3A_1100 : memref<10240xf32, #tpu.memory_space<vmem_shared>>) offsets(%dma_start3A_1098 : memref<128xi32, #tpu.memory_space<vmem>>) semaphore(%arg16 : memref<!tpu.dma_semaphore, #tpu.memory_space<semaphore_mem>>) {add = true}
      %mul3A_1101 = arith.constant 8 : i32
      %mul3A_1102 = arith.muli %mul3A_1101, %add3A_1064 : i32
      %add3A_1103 = arith.constant 4 : i32
      %add3A_1104 = arith.addi %mul3A_1102, %add3A_1103 : i32
      %dma_start3A_1105 = arith.constant 0 : i32
      %dma_start3A_1106 = tpu.memref_slice %arg9[%add3A_1104, %dma_start3A_1105] : memref<80x128xi32, #tpu.memory_space<vmem>> -> memref<1x128xi32, #tpu.memory_space<vmem>>
      %dma_start3A_1107 = tpu.memref_squeeze %dma_start3A_1106 : memref<1x128xi32, #tpu.memory_space<vmem>> -> memref<128xi32, #tpu.memory_space<vmem>>
      %dma_start3A_1108 = arith.constant 0 : i32
      %dma_start3A_1109 = tpu.memref_slice %arg15[%dma_start3A_1108] : memref<10240xf32, #tpu.memory_space<vmem_shared>> -> memref<10240xf32, #tpu.memory_space<vmem_shared>>
      tpu.enqueue_indirect_dma source(%arg11 : memref<128xf32, #tpu.memory_space<vmem>>) target(%dma_start3A_1109 : memref<10240xf32, #tpu.memory_space<vmem_shared>>) offsets(%dma_start3A_1107 : memref<128xi32, #tpu.memory_space<vmem>>) semaphore(%arg16 : memref<!tpu.dma_semaphore, #tpu.memory_space<semaphore_mem>>) {add = true}
      %mul3A_1110 = arith.constant 8 : i32
      %mul3A_1111 = arith.muli %mul3A_1110, %add3A_1064 : i32
      %add3A_1112 = arith.constant 5 : i32
      %add3A_1113 = arith.addi %mul3A_1111, %add3A_1112 : i32
      %dma_start3A_1114 = arith.constant 0 : i32
      %dma_start3A_1115 = tpu.memref_slice %arg9[%add3A_1113, %dma_start3A_1114] : memref<80x128xi32, #tpu.memory_space<vmem>> -> memref<1x128xi32, #tpu.memory_space<vmem>>
      %dma_start3A_1116 = tpu.memref_squeeze %dma_start3A_1115 : memref<1x128xi32, #tpu.memory_space<vmem>> -> memref<128xi32, #tpu.memory_space<vmem>>
      %dma_start3A_1117 = arith.constant 0 : i32
      %dma_start3A_1118 = tpu.memref_slice %arg15[%dma_start3A_1117] : memref<10240xf32, #tpu.memory_space<vmem_shared>> -> memref<10240xf32, #tpu.memory_space<vmem_shared>>
      tpu.enqueue_indirect_dma source(%arg11 : memref<128xf32, #tpu.memory_space<vmem>>) target(%dma_start3A_1118 : memref<10240xf32, #tpu.memory_space<vmem_shared>>) offsets(%dma_start3A_1116 : memref<128xi32, #tpu.memory_space<vmem>>) semaphore(%arg16 : memref<!tpu.dma_semaphore, #tpu.memory_space<semaphore_mem>>) {add = true}
      %mul3A_1119 = arith.constant 8 : i32
      %mul3A_1120 = arith.muli %mul3A_1119, %add3A_1064 : i32
      %add3A_1121 = arith.constant 6 : i32
      %add3A_1122 = arith.addi %mul3A_1120, %add3A_1121 : i32
      %dma_start3A_1123 = arith.constant 0 : i32
      %dma_start3A_1124 = tpu.memref_slice %arg9[%add3A_1122, %dma_start3A_1123] : memref<80x128xi32, #tpu.memory_space<vmem>> -> memref<1x128xi32, #tpu.memory_space<vmem>>
      %dma_start3A_1125 = tpu.memref_squeeze %dma_start3A_1124 : memref<1x128xi32, #tpu.memory_space<vmem>> -> memref<128xi32, #tpu.memory_space<vmem>>
      %dma_start3A_1126 = arith.constant 0 : i32
      %dma_start3A_1127 = tpu.memref_slice %arg15[%dma_start3A_1126] : memref<10240xf32, #tpu.memory_space<vmem_shared>> -> memref<10240xf32, #tpu.memory_space<vmem_shared>>
      tpu.enqueue_indirect_dma source(%arg11 : memref<128xf32, #tpu.memory_space<vmem>>) target(%dma_start3A_1127 : memref<10240xf32, #tpu.memory_space<vmem_shared>>) offsets(%dma_start3A_1125 : memref<128xi32, #tpu.memory_space<vmem>>) semaphore(%arg16 : memref<!tpu.dma_semaphore, #tpu.memory_space<semaphore_mem>>) {add = true}
      %mul3A_1128 = arith.constant 8 : i32
      %mul3A_1129 = arith.muli %mul3A_1128, %add3A_1064 : i32
      %add3A_1130 = arith.constant 7 : i32
      %add3A_1131 = arith.addi %mul3A_1129, %add3A_1130 : i32
      %dma_start3A_1132 = arith.constant 0 : i32
      %dma_start3A_1133 = tpu.memref_slice %arg9[%add3A_1131, %dma_start3A_1132] : memref<80x128xi32, #tpu.memory_space<vmem>> -> memref<1x128xi32, #tpu.memory_space<vmem>>
      %dma_start3A_1134 = tpu.memref_squeeze %dma_start3A_1133 : memref<1x128xi32, #tpu.memory_space<vmem>> -> memref<128xi32, #tpu.memory_space<vmem>>
      %dma_start3A_1135 = arith.constant 0 : i32
      %dma_start3A_1136 = tpu.memref_slice %arg15[%dma_start3A_1135] : memref<10240xf32, #tpu.memory_space<vmem_shared>> -> memref<10240xf32, #tpu.memory_space<vmem_shared>>
      tpu.enqueue_indirect_dma source(%arg11 : memref<128xf32, #tpu.memory_space<vmem>>) target(%dma_start3A_1136 : memref<10240xf32, #tpu.memory_space<vmem_shared>>) offsets(%dma_start3A_1134 : memref<128xi32, #tpu.memory_space<vmem>>) semaphore(%arg16 : memref<!tpu.dma_semaphore, #tpu.memory_space<semaphore_mem>>) {add = true}
      %dma_wait3A_1137 = arith.constant 0 : i32
      %dma_wait3A_1138 = arith.constant 0 : i32
      %dma_wait3A_1139 = tpu.memref_slice %arg9[%dma_wait3A_1137, %dma_wait3A_1138] : memref<80x128xi32, #tpu.memory_space<vmem>> -> memref<1x128xi32, #tpu.memory_space<vmem>>
      %dma_wait3A_1140 = tpu.memref_squeeze %dma_wait3A_1139 : memref<1x128xi32, #tpu.memory_space<vmem>> -> memref<128xi32, #tpu.memory_space<vmem>>
      %dma_wait3A_1141 = arith.constant 0 : i32
      %dma_wait3A_1142 = tpu.memref_slice %arg15[%dma_wait3A_1141] : memref<10240xf32, #tpu.memory_space<vmem_shared>> -> memref<10240xf32, #tpu.memory_space<vmem_shared>>
      tpu.wait_indirect_dma semaphore(%arg16 : memref<!tpu.dma_semaphore, #tpu.memory_space<semaphore_mem>>) src(%arg11 : memref<128xf32, #tpu.memory_space<vmem>>) dst(%dma_wait3A_1142 : memref<10240xf32, #tpu.memory_space<vmem_shared>>)
      %dma_wait3A_1143 = arith.constant 0 : i32
      %dma_wait3A_1144 = arith.constant 0 : i32
      %dma_wait3A_1145 = tpu.memref_slice %arg9[%dma_wait3A_1143, %dma_wait3A_1144] : memref<80x128xi32, #tpu.memory_space<vmem>> -> memref<1x128xi32, #tpu.memory_space<vmem>>
      %dma_wait3A_1146 = tpu.memref_squeeze %dma_wait3A_1145 : memref<1x128xi32, #tpu.memory_space<vmem>> -> memref<128xi32, #tpu.memory_space<vmem>>
      %dma_wait3A_1147 = arith.constant 0 : i32
      %dma_wait3A_1148 = tpu.memref_slice %arg15[%dma_wait3A_1147] : memref<10240xf32, #tpu.memory_space<vmem_shared>> -> memref<10240xf32, #tpu.memory_space<vmem_shared>>
      tpu.wait_indirect_dma semaphore(%arg16 : memref<!tpu.dma_semaphore, #tpu.memory_space<semaphore_mem>>) src(%arg11 : memref<128xf32, #tpu.memory_space<vmem>>) dst(%dma_wait3A_1148 : memref<10240xf32, #tpu.memory_space<vmem_shared>>)
      %dma_wait3A_1149 = arith.constant 0 : i32
      %dma_wait3A_1150 = arith.constant 0 : i32
      %dma_wait3A_1151 = tpu.memref_slice %arg9[%dma_wait3A_1149, %dma_wait3A_1150] : memref<80x128xi32, #tpu.memory_space<vmem>> -> memref<1x128xi32, #tpu.memory_space<vmem>>
      %dma_wait3A_1152 = tpu.memref_squeeze %dma_wait3A_1151 : memref<1x128xi32, #tpu.memory_space<vmem>> -> memref<128xi32, #tpu.memory_space<vmem>>
      %dma_wait3A_1153 = arith.constant 0 : i32
      %dma_wait3A_1154 = tpu.memref_slice %arg15[%dma_wait3A_1153] : memref<10240xf32, #tpu.memory_space<vmem_shared>> -> memref<10240xf32, #tpu.memory_space<vmem_shared>>
      tpu.wait_indirect_dma semaphore(%arg16 : memref<!tpu.dma_semaphore, #tpu.memory_space<semaphore_mem>>) src(%arg11 : memref<128xf32, #tpu.memory_space<vmem>>) dst(%dma_wait3A_1154 : memref<10240xf32, #tpu.memory_space<vmem_shared>>)
      %dma_wait3A_1155 = arith.constant 0 : i32
      %dma_wait3A_1156 = arith.constant 0 : i32
      %dma_wait3A_1157 = tpu.memref_slice %arg9[%dma_wait3A_1155, %dma_wait3A_1156] : memref<80x128xi32, #tpu.memory_space<vmem>> -> memref<1x128xi32, #tpu.memory_space<vmem>>
      %dma_wait3A_1158 = tpu.memref_squeeze %dma_wait3A_1157 : memref<1x128xi32, #tpu.memory_space<vmem>> -> memref<128xi32, #tpu.memory_space<vmem>>
      %dma_wait3A_1159 = arith.constant 0 : i32
      %dma_wait3A_1160 = tpu.memref_slice %arg15[%dma_wait3A_1159] : memref<10240xf32, #tpu.memory_space<vmem_shared>> -> memref<10240xf32, #tpu.memory_space<vmem_shared>>
      tpu.wait_indirect_dma semaphore(%arg16 : memref<!tpu.dma_semaphore, #tpu.memory_space<semaphore_mem>>) src(%arg11 : memref<128xf32, #tpu.memory_space<vmem>>) dst(%dma_wait3A_1160 : memref<10240xf32, #tpu.memory_space<vmem_shared>>)
      %dma_wait3A_1161 = arith.constant 0 : i32
      %dma_wait3A_1162 = arith.constant 0 : i32
      %dma_wait3A_1163 = tpu.memref_slice %arg9[%dma_wait3A_1161, %dma_wait3A_1162] : memref<80x128xi32, #tpu.memory_space<vmem>> -> memref<1x128xi32, #tpu.memory_space<vmem>>
      %dma_wait3A_1164 = tpu.memref_squeeze %dma_wait3A_1163 : memref<1x128xi32, #tpu.memory_space<vmem>> -> memref<128xi32, #tpu.memory_space<vmem>>
      %dma_wait3A_1165 = arith.constant 0 : i32
      %dma_wait3A_1166 = tpu.memref_slice %arg15[%dma_wait3A_1165] : memref<10240xf32, #tpu.memory_space<vmem_shared>> -> memref<10240xf32, #tpu.memory_space<vmem_shared>>
      tpu.wait_indirect_dma semaphore(%arg16 : memref<!tpu.dma_semaphore, #tpu.memory_space<semaphore_mem>>) src(%arg11 : memref<128xf32, #tpu.memory_space<vmem>>) dst(%dma_wait3A_1166 : memref<10240xf32, #tpu.memory_space<vmem_shared>>)
      %dma_wait3A_1167 = arith.constant 0 : i32
      %dma_wait3A_1168 = arith.constant 0 : i32
      %dma_wait3A_1169 = tpu.memref_slice %arg9[%dma_wait3A_1167, %dma_wait3A_1168] : memref<80x128xi32, #tpu.memory_space<vmem>> -> memref<1x128xi32, #tpu.memory_space<vmem>>
      %dma_wait3A_1170 = tpu.memref_squeeze %dma_wait3A_1169 : memref<1x128xi32, #tpu.memory_space<vmem>> -> memref<128xi32, #tpu.memory_space<vmem>>
      %dma_wait3A_1171 = arith.constant 0 : i32
      %dma_wait3A_1172 = tpu.memref_slice %arg15[%dma_wait3A_1171] : memref<10240xf32, #tpu.memory_space<vmem_shared>> -> memref<10240xf32, #tpu.memory_space<vmem_shared>>
      tpu.wait_indirect_dma semaphore(%arg16 : memref<!tpu.dma_semaphore, #tpu.memory_space<semaphore_mem>>) src(%arg11 : memref<128xf32, #tpu.memory_space<vmem>>) dst(%dma_wait3A_1172 : memref<10240xf32, #tpu.memory_space<vmem_shared>>)
      %dma_wait3A_1173 = arith.constant 0 : i32
      %dma_wait3A_1174 = arith.constant 0 : i32
      %dma_wait3A_1175 = tpu.memref_slice %arg9[%dma_wait3A_1173, %dma_wait3A_1174] : memref<80x128xi32, #tpu.memory_space<vmem>> -> memref<1x128xi32, #tpu.memory_space<vmem>>
      %dma_wait3A_1176 = tpu.memref_squeeze %dma_wait3A_1175 : memref<1x128xi32, #tpu.memory_space<vmem>> -> memref<128xi32, #tpu.memory_space<vmem>>
      %dma_wait3A_1177 = arith.constant 0 : i32
      %dma_wait3A_1178 = tpu.memref_slice %arg15[%dma_wait3A_1177] : memref<10240xf32, #tpu.memory_space<vmem_shared>> -> memref<10240xf32, #tpu.memory_space<vmem_shared>>
      tpu.wait_indirect_dma semaphore(%arg16 : memref<!tpu.dma_semaphore, #tpu.memory_space<semaphore_mem>>) src(%arg11 : memref<128xf32, #tpu.memory_space<vmem>>) dst(%dma_wait3A_1178 : memref<10240xf32, #tpu.memory_space<vmem_shared>>)
      %dma_wait3A_1179 = arith.constant 0 : i32
      %dma_wait3A_1180 = arith.constant 0 : i32
      %dma_wait3A_1181 = tpu.memref_slice %arg9[%dma_wait3A_1179, %dma_wait3A_1180] : memref<80x128xi32, #tpu.memory_space<vmem>> -> memref<1x128xi32, #tpu.memory_space<vmem>>
      %dma_wait3A_1182 = tpu.memref_squeeze %dma_wait3A_1181 : memref<1x128xi32, #tpu.memory_space<vmem>> -> memref<128xi32, #tpu.memory_space<vmem>>
      %dma_wait3A_1183 = arith.constant 0 : i32
      %dma_wait3A_1184 = tpu.memref_slice %arg15[%dma_wait3A_1183] : memref<10240xf32, #tpu.memory_space<vmem_shared>> -> memref<10240xf32, #tpu.memory_space<vmem_shared>>
      tpu.wait_indirect_dma semaphore(%arg16 : memref<!tpu.dma_semaphore, #tpu.memory_space<semaphore_mem>>) src(%arg11 : memref<128xf32, #tpu.memory_space<vmem>>) dst(%dma_wait3A_1184 : memref<10240xf32, #tpu.memory_space<vmem_shared>>)
    }
    %scan3A_16 = arith.constant 10 : i32
    %dma_start3A = arith.constant 0 : i32
    %dma_start3A_17 = arith.constant 0 : i32
    %dma_start3A_18 = arith.constant 0 : i32
    %dma_start3A_19 = tpu.memref_slice %arg12[%dma_start3A_17, %dma_start3A_18] : memref<26x128xf32, #tpu.memory_space<vmem>> -> memref<1x128xf32, #tpu.memory_space<vmem>>
    %dma_start3A_20 = tpu.memref_squeeze %dma_start3A_19 : memref<1x128xf32, #tpu.memory_space<vmem>> -> memref<128xf32, #tpu.memory_space<vmem>>
    %dma_start3A_21 = arith.constant 0 : i32
    %dma_start3A_22 = tpu.memref_slice %arg10[%dma_start3A, %dma_start3A_21] : memref<26x128xi32, #tpu.memory_space<vmem>> -> memref<1x128xi32, #tpu.memory_space<vmem>>
    %dma_start3A_23 = tpu.memref_squeeze %dma_start3A_22 : memref<1x128xi32, #tpu.memory_space<vmem>> -> memref<128xi32, #tpu.memory_space<vmem>>
    %dma_start3A_24 = arith.constant 0 : i32
    %dma_start3A_25 = tpu.memref_slice %arg4[%dma_start3A_24] : memref<100000xf32, #tpu.memory_space<hbm>> -> memref<100000xf32, #tpu.memory_space<hbm>>
    tpu.enqueue_indirect_dma source(%dma_start3A_25 : memref<100000xf32, #tpu.memory_space<hbm>>) target(%dma_start3A_20 : memref<128xf32, #tpu.memory_space<vmem>>) offsets(%dma_start3A_23 : memref<128xi32, #tpu.memory_space<vmem>>) semaphore(%arg16 : memref<!tpu.dma_semaphore, #tpu.memory_space<semaphore_mem>>)
    %dma_start3A_26 = arith.constant 1 : i32
    %dma_start3A_27 = arith.constant 1 : i32
    %dma_start3A_28 = arith.constant 0 : i32
    %dma_start3A_29 = tpu.memref_slice %arg12[%dma_start3A_27, %dma_start3A_28] : memref<26x128xf32, #tpu.memory_space<vmem>> -> memref<1x128xf32, #tpu.memory_space<vmem>>
    %dma_start3A_30 = tpu.memref_squeeze %dma_start3A_29 : memref<1x128xf32, #tpu.memory_space<vmem>> -> memref<128xf32, #tpu.memory_space<vmem>>
    %dma_start3A_31 = arith.constant 0 : i32
    %dma_start3A_32 = tpu.memref_slice %arg10[%dma_start3A_26, %dma_start3A_31] : memref<26x128xi32, #tpu.memory_space<vmem>> -> memref<1x128xi32, #tpu.memory_space<vmem>>
    %dma_start3A_33 = tpu.memref_squeeze %dma_start3A_32 : memref<1x128xi32, #tpu.memory_space<vmem>> -> memref<128xi32, #tpu.memory_space<vmem>>
    %dma_start3A_34 = arith.constant 0 : i32
    %dma_start3A_35 = tpu.memref_slice %arg4[%dma_start3A_34] : memref<100000xf32, #tpu.memory_space<hbm>> -> memref<100000xf32, #tpu.memory_space<hbm>>
    tpu.enqueue_indirect_dma source(%dma_start3A_35 : memref<100000xf32, #tpu.memory_space<hbm>>) target(%dma_start3A_30 : memref<128xf32, #tpu.memory_space<vmem>>) offsets(%dma_start3A_33 : memref<128xi32, #tpu.memory_space<vmem>>) semaphore(%arg16 : memref<!tpu.dma_semaphore, #tpu.memory_space<semaphore_mem>>)
    %dma_start3A_36 = arith.constant 2 : i32
    %dma_start3A_37 = arith.constant 2 : i32
    %dma_start3A_38 = arith.constant 0 : i32
    %dma_start3A_39 = tpu.memref_slice %arg12[%dma_start3A_37, %dma_start3A_38] : memref<26x128xf32, #tpu.memory_space<vmem>> -> memref<1x128xf32, #tpu.memory_space<vmem>>
    %dma_start3A_40 = tpu.memref_squeeze %dma_start3A_39 : memref<1x128xf32, #tpu.memory_space<vmem>> -> memref<128xf32, #tpu.memory_space<vmem>>
    %dma_start3A_41 = arith.constant 0 : i32
    %dma_start3A_42 = tpu.memref_slice %arg10[%dma_start3A_36, %dma_start3A_41] : memref<26x128xi32, #tpu.memory_space<vmem>> -> memref<1x128xi32, #tpu.memory_space<vmem>>
    %dma_start3A_43 = tpu.memref_squeeze %dma_start3A_42 : memref<1x128xi32, #tpu.memory_space<vmem>> -> memref<128xi32, #tpu.memory_space<vmem>>
    %dma_start3A_44 = arith.constant 0 : i32
    %dma_start3A_45 = tpu.memref_slice %arg4[%dma_start3A_44] : memref<100000xf32, #tpu.memory_space<hbm>> -> memref<100000xf32, #tpu.memory_space<hbm>>
    tpu.enqueue_indirect_dma source(%dma_start3A_45 : memref<100000xf32, #tpu.memory_space<hbm>>) target(%dma_start3A_40 : memref<128xf32, #tpu.memory_space<vmem>>) offsets(%dma_start3A_43 : memref<128xi32, #tpu.memory_space<vmem>>) semaphore(%arg16 : memref<!tpu.dma_semaphore, #tpu.memory_space<semaphore_mem>>)
    %dma_start3A_46 = arith.constant 3 : i32
    %dma_start3A_47 = arith.constant 3 : i32
    %dma_start3A_48 = arith.constant 0 : i32
    %dma_start3A_49 = tpu.memref_slice %arg12[%dma_start3A_47, %dma_start3A_48] : memref<26x128xf32, #tpu.memory_space<vmem>> -> memref<1x128xf32, #tpu.memory_space<vmem>>
    %dma_start3A_50 = tpu.memref_squeeze %dma_start3A_49 : memref<1x128xf32, #tpu.memory_space<vmem>> -> memref<128xf32, #tpu.memory_space<vmem>>
    %dma_start3A_51 = arith.constant 0 : i32
    %dma_start3A_52 = tpu.memref_slice %arg10[%dma_start3A_46, %dma_start3A_51] : memref<26x128xi32, #tpu.memory_space<vmem>> -> memref<1x128xi32, #tpu.memory_space<vmem>>
    %dma_start3A_53 = tpu.memref_squeeze %dma_start3A_52 : memref<1x128xi32, #tpu.memory_space<vmem>> -> memref<128xi32, #tpu.memory_space<vmem>>
    %dma_start3A_54 = arith.constant 0 : i32
    %dma_start3A_55 = tpu.memref_slice %arg4[%dma_start3A_54] : memref<100000xf32, #tpu.memory_space<hbm>> -> memref<100000xf32, #tpu.memory_space<hbm>>
    tpu.enqueue_indirect_dma source(%dma_start3A_55 : memref<100000xf32, #tpu.memory_space<hbm>>) target(%dma_start3A_50 : memref<128xf32, #tpu.memory_space<vmem>>) offsets(%dma_start3A_53 : memref<128xi32, #tpu.memory_space<vmem>>) semaphore(%arg16 : memref<!tpu.dma_semaphore, #tpu.memory_space<semaphore_mem>>)
    %dma_start3A_56 = arith.constant 4 : i32
    %dma_start3A_57 = arith.constant 4 : i32
    %dma_start3A_58 = arith.constant 0 : i32
    %dma_start3A_59 = tpu.memref_slice %arg12[%dma_start3A_57, %dma_start3A_58] : memref<26x128xf32, #tpu.memory_space<vmem>> -> memref<1x128xf32, #tpu.memory_space<vmem>>
    %dma_start3A_60 = tpu.memref_squeeze %dma_start3A_59 : memref<1x128xf32, #tpu.memory_space<vmem>> -> memref<128xf32, #tpu.memory_space<vmem>>
    %dma_start3A_61 = arith.constant 0 : i32
    %dma_start3A_62 = tpu.memref_slice %arg10[%dma_start3A_56, %dma_start3A_61] : memref<26x128xi32, #tpu.memory_space<vmem>> -> memref<1x128xi32, #tpu.memory_space<vmem>>
    %dma_start3A_63 = tpu.memref_squeeze %dma_start3A_62 : memref<1x128xi32, #tpu.memory_space<vmem>> -> memref<128xi32, #tpu.memory_space<vmem>>
    %dma_start3A_64 = arith.constant 0 : i32
    %dma_start3A_65 = tpu.memref_slice %arg4[%dma_start3A_64] : memref<100000xf32, #tpu.memory_space<hbm>> -> memref<100000xf32, #tpu.memory_space<hbm>>
    tpu.enqueue_indirect_dma source(%dma_start3A_65 : memref<100000xf32, #tpu.memory_space<hbm>>) target(%dma_start3A_60 : memref<128xf32, #tpu.memory_space<vmem>>) offsets(%dma_start3A_63 : memref<128xi32, #tpu.memory_space<vmem>>) semaphore(%arg16 : memref<!tpu.dma_semaphore, #tpu.memory_space<semaphore_mem>>)
    %dma_start3A_66 = arith.constant 5 : i32
    %dma_start3A_67 = arith.constant 5 : i32
    %dma_start3A_68 = arith.constant 0 : i32
    %dma_start3A_69 = tpu.memref_slice %arg12[%dma_start3A_67, %dma_start3A_68] : memref<26x128xf32, #tpu.memory_space<vmem>> -> memref<1x128xf32, #tpu.memory_space<vmem>>
    %dma_start3A_70 = tpu.memref_squeeze %dma_start3A_69 : memref<1x128xf32, #tpu.memory_space<vmem>> -> memref<128xf32, #tpu.memory_space<vmem>>
    %dma_start3A_71 = arith.constant 0 : i32
    %dma_start3A_72 = tpu.memref_slice %arg10[%dma_start3A_66, %dma_start3A_71] : memref<26x128xi32, #tpu.memory_space<vmem>> -> memref<1x128xi32, #tpu.memory_space<vmem>>
    %dma_start3A_73 = tpu.memref_squeeze %dma_start3A_72 : memref<1x128xi32, #tpu.memory_space<vmem>> -> memref<128xi32, #tpu.memory_space<vmem>>
    %dma_start3A_74 = arith.constant 0 : i32
    %dma_start3A_75 = tpu.memref_slice %arg4[%dma_start3A_74] : memref<100000xf32, #tpu.memory_space<hbm>> -> memref<100000xf32, #tpu.memory_space<hbm>>
    tpu.enqueue_indirect_dma source(%dma_start3A_75 : memref<100000xf32, #tpu.memory_space<hbm>>) target(%dma_start3A_70 : memref<128xf32, #tpu.memory_space<vmem>>) offsets(%dma_start3A_73 : memref<128xi32, #tpu.memory_space<vmem>>) semaphore(%arg16 : memref<!tpu.dma_semaphore, #tpu.memory_space<semaphore_mem>>)
    %dma_start3A_76 = arith.constant 6 : i32
    %dma_start3A_77 = arith.constant 6 : i32
    %dma_start3A_78 = arith.constant 0 : i32
    %dma_start3A_79 = tpu.memref_slice %arg12[%dma_start3A_77, %dma_start3A_78] : memref<26x128xf32, #tpu.memory_space<vmem>> -> memref<1x128xf32, #tpu.memory_space<vmem>>
    %dma_start3A_80 = tpu.memref_squeeze %dma_start3A_79 : memref<1x128xf32, #tpu.memory_space<vmem>> -> memref<128xf32, #tpu.memory_space<vmem>>
    %dma_start3A_81 = arith.constant 0 : i32
    %dma_start3A_82 = tpu.memref_slice %arg10[%dma_start3A_76, %dma_start3A_81] : memref<26x128xi32, #tpu.memory_space<vmem>> -> memref<1x128xi32, #tpu.memory_space<vmem>>
    %dma_start3A_83 = tpu.memref_squeeze %dma_start3A_82 : memref<1x128xi32, #tpu.memory_space<vmem>> -> memref<128xi32, #tpu.memory_space<vmem>>
    %dma_start3A_84 = arith.constant 0 : i32
    %dma_start3A_85 = tpu.memref_slice %arg4[%dma_start3A_84] : memref<100000xf32, #tpu.memory_space<hbm>> -> memref<100000xf32, #tpu.memory_space<hbm>>
    tpu.enqueue_indirect_dma source(%dma_start3A_85 : memref<100000xf32, #tpu.memory_space<hbm>>) target(%dma_start3A_80 : memref<128xf32, #tpu.memory_space<vmem>>) offsets(%dma_start3A_83 : memref<128xi32, #tpu.memory_space<vmem>>) semaphore(%arg16 : memref<!tpu.dma_semaphore, #tpu.memory_space<semaphore_mem>>)
    %dma_start3A_86 = arith.constant 7 : i32
    %dma_start3A_87 = arith.constant 7 : i32
    %dma_start3A_88 = arith.constant 0 : i32
    %dma_start3A_89 = tpu.memref_slice %arg12[%dma_start3A_87, %dma_start3A_88] : memref<26x128xf32, #tpu.memory_space<vmem>> -> memref<1x128xf32, #tpu.memory_space<vmem>>
    %dma_start3A_90 = tpu.memref_squeeze %dma_start3A_89 : memref<1x128xf32, #tpu.memory_space<vmem>> -> memref<128xf32, #tpu.memory_space<vmem>>
    %dma_start3A_91 = arith.constant 0 : i32
    %dma_start3A_92 = tpu.memref_slice %arg10[%dma_start3A_86, %dma_start3A_91] : memref<26x128xi32, #tpu.memory_space<vmem>> -> memref<1x128xi32, #tpu.memory_space<vmem>>
    %dma_start3A_93 = tpu.memref_squeeze %dma_start3A_92 : memref<1x128xi32, #tpu.memory_space<vmem>> -> memref<128xi32, #tpu.memory_space<vmem>>
    %dma_start3A_94 = arith.constant 0 : i32
    %dma_start3A_95 = tpu.memref_slice %arg4[%dma_start3A_94] : memref<100000xf32, #tpu.memory_space<hbm>> -> memref<100000xf32, #tpu.memory_space<hbm>>
    tpu.enqueue_indirect_dma source(%dma_start3A_95 : memref<100000xf32, #tpu.memory_space<hbm>>) target(%dma_start3A_90 : memref<128xf32, #tpu.memory_space<vmem>>) offsets(%dma_start3A_93 : memref<128xi32, #tpu.memory_space<vmem>>) semaphore(%arg16 : memref<!tpu.dma_semaphore, #tpu.memory_space<semaphore_mem>>)
    %dma_start3A_96 = arith.constant 8 : i32
    %dma_start3A_97 = arith.constant 8 : i32
    %dma_start3A_98 = arith.constant 0 : i32
    %dma_start3A_99 = tpu.memref_slice %arg12[%dma_start3A_97, %dma_start3A_98] : memref<26x128xf32, #tpu.memory_space<vmem>> -> memref<1x128xf32, #tpu.memory_space<vmem>>
    %dma_start3A_100 = tpu.memref_squeeze %dma_start3A_99 : memref<1x128xf32, #tpu.memory_space<vmem>> -> memref<128xf32, #tpu.memory_space<vmem>>
    %dma_start3A_101 = arith.constant 0 : i32
    %dma_start3A_102 = tpu.memref_slice %arg10[%dma_start3A_96, %dma_start3A_101] : memref<26x128xi32, #tpu.memory_space<vmem>> -> memref<1x128xi32, #tpu.memory_space<vmem>>
    %dma_start3A_103 = tpu.memref_squeeze %dma_start3A_102 : memref<1x128xi32, #tpu.memory_space<vmem>> -> memref<128xi32, #tpu.memory_space<vmem>>
    %dma_start3A_104 = arith.constant 0 : i32
    %dma_start3A_105 = tpu.memref_slice %arg4[%dma_start3A_104] : memref<100000xf32, #tpu.memory_space<hbm>> -> memref<100000xf32, #tpu.memory_space<hbm>>
    tpu.enqueue_indirect_dma source(%dma_start3A_105 : memref<100000xf32, #tpu.memory_space<hbm>>) target(%dma_start3A_100 : memref<128xf32, #tpu.memory_space<vmem>>) offsets(%dma_start3A_103 : memref<128xi32, #tpu.memory_space<vmem>>) semaphore(%arg16 : memref<!tpu.dma_semaphore, #tpu.memory_space<semaphore_mem>>)
    %dma_start3A_106 = arith.constant 9 : i32
    %dma_start3A_107 = arith.constant 9 : i32
    %dma_start3A_108 = arith.constant 0 : i32
    %dma_start3A_109 = tpu.memref_slice %arg12[%dma_start3A_107, %dma_start3A_108] : memref<26x128xf32, #tpu.memory_space<vmem>> -> memref<1x128xf32, #tpu.memory_space<vmem>>
    %dma_start3A_110 = tpu.memref_squeeze %dma_start3A_109 : memref<1x128xf32, #tpu.memory_space<vmem>> -> memref<128xf32, #tpu.memory_space<vmem>>
    %dma_start3A_111 = arith.constant 0 : i32
    %dma_start3A_112 = tpu.memref_slice %arg10[%dma_start3A_106, %dma_start3A_111] : memref<26x128xi32, #tpu.memory_space<vmem>> -> memref<1x128xi32, #tpu.memory_space<vmem>>
    %dma_start3A_113 = tpu.memref_squeeze %dma_start3A_112 : memref<1x128xi32, #tpu.memory_space<vmem>> -> memref<128xi32, #tpu.memory_space<vmem>>
    %dma_start3A_114 = arith.constant 0 : i32
    %dma_start3A_115 = tpu.memref_slice %arg4[%dma_start3A_114] : memref<100000xf32, #tpu.memory_space<hbm>> -> memref<100000xf32, #tpu.memory_space<hbm>>
    tpu.enqueue_indirect_dma source(%dma_start3A_115 : memref<100000xf32, #tpu.memory_space<hbm>>) target(%dma_start3A_110 : memref<128xf32, #tpu.memory_space<vmem>>) offsets(%dma_start3A_113 : memref<128xi32, #tpu.memory_space<vmem>>) semaphore(%arg16 : memref<!tpu.dma_semaphore, #tpu.memory_space<semaphore_mem>>)
    %dma_start3A_116 = arith.constant 10 : i32
    %dma_start3A_117 = arith.constant 10 : i32
    %dma_start3A_118 = arith.constant 0 : i32
    %dma_start3A_119 = tpu.memref_slice %arg12[%dma_start3A_117, %dma_start3A_118] : memref<26x128xf32, #tpu.memory_space<vmem>> -> memref<1x128xf32, #tpu.memory_space<vmem>>
    %dma_start3A_120 = tpu.memref_squeeze %dma_start3A_119 : memref<1x128xf32, #tpu.memory_space<vmem>> -> memref<128xf32, #tpu.memory_space<vmem>>
    %dma_start3A_121 = arith.constant 0 : i32
    %dma_start3A_122 = tpu.memref_slice %arg10[%dma_start3A_116, %dma_start3A_121] : memref<26x128xi32, #tpu.memory_space<vmem>> -> memref<1x128xi32, #tpu.memory_space<vmem>>
    %dma_start3A_123 = tpu.memref_squeeze %dma_start3A_122 : memref<1x128xi32, #tpu.memory_space<vmem>> -> memref<128xi32, #tpu.memory_space<vmem>>
    %dma_start3A_124 = arith.constant 0 : i32
    %dma_start3A_125 = tpu.memref_slice %arg4[%dma_start3A_124] : memref<100000xf32, #tpu.memory_space<hbm>> -> memref<100000xf32, #tpu.memory_space<hbm>>
    tpu.enqueue_indirect_dma source(%dma_start3A_125 : memref<100000xf32, #tpu.memory_space<hbm>>) target(%dma_start3A_120 : memref<128xf32, #tpu.memory_space<vmem>>) offsets(%dma_start3A_123 : memref<128xi32, #tpu.memory_space<vmem>>) semaphore(%arg16 : memref<!tpu.dma_semaphore, #tpu.memory_space<semaphore_mem>>)
    %dma_start3A_126 = arith.constant 11 : i32
    %dma_start3A_127 = arith.constant 11 : i32
    %dma_start3A_128 = arith.constant 0 : i32
    %dma_start3A_129 = tpu.memref_slice %arg12[%dma_start3A_127, %dma_start3A_128] : memref<26x128xf32, #tpu.memory_space<vmem>> -> memref<1x128xf32, #tpu.memory_space<vmem>>
    %dma_start3A_130 = tpu.memref_squeeze %dma_start3A_129 : memref<1x128xf32, #tpu.memory_space<vmem>> -> memref<128xf32, #tpu.memory_space<vmem>>
    %dma_start3A_131 = arith.constant 0 : i32
    %dma_start3A_132 = tpu.memref_slice %arg10[%dma_start3A_126, %dma_start3A_131] : memref<26x128xi32, #tpu.memory_space<vmem>> -> memref<1x128xi32, #tpu.memory_space<vmem>>
    %dma_start3A_133 = tpu.memref_squeeze %dma_start3A_132 : memref<1x128xi32, #tpu.memory_space<vmem>> -> memref<128xi32, #tpu.memory_space<vmem>>
    %dma_start3A_134 = arith.constant 0 : i32
    %dma_start3A_135 = tpu.memref_slice %arg4[%dma_start3A_134] : memref<100000xf32, #tpu.memory_space<hbm>> -> memref<100000xf32, #tpu.memory_space<hbm>>
    tpu.enqueue_indirect_dma source(%dma_start3A_135 : memref<100000xf32, #tpu.memory_space<hbm>>) target(%dma_start3A_130 : memref<128xf32, #tpu.memory_space<vmem>>) offsets(%dma_start3A_133 : memref<128xi32, #tpu.memory_space<vmem>>) semaphore(%arg16 : memref<!tpu.dma_semaphore, #tpu.memory_space<semaphore_mem>>)
    %dma_start3A_136 = arith.constant 12 : i32
    %dma_start3A_137 = arith.constant 12 : i32
    %dma_start3A_138 = arith.constant 0 : i32
    %dma_start3A_139 = tpu.memref_slice %arg12[%dma_start3A_137, %dma_start3A_138] : memref<26x128xf32, #tpu.memory_space<vmem>> -> memref<1x128xf32, #tpu.memory_space<vmem>>
    %dma_start3A_140 = tpu.memref_squeeze %dma_start3A_139 : memref<1x128xf32, #tpu.memory_space<vmem>> -> memref<128xf32, #tpu.memory_space<vmem>>
    %dma_start3A_141 = arith.constant 0 : i32
    %dma_start3A_142 = tpu.memref_slice %arg10[%dma_start3A_136, %dma_start3A_141] : memref<26x128xi32, #tpu.memory_space<vmem>> -> memref<1x128xi32, #tpu.memory_space<vmem>>
    %dma_start3A_143 = tpu.memref_squeeze %dma_start3A_142 : memref<1x128xi32, #tpu.memory_space<vmem>> -> memref<128xi32, #tpu.memory_space<vmem>>
    %dma_start3A_144 = arith.constant 0 : i32
    %dma_start3A_145 = tpu.memref_slice %arg4[%dma_start3A_144] : memref<100000xf32, #tpu.memory_space<hbm>> -> memref<100000xf32, #tpu.memory_space<hbm>>
    tpu.enqueue_indirect_dma source(%dma_start3A_145 : memref<100000xf32, #tpu.memory_space<hbm>>) target(%dma_start3A_140 : memref<128xf32, #tpu.memory_space<vmem>>) offsets(%dma_start3A_143 : memref<128xi32, #tpu.memory_space<vmem>>) semaphore(%arg16 : memref<!tpu.dma_semaphore, #tpu.memory_space<semaphore_mem>>)
    %dma_wait3A = arith.constant 0 : i32
    %dma_wait3A_146 = arith.constant 0 : i32
    %dma_wait3A_147 = arith.constant 0 : i32
    %dma_wait3A_148 = tpu.memref_slice %arg12[%dma_wait3A_146, %dma_wait3A_147] : memref<26x128xf32, #tpu.memory_space<vmem>> -> memref<1x128xf32, #tpu.memory_space<vmem>>
    %dma_wait3A_149 = tpu.memref_squeeze %dma_wait3A_148 : memref<1x128xf32, #tpu.memory_space<vmem>> -> memref<128xf32, #tpu.memory_space<vmem>>
    %dma_wait3A_150 = arith.constant 0 : i32
    %dma_wait3A_151 = tpu.memref_slice %arg10[%dma_wait3A, %dma_wait3A_150] : memref<26x128xi32, #tpu.memory_space<vmem>> -> memref<1x128xi32, #tpu.memory_space<vmem>>
    %dma_wait3A_152 = tpu.memref_squeeze %dma_wait3A_151 : memref<1x128xi32, #tpu.memory_space<vmem>> -> memref<128xi32, #tpu.memory_space<vmem>>
    %dma_wait3A_153 = arith.constant 0 : i32
    %dma_wait3A_154 = tpu.memref_slice %arg4[%dma_wait3A_153] : memref<100000xf32, #tpu.memory_space<hbm>> -> memref<100000xf32, #tpu.memory_space<hbm>>
    tpu.wait_indirect_dma semaphore(%arg16 : memref<!tpu.dma_semaphore, #tpu.memory_space<semaphore_mem>>) src(%dma_wait3A_154 : memref<100000xf32, #tpu.memory_space<hbm>>) dst(%dma_wait3A_149 : memref<128xf32, #tpu.memory_space<vmem>>)
    %dma_wait3A_155 = arith.constant 0 : i32
    %dma_wait3A_156 = arith.constant 0 : i32
    %dma_wait3A_157 = arith.constant 0 : i32
    %dma_wait3A_158 = tpu.memref_slice %arg12[%dma_wait3A_156, %dma_wait3A_157] : memref<26x128xf32, #tpu.memory_space<vmem>> -> memref<1x128xf32, #tpu.memory_space<vmem>>
    %dma_wait3A_159 = tpu.memref_squeeze %dma_wait3A_158 : memref<1x128xf32, #tpu.memory_space<vmem>> -> memref<128xf32, #tpu.memory_space<vmem>>
    %dma_wait3A_160 = arith.constant 0 : i32
    %dma_wait3A_161 = tpu.memref_slice %arg10[%dma_wait3A_155, %dma_wait3A_160] : memref<26x128xi32, #tpu.memory_space<vmem>> -> memref<1x128xi32, #tpu.memory_space<vmem>>
    %dma_wait3A_162 = tpu.memref_squeeze %dma_wait3A_161 : memref<1x128xi32, #tpu.memory_space<vmem>> -> memref<128xi32, #tpu.memory_space<vmem>>
    %dma_wait3A_163 = arith.constant 0 : i32
    %dma_wait3A_164 = tpu.memref_slice %arg4[%dma_wait3A_163] : memref<100000xf32, #tpu.memory_space<hbm>> -> memref<100000xf32, #tpu.memory_space<hbm>>
    tpu.wait_indirect_dma semaphore(%arg16 : memref<!tpu.dma_semaphore, #tpu.memory_space<semaphore_mem>>) src(%dma_wait3A_164 : memref<100000xf32, #tpu.memory_space<hbm>>) dst(%dma_wait3A_159 : memref<128xf32, #tpu.memory_space<vmem>>)
    %dma_wait3A_165 = arith.constant 0 : i32
    %dma_wait3A_166 = arith.constant 0 : i32
    %dma_wait3A_167 = arith.constant 0 : i32
    %dma_wait3A_168 = tpu.memref_slice %arg12[%dma_wait3A_166, %dma_wait3A_167] : memref<26x128xf32, #tpu.memory_space<vmem>> -> memref<1x128xf32, #tpu.memory_space<vmem>>
    %dma_wait3A_169 = tpu.memref_squeeze %dma_wait3A_168 : memref<1x128xf32, #tpu.memory_space<vmem>> -> memref<128xf32, #tpu.memory_space<vmem>>
    %dma_wait3A_170 = arith.constant 0 : i32
    %dma_wait3A_171 = tpu.memref_slice %arg10[%dma_wait3A_165, %dma_wait3A_170] : memref<26x128xi32, #tpu.memory_space<vmem>> -> memref<1x128xi32, #tpu.memory_space<vmem>>
    %dma_wait3A_172 = tpu.memref_squeeze %dma_wait3A_171 : memref<1x128xi32, #tpu.memory_space<vmem>> -> memref<128xi32, #tpu.memory_space<vmem>>
    %dma_wait3A_173 = arith.constant 0 : i32
    %dma_wait3A_174 = tpu.memref_slice %arg4[%dma_wait3A_173] : memref<100000xf32, #tpu.memory_space<hbm>> -> memref<100000xf32, #tpu.memory_space<hbm>>
    tpu.wait_indirect_dma semaphore(%arg16 : memref<!tpu.dma_semaphore, #tpu.memory_space<semaphore_mem>>) src(%dma_wait3A_174 : memref<100000xf32, #tpu.memory_space<hbm>>) dst(%dma_wait3A_169 : memref<128xf32, #tpu.memory_space<vmem>>)
    %dma_wait3A_175 = arith.constant 0 : i32
    %dma_wait3A_176 = arith.constant 0 : i32
    %dma_wait3A_177 = arith.constant 0 : i32
    %dma_wait3A_178 = tpu.memref_slice %arg12[%dma_wait3A_176, %dma_wait3A_177] : memref<26x128xf32, #tpu.memory_space<vmem>> -> memref<1x128xf32, #tpu.memory_space<vmem>>
    %dma_wait3A_179 = tpu.memref_squeeze %dma_wait3A_178 : memref<1x128xf32, #tpu.memory_space<vmem>> -> memref<128xf32, #tpu.memory_space<vmem>>
    %dma_wait3A_180 = arith.constant 0 : i32
    %dma_wait3A_181 = tpu.memref_slice %arg10[%dma_wait3A_175, %dma_wait3A_180] : memref<26x128xi32, #tpu.memory_space<vmem>> -> memref<1x128xi32, #tpu.memory_space<vmem>>
    %dma_wait3A_182 = tpu.memref_squeeze %dma_wait3A_181 : memref<1x128xi32, #tpu.memory_space<vmem>> -> memref<128xi32, #tpu.memory_space<vmem>>
    %dma_wait3A_183 = arith.constant 0 : i32
    %dma_wait3A_184 = tpu.memref_slice %arg4[%dma_wait3A_183] : memref<100000xf32, #tpu.memory_space<hbm>> -> memref<100000xf32, #tpu.memory_space<hbm>>
    tpu.wait_indirect_dma semaphore(%arg16 : memref<!tpu.dma_semaphore, #tpu.memory_space<semaphore_mem>>) src(%dma_wait3A_184 : memref<100000xf32, #tpu.memory_space<hbm>>) dst(%dma_wait3A_179 : memref<128xf32, #tpu.memory_space<vmem>>)
    %dma_wait3A_185 = arith.constant 0 : i32
    %dma_wait3A_186 = arith.constant 0 : i32
    %dma_wait3A_187 = arith.constant 0 : i32
    %dma_wait3A_188 = tpu.memref_slice %arg12[%dma_wait3A_186, %dma_wait3A_187] : memref<26x128xf32, #tpu.memory_space<vmem>> -> memref<1x128xf32, #tpu.memory_space<vmem>>
    %dma_wait3A_189 = tpu.memref_squeeze %dma_wait3A_188 : memref<1x128xf32, #tpu.memory_space<vmem>> -> memref<128xf32, #tpu.memory_space<vmem>>
    %dma_wait3A_190 = arith.constant 0 : i32
    %dma_wait3A_191 = tpu.memref_slice %arg10[%dma_wait3A_185, %dma_wait3A_190] : memref<26x128xi32, #tpu.memory_space<vmem>> -> memref<1x128xi32, #tpu.memory_space<vmem>>
    %dma_wait3A_192 = tpu.memref_squeeze %dma_wait3A_191 : memref<1x128xi32, #tpu.memory_space<vmem>> -> memref<128xi32, #tpu.memory_space<vmem>>
    %dma_wait3A_193 = arith.constant 0 : i32
    %dma_wait3A_194 = tpu.memref_slice %arg4[%dma_wait3A_193] : memref<100000xf32, #tpu.memory_space<hbm>> -> memref<100000xf32, #tpu.memory_space<hbm>>
    tpu.wait_indirect_dma semaphore(%arg16 : memref<!tpu.dma_semaphore, #tpu.memory_space<semaphore_mem>>) src(%dma_wait3A_194 : memref<100000xf32, #tpu.memory_space<hbm>>) dst(%dma_wait3A_189 : memref<128xf32, #tpu.memory_space<vmem>>)
    %dma_wait3A_195 = arith.constant 0 : i32
    %dma_wait3A_196 = arith.constant 0 : i32
    %dma_wait3A_197 = arith.constant 0 : i32
    %dma_wait3A_198 = tpu.memref_slice %arg12[%dma_wait3A_196, %dma_wait3A_197] : memref<26x128xf32, #tpu.memory_space<vmem>> -> memref<1x128xf32, #tpu.memory_space<vmem>>
    %dma_wait3A_199 = tpu.memref_squeeze %dma_wait3A_198 : memref<1x128xf32, #tpu.memory_space<vmem>> -> memref<128xf32, #tpu.memory_space<vmem>>
    %dma_wait3A_200 = arith.constant 0 : i32
    %dma_wait3A_201 = tpu.memref_slice %arg10[%dma_wait3A_195, %dma_wait3A_200] : memref<26x128xi32, #tpu.memory_space<vmem>> -> memref<1x128xi32, #tpu.memory_space<vmem>>
    %dma_wait3A_202 = tpu.memref_squeeze %dma_wait3A_201 : memref<1x128xi32, #tpu.memory_space<vmem>> -> memref<128xi32, #tpu.memory_space<vmem>>
    %dma_wait3A_203 = arith.constant 0 : i32
    %dma_wait3A_204 = tpu.memref_slice %arg4[%dma_wait3A_203] : memref<100000xf32, #tpu.memory_space<hbm>> -> memref<100000xf32, #tpu.memory_space<hbm>>
    tpu.wait_indirect_dma semaphore(%arg16 : memref<!tpu.dma_semaphore, #tpu.memory_space<semaphore_mem>>) src(%dma_wait3A_204 : memref<100000xf32, #tpu.memory_space<hbm>>) dst(%dma_wait3A_199 : memref<128xf32, #tpu.memory_space<vmem>>)
    %dma_wait3A_205 = arith.constant 0 : i32
    %dma_wait3A_206 = arith.constant 0 : i32
    %dma_wait3A_207 = arith.constant 0 : i32
    %dma_wait3A_208 = tpu.memref_slice %arg12[%dma_wait3A_206, %dma_wait3A_207] : memref<26x128xf32, #tpu.memory_space<vmem>> -> memref<1x128xf32, #tpu.memory_space<vmem>>
    %dma_wait3A_209 = tpu.memref_squeeze %dma_wait3A_208 : memref<1x128xf32, #tpu.memory_space<vmem>> -> memref<128xf32, #tpu.memory_space<vmem>>
    %dma_wait3A_210 = arith.constant 0 : i32
    %dma_wait3A_211 = tpu.memref_slice %arg10[%dma_wait3A_205, %dma_wait3A_210] : memref<26x128xi32, #tpu.memory_space<vmem>> -> memref<1x128xi32, #tpu.memory_space<vmem>>
    %dma_wait3A_212 = tpu.memref_squeeze %dma_wait3A_211 : memref<1x128xi32, #tpu.memory_space<vmem>> -> memref<128xi32, #tpu.memory_space<vmem>>
    %dma_wait3A_213 = arith.constant 0 : i32
    %dma_wait3A_214 = tpu.memref_slice %arg4[%dma_wait3A_213] : memref<100000xf32, #tpu.memory_space<hbm>> -> memref<100000xf32, #tpu.memory_space<hbm>>
    tpu.wait_indirect_dma semaphore(%arg16 : memref<!tpu.dma_semaphore, #tpu.memory_space<semaphore_mem>>) src(%dma_wait3A_214 : memref<100000xf32, #tpu.memory_space<hbm>>) dst(%dma_wait3A_209 : memref<128xf32, #tpu.memory_space<vmem>>)
    %dma_wait3A_215 = arith.constant 0 : i32
    %dma_wait3A_216 = arith.constant 0 : i32
    %dma_wait3A_217 = arith.constant 0 : i32
    %dma_wait3A_218 = tpu.memref_slice %arg12[%dma_wait3A_216, %dma_wait3A_217] : memref<26x128xf32, #tpu.memory_space<vmem>> -> memref<1x128xf32, #tpu.memory_space<vmem>>
    %dma_wait3A_219 = tpu.memref_squeeze %dma_wait3A_218 : memref<1x128xf32, #tpu.memory_space<vmem>> -> memref<128xf32, #tpu.memory_space<vmem>>
    %dma_wait3A_220 = arith.constant 0 : i32
    %dma_wait3A_221 = tpu.memref_slice %arg10[%dma_wait3A_215, %dma_wait3A_220] : memref<26x128xi32, #tpu.memory_space<vmem>> -> memref<1x128xi32, #tpu.memory_space<vmem>>
    %dma_wait3A_222 = tpu.memref_squeeze %dma_wait3A_221 : memref<1x128xi32, #tpu.memory_space<vmem>> -> memref<128xi32, #tpu.memory_space<vmem>>
    %dma_wait3A_223 = arith.constant 0 : i32
    %dma_wait3A_224 = tpu.memref_slice %arg4[%dma_wait3A_223] : memref<100000xf32, #tpu.memory_space<hbm>> -> memref<100000xf32, #tpu.memory_space<hbm>>
    tpu.wait_indirect_dma semaphore(%arg16 : memref<!tpu.dma_semaphore, #tpu.memory_space<semaphore_mem>>) src(%dma_wait3A_224 : memref<100000xf32, #tpu.memory_space<hbm>>) dst(%dma_wait3A_219 : memref<128xf32, #tpu.memory_space<vmem>>)
    %dma_wait3A_225 = arith.constant 0 : i32
    %dma_wait3A_226 = arith.constant 0 : i32
    %dma_wait3A_227 = arith.constant 0 : i32
    %dma_wait3A_228 = tpu.memref_slice %arg12[%dma_wait3A_226, %dma_wait3A_227] : memref<26x128xf32, #tpu.memory_space<vmem>> -> memref<1x128xf32, #tpu.memory_space<vmem>>
    %dma_wait3A_229 = tpu.memref_squeeze %dma_wait3A_228 : memref<1x128xf32, #tpu.memory_space<vmem>> -> memref<128xf32, #tpu.memory_space<vmem>>
    %dma_wait3A_230 = arith.constant 0 : i32
    %dma_wait3A_231 = tpu.memref_slice %arg10[%dma_wait3A_225, %dma_wait3A_230] : memref<26x128xi32, #tpu.memory_space<vmem>> -> memref<1x128xi32, #tpu.memory_space<vmem>>
    %dma_wait3A_232 = tpu.memref_squeeze %dma_wait3A_231 : memref<1x128xi32, #tpu.memory_space<vmem>> -> memref<128xi32, #tpu.memory_space<vmem>>
    %dma_wait3A_233 = arith.constant 0 : i32
    %dma_wait3A_234 = tpu.memref_slice %arg4[%dma_wait3A_233] : memref<100000xf32, #tpu.memory_space<hbm>> -> memref<100000xf32, #tpu.memory_space<hbm>>
    tpu.wait_indirect_dma semaphore(%arg16 : memref<!tpu.dma_semaphore, #tpu.memory_space<semaphore_mem>>) src(%dma_wait3A_234 : memref<100000xf32, #tpu.memory_space<hbm>>) dst(%dma_wait3A_229 : memref<128xf32, #tpu.memory_space<vmem>>)
    %dma_wait3A_235 = arith.constant 0 : i32
    %dma_wait3A_236 = arith.constant 0 : i32
    %dma_wait3A_237 = arith.constant 0 : i32
    %dma_wait3A_238 = tpu.memref_slice %arg12[%dma_wait3A_236, %dma_wait3A_237] : memref<26x128xf32, #tpu.memory_space<vmem>> -> memref<1x128xf32, #tpu.memory_space<vmem>>
    %dma_wait3A_239 = tpu.memref_squeeze %dma_wait3A_238 : memref<1x128xf32, #tpu.memory_space<vmem>> -> memref<128xf32, #tpu.memory_space<vmem>>
    %dma_wait3A_240 = arith.constant 0 : i32
    %dma_wait3A_241 = tpu.memref_slice %arg10[%dma_wait3A_235, %dma_wait3A_240] : memref<26x128xi32, #tpu.memory_space<vmem>> -> memref<1x128xi32, #tpu.memory_space<vmem>>
    %dma_wait3A_242 = tpu.memref_squeeze %dma_wait3A_241 : memref<1x128xi32, #tpu.memory_space<vmem>> -> memref<128xi32, #tpu.memory_space<vmem>>
    %dma_wait3A_243 = arith.constant 0 : i32
    %dma_wait3A_244 = tpu.memref_slice %arg4[%dma_wait3A_243] : memref<100000xf32, #tpu.memory_space<hbm>> -> memref<100000xf32, #tpu.memory_space<hbm>>
    tpu.wait_indirect_dma semaphore(%arg16 : memref<!tpu.dma_semaphore, #tpu.memory_space<semaphore_mem>>) src(%dma_wait3A_244 : memref<100000xf32, #tpu.memory_space<hbm>>) dst(%dma_wait3A_239 : memref<128xf32, #tpu.memory_space<vmem>>)
    %dma_wait3A_245 = arith.constant 0 : i32
    %dma_wait3A_246 = arith.constant 0 : i32
    %dma_wait3A_247 = arith.constant 0 : i32
    %dma_wait3A_248 = tpu.memref_slice %arg12[%dma_wait3A_246, %dma_wait3A_247] : memref<26x128xf32, #tpu.memory_space<vmem>> -> memref<1x128xf32, #tpu.memory_space<vmem>>
    %dma_wait3A_249 = tpu.memref_squeeze %dma_wait3A_248 : memref<1x128xf32, #tpu.memory_space<vmem>> -> memref<128xf32, #tpu.memory_space<vmem>>
    %dma_wait3A_250 = arith.constant 0 : i32
    %dma_wait3A_251 = tpu.memref_slice %arg10[%dma_wait3A_245, %dma_wait3A_250] : memref<26x128xi32, #tpu.memory_space<vmem>> -> memref<1x128xi32, #tpu.memory_space<vmem>>
    %dma_wait3A_252 = tpu.memref_squeeze %dma_wait3A_251 : memref<1x128xi32, #tpu.memory_space<vmem>> -> memref<128xi32, #tpu.memory_space<vmem>>
    %dma_wait3A_253 = arith.constant 0 : i32
    %dma_wait3A_254 = tpu.memref_slice %arg4[%dma_wait3A_253] : memref<100000xf32, #tpu.memory_space<hbm>> -> memref<100000xf32, #tpu.memory_space<hbm>>
    tpu.wait_indirect_dma semaphore(%arg16 : memref<!tpu.dma_semaphore, #tpu.memory_space<semaphore_mem>>) src(%dma_wait3A_254 : memref<100000xf32, #tpu.memory_space<hbm>>) dst(%dma_wait3A_249 : memref<128xf32, #tpu.memory_space<vmem>>)
    %dma_wait3A_255 = arith.constant 0 : i32
    %dma_wait3A_256 = arith.constant 0 : i32
    %dma_wait3A_257 = arith.constant 0 : i32
    %dma_wait3A_258 = tpu.memref_slice %arg12[%dma_wait3A_256, %dma_wait3A_257] : memref<26x128xf32, #tpu.memory_space<vmem>> -> memref<1x128xf32, #tpu.memory_space<vmem>>
    %dma_wait3A_259 = tpu.memref_squeeze %dma_wait3A_258 : memref<1x128xf32, #tpu.memory_space<vmem>> -> memref<128xf32, #tpu.memory_space<vmem>>
    %dma_wait3A_260 = arith.constant 0 : i32
    %dma_wait3A_261 = tpu.memref_slice %arg10[%dma_wait3A_255, %dma_wait3A_260] : memref<26x128xi32, #tpu.memory_space<vmem>> -> memref<1x128xi32, #tpu.memory_space<vmem>>
    %dma_wait3A_262 = tpu.memref_squeeze %dma_wait3A_261 : memref<1x128xi32, #tpu.memory_space<vmem>> -> memref<128xi32, #tpu.memory_space<vmem>>
    %dma_wait3A_263 = arith.constant 0 : i32
    %dma_wait3A_264 = tpu.memref_slice %arg4[%dma_wait3A_263] : memref<100000xf32, #tpu.memory_space<hbm>> -> memref<100000xf32, #tpu.memory_space<hbm>>
    tpu.wait_indirect_dma semaphore(%arg16 : memref<!tpu.dma_semaphore, #tpu.memory_space<semaphore_mem>>) src(%dma_wait3A_264 : memref<100000xf32, #tpu.memory_space<hbm>>) dst(%dma_wait3A_259 : memref<128xf32, #tpu.memory_space<vmem>>)
    %dma_wait3A_265 = arith.constant 0 : i32
    %dma_wait3A_266 = arith.constant 0 : i32
    %dma_wait3A_267 = arith.constant 0 : i32
    %dma_wait3A_268 = tpu.memref_slice %arg12[%dma_wait3A_266, %dma_wait3A_267] : memref<26x128xf32, #tpu.memory_space<vmem>> -> memref<1x128xf32, #tpu.memory_space<vmem>>
    %dma_wait3A_269 = tpu.memref_squeeze %dma_wait3A_268 : memref<1x128xf32, #tpu.memory_space<vmem>> -> memref<128xf32, #tpu.memory_space<vmem>>
    %dma_wait3A_270 = arith.constant 0 : i32
    %dma_wait3A_271 = tpu.memref_slice %arg10[%dma_wait3A_265, %dma_wait3A_270] : memref<26x128xi32, #tpu.memory_space<vmem>> -> memref<1x128xi32, #tpu.memory_space<vmem>>
    %dma_wait3A_272 = tpu.memref_squeeze %dma_wait3A_271 : memref<1x128xi32, #tpu.memory_space<vmem>> -> memref<128xi32, #tpu.memory_space<vmem>>
    %dma_wait3A_273 = arith.constant 0 : i32
    %dma_wait3A_274 = tpu.memref_slice %arg4[%dma_wait3A_273] : memref<100000xf32, #tpu.memory_space<hbm>> -> memref<100000xf32, #tpu.memory_space<hbm>>
    tpu.wait_indirect_dma semaphore(%arg16 : memref<!tpu.dma_semaphore, #tpu.memory_space<semaphore_mem>>) src(%dma_wait3A_274 : memref<100000xf32, #tpu.memory_space<hbm>>) dst(%dma_wait3A_269 : memref<128xf32, #tpu.memory_space<vmem>>)
    %dma_start3A_275 = arith.constant 13 : i32
    %dma_start3A_276 = arith.constant 13 : i32
    %dma_start3A_277 = arith.constant 0 : i32
    %dma_start3A_278 = tpu.memref_slice %arg12[%dma_start3A_276, %dma_start3A_277] : memref<26x128xf32, #tpu.memory_space<vmem>> -> memref<1x128xf32, #tpu.memory_space<vmem>>
    %dma_start3A_279 = tpu.memref_squeeze %dma_start3A_278 : memref<1x128xf32, #tpu.memory_space<vmem>> -> memref<128xf32, #tpu.memory_space<vmem>>
    %dma_start3A_280 = arith.constant 0 : i32
    %dma_start3A_281 = tpu.memref_slice %arg10[%dma_start3A_275, %dma_start3A_280] : memref<26x128xi32, #tpu.memory_space<vmem>> -> memref<1x128xi32, #tpu.memory_space<vmem>>
    %dma_start3A_282 = tpu.memref_squeeze %dma_start3A_281 : memref<1x128xi32, #tpu.memory_space<vmem>> -> memref<128xi32, #tpu.memory_space<vmem>>
    %dma_start3A_283 = arith.constant 0 : i32
    %dma_start3A_284 = tpu.memref_slice %arg4[%dma_start3A_283] : memref<100000xf32, #tpu.memory_space<hbm>> -> memref<100000xf32, #tpu.memory_space<hbm>>
    tpu.enqueue_indirect_dma source(%dma_start3A_284 : memref<100000xf32, #tpu.memory_space<hbm>>) target(%dma_start3A_279 : memref<128xf32, #tpu.memory_space<vmem>>) offsets(%dma_start3A_282 : memref<128xi32, #tpu.memory_space<vmem>>) semaphore(%arg16 : memref<!tpu.dma_semaphore, #tpu.memory_space<semaphore_mem>>)
    %dma_start3A_285 = arith.constant 14 : i32
    %dma_start3A_286 = arith.constant 14 : i32
    %dma_start3A_287 = arith.constant 0 : i32
    %dma_start3A_288 = tpu.memref_slice %arg12[%dma_start3A_286, %dma_start3A_287] : memref<26x128xf32, #tpu.memory_space<vmem>> -> memref<1x128xf32, #tpu.memory_space<vmem>>
    %dma_start3A_289 = tpu.memref_squeeze %dma_start3A_288 : memref<1x128xf32, #tpu.memory_space<vmem>> -> memref<128xf32, #tpu.memory_space<vmem>>
    %dma_start3A_290 = arith.constant 0 : i32
    %dma_start3A_291 = tpu.memref_slice %arg10[%dma_start3A_285, %dma_start3A_290] : memref<26x128xi32, #tpu.memory_space<vmem>> -> memref<1x128xi32, #tpu.memory_space<vmem>>
    %dma_start3A_292 = tpu.memref_squeeze %dma_start3A_291 : memref<1x128xi32, #tpu.memory_space<vmem>> -> memref<128xi32, #tpu.memory_space<vmem>>
    %dma_start3A_293 = arith.constant 0 : i32
    %dma_start3A_294 = tpu.memref_slice %arg4[%dma_start3A_293] : memref<100000xf32, #tpu.memory_space<hbm>> -> memref<100000xf32, #tpu.memory_space<hbm>>
    tpu.enqueue_indirect_dma source(%dma_start3A_294 : memref<100000xf32, #tpu.memory_space<hbm>>) target(%dma_start3A_289 : memref<128xf32, #tpu.memory_space<vmem>>) offsets(%dma_start3A_292 : memref<128xi32, #tpu.memory_space<vmem>>) semaphore(%arg16 : memref<!tpu.dma_semaphore, #tpu.memory_space<semaphore_mem>>)
    %dma_start3A_295 = arith.constant 15 : i32
    %dma_start3A_296 = arith.constant 15 : i32
    %dma_start3A_297 = arith.constant 0 : i32
    %dma_start3A_298 = tpu.memref_slice %arg12[%dma_start3A_296, %dma_start3A_297] : memref<26x128xf32, #tpu.memory_space<vmem>> -> memref<1x128xf32, #tpu.memory_space<vmem>>
    %dma_start3A_299 = tpu.memref_squeeze %dma_start3A_298 : memref<1x128xf32, #tpu.memory_space<vmem>> -> memref<128xf32, #tpu.memory_space<vmem>>
    %dma_start3A_300 = arith.constant 0 : i32
    %dma_start3A_301 = tpu.memref_slice %arg10[%dma_start3A_295, %dma_start3A_300] : memref<26x128xi32, #tpu.memory_space<vmem>> -> memref<1x128xi32, #tpu.memory_space<vmem>>
    %dma_start3A_302 = tpu.memref_squeeze %dma_start3A_301 : memref<1x128xi32, #tpu.memory_space<vmem>> -> memref<128xi32, #tpu.memory_space<vmem>>
    %dma_start3A_303 = arith.constant 0 : i32
    %dma_start3A_304 = tpu.memref_slice %arg4[%dma_start3A_303] : memref<100000xf32, #tpu.memory_space<hbm>> -> memref<100000xf32, #tpu.memory_space<hbm>>
    tpu.enqueue_indirect_dma source(%dma_start3A_304 : memref<100000xf32, #tpu.memory_space<hbm>>) target(%dma_start3A_299 : memref<128xf32, #tpu.memory_space<vmem>>) offsets(%dma_start3A_302 : memref<128xi32, #tpu.memory_space<vmem>>) semaphore(%arg16 : memref<!tpu.dma_semaphore, #tpu.memory_space<semaphore_mem>>)
    %dma_start3A_305 = arith.constant 16 : i32
    %dma_start3A_306 = arith.constant 16 : i32
    %dma_start3A_307 = arith.constant 0 : i32
    %dma_start3A_308 = tpu.memref_slice %arg12[%dma_start3A_306, %dma_start3A_307] : memref<26x128xf32, #tpu.memory_space<vmem>> -> memref<1x128xf32, #tpu.memory_space<vmem>>
    %dma_start3A_309 = tpu.memref_squeeze %dma_start3A_308 : memref<1x128xf32, #tpu.memory_space<vmem>> -> memref<128xf32, #tpu.memory_space<vmem>>
    %dma_start3A_310 = arith.constant 0 : i32
    %dma_start3A_311 = tpu.memref_slice %arg10[%dma_start3A_305, %dma_start3A_310] : memref<26x128xi32, #tpu.memory_space<vmem>> -> memref<1x128xi32, #tpu.memory_space<vmem>>
    %dma_start3A_312 = tpu.memref_squeeze %dma_start3A_311 : memref<1x128xi32, #tpu.memory_space<vmem>> -> memref<128xi32, #tpu.memory_space<vmem>>
    %dma_start3A_313 = arith.constant 0 : i32
    %dma_start3A_314 = tpu.memref_slice %arg4[%dma_start3A_313] : memref<100000xf32, #tpu.memory_space<hbm>> -> memref<100000xf32, #tpu.memory_space<hbm>>
    tpu.enqueue_indirect_dma source(%dma_start3A_314 : memref<100000xf32, #tpu.memory_space<hbm>>) target(%dma_start3A_309 : memref<128xf32, #tpu.memory_space<vmem>>) offsets(%dma_start3A_312 : memref<128xi32, #tpu.memory_space<vmem>>) semaphore(%arg16 : memref<!tpu.dma_semaphore, #tpu.memory_space<semaphore_mem>>)
    %dma_start3A_315 = arith.constant 17 : i32
    %dma_start3A_316 = arith.constant 17 : i32
    %dma_start3A_317 = arith.constant 0 : i32
    %dma_start3A_318 = tpu.memref_slice %arg12[%dma_start3A_316, %dma_start3A_317] : memref<26x128xf32, #tpu.memory_space<vmem>> -> memref<1x128xf32, #tpu.memory_space<vmem>>
    %dma_start3A_319 = tpu.memref_squeeze %dma_start3A_318 : memref<1x128xf32, #tpu.memory_space<vmem>> -> memref<128xf32, #tpu.memory_space<vmem>>
    %dma_start3A_320 = arith.constant 0 : i32
    %dma_start3A_321 = tpu.memref_slice %arg10[%dma_start3A_315, %dma_start3A_320] : memref<26x128xi32, #tpu.memory_space<vmem>> -> memref<1x128xi32, #tpu.memory_space<vmem>>
    %dma_start3A_322 = tpu.memref_squeeze %dma_start3A_321 : memref<1x128xi32, #tpu.memory_space<vmem>> -> memref<128xi32, #tpu.memory_space<vmem>>
    %dma_start3A_323 = arith.constant 0 : i32
    %dma_start3A_324 = tpu.memref_slice %arg4[%dma_start3A_323] : memref<100000xf32, #tpu.memory_space<hbm>> -> memref<100000xf32, #tpu.memory_space<hbm>>
    tpu.enqueue_indirect_dma source(%dma_start3A_324 : memref<100000xf32, #tpu.memory_space<hbm>>) target(%dma_start3A_319 : memref<128xf32, #tpu.memory_space<vmem>>) offsets(%dma_start3A_322 : memref<128xi32, #tpu.memory_space<vmem>>) semaphore(%arg16 : memref<!tpu.dma_semaphore, #tpu.memory_space<semaphore_mem>>)
    %dma_start3A_325 = arith.constant 18 : i32
    %dma_start3A_326 = arith.constant 18 : i32
    %dma_start3A_327 = arith.constant 0 : i32
    %dma_start3A_328 = tpu.memref_slice %arg12[%dma_start3A_326, %dma_start3A_327] : memref<26x128xf32, #tpu.memory_space<vmem>> -> memref<1x128xf32, #tpu.memory_space<vmem>>
    %dma_start3A_329 = tpu.memref_squeeze %dma_start3A_328 : memref<1x128xf32, #tpu.memory_space<vmem>> -> memref<128xf32, #tpu.memory_space<vmem>>
    %dma_start3A_330 = arith.constant 0 : i32
    %dma_start3A_331 = tpu.memref_slice %arg10[%dma_start3A_325, %dma_start3A_330] : memref<26x128xi32, #tpu.memory_space<vmem>> -> memref<1x128xi32, #tpu.memory_space<vmem>>
    %dma_start3A_332 = tpu.memref_squeeze %dma_start3A_331 : memref<1x128xi32, #tpu.memory_space<vmem>> -> memref<128xi32, #tpu.memory_space<vmem>>
    %dma_start3A_333 = arith.constant 0 : i32
    %dma_start3A_334 = tpu.memref_slice %arg4[%dma_start3A_333] : memref<100000xf32, #tpu.memory_space<hbm>> -> memref<100000xf32, #tpu.memory_space<hbm>>
    tpu.enqueue_indirect_dma source(%dma_start3A_334 : memref<100000xf32, #tpu.memory_space<hbm>>) target(%dma_start3A_329 : memref<128xf32, #tpu.memory_space<vmem>>) offsets(%dma_start3A_332 : memref<128xi32, #tpu.memory_space<vmem>>) semaphore(%arg16 : memref<!tpu.dma_semaphore, #tpu.memory_space<semaphore_mem>>)
    %dma_start3A_335 = arith.constant 19 : i32
    %dma_start3A_336 = arith.constant 19 : i32
    %dma_start3A_337 = arith.constant 0 : i32
    %dma_start3A_338 = tpu.memref_slice %arg12[%dma_start3A_336, %dma_start3A_337] : memref<26x128xf32, #tpu.memory_space<vmem>> -> memref<1x128xf32, #tpu.memory_space<vmem>>
    %dma_start3A_339 = tpu.memref_squeeze %dma_start3A_338 : memref<1x128xf32, #tpu.memory_space<vmem>> -> memref<128xf32, #tpu.memory_space<vmem>>
    %dma_start3A_340 = arith.constant 0 : i32
    %dma_start3A_341 = tpu.memref_slice %arg10[%dma_start3A_335, %dma_start3A_340] : memref<26x128xi32, #tpu.memory_space<vmem>> -> memref<1x128xi32, #tpu.memory_space<vmem>>
    %dma_start3A_342 = tpu.memref_squeeze %dma_start3A_341 : memref<1x128xi32, #tpu.memory_space<vmem>> -> memref<128xi32, #tpu.memory_space<vmem>>
    %dma_start3A_343 = arith.constant 0 : i32
    %dma_start3A_344 = tpu.memref_slice %arg4[%dma_start3A_343] : memref<100000xf32, #tpu.memory_space<hbm>> -> memref<100000xf32, #tpu.memory_space<hbm>>
    tpu.enqueue_indirect_dma source(%dma_start3A_344 : memref<100000xf32, #tpu.memory_space<hbm>>) target(%dma_start3A_339 : memref<128xf32, #tpu.memory_space<vmem>>) offsets(%dma_start3A_342 : memref<128xi32, #tpu.memory_space<vmem>>) semaphore(%arg16 : memref<!tpu.dma_semaphore, #tpu.memory_space<semaphore_mem>>)
    %dma_start3A_345 = arith.constant 20 : i32
    %dma_start3A_346 = arith.constant 20 : i32
    %dma_start3A_347 = arith.constant 0 : i32
    %dma_start3A_348 = tpu.memref_slice %arg12[%dma_start3A_346, %dma_start3A_347] : memref<26x128xf32, #tpu.memory_space<vmem>> -> memref<1x128xf32, #tpu.memory_space<vmem>>
    %dma_start3A_349 = tpu.memref_squeeze %dma_start3A_348 : memref<1x128xf32, #tpu.memory_space<vmem>> -> memref<128xf32, #tpu.memory_space<vmem>>
    %dma_start3A_350 = arith.constant 0 : i32
    %dma_start3A_351 = tpu.memref_slice %arg10[%dma_start3A_345, %dma_start3A_350] : memref<26x128xi32, #tpu.memory_space<vmem>> -> memref<1x128xi32, #tpu.memory_space<vmem>>
    %dma_start3A_352 = tpu.memref_squeeze %dma_start3A_351 : memref<1x128xi32, #tpu.memory_space<vmem>> -> memref<128xi32, #tpu.memory_space<vmem>>
    %dma_start3A_353 = arith.constant 0 : i32
    %dma_start3A_354 = tpu.memref_slice %arg4[%dma_start3A_353] : memref<100000xf32, #tpu.memory_space<hbm>> -> memref<100000xf32, #tpu.memory_space<hbm>>
    tpu.enqueue_indirect_dma source(%dma_start3A_354 : memref<100000xf32, #tpu.memory_space<hbm>>) target(%dma_start3A_349 : memref<128xf32, #tpu.memory_space<vmem>>) offsets(%dma_start3A_352 : memref<128xi32, #tpu.memory_space<vmem>>) semaphore(%arg16 : memref<!tpu.dma_semaphore, #tpu.memory_space<semaphore_mem>>)
    %dma_start3A_355 = arith.constant 21 : i32
    %dma_start3A_356 = arith.constant 21 : i32
    %dma_start3A_357 = arith.constant 0 : i32
    %dma_start3A_358 = tpu.memref_slice %arg12[%dma_start3A_356, %dma_start3A_357] : memref<26x128xf32, #tpu.memory_space<vmem>> -> memref<1x128xf32, #tpu.memory_space<vmem>>
    %dma_start3A_359 = tpu.memref_squeeze %dma_start3A_358 : memref<1x128xf32, #tpu.memory_space<vmem>> -> memref<128xf32, #tpu.memory_space<vmem>>
    %dma_start3A_360 = arith.constant 0 : i32
    %dma_start3A_361 = tpu.memref_slice %arg10[%dma_start3A_355, %dma_start3A_360] : memref<26x128xi32, #tpu.memory_space<vmem>> -> memref<1x128xi32, #tpu.memory_space<vmem>>
    %dma_start3A_362 = tpu.memref_squeeze %dma_start3A_361 : memref<1x128xi32, #tpu.memory_space<vmem>> -> memref<128xi32, #tpu.memory_space<vmem>>
    %dma_start3A_363 = arith.constant 0 : i32
    %dma_start3A_364 = tpu.memref_slice %arg4[%dma_start3A_363] : memref<100000xf32, #tpu.memory_space<hbm>> -> memref<100000xf32, #tpu.memory_space<hbm>>
    tpu.enqueue_indirect_dma source(%dma_start3A_364 : memref<100000xf32, #tpu.memory_space<hbm>>) target(%dma_start3A_359 : memref<128xf32, #tpu.memory_space<vmem>>) offsets(%dma_start3A_362 : memref<128xi32, #tpu.memory_space<vmem>>) semaphore(%arg16 : memref<!tpu.dma_semaphore, #tpu.memory_space<semaphore_mem>>)
    %dma_start3A_365 = arith.constant 22 : i32
    %dma_start3A_366 = arith.constant 22 : i32
    %dma_start3A_367 = arith.constant 0 : i32
    %dma_start3A_368 = tpu.memref_slice %arg12[%dma_start3A_366, %dma_start3A_367] : memref<26x128xf32, #tpu.memory_space<vmem>> -> memref<1x128xf32, #tpu.memory_space<vmem>>
    %dma_start3A_369 = tpu.memref_squeeze %dma_start3A_368 : memref<1x128xf32, #tpu.memory_space<vmem>> -> memref<128xf32, #tpu.memory_space<vmem>>
    %dma_start3A_370 = arith.constant 0 : i32
    %dma_start3A_371 = tpu.memref_slice %arg10[%dma_start3A_365, %dma_start3A_370] : memref<26x128xi32, #tpu.memory_space<vmem>> -> memref<1x128xi32, #tpu.memory_space<vmem>>
    %dma_start3A_372 = tpu.memref_squeeze %dma_start3A_371 : memref<1x128xi32, #tpu.memory_space<vmem>> -> memref<128xi32, #tpu.memory_space<vmem>>
    %dma_start3A_373 = arith.constant 0 : i32
    %dma_start3A_374 = tpu.memref_slice %arg4[%dma_start3A_373] : memref<100000xf32, #tpu.memory_space<hbm>> -> memref<100000xf32, #tpu.memory_space<hbm>>
    tpu.enqueue_indirect_dma source(%dma_start3A_374 : memref<100000xf32, #tpu.memory_space<hbm>>) target(%dma_start3A_369 : memref<128xf32, #tpu.memory_space<vmem>>) offsets(%dma_start3A_372 : memref<128xi32, #tpu.memory_space<vmem>>) semaphore(%arg16 : memref<!tpu.dma_semaphore, #tpu.memory_space<semaphore_mem>>)
    %dma_start3A_375 = arith.constant 23 : i32
    %dma_start3A_376 = arith.constant 23 : i32
    %dma_start3A_377 = arith.constant 0 : i32
    %dma_start3A_378 = tpu.memref_slice %arg12[%dma_start3A_376, %dma_start3A_377] : memref<26x128xf32, #tpu.memory_space<vmem>> -> memref<1x128xf32, #tpu.memory_space<vmem>>
    %dma_start3A_379 = tpu.memref_squeeze %dma_start3A_378 : memref<1x128xf32, #tpu.memory_space<vmem>> -> memref<128xf32, #tpu.memory_space<vmem>>
    %dma_start3A_380 = arith.constant 0 : i32
    %dma_start3A_381 = tpu.memref_slice %arg10[%dma_start3A_375, %dma_start3A_380] : memref<26x128xi32, #tpu.memory_space<vmem>> -> memref<1x128xi32, #tpu.memory_space<vmem>>
    %dma_start3A_382 = tpu.memref_squeeze %dma_start3A_381 : memref<1x128xi32, #tpu.memory_space<vmem>> -> memref<128xi32, #tpu.memory_space<vmem>>
    %dma_start3A_383 = arith.constant 0 : i32
    %dma_start3A_384 = tpu.memref_slice %arg4[%dma_start3A_383] : memref<100000xf32, #tpu.memory_space<hbm>> -> memref<100000xf32, #tpu.memory_space<hbm>>
    tpu.enqueue_indirect_dma source(%dma_start3A_384 : memref<100000xf32, #tpu.memory_space<hbm>>) target(%dma_start3A_379 : memref<128xf32, #tpu.memory_space<vmem>>) offsets(%dma_start3A_382 : memref<128xi32, #tpu.memory_space<vmem>>) semaphore(%arg16 : memref<!tpu.dma_semaphore, #tpu.memory_space<semaphore_mem>>)
    %dma_start3A_385 = arith.constant 24 : i32
    %dma_start3A_386 = arith.constant 24 : i32
    %dma_start3A_387 = arith.constant 0 : i32
    %dma_start3A_388 = tpu.memref_slice %arg12[%dma_start3A_386, %dma_start3A_387] : memref<26x128xf32, #tpu.memory_space<vmem>> -> memref<1x128xf32, #tpu.memory_space<vmem>>
    %dma_start3A_389 = tpu.memref_squeeze %dma_start3A_388 : memref<1x128xf32, #tpu.memory_space<vmem>> -> memref<128xf32, #tpu.memory_space<vmem>>
    %dma_start3A_390 = arith.constant 0 : i32
    %dma_start3A_391 = tpu.memref_slice %arg10[%dma_start3A_385, %dma_start3A_390] : memref<26x128xi32, #tpu.memory_space<vmem>> -> memref<1x128xi32, #tpu.memory_space<vmem>>
    %dma_start3A_392 = tpu.memref_squeeze %dma_start3A_391 : memref<1x128xi32, #tpu.memory_space<vmem>> -> memref<128xi32, #tpu.memory_space<vmem>>
    %dma_start3A_393 = arith.constant 0 : i32
    %dma_start3A_394 = tpu.memref_slice %arg4[%dma_start3A_393] : memref<100000xf32, #tpu.memory_space<hbm>> -> memref<100000xf32, #tpu.memory_space<hbm>>
    tpu.enqueue_indirect_dma source(%dma_start3A_394 : memref<100000xf32, #tpu.memory_space<hbm>>) target(%dma_start3A_389 : memref<128xf32, #tpu.memory_space<vmem>>) offsets(%dma_start3A_392 : memref<128xi32, #tpu.memory_space<vmem>>) semaphore(%arg16 : memref<!tpu.dma_semaphore, #tpu.memory_space<semaphore_mem>>)
    %dma_start3A_395 = arith.constant 25 : i32
    %dma_start3A_396 = arith.constant 25 : i32
    %dma_start3A_397 = arith.constant 0 : i32
    %dma_start3A_398 = tpu.memref_slice %arg12[%dma_start3A_396, %dma_start3A_397] : memref<26x128xf32, #tpu.memory_space<vmem>> -> memref<1x128xf32, #tpu.memory_space<vmem>>
    %dma_start3A_399 = tpu.memref_squeeze %dma_start3A_398 : memref<1x128xf32, #tpu.memory_space<vmem>> -> memref<128xf32, #tpu.memory_space<vmem>>
    %dma_start3A_400 = arith.constant 0 : i32
    %dma_start3A_401 = tpu.memref_slice %arg10[%dma_start3A_395, %dma_start3A_400] : memref<26x128xi32, #tpu.memory_space<vmem>> -> memref<1x128xi32, #tpu.memory_space<vmem>>
    %dma_start3A_402 = tpu.memref_squeeze %dma_start3A_401 : memref<1x128xi32, #tpu.memory_space<vmem>> -> memref<128xi32, #tpu.memory_space<vmem>>
    %dma_start3A_403 = arith.constant 0 : i32
    %dma_start3A_404 = tpu.memref_slice %arg4[%dma_start3A_403] : memref<100000xf32, #tpu.memory_space<hbm>> -> memref<100000xf32, #tpu.memory_space<hbm>>
    tpu.enqueue_indirect_dma source(%dma_start3A_404 : memref<100000xf32, #tpu.memory_space<hbm>>) target(%dma_start3A_399 : memref<128xf32, #tpu.memory_space<vmem>>) offsets(%dma_start3A_402 : memref<128xi32, #tpu.memory_space<vmem>>) semaphore(%arg16 : memref<!tpu.dma_semaphore, #tpu.memory_space<semaphore_mem>>)
    %dma_wait3A_405 = arith.constant 0 : i32
    %dma_wait3A_406 = arith.constant 0 : i32
    %dma_wait3A_407 = arith.constant 0 : i32
    %dma_wait3A_408 = tpu.memref_slice %arg12[%dma_wait3A_406, %dma_wait3A_407] : memref<26x128xf32, #tpu.memory_space<vmem>> -> memref<1x128xf32, #tpu.memory_space<vmem>>
    %dma_wait3A_409 = tpu.memref_squeeze %dma_wait3A_408 : memref<1x128xf32, #tpu.memory_space<vmem>> -> memref<128xf32, #tpu.memory_space<vmem>>
    %dma_wait3A_410 = arith.constant 0 : i32
    %dma_wait3A_411 = tpu.memref_slice %arg10[%dma_wait3A_405, %dma_wait3A_410] : memref<26x128xi32, #tpu.memory_space<vmem>> -> memref<1x128xi32, #tpu.memory_space<vmem>>
    %dma_wait3A_412 = tpu.memref_squeeze %dma_wait3A_411 : memref<1x128xi32, #tpu.memory_space<vmem>> -> memref<128xi32, #tpu.memory_space<vmem>>
    %dma_wait3A_413 = arith.constant 0 : i32
    %dma_wait3A_414 = tpu.memref_slice %arg4[%dma_wait3A_413] : memref<100000xf32, #tpu.memory_space<hbm>> -> memref<100000xf32, #tpu.memory_space<hbm>>
    tpu.wait_indirect_dma semaphore(%arg16 : memref<!tpu.dma_semaphore, #tpu.memory_space<semaphore_mem>>) src(%dma_wait3A_414 : memref<100000xf32, #tpu.memory_space<hbm>>) dst(%dma_wait3A_409 : memref<128xf32, #tpu.memory_space<vmem>>)
    %dma_wait3A_415 = arith.constant 0 : i32
    %dma_wait3A_416 = arith.constant 0 : i32
    %dma_wait3A_417 = arith.constant 0 : i32
    %dma_wait3A_418 = tpu.memref_slice %arg12[%dma_wait3A_416, %dma_wait3A_417] : memref<26x128xf32, #tpu.memory_space<vmem>> -> memref<1x128xf32, #tpu.memory_space<vmem>>
    %dma_wait3A_419 = tpu.memref_squeeze %dma_wait3A_418 : memref<1x128xf32, #tpu.memory_space<vmem>> -> memref<128xf32, #tpu.memory_space<vmem>>
    %dma_wait3A_420 = arith.constant 0 : i32
    %dma_wait3A_421 = tpu.memref_slice %arg10[%dma_wait3A_415, %dma_wait3A_420] : memref<26x128xi32, #tpu.memory_space<vmem>> -> memref<1x128xi32, #tpu.memory_space<vmem>>
    %dma_wait3A_422 = tpu.memref_squeeze %dma_wait3A_421 : memref<1x128xi32, #tpu.memory_space<vmem>> -> memref<128xi32, #tpu.memory_space<vmem>>
    %dma_wait3A_423 = arith.constant 0 : i32
    %dma_wait3A_424 = tpu.memref_slice %arg4[%dma_wait3A_423] : memref<100000xf32, #tpu.memory_space<hbm>> -> memref<100000xf32, #tpu.memory_space<hbm>>
    tpu.wait_indirect_dma semaphore(%arg16 : memref<!tpu.dma_semaphore, #tpu.memory_space<semaphore_mem>>) src(%dma_wait3A_424 : memref<100000xf32, #tpu.memory_space<hbm>>) dst(%dma_wait3A_419 : memref<128xf32, #tpu.memory_space<vmem>>)
    %dma_wait3A_425 = arith.constant 0 : i32
    %dma_wait3A_426 = arith.constant 0 : i32
    %dma_wait3A_427 = arith.constant 0 : i32
    %dma_wait3A_428 = tpu.memref_slice %arg12[%dma_wait3A_426, %dma_wait3A_427] : memref<26x128xf32, #tpu.memory_space<vmem>> -> memref<1x128xf32, #tpu.memory_space<vmem>>
    %dma_wait3A_429 = tpu.memref_squeeze %dma_wait3A_428 : memref<1x128xf32, #tpu.memory_space<vmem>> -> memref<128xf32, #tpu.memory_space<vmem>>
    %dma_wait3A_430 = arith.constant 0 : i32
    %dma_wait3A_431 = tpu.memref_slice %arg10[%dma_wait3A_425, %dma_wait3A_430] : memref<26x128xi32, #tpu.memory_space<vmem>> -> memref<1x128xi32, #tpu.memory_space<vmem>>
    %dma_wait3A_432 = tpu.memref_squeeze %dma_wait3A_431 : memref<1x128xi32, #tpu.memory_space<vmem>> -> memref<128xi32, #tpu.memory_space<vmem>>
    %dma_wait3A_433 = arith.constant 0 : i32
    %dma_wait3A_434 = tpu.memref_slice %arg4[%dma_wait3A_433] : memref<100000xf32, #tpu.memory_space<hbm>> -> memref<100000xf32, #tpu.memory_space<hbm>>
    tpu.wait_indirect_dma semaphore(%arg16 : memref<!tpu.dma_semaphore, #tpu.memory_space<semaphore_mem>>) src(%dma_wait3A_434 : memref<100000xf32, #tpu.memory_space<hbm>>) dst(%dma_wait3A_429 : memref<128xf32, #tpu.memory_space<vmem>>)
    %dma_wait3A_435 = arith.constant 0 : i32
    %dma_wait3A_436 = arith.constant 0 : i32
    %dma_wait3A_437 = arith.constant 0 : i32
    %dma_wait3A_438 = tpu.memref_slice %arg12[%dma_wait3A_436, %dma_wait3A_437] : memref<26x128xf32, #tpu.memory_space<vmem>> -> memref<1x128xf32, #tpu.memory_space<vmem>>
    %dma_wait3A_439 = tpu.memref_squeeze %dma_wait3A_438 : memref<1x128xf32, #tpu.memory_space<vmem>> -> memref<128xf32, #tpu.memory_space<vmem>>
    %dma_wait3A_440 = arith.constant 0 : i32
    %dma_wait3A_441 = tpu.memref_slice %arg10[%dma_wait3A_435, %dma_wait3A_440] : memref<26x128xi32, #tpu.memory_space<vmem>> -> memref<1x128xi32, #tpu.memory_space<vmem>>
    %dma_wait3A_442 = tpu.memref_squeeze %dma_wait3A_441 : memref<1x128xi32, #tpu.memory_space<vmem>> -> memref<128xi32, #tpu.memory_space<vmem>>
    %dma_wait3A_443 = arith.constant 0 : i32
    %dma_wait3A_444 = tpu.memref_slice %arg4[%dma_wait3A_443] : memref<100000xf32, #tpu.memory_space<hbm>> -> memref<100000xf32, #tpu.memory_space<hbm>>
    tpu.wait_indirect_dma semaphore(%arg16 : memref<!tpu.dma_semaphore, #tpu.memory_space<semaphore_mem>>) src(%dma_wait3A_444 : memref<100000xf32, #tpu.memory_space<hbm>>) dst(%dma_wait3A_439 : memref<128xf32, #tpu.memory_space<vmem>>)
    %dma_wait3A_445 = arith.constant 0 : i32
    %dma_wait3A_446 = arith.constant 0 : i32
    %dma_wait3A_447 = arith.constant 0 : i32
    %dma_wait3A_448 = tpu.memref_slice %arg12[%dma_wait3A_446, %dma_wait3A_447] : memref<26x128xf32, #tpu.memory_space<vmem>> -> memref<1x128xf32, #tpu.memory_space<vmem>>
    %dma_wait3A_449 = tpu.memref_squeeze %dma_wait3A_448 : memref<1x128xf32, #tpu.memory_space<vmem>> -> memref<128xf32, #tpu.memory_space<vmem>>
    %dma_wait3A_450 = arith.constant 0 : i32
    %dma_wait3A_451 = tpu.memref_slice %arg10[%dma_wait3A_445, %dma_wait3A_450] : memref<26x128xi32, #tpu.memory_space<vmem>> -> memref<1x128xi32, #tpu.memory_space<vmem>>
    %dma_wait3A_452 = tpu.memref_squeeze %dma_wait3A_451 : memref<1x128xi32, #tpu.memory_space<vmem>> -> memref<128xi32, #tpu.memory_space<vmem>>
    %dma_wait3A_453 = arith.constant 0 : i32
    %dma_wait3A_454 = tpu.memref_slice %arg4[%dma_wait3A_453] : memref<100000xf32, #tpu.memory_space<hbm>> -> memref<100000xf32, #tpu.memory_space<hbm>>
    tpu.wait_indirect_dma semaphore(%arg16 : memref<!tpu.dma_semaphore, #tpu.memory_space<semaphore_mem>>) src(%dma_wait3A_454 : memref<100000xf32, #tpu.memory_space<hbm>>) dst(%dma_wait3A_449 : memref<128xf32, #tpu.memory_space<vmem>>)
    %dma_wait3A_455 = arith.constant 0 : i32
    %dma_wait3A_456 = arith.constant 0 : i32
    %dma_wait3A_457 = arith.constant 0 : i32
    %dma_wait3A_458 = tpu.memref_slice %arg12[%dma_wait3A_456, %dma_wait3A_457] : memref<26x128xf32, #tpu.memory_space<vmem>> -> memref<1x128xf32, #tpu.memory_space<vmem>>
    %dma_wait3A_459 = tpu.memref_squeeze %dma_wait3A_458 : memref<1x128xf32, #tpu.memory_space<vmem>> -> memref<128xf32, #tpu.memory_space<vmem>>
    %dma_wait3A_460 = arith.constant 0 : i32
    %dma_wait3A_461 = tpu.memref_slice %arg10[%dma_wait3A_455, %dma_wait3A_460] : memref<26x128xi32, #tpu.memory_space<vmem>> -> memref<1x128xi32, #tpu.memory_space<vmem>>
    %dma_wait3A_462 = tpu.memref_squeeze %dma_wait3A_461 : memref<1x128xi32, #tpu.memory_space<vmem>> -> memref<128xi32, #tpu.memory_space<vmem>>
    %dma_wait3A_463 = arith.constant 0 : i32
    %dma_wait3A_464 = tpu.memref_slice %arg4[%dma_wait3A_463] : memref<100000xf32, #tpu.memory_space<hbm>> -> memref<100000xf32, #tpu.memory_space<hbm>>
    tpu.wait_indirect_dma semaphore(%arg16 : memref<!tpu.dma_semaphore, #tpu.memory_space<semaphore_mem>>) src(%dma_wait3A_464 : memref<100000xf32, #tpu.memory_space<hbm>>) dst(%dma_wait3A_459 : memref<128xf32, #tpu.memory_space<vmem>>)
    %dma_wait3A_465 = arith.constant 0 : i32
    %dma_wait3A_466 = arith.constant 0 : i32
    %dma_wait3A_467 = arith.constant 0 : i32
    %dma_wait3A_468 = tpu.memref_slice %arg12[%dma_wait3A_466, %dma_wait3A_467] : memref<26x128xf32, #tpu.memory_space<vmem>> -> memref<1x128xf32, #tpu.memory_space<vmem>>
    %dma_wait3A_469 = tpu.memref_squeeze %dma_wait3A_468 : memref<1x128xf32, #tpu.memory_space<vmem>> -> memref<128xf32, #tpu.memory_space<vmem>>
    %dma_wait3A_470 = arith.constant 0 : i32
    %dma_wait3A_471 = tpu.memref_slice %arg10[%dma_wait3A_465, %dma_wait3A_470] : memref<26x128xi32, #tpu.memory_space<vmem>> -> memref<1x128xi32, #tpu.memory_space<vmem>>
    %dma_wait3A_472 = tpu.memref_squeeze %dma_wait3A_471 : memref<1x128xi32, #tpu.memory_space<vmem>> -> memref<128xi32, #tpu.memory_space<vmem>>
    %dma_wait3A_473 = arith.constant 0 : i32
    %dma_wait3A_474 = tpu.memref_slice %arg4[%dma_wait3A_473] : memref<100000xf32, #tpu.memory_space<hbm>> -> memref<100000xf32, #tpu.memory_space<hbm>>
    tpu.wait_indirect_dma semaphore(%arg16 : memref<!tpu.dma_semaphore, #tpu.memory_space<semaphore_mem>>) src(%dma_wait3A_474 : memref<100000xf32, #tpu.memory_space<hbm>>) dst(%dma_wait3A_469 : memref<128xf32, #tpu.memory_space<vmem>>)
    %dma_wait3A_475 = arith.constant 0 : i32
    %dma_wait3A_476 = arith.constant 0 : i32
    %dma_wait3A_477 = arith.constant 0 : i32
    %dma_wait3A_478 = tpu.memref_slice %arg12[%dma_wait3A_476, %dma_wait3A_477] : memref<26x128xf32, #tpu.memory_space<vmem>> -> memref<1x128xf32, #tpu.memory_space<vmem>>
    %dma_wait3A_479 = tpu.memref_squeeze %dma_wait3A_478 : memref<1x128xf32, #tpu.memory_space<vmem>> -> memref<128xf32, #tpu.memory_space<vmem>>
    %dma_wait3A_480 = arith.constant 0 : i32
    %dma_wait3A_481 = tpu.memref_slice %arg10[%dma_wait3A_475, %dma_wait3A_480] : memref<26x128xi32, #tpu.memory_space<vmem>> -> memref<1x128xi32, #tpu.memory_space<vmem>>
    %dma_wait3A_482 = tpu.memref_squeeze %dma_wait3A_481 : memref<1x128xi32, #tpu.memory_space<vmem>> -> memref<128xi32, #tpu.memory_space<vmem>>
    %dma_wait3A_483 = arith.constant 0 : i32
    %dma_wait3A_484 = tpu.memref_slice %arg4[%dma_wait3A_483] : memref<100000xf32, #tpu.memory_space<hbm>> -> memref<100000xf32, #tpu.memory_space<hbm>>
    tpu.wait_indirect_dma semaphore(%arg16 : memref<!tpu.dma_semaphore, #tpu.memory_space<semaphore_mem>>) src(%dma_wait3A_484 : memref<100000xf32, #tpu.memory_space<hbm>>) dst(%dma_wait3A_479 : memref<128xf32, #tpu.memory_space<vmem>>)
    %dma_wait3A_485 = arith.constant 0 : i32
    %dma_wait3A_486 = arith.constant 0 : i32
    %dma_wait3A_487 = arith.constant 0 : i32
    %dma_wait3A_488 = tpu.memref_slice %arg12[%dma_wait3A_486, %dma_wait3A_487] : memref<26x128xf32, #tpu.memory_space<vmem>> -> memref<1x128xf32, #tpu.memory_space<vmem>>
    %dma_wait3A_489 = tpu.memref_squeeze %dma_wait3A_488 : memref<1x128xf32, #tpu.memory_space<vmem>> -> memref<128xf32, #tpu.memory_space<vmem>>
    %dma_wait3A_490 = arith.constant 0 : i32
    %dma_wait3A_491 = tpu.memref_slice %arg10[%dma_wait3A_485, %dma_wait3A_490] : memref<26x128xi32, #tpu.memory_space<vmem>> -> memref<1x128xi32, #tpu.memory_space<vmem>>
    %dma_wait3A_492 = tpu.memref_squeeze %dma_wait3A_491 : memref<1x128xi32, #tpu.memory_space<vmem>> -> memref<128xi32, #tpu.memory_space<vmem>>
    %dma_wait3A_493 = arith.constant 0 : i32
    %dma_wait3A_494 = tpu.memref_slice %arg4[%dma_wait3A_493] : memref<100000xf32, #tpu.memory_space<hbm>> -> memref<100000xf32, #tpu.memory_space<hbm>>
    tpu.wait_indirect_dma semaphore(%arg16 : memref<!tpu.dma_semaphore, #tpu.memory_space<semaphore_mem>>) src(%dma_wait3A_494 : memref<100000xf32, #tpu.memory_space<hbm>>) dst(%dma_wait3A_489 : memref<128xf32, #tpu.memory_space<vmem>>)
    %dma_wait3A_495 = arith.constant 0 : i32
    %dma_wait3A_496 = arith.constant 0 : i32
    %dma_wait3A_497 = arith.constant 0 : i32
    %dma_wait3A_498 = tpu.memref_slice %arg12[%dma_wait3A_496, %dma_wait3A_497] : memref<26x128xf32, #tpu.memory_space<vmem>> -> memref<1x128xf32, #tpu.memory_space<vmem>>
    %dma_wait3A_499 = tpu.memref_squeeze %dma_wait3A_498 : memref<1x128xf32, #tpu.memory_space<vmem>> -> memref<128xf32, #tpu.memory_space<vmem>>
    %dma_wait3A_500 = arith.constant 0 : i32
    %dma_wait3A_501 = tpu.memref_slice %arg10[%dma_wait3A_495, %dma_wait3A_500] : memref<26x128xi32, #tpu.memory_space<vmem>> -> memref<1x128xi32, #tpu.memory_space<vmem>>
    %dma_wait3A_502 = tpu.memref_squeeze %dma_wait3A_501 : memref<1x128xi32, #tpu.memory_space<vmem>> -> memref<128xi32, #tpu.memory_space<vmem>>
    %dma_wait3A_503 = arith.constant 0 : i32
    %dma_wait3A_504 = tpu.memref_slice %arg4[%dma_wait3A_503] : memref<100000xf32, #tpu.memory_space<hbm>> -> memref<100000xf32, #tpu.memory_space<hbm>>
    tpu.wait_indirect_dma semaphore(%arg16 : memref<!tpu.dma_semaphore, #tpu.memory_space<semaphore_mem>>) src(%dma_wait3A_504 : memref<100000xf32, #tpu.memory_space<hbm>>) dst(%dma_wait3A_499 : memref<128xf32, #tpu.memory_space<vmem>>)
    %dma_wait3A_505 = arith.constant 0 : i32
    %dma_wait3A_506 = arith.constant 0 : i32
    %dma_wait3A_507 = arith.constant 0 : i32
    %dma_wait3A_508 = tpu.memref_slice %arg12[%dma_wait3A_506, %dma_wait3A_507] : memref<26x128xf32, #tpu.memory_space<vmem>> -> memref<1x128xf32, #tpu.memory_space<vmem>>
    %dma_wait3A_509 = tpu.memref_squeeze %dma_wait3A_508 : memref<1x128xf32, #tpu.memory_space<vmem>> -> memref<128xf32, #tpu.memory_space<vmem>>
    %dma_wait3A_510 = arith.constant 0 : i32
    %dma_wait3A_511 = tpu.memref_slice %arg10[%dma_wait3A_505, %dma_wait3A_510] : memref<26x128xi32, #tpu.memory_space<vmem>> -> memref<1x128xi32, #tpu.memory_space<vmem>>
    %dma_wait3A_512 = tpu.memref_squeeze %dma_wait3A_511 : memref<1x128xi32, #tpu.memory_space<vmem>> -> memref<128xi32, #tpu.memory_space<vmem>>
    %dma_wait3A_513 = arith.constant 0 : i32
    %dma_wait3A_514 = tpu.memref_slice %arg4[%dma_wait3A_513] : memref<100000xf32, #tpu.memory_space<hbm>> -> memref<100000xf32, #tpu.memory_space<hbm>>
    tpu.wait_indirect_dma semaphore(%arg16 : memref<!tpu.dma_semaphore, #tpu.memory_space<semaphore_mem>>) src(%dma_wait3A_514 : memref<100000xf32, #tpu.memory_space<hbm>>) dst(%dma_wait3A_509 : memref<128xf32, #tpu.memory_space<vmem>>)
    %dma_wait3A_515 = arith.constant 0 : i32
    %dma_wait3A_516 = arith.constant 0 : i32
    %dma_wait3A_517 = arith.constant 0 : i32
    %dma_wait3A_518 = tpu.memref_slice %arg12[%dma_wait3A_516, %dma_wait3A_517] : memref<26x128xf32, #tpu.memory_space<vmem>> -> memref<1x128xf32, #tpu.memory_space<vmem>>
    %dma_wait3A_519 = tpu.memref_squeeze %dma_wait3A_518 : memref<1x128xf32, #tpu.memory_space<vmem>> -> memref<128xf32, #tpu.memory_space<vmem>>
    %dma_wait3A_520 = arith.constant 0 : i32
    %dma_wait3A_521 = tpu.memref_slice %arg10[%dma_wait3A_515, %dma_wait3A_520] : memref<26x128xi32, #tpu.memory_space<vmem>> -> memref<1x128xi32, #tpu.memory_space<vmem>>
    %dma_wait3A_522 = tpu.memref_squeeze %dma_wait3A_521 : memref<1x128xi32, #tpu.memory_space<vmem>> -> memref<128xi32, #tpu.memory_space<vmem>>
    %dma_wait3A_523 = arith.constant 0 : i32
    %dma_wait3A_524 = tpu.memref_slice %arg4[%dma_wait3A_523] : memref<100000xf32, #tpu.memory_space<hbm>> -> memref<100000xf32, #tpu.memory_space<hbm>>
    tpu.wait_indirect_dma semaphore(%arg16 : memref<!tpu.dma_semaphore, #tpu.memory_space<semaphore_mem>>) src(%dma_wait3A_524 : memref<100000xf32, #tpu.memory_space<hbm>>) dst(%dma_wait3A_519 : memref<128xf32, #tpu.memory_space<vmem>>)
    %dma_wait3A_525 = arith.constant 0 : i32
    %dma_wait3A_526 = arith.constant 0 : i32
    %dma_wait3A_527 = arith.constant 0 : i32
    %dma_wait3A_528 = tpu.memref_slice %arg12[%dma_wait3A_526, %dma_wait3A_527] : memref<26x128xf32, #tpu.memory_space<vmem>> -> memref<1x128xf32, #tpu.memory_space<vmem>>
    %dma_wait3A_529 = tpu.memref_squeeze %dma_wait3A_528 : memref<1x128xf32, #tpu.memory_space<vmem>> -> memref<128xf32, #tpu.memory_space<vmem>>
    %dma_wait3A_530 = arith.constant 0 : i32
    %dma_wait3A_531 = tpu.memref_slice %arg10[%dma_wait3A_525, %dma_wait3A_530] : memref<26x128xi32, #tpu.memory_space<vmem>> -> memref<1x128xi32, #tpu.memory_space<vmem>>
    %dma_wait3A_532 = tpu.memref_squeeze %dma_wait3A_531 : memref<1x128xi32, #tpu.memory_space<vmem>> -> memref<128xi32, #tpu.memory_space<vmem>>
    %dma_wait3A_533 = arith.constant 0 : i32
    %dma_wait3A_534 = tpu.memref_slice %arg4[%dma_wait3A_533] : memref<100000xf32, #tpu.memory_space<hbm>> -> memref<100000xf32, #tpu.memory_space<hbm>>
    tpu.wait_indirect_dma semaphore(%arg16 : memref<!tpu.dma_semaphore, #tpu.memory_space<semaphore_mem>>) src(%dma_wait3A_534 : memref<100000xf32, #tpu.memory_space<hbm>>) dst(%dma_wait3A_529 : memref<128xf32, #tpu.memory_space<vmem>>)
    %dma_start3A_535 = arith.constant 0 : i32
    %dma_start3A_536 = arith.constant 0 : i32
    %dma_start3A_537 = arith.constant 0 : i32
    %dma_start3A_538 = tpu.memref_slice %arg13[%dma_start3A_536, %dma_start3A_537] : memref<26x128xf32, #tpu.memory_space<vmem>> -> memref<1x128xf32, #tpu.memory_space<vmem>>
    %dma_start3A_539 = tpu.memref_squeeze %dma_start3A_538 : memref<1x128xf32, #tpu.memory_space<vmem>> -> memref<128xf32, #tpu.memory_space<vmem>>
    %dma_start3A_540 = arith.constant 0 : i32
    %dma_start3A_541 = tpu.memref_slice %arg10[%dma_start3A_535, %dma_start3A_540] : memref<26x128xi32, #tpu.memory_space<vmem>> -> memref<1x128xi32, #tpu.memory_space<vmem>>
    %dma_start3A_542 = tpu.memref_squeeze %dma_start3A_541 : memref<1x128xi32, #tpu.memory_space<vmem>> -> memref<128xi32, #tpu.memory_space<vmem>>
    %dma_start3A_543 = arith.constant 0 : i32
    %dma_start3A_544 = tpu.memref_slice %arg5[%dma_start3A_543] : memref<100000xf32, #tpu.memory_space<hbm>> -> memref<100000xf32, #tpu.memory_space<hbm>>
    tpu.enqueue_indirect_dma source(%dma_start3A_544 : memref<100000xf32, #tpu.memory_space<hbm>>) target(%dma_start3A_539 : memref<128xf32, #tpu.memory_space<vmem>>) offsets(%dma_start3A_542 : memref<128xi32, #tpu.memory_space<vmem>>) semaphore(%arg17 : memref<!tpu.dma_semaphore, #tpu.memory_space<semaphore_mem>>)
    %dma_start3A_545 = arith.constant 1 : i32
    %dma_start3A_546 = arith.constant 1 : i32
    %dma_start3A_547 = arith.constant 0 : i32
    %dma_start3A_548 = tpu.memref_slice %arg13[%dma_start3A_546, %dma_start3A_547] : memref<26x128xf32, #tpu.memory_space<vmem>> -> memref<1x128xf32, #tpu.memory_space<vmem>>
    %dma_start3A_549 = tpu.memref_squeeze %dma_start3A_548 : memref<1x128xf32, #tpu.memory_space<vmem>> -> memref<128xf32, #tpu.memory_space<vmem>>
    %dma_start3A_550 = arith.constant 0 : i32
    %dma_start3A_551 = tpu.memref_slice %arg10[%dma_start3A_545, %dma_start3A_550] : memref<26x128xi32, #tpu.memory_space<vmem>> -> memref<1x128xi32, #tpu.memory_space<vmem>>
    %dma_start3A_552 = tpu.memref_squeeze %dma_start3A_551 : memref<1x128xi32, #tpu.memory_space<vmem>> -> memref<128xi32, #tpu.memory_space<vmem>>
    %dma_start3A_553 = arith.constant 0 : i32
    %dma_start3A_554 = tpu.memref_slice %arg5[%dma_start3A_553] : memref<100000xf32, #tpu.memory_space<hbm>> -> memref<100000xf32, #tpu.memory_space<hbm>>
    tpu.enqueue_indirect_dma source(%dma_start3A_554 : memref<100000xf32, #tpu.memory_space<hbm>>) target(%dma_start3A_549 : memref<128xf32, #tpu.memory_space<vmem>>) offsets(%dma_start3A_552 : memref<128xi32, #tpu.memory_space<vmem>>) semaphore(%arg17 : memref<!tpu.dma_semaphore, #tpu.memory_space<semaphore_mem>>)
    %dma_start3A_555 = arith.constant 2 : i32
    %dma_start3A_556 = arith.constant 2 : i32
    %dma_start3A_557 = arith.constant 0 : i32
    %dma_start3A_558 = tpu.memref_slice %arg13[%dma_start3A_556, %dma_start3A_557] : memref<26x128xf32, #tpu.memory_space<vmem>> -> memref<1x128xf32, #tpu.memory_space<vmem>>
    %dma_start3A_559 = tpu.memref_squeeze %dma_start3A_558 : memref<1x128xf32, #tpu.memory_space<vmem>> -> memref<128xf32, #tpu.memory_space<vmem>>
    %dma_start3A_560 = arith.constant 0 : i32
    %dma_start3A_561 = tpu.memref_slice %arg10[%dma_start3A_555, %dma_start3A_560] : memref<26x128xi32, #tpu.memory_space<vmem>> -> memref<1x128xi32, #tpu.memory_space<vmem>>
    %dma_start3A_562 = tpu.memref_squeeze %dma_start3A_561 : memref<1x128xi32, #tpu.memory_space<vmem>> -> memref<128xi32, #tpu.memory_space<vmem>>
    %dma_start3A_563 = arith.constant 0 : i32
    %dma_start3A_564 = tpu.memref_slice %arg5[%dma_start3A_563] : memref<100000xf32, #tpu.memory_space<hbm>> -> memref<100000xf32, #tpu.memory_space<hbm>>
    tpu.enqueue_indirect_dma source(%dma_start3A_564 : memref<100000xf32, #tpu.memory_space<hbm>>) target(%dma_start3A_559 : memref<128xf32, #tpu.memory_space<vmem>>) offsets(%dma_start3A_562 : memref<128xi32, #tpu.memory_space<vmem>>) semaphore(%arg17 : memref<!tpu.dma_semaphore, #tpu.memory_space<semaphore_mem>>)
    %dma_start3A_565 = arith.constant 3 : i32
    %dma_start3A_566 = arith.constant 3 : i32
    %dma_start3A_567 = arith.constant 0 : i32
    %dma_start3A_568 = tpu.memref_slice %arg13[%dma_start3A_566, %dma_start3A_567] : memref<26x128xf32, #tpu.memory_space<vmem>> -> memref<1x128xf32, #tpu.memory_space<vmem>>
    %dma_start3A_569 = tpu.memref_squeeze %dma_start3A_568 : memref<1x128xf32, #tpu.memory_space<vmem>> -> memref<128xf32, #tpu.memory_space<vmem>>
    %dma_start3A_570 = arith.constant 0 : i32
    %dma_start3A_571 = tpu.memref_slice %arg10[%dma_start3A_565, %dma_start3A_570] : memref<26x128xi32, #tpu.memory_space<vmem>> -> memref<1x128xi32, #tpu.memory_space<vmem>>
    %dma_start3A_572 = tpu.memref_squeeze %dma_start3A_571 : memref<1x128xi32, #tpu.memory_space<vmem>> -> memref<128xi32, #tpu.memory_space<vmem>>
    %dma_start3A_573 = arith.constant 0 : i32
    %dma_start3A_574 = tpu.memref_slice %arg5[%dma_start3A_573] : memref<100000xf32, #tpu.memory_space<hbm>> -> memref<100000xf32, #tpu.memory_space<hbm>>
    tpu.enqueue_indirect_dma source(%dma_start3A_574 : memref<100000xf32, #tpu.memory_space<hbm>>) target(%dma_start3A_569 : memref<128xf32, #tpu.memory_space<vmem>>) offsets(%dma_start3A_572 : memref<128xi32, #tpu.memory_space<vmem>>) semaphore(%arg17 : memref<!tpu.dma_semaphore, #tpu.memory_space<semaphore_mem>>)
    %dma_start3A_575 = arith.constant 4 : i32
    %dma_start3A_576 = arith.constant 4 : i32
    %dma_start3A_577 = arith.constant 0 : i32
    %dma_start3A_578 = tpu.memref_slice %arg13[%dma_start3A_576, %dma_start3A_577] : memref<26x128xf32, #tpu.memory_space<vmem>> -> memref<1x128xf32, #tpu.memory_space<vmem>>
    %dma_start3A_579 = tpu.memref_squeeze %dma_start3A_578 : memref<1x128xf32, #tpu.memory_space<vmem>> -> memref<128xf32, #tpu.memory_space<vmem>>
    %dma_start3A_580 = arith.constant 0 : i32
    %dma_start3A_581 = tpu.memref_slice %arg10[%dma_start3A_575, %dma_start3A_580] : memref<26x128xi32, #tpu.memory_space<vmem>> -> memref<1x128xi32, #tpu.memory_space<vmem>>
    %dma_start3A_582 = tpu.memref_squeeze %dma_start3A_581 : memref<1x128xi32, #tpu.memory_space<vmem>> -> memref<128xi32, #tpu.memory_space<vmem>>
    %dma_start3A_583 = arith.constant 0 : i32
    %dma_start3A_584 = tpu.memref_slice %arg5[%dma_start3A_583] : memref<100000xf32, #tpu.memory_space<hbm>> -> memref<100000xf32, #tpu.memory_space<hbm>>
    tpu.enqueue_indirect_dma source(%dma_start3A_584 : memref<100000xf32, #tpu.memory_space<hbm>>) target(%dma_start3A_579 : memref<128xf32, #tpu.memory_space<vmem>>) offsets(%dma_start3A_582 : memref<128xi32, #tpu.memory_space<vmem>>) semaphore(%arg17 : memref<!tpu.dma_semaphore, #tpu.memory_space<semaphore_mem>>)
    %dma_start3A_585 = arith.constant 5 : i32
    %dma_start3A_586 = arith.constant 5 : i32
    %dma_start3A_587 = arith.constant 0 : i32
    %dma_start3A_588 = tpu.memref_slice %arg13[%dma_start3A_586, %dma_start3A_587] : memref<26x128xf32, #tpu.memory_space<vmem>> -> memref<1x128xf32, #tpu.memory_space<vmem>>
    %dma_start3A_589 = tpu.memref_squeeze %dma_start3A_588 : memref<1x128xf32, #tpu.memory_space<vmem>> -> memref<128xf32, #tpu.memory_space<vmem>>
    %dma_start3A_590 = arith.constant 0 : i32
    %dma_start3A_591 = tpu.memref_slice %arg10[%dma_start3A_585, %dma_start3A_590] : memref<26x128xi32, #tpu.memory_space<vmem>> -> memref<1x128xi32, #tpu.memory_space<vmem>>
    %dma_start3A_592 = tpu.memref_squeeze %dma_start3A_591 : memref<1x128xi32, #tpu.memory_space<vmem>> -> memref<128xi32, #tpu.memory_space<vmem>>
    %dma_start3A_593 = arith.constant 0 : i32
    %dma_start3A_594 = tpu.memref_slice %arg5[%dma_start3A_593] : memref<100000xf32, #tpu.memory_space<hbm>> -> memref<100000xf32, #tpu.memory_space<hbm>>
    tpu.enqueue_indirect_dma source(%dma_start3A_594 : memref<100000xf32, #tpu.memory_space<hbm>>) target(%dma_start3A_589 : memref<128xf32, #tpu.memory_space<vmem>>) offsets(%dma_start3A_592 : memref<128xi32, #tpu.memory_space<vmem>>) semaphore(%arg17 : memref<!tpu.dma_semaphore, #tpu.memory_space<semaphore_mem>>)
    %dma_start3A_595 = arith.constant 6 : i32
    %dma_start3A_596 = arith.constant 6 : i32
    %dma_start3A_597 = arith.constant 0 : i32
    %dma_start3A_598 = tpu.memref_slice %arg13[%dma_start3A_596, %dma_start3A_597] : memref<26x128xf32, #tpu.memory_space<vmem>> -> memref<1x128xf32, #tpu.memory_space<vmem>>
    %dma_start3A_599 = tpu.memref_squeeze %dma_start3A_598 : memref<1x128xf32, #tpu.memory_space<vmem>> -> memref<128xf32, #tpu.memory_space<vmem>>
    %dma_start3A_600 = arith.constant 0 : i32
    %dma_start3A_601 = tpu.memref_slice %arg10[%dma_start3A_595, %dma_start3A_600] : memref<26x128xi32, #tpu.memory_space<vmem>> -> memref<1x128xi32, #tpu.memory_space<vmem>>
    %dma_start3A_602 = tpu.memref_squeeze %dma_start3A_601 : memref<1x128xi32, #tpu.memory_space<vmem>> -> memref<128xi32, #tpu.memory_space<vmem>>
    %dma_start3A_603 = arith.constant 0 : i32
    %dma_start3A_604 = tpu.memref_slice %arg5[%dma_start3A_603] : memref<100000xf32, #tpu.memory_space<hbm>> -> memref<100000xf32, #tpu.memory_space<hbm>>
    tpu.enqueue_indirect_dma source(%dma_start3A_604 : memref<100000xf32, #tpu.memory_space<hbm>>) target(%dma_start3A_599 : memref<128xf32, #tpu.memory_space<vmem>>) offsets(%dma_start3A_602 : memref<128xi32, #tpu.memory_space<vmem>>) semaphore(%arg17 : memref<!tpu.dma_semaphore, #tpu.memory_space<semaphore_mem>>)
    %dma_start3A_605 = arith.constant 7 : i32
    %dma_start3A_606 = arith.constant 7 : i32
    %dma_start3A_607 = arith.constant 0 : i32
    %dma_start3A_608 = tpu.memref_slice %arg13[%dma_start3A_606, %dma_start3A_607] : memref<26x128xf32, #tpu.memory_space<vmem>> -> memref<1x128xf32, #tpu.memory_space<vmem>>
    %dma_start3A_609 = tpu.memref_squeeze %dma_start3A_608 : memref<1x128xf32, #tpu.memory_space<vmem>> -> memref<128xf32, #tpu.memory_space<vmem>>
    %dma_start3A_610 = arith.constant 0 : i32
    %dma_start3A_611 = tpu.memref_slice %arg10[%dma_start3A_605, %dma_start3A_610] : memref<26x128xi32, #tpu.memory_space<vmem>> -> memref<1x128xi32, #tpu.memory_space<vmem>>
    %dma_start3A_612 = tpu.memref_squeeze %dma_start3A_611 : memref<1x128xi32, #tpu.memory_space<vmem>> -> memref<128xi32, #tpu.memory_space<vmem>>
    %dma_start3A_613 = arith.constant 0 : i32
    %dma_start3A_614 = tpu.memref_slice %arg5[%dma_start3A_613] : memref<100000xf32, #tpu.memory_space<hbm>> -> memref<100000xf32, #tpu.memory_space<hbm>>
    tpu.enqueue_indirect_dma source(%dma_start3A_614 : memref<100000xf32, #tpu.memory_space<hbm>>) target(%dma_start3A_609 : memref<128xf32, #tpu.memory_space<vmem>>) offsets(%dma_start3A_612 : memref<128xi32, #tpu.memory_space<vmem>>) semaphore(%arg17 : memref<!tpu.dma_semaphore, #tpu.memory_space<semaphore_mem>>)
    %dma_start3A_615 = arith.constant 8 : i32
    %dma_start3A_616 = arith.constant 8 : i32
    %dma_start3A_617 = arith.constant 0 : i32
    %dma_start3A_618 = tpu.memref_slice %arg13[%dma_start3A_616, %dma_start3A_617] : memref<26x128xf32, #tpu.memory_space<vmem>> -> memref<1x128xf32, #tpu.memory_space<vmem>>
    %dma_start3A_619 = tpu.memref_squeeze %dma_start3A_618 : memref<1x128xf32, #tpu.memory_space<vmem>> -> memref<128xf32, #tpu.memory_space<vmem>>
    %dma_start3A_620 = arith.constant 0 : i32
    %dma_start3A_621 = tpu.memref_slice %arg10[%dma_start3A_615, %dma_start3A_620] : memref<26x128xi32, #tpu.memory_space<vmem>> -> memref<1x128xi32, #tpu.memory_space<vmem>>
    %dma_start3A_622 = tpu.memref_squeeze %dma_start3A_621 : memref<1x128xi32, #tpu.memory_space<vmem>> -> memref<128xi32, #tpu.memory_space<vmem>>
    %dma_start3A_623 = arith.constant 0 : i32
    %dma_start3A_624 = tpu.memref_slice %arg5[%dma_start3A_623] : memref<100000xf32, #tpu.memory_space<hbm>> -> memref<100000xf32, #tpu.memory_space<hbm>>
    tpu.enqueue_indirect_dma source(%dma_start3A_624 : memref<100000xf32, #tpu.memory_space<hbm>>) target(%dma_start3A_619 : memref<128xf32, #tpu.memory_space<vmem>>) offsets(%dma_start3A_622 : memref<128xi32, #tpu.memory_space<vmem>>) semaphore(%arg17 : memref<!tpu.dma_semaphore, #tpu.memory_space<semaphore_mem>>)
    %dma_start3A_625 = arith.constant 9 : i32
    %dma_start3A_626 = arith.constant 9 : i32
    %dma_start3A_627 = arith.constant 0 : i32
    %dma_start3A_628 = tpu.memref_slice %arg13[%dma_start3A_626, %dma_start3A_627] : memref<26x128xf32, #tpu.memory_space<vmem>> -> memref<1x128xf32, #tpu.memory_space<vmem>>
    %dma_start3A_629 = tpu.memref_squeeze %dma_start3A_628 : memref<1x128xf32, #tpu.memory_space<vmem>> -> memref<128xf32, #tpu.memory_space<vmem>>
    %dma_start3A_630 = arith.constant 0 : i32
    %dma_start3A_631 = tpu.memref_slice %arg10[%dma_start3A_625, %dma_start3A_630] : memref<26x128xi32, #tpu.memory_space<vmem>> -> memref<1x128xi32, #tpu.memory_space<vmem>>
    %dma_start3A_632 = tpu.memref_squeeze %dma_start3A_631 : memref<1x128xi32, #tpu.memory_space<vmem>> -> memref<128xi32, #tpu.memory_space<vmem>>
    %dma_start3A_633 = arith.constant 0 : i32
    %dma_start3A_634 = tpu.memref_slice %arg5[%dma_start3A_633] : memref<100000xf32, #tpu.memory_space<hbm>> -> memref<100000xf32, #tpu.memory_space<hbm>>
    tpu.enqueue_indirect_dma source(%dma_start3A_634 : memref<100000xf32, #tpu.memory_space<hbm>>) target(%dma_start3A_629 : memref<128xf32, #tpu.memory_space<vmem>>) offsets(%dma_start3A_632 : memref<128xi32, #tpu.memory_space<vmem>>) semaphore(%arg17 : memref<!tpu.dma_semaphore, #tpu.memory_space<semaphore_mem>>)
    %dma_start3A_635 = arith.constant 10 : i32
    %dma_start3A_636 = arith.constant 10 : i32
    %dma_start3A_637 = arith.constant 0 : i32
    %dma_start3A_638 = tpu.memref_slice %arg13[%dma_start3A_636, %dma_start3A_637] : memref<26x128xf32, #tpu.memory_space<vmem>> -> memref<1x128xf32, #tpu.memory_space<vmem>>
    %dma_start3A_639 = tpu.memref_squeeze %dma_start3A_638 : memref<1x128xf32, #tpu.memory_space<vmem>> -> memref<128xf32, #tpu.memory_space<vmem>>
    %dma_start3A_640 = arith.constant 0 : i32
    %dma_start3A_641 = tpu.memref_slice %arg10[%dma_start3A_635, %dma_start3A_640] : memref<26x128xi32, #tpu.memory_space<vmem>> -> memref<1x128xi32, #tpu.memory_space<vmem>>
    %dma_start3A_642 = tpu.memref_squeeze %dma_start3A_641 : memref<1x128xi32, #tpu.memory_space<vmem>> -> memref<128xi32, #tpu.memory_space<vmem>>
    %dma_start3A_643 = arith.constant 0 : i32
    %dma_start3A_644 = tpu.memref_slice %arg5[%dma_start3A_643] : memref<100000xf32, #tpu.memory_space<hbm>> -> memref<100000xf32, #tpu.memory_space<hbm>>
    tpu.enqueue_indirect_dma source(%dma_start3A_644 : memref<100000xf32, #tpu.memory_space<hbm>>) target(%dma_start3A_639 : memref<128xf32, #tpu.memory_space<vmem>>) offsets(%dma_start3A_642 : memref<128xi32, #tpu.memory_space<vmem>>) semaphore(%arg17 : memref<!tpu.dma_semaphore, #tpu.memory_space<semaphore_mem>>)
    %dma_start3A_645 = arith.constant 11 : i32
    %dma_start3A_646 = arith.constant 11 : i32
    %dma_start3A_647 = arith.constant 0 : i32
    %dma_start3A_648 = tpu.memref_slice %arg13[%dma_start3A_646, %dma_start3A_647] : memref<26x128xf32, #tpu.memory_space<vmem>> -> memref<1x128xf32, #tpu.memory_space<vmem>>
    %dma_start3A_649 = tpu.memref_squeeze %dma_start3A_648 : memref<1x128xf32, #tpu.memory_space<vmem>> -> memref<128xf32, #tpu.memory_space<vmem>>
    %dma_start3A_650 = arith.constant 0 : i32
    %dma_start3A_651 = tpu.memref_slice %arg10[%dma_start3A_645, %dma_start3A_650] : memref<26x128xi32, #tpu.memory_space<vmem>> -> memref<1x128xi32, #tpu.memory_space<vmem>>
    %dma_start3A_652 = tpu.memref_squeeze %dma_start3A_651 : memref<1x128xi32, #tpu.memory_space<vmem>> -> memref<128xi32, #tpu.memory_space<vmem>>
    %dma_start3A_653 = arith.constant 0 : i32
    %dma_start3A_654 = tpu.memref_slice %arg5[%dma_start3A_653] : memref<100000xf32, #tpu.memory_space<hbm>> -> memref<100000xf32, #tpu.memory_space<hbm>>
    tpu.enqueue_indirect_dma source(%dma_start3A_654 : memref<100000xf32, #tpu.memory_space<hbm>>) target(%dma_start3A_649 : memref<128xf32, #tpu.memory_space<vmem>>) offsets(%dma_start3A_652 : memref<128xi32, #tpu.memory_space<vmem>>) semaphore(%arg17 : memref<!tpu.dma_semaphore, #tpu.memory_space<semaphore_mem>>)
    %dma_start3A_655 = arith.constant 12 : i32
    %dma_start3A_656 = arith.constant 12 : i32
    %dma_start3A_657 = arith.constant 0 : i32
    %dma_start3A_658 = tpu.memref_slice %arg13[%dma_start3A_656, %dma_start3A_657] : memref<26x128xf32, #tpu.memory_space<vmem>> -> memref<1x128xf32, #tpu.memory_space<vmem>>
    %dma_start3A_659 = tpu.memref_squeeze %dma_start3A_658 : memref<1x128xf32, #tpu.memory_space<vmem>> -> memref<128xf32, #tpu.memory_space<vmem>>
    %dma_start3A_660 = arith.constant 0 : i32
    %dma_start3A_661 = tpu.memref_slice %arg10[%dma_start3A_655, %dma_start3A_660] : memref<26x128xi32, #tpu.memory_space<vmem>> -> memref<1x128xi32, #tpu.memory_space<vmem>>
    %dma_start3A_662 = tpu.memref_squeeze %dma_start3A_661 : memref<1x128xi32, #tpu.memory_space<vmem>> -> memref<128xi32, #tpu.memory_space<vmem>>
    %dma_start3A_663 = arith.constant 0 : i32
    %dma_start3A_664 = tpu.memref_slice %arg5[%dma_start3A_663] : memref<100000xf32, #tpu.memory_space<hbm>> -> memref<100000xf32, #tpu.memory_space<hbm>>
    tpu.enqueue_indirect_dma source(%dma_start3A_664 : memref<100000xf32, #tpu.memory_space<hbm>>) target(%dma_start3A_659 : memref<128xf32, #tpu.memory_space<vmem>>) offsets(%dma_start3A_662 : memref<128xi32, #tpu.memory_space<vmem>>) semaphore(%arg17 : memref<!tpu.dma_semaphore, #tpu.memory_space<semaphore_mem>>)
    %dma_wait3A_665 = arith.constant 0 : i32
    %dma_wait3A_666 = arith.constant 0 : i32
    %dma_wait3A_667 = arith.constant 0 : i32
    %dma_wait3A_668 = tpu.memref_slice %arg13[%dma_wait3A_666, %dma_wait3A_667] : memref<26x128xf32, #tpu.memory_space<vmem>> -> memref<1x128xf32, #tpu.memory_space<vmem>>
    %dma_wait3A_669 = tpu.memref_squeeze %dma_wait3A_668 : memref<1x128xf32, #tpu.memory_space<vmem>> -> memref<128xf32, #tpu.memory_space<vmem>>
    %dma_wait3A_670 = arith.constant 0 : i32
    %dma_wait3A_671 = tpu.memref_slice %arg10[%dma_wait3A_665, %dma_wait3A_670] : memref<26x128xi32, #tpu.memory_space<vmem>> -> memref<1x128xi32, #tpu.memory_space<vmem>>
    %dma_wait3A_672 = tpu.memref_squeeze %dma_wait3A_671 : memref<1x128xi32, #tpu.memory_space<vmem>> -> memref<128xi32, #tpu.memory_space<vmem>>
    %dma_wait3A_673 = arith.constant 0 : i32
    %dma_wait3A_674 = tpu.memref_slice %arg5[%dma_wait3A_673] : memref<100000xf32, #tpu.memory_space<hbm>> -> memref<100000xf32, #tpu.memory_space<hbm>>
    tpu.wait_indirect_dma semaphore(%arg17 : memref<!tpu.dma_semaphore, #tpu.memory_space<semaphore_mem>>) src(%dma_wait3A_674 : memref<100000xf32, #tpu.memory_space<hbm>>) dst(%dma_wait3A_669 : memref<128xf32, #tpu.memory_space<vmem>>)
    %dma_wait3A_675 = arith.constant 0 : i32
    %dma_wait3A_676 = arith.constant 0 : i32
    %dma_wait3A_677 = arith.constant 0 : i32
    %dma_wait3A_678 = tpu.memref_slice %arg13[%dma_wait3A_676, %dma_wait3A_677] : memref<26x128xf32, #tpu.memory_space<vmem>> -> memref<1x128xf32, #tpu.memory_space<vmem>>
    %dma_wait3A_679 = tpu.memref_squeeze %dma_wait3A_678 : memref<1x128xf32, #tpu.memory_space<vmem>> -> memref<128xf32, #tpu.memory_space<vmem>>
    %dma_wait3A_680 = arith.constant 0 : i32
    %dma_wait3A_681 = tpu.memref_slice %arg10[%dma_wait3A_675, %dma_wait3A_680] : memref<26x128xi32, #tpu.memory_space<vmem>> -> memref<1x128xi32, #tpu.memory_space<vmem>>
    %dma_wait3A_682 = tpu.memref_squeeze %dma_wait3A_681 : memref<1x128xi32, #tpu.memory_space<vmem>> -> memref<128xi32, #tpu.memory_space<vmem>>
    %dma_wait3A_683 = arith.constant 0 : i32
    %dma_wait3A_684 = tpu.memref_slice %arg5[%dma_wait3A_683] : memref<100000xf32, #tpu.memory_space<hbm>> -> memref<100000xf32, #tpu.memory_space<hbm>>
    tpu.wait_indirect_dma semaphore(%arg17 : memref<!tpu.dma_semaphore, #tpu.memory_space<semaphore_mem>>) src(%dma_wait3A_684 : memref<100000xf32, #tpu.memory_space<hbm>>) dst(%dma_wait3A_679 : memref<128xf32, #tpu.memory_space<vmem>>)
    %dma_wait3A_685 = arith.constant 0 : i32
    %dma_wait3A_686 = arith.constant 0 : i32
    %dma_wait3A_687 = arith.constant 0 : i32
    %dma_wait3A_688 = tpu.memref_slice %arg13[%dma_wait3A_686, %dma_wait3A_687] : memref<26x128xf32, #tpu.memory_space<vmem>> -> memref<1x128xf32, #tpu.memory_space<vmem>>
    %dma_wait3A_689 = tpu.memref_squeeze %dma_wait3A_688 : memref<1x128xf32, #tpu.memory_space<vmem>> -> memref<128xf32, #tpu.memory_space<vmem>>
    %dma_wait3A_690 = arith.constant 0 : i32
    %dma_wait3A_691 = tpu.memref_slice %arg10[%dma_wait3A_685, %dma_wait3A_690] : memref<26x128xi32, #tpu.memory_space<vmem>> -> memref<1x128xi32, #tpu.memory_space<vmem>>
    %dma_wait3A_692 = tpu.memref_squeeze %dma_wait3A_691 : memref<1x128xi32, #tpu.memory_space<vmem>> -> memref<128xi32, #tpu.memory_space<vmem>>
    %dma_wait3A_693 = arith.constant 0 : i32
    %dma_wait3A_694 = tpu.memref_slice %arg5[%dma_wait3A_693] : memref<100000xf32, #tpu.memory_space<hbm>> -> memref<100000xf32, #tpu.memory_space<hbm>>
    tpu.wait_indirect_dma semaphore(%arg17 : memref<!tpu.dma_semaphore, #tpu.memory_space<semaphore_mem>>) src(%dma_wait3A_694 : memref<100000xf32, #tpu.memory_space<hbm>>) dst(%dma_wait3A_689 : memref<128xf32, #tpu.memory_space<vmem>>)
    %dma_wait3A_695 = arith.constant 0 : i32
    %dma_wait3A_696 = arith.constant 0 : i32
    %dma_wait3A_697 = arith.constant 0 : i32
    %dma_wait3A_698 = tpu.memref_slice %arg13[%dma_wait3A_696, %dma_wait3A_697] : memref<26x128xf32, #tpu.memory_space<vmem>> -> memref<1x128xf32, #tpu.memory_space<vmem>>
    %dma_wait3A_699 = tpu.memref_squeeze %dma_wait3A_698 : memref<1x128xf32, #tpu.memory_space<vmem>> -> memref<128xf32, #tpu.memory_space<vmem>>
    %dma_wait3A_700 = arith.constant 0 : i32
    %dma_wait3A_701 = tpu.memref_slice %arg10[%dma_wait3A_695, %dma_wait3A_700] : memref<26x128xi32, #tpu.memory_space<vmem>> -> memref<1x128xi32, #tpu.memory_space<vmem>>
    %dma_wait3A_702 = tpu.memref_squeeze %dma_wait3A_701 : memref<1x128xi32, #tpu.memory_space<vmem>> -> memref<128xi32, #tpu.memory_space<vmem>>
    %dma_wait3A_703 = arith.constant 0 : i32
    %dma_wait3A_704 = tpu.memref_slice %arg5[%dma_wait3A_703] : memref<100000xf32, #tpu.memory_space<hbm>> -> memref<100000xf32, #tpu.memory_space<hbm>>
    tpu.wait_indirect_dma semaphore(%arg17 : memref<!tpu.dma_semaphore, #tpu.memory_space<semaphore_mem>>) src(%dma_wait3A_704 : memref<100000xf32, #tpu.memory_space<hbm>>) dst(%dma_wait3A_699 : memref<128xf32, #tpu.memory_space<vmem>>)
    %dma_wait3A_705 = arith.constant 0 : i32
    %dma_wait3A_706 = arith.constant 0 : i32
    %dma_wait3A_707 = arith.constant 0 : i32
    %dma_wait3A_708 = tpu.memref_slice %arg13[%dma_wait3A_706, %dma_wait3A_707] : memref<26x128xf32, #tpu.memory_space<vmem>> -> memref<1x128xf32, #tpu.memory_space<vmem>>
    %dma_wait3A_709 = tpu.memref_squeeze %dma_wait3A_708 : memref<1x128xf32, #tpu.memory_space<vmem>> -> memref<128xf32, #tpu.memory_space<vmem>>
    %dma_wait3A_710 = arith.constant 0 : i32
    %dma_wait3A_711 = tpu.memref_slice %arg10[%dma_wait3A_705, %dma_wait3A_710] : memref<26x128xi32, #tpu.memory_space<vmem>> -> memref<1x128xi32, #tpu.memory_space<vmem>>
    %dma_wait3A_712 = tpu.memref_squeeze %dma_wait3A_711 : memref<1x128xi32, #tpu.memory_space<vmem>> -> memref<128xi32, #tpu.memory_space<vmem>>
    %dma_wait3A_713 = arith.constant 0 : i32
    %dma_wait3A_714 = tpu.memref_slice %arg5[%dma_wait3A_713] : memref<100000xf32, #tpu.memory_space<hbm>> -> memref<100000xf32, #tpu.memory_space<hbm>>
    tpu.wait_indirect_dma semaphore(%arg17 : memref<!tpu.dma_semaphore, #tpu.memory_space<semaphore_mem>>) src(%dma_wait3A_714 : memref<100000xf32, #tpu.memory_space<hbm>>) dst(%dma_wait3A_709 : memref<128xf32, #tpu.memory_space<vmem>>)
    %dma_wait3A_715 = arith.constant 0 : i32
    %dma_wait3A_716 = arith.constant 0 : i32
    %dma_wait3A_717 = arith.constant 0 : i32
    %dma_wait3A_718 = tpu.memref_slice %arg13[%dma_wait3A_716, %dma_wait3A_717] : memref<26x128xf32, #tpu.memory_space<vmem>> -> memref<1x128xf32, #tpu.memory_space<vmem>>
    %dma_wait3A_719 = tpu.memref_squeeze %dma_wait3A_718 : memref<1x128xf32, #tpu.memory_space<vmem>> -> memref<128xf32, #tpu.memory_space<vmem>>
    %dma_wait3A_720 = arith.constant 0 : i32
    %dma_wait3A_721 = tpu.memref_slice %arg10[%dma_wait3A_715, %dma_wait3A_720] : memref<26x128xi32, #tpu.memory_space<vmem>> -> memref<1x128xi32, #tpu.memory_space<vmem>>
    %dma_wait3A_722 = tpu.memref_squeeze %dma_wait3A_721 : memref<1x128xi32, #tpu.memory_space<vmem>> -> memref<128xi32, #tpu.memory_space<vmem>>
    %dma_wait3A_723 = arith.constant 0 : i32
    %dma_wait3A_724 = tpu.memref_slice %arg5[%dma_wait3A_723] : memref<100000xf32, #tpu.memory_space<hbm>> -> memref<100000xf32, #tpu.memory_space<hbm>>
    tpu.wait_indirect_dma semaphore(%arg17 : memref<!tpu.dma_semaphore, #tpu.memory_space<semaphore_mem>>) src(%dma_wait3A_724 : memref<100000xf32, #tpu.memory_space<hbm>>) dst(%dma_wait3A_719 : memref<128xf32, #tpu.memory_space<vmem>>)
    %dma_wait3A_725 = arith.constant 0 : i32
    %dma_wait3A_726 = arith.constant 0 : i32
    %dma_wait3A_727 = arith.constant 0 : i32
    %dma_wait3A_728 = tpu.memref_slice %arg13[%dma_wait3A_726, %dma_wait3A_727] : memref<26x128xf32, #tpu.memory_space<vmem>> -> memref<1x128xf32, #tpu.memory_space<vmem>>
    %dma_wait3A_729 = tpu.memref_squeeze %dma_wait3A_728 : memref<1x128xf32, #tpu.memory_space<vmem>> -> memref<128xf32, #tpu.memory_space<vmem>>
    %dma_wait3A_730 = arith.constant 0 : i32
    %dma_wait3A_731 = tpu.memref_slice %arg10[%dma_wait3A_725, %dma_wait3A_730] : memref<26x128xi32, #tpu.memory_space<vmem>> -> memref<1x128xi32, #tpu.memory_space<vmem>>
    %dma_wait3A_732 = tpu.memref_squeeze %dma_wait3A_731 : memref<1x128xi32, #tpu.memory_space<vmem>> -> memref<128xi32, #tpu.memory_space<vmem>>
    %dma_wait3A_733 = arith.constant 0 : i32
    %dma_wait3A_734 = tpu.memref_slice %arg5[%dma_wait3A_733] : memref<100000xf32, #tpu.memory_space<hbm>> -> memref<100000xf32, #tpu.memory_space<hbm>>
    tpu.wait_indirect_dma semaphore(%arg17 : memref<!tpu.dma_semaphore, #tpu.memory_space<semaphore_mem>>) src(%dma_wait3A_734 : memref<100000xf32, #tpu.memory_space<hbm>>) dst(%dma_wait3A_729 : memref<128xf32, #tpu.memory_space<vmem>>)
    %dma_wait3A_735 = arith.constant 0 : i32
    %dma_wait3A_736 = arith.constant 0 : i32
    %dma_wait3A_737 = arith.constant 0 : i32
    %dma_wait3A_738 = tpu.memref_slice %arg13[%dma_wait3A_736, %dma_wait3A_737] : memref<26x128xf32, #tpu.memory_space<vmem>> -> memref<1x128xf32, #tpu.memory_space<vmem>>
    %dma_wait3A_739 = tpu.memref_squeeze %dma_wait3A_738 : memref<1x128xf32, #tpu.memory_space<vmem>> -> memref<128xf32, #tpu.memory_space<vmem>>
    %dma_wait3A_740 = arith.constant 0 : i32
    %dma_wait3A_741 = tpu.memref_slice %arg10[%dma_wait3A_735, %dma_wait3A_740] : memref<26x128xi32, #tpu.memory_space<vmem>> -> memref<1x128xi32, #tpu.memory_space<vmem>>
    %dma_wait3A_742 = tpu.memref_squeeze %dma_wait3A_741 : memref<1x128xi32, #tpu.memory_space<vmem>> -> memref<128xi32, #tpu.memory_space<vmem>>
    %dma_wait3A_743 = arith.constant 0 : i32
    %dma_wait3A_744 = tpu.memref_slice %arg5[%dma_wait3A_743] : memref<100000xf32, #tpu.memory_space<hbm>> -> memref<100000xf32, #tpu.memory_space<hbm>>
    tpu.wait_indirect_dma semaphore(%arg17 : memref<!tpu.dma_semaphore, #tpu.memory_space<semaphore_mem>>) src(%dma_wait3A_744 : memref<100000xf32, #tpu.memory_space<hbm>>) dst(%dma_wait3A_739 : memref<128xf32, #tpu.memory_space<vmem>>)
    %dma_wait3A_745 = arith.constant 0 : i32
    %dma_wait3A_746 = arith.constant 0 : i32
    %dma_wait3A_747 = arith.constant 0 : i32
    %dma_wait3A_748 = tpu.memref_slice %arg13[%dma_wait3A_746, %dma_wait3A_747] : memref<26x128xf32, #tpu.memory_space<vmem>> -> memref<1x128xf32, #tpu.memory_space<vmem>>
    %dma_wait3A_749 = tpu.memref_squeeze %dma_wait3A_748 : memref<1x128xf32, #tpu.memory_space<vmem>> -> memref<128xf32, #tpu.memory_space<vmem>>
    %dma_wait3A_750 = arith.constant 0 : i32
    %dma_wait3A_751 = tpu.memref_slice %arg10[%dma_wait3A_745, %dma_wait3A_750] : memref<26x128xi32, #tpu.memory_space<vmem>> -> memref<1x128xi32, #tpu.memory_space<vmem>>
    %dma_wait3A_752 = tpu.memref_squeeze %dma_wait3A_751 : memref<1x128xi32, #tpu.memory_space<vmem>> -> memref<128xi32, #tpu.memory_space<vmem>>
    %dma_wait3A_753 = arith.constant 0 : i32
    %dma_wait3A_754 = tpu.memref_slice %arg5[%dma_wait3A_753] : memref<100000xf32, #tpu.memory_space<hbm>> -> memref<100000xf32, #tpu.memory_space<hbm>>
    tpu.wait_indirect_dma semaphore(%arg17 : memref<!tpu.dma_semaphore, #tpu.memory_space<semaphore_mem>>) src(%dma_wait3A_754 : memref<100000xf32, #tpu.memory_space<hbm>>) dst(%dma_wait3A_749 : memref<128xf32, #tpu.memory_space<vmem>>)
    %dma_wait3A_755 = arith.constant 0 : i32
    %dma_wait3A_756 = arith.constant 0 : i32
    %dma_wait3A_757 = arith.constant 0 : i32
    %dma_wait3A_758 = tpu.memref_slice %arg13[%dma_wait3A_756, %dma_wait3A_757] : memref<26x128xf32, #tpu.memory_space<vmem>> -> memref<1x128xf32, #tpu.memory_space<vmem>>
    %dma_wait3A_759 = tpu.memref_squeeze %dma_wait3A_758 : memref<1x128xf32, #tpu.memory_space<vmem>> -> memref<128xf32, #tpu.memory_space<vmem>>
    %dma_wait3A_760 = arith.constant 0 : i32
    %dma_wait3A_761 = tpu.memref_slice %arg10[%dma_wait3A_755, %dma_wait3A_760] : memref<26x128xi32, #tpu.memory_space<vmem>> -> memref<1x128xi32, #tpu.memory_space<vmem>>
    %dma_wait3A_762 = tpu.memref_squeeze %dma_wait3A_761 : memref<1x128xi32, #tpu.memory_space<vmem>> -> memref<128xi32, #tpu.memory_space<vmem>>
    %dma_wait3A_763 = arith.constant 0 : i32
    %dma_wait3A_764 = tpu.memref_slice %arg5[%dma_wait3A_763] : memref<100000xf32, #tpu.memory_space<hbm>> -> memref<100000xf32, #tpu.memory_space<hbm>>
    tpu.wait_indirect_dma semaphore(%arg17 : memref<!tpu.dma_semaphore, #tpu.memory_space<semaphore_mem>>) src(%dma_wait3A_764 : memref<100000xf32, #tpu.memory_space<hbm>>) dst(%dma_wait3A_759 : memref<128xf32, #tpu.memory_space<vmem>>)
    %dma_wait3A_765 = arith.constant 0 : i32
    %dma_wait3A_766 = arith.constant 0 : i32
    %dma_wait3A_767 = arith.constant 0 : i32
    %dma_wait3A_768 = tpu.memref_slice %arg13[%dma_wait3A_766, %dma_wait3A_767] : memref<26x128xf32, #tpu.memory_space<vmem>> -> memref<1x128xf32, #tpu.memory_space<vmem>>
    %dma_wait3A_769 = tpu.memref_squeeze %dma_wait3A_768 : memref<1x128xf32, #tpu.memory_space<vmem>> -> memref<128xf32, #tpu.memory_space<vmem>>
    %dma_wait3A_770 = arith.constant 0 : i32
    %dma_wait3A_771 = tpu.memref_slice %arg10[%dma_wait3A_765, %dma_wait3A_770] : memref<26x128xi32, #tpu.memory_space<vmem>> -> memref<1x128xi32, #tpu.memory_space<vmem>>
    %dma_wait3A_772 = tpu.memref_squeeze %dma_wait3A_771 : memref<1x128xi32, #tpu.memory_space<vmem>> -> memref<128xi32, #tpu.memory_space<vmem>>
    %dma_wait3A_773 = arith.constant 0 : i32
    %dma_wait3A_774 = tpu.memref_slice %arg5[%dma_wait3A_773] : memref<100000xf32, #tpu.memory_space<hbm>> -> memref<100000xf32, #tpu.memory_space<hbm>>
    tpu.wait_indirect_dma semaphore(%arg17 : memref<!tpu.dma_semaphore, #tpu.memory_space<semaphore_mem>>) src(%dma_wait3A_774 : memref<100000xf32, #tpu.memory_space<hbm>>) dst(%dma_wait3A_769 : memref<128xf32, #tpu.memory_space<vmem>>)
    %dma_wait3A_775 = arith.constant 0 : i32
    %dma_wait3A_776 = arith.constant 0 : i32
    %dma_wait3A_777 = arith.constant 0 : i32
    %dma_wait3A_778 = tpu.memref_slice %arg13[%dma_wait3A_776, %dma_wait3A_777] : memref<26x128xf32, #tpu.memory_space<vmem>> -> memref<1x128xf32, #tpu.memory_space<vmem>>
    %dma_wait3A_779 = tpu.memref_squeeze %dma_wait3A_778 : memref<1x128xf32, #tpu.memory_space<vmem>> -> memref<128xf32, #tpu.memory_space<vmem>>
    %dma_wait3A_780 = arith.constant 0 : i32
    %dma_wait3A_781 = tpu.memref_slice %arg10[%dma_wait3A_775, %dma_wait3A_780] : memref<26x128xi32, #tpu.memory_space<vmem>> -> memref<1x128xi32, #tpu.memory_space<vmem>>
    %dma_wait3A_782 = tpu.memref_squeeze %dma_wait3A_781 : memref<1x128xi32, #tpu.memory_space<vmem>> -> memref<128xi32, #tpu.memory_space<vmem>>
    %dma_wait3A_783 = arith.constant 0 : i32
    %dma_wait3A_784 = tpu.memref_slice %arg5[%dma_wait3A_783] : memref<100000xf32, #tpu.memory_space<hbm>> -> memref<100000xf32, #tpu.memory_space<hbm>>
    tpu.wait_indirect_dma semaphore(%arg17 : memref<!tpu.dma_semaphore, #tpu.memory_space<semaphore_mem>>) src(%dma_wait3A_784 : memref<100000xf32, #tpu.memory_space<hbm>>) dst(%dma_wait3A_779 : memref<128xf32, #tpu.memory_space<vmem>>)
    %dma_wait3A_785 = arith.constant 0 : i32
    %dma_wait3A_786 = arith.constant 0 : i32
    %dma_wait3A_787 = arith.constant 0 : i32
    %dma_wait3A_788 = tpu.memref_slice %arg13[%dma_wait3A_786, %dma_wait3A_787] : memref<26x128xf32, #tpu.memory_space<vmem>> -> memref<1x128xf32, #tpu.memory_space<vmem>>
    %dma_wait3A_789 = tpu.memref_squeeze %dma_wait3A_788 : memref<1x128xf32, #tpu.memory_space<vmem>> -> memref<128xf32, #tpu.memory_space<vmem>>
    %dma_wait3A_790 = arith.constant 0 : i32
    %dma_wait3A_791 = tpu.memref_slice %arg10[%dma_wait3A_785, %dma_wait3A_790] : memref<26x128xi32, #tpu.memory_space<vmem>> -> memref<1x128xi32, #tpu.memory_space<vmem>>
    %dma_wait3A_792 = tpu.memref_squeeze %dma_wait3A_791 : memref<1x128xi32, #tpu.memory_space<vmem>> -> memref<128xi32, #tpu.memory_space<vmem>>
    %dma_wait3A_793 = arith.constant 0 : i32
    %dma_wait3A_794 = tpu.memref_slice %arg5[%dma_wait3A_793] : memref<100000xf32, #tpu.memory_space<hbm>> -> memref<100000xf32, #tpu.memory_space<hbm>>
    tpu.wait_indirect_dma semaphore(%arg17 : memref<!tpu.dma_semaphore, #tpu.memory_space<semaphore_mem>>) src(%dma_wait3A_794 : memref<100000xf32, #tpu.memory_space<hbm>>) dst(%dma_wait3A_789 : memref<128xf32, #tpu.memory_space<vmem>>)
    %dma_start3A_795 = arith.constant 13 : i32
    %dma_start3A_796 = arith.constant 13 : i32
    %dma_start3A_797 = arith.constant 0 : i32
    %dma_start3A_798 = tpu.memref_slice %arg13[%dma_start3A_796, %dma_start3A_797] : memref<26x128xf32, #tpu.memory_space<vmem>> -> memref<1x128xf32, #tpu.memory_space<vmem>>
    %dma_start3A_799 = tpu.memref_squeeze %dma_start3A_798 : memref<1x128xf32, #tpu.memory_space<vmem>> -> memref<128xf32, #tpu.memory_space<vmem>>
    %dma_start3A_800 = arith.constant 0 : i32
    %dma_start3A_801 = tpu.memref_slice %arg10[%dma_start3A_795, %dma_start3A_800] : memref<26x128xi32, #tpu.memory_space<vmem>> -> memref<1x128xi32, #tpu.memory_space<vmem>>
    %dma_start3A_802 = tpu.memref_squeeze %dma_start3A_801 : memref<1x128xi32, #tpu.memory_space<vmem>> -> memref<128xi32, #tpu.memory_space<vmem>>
    %dma_start3A_803 = arith.constant 0 : i32
    %dma_start3A_804 = tpu.memref_slice %arg5[%dma_start3A_803] : memref<100000xf32, #tpu.memory_space<hbm>> -> memref<100000xf32, #tpu.memory_space<hbm>>
    tpu.enqueue_indirect_dma source(%dma_start3A_804 : memref<100000xf32, #tpu.memory_space<hbm>>) target(%dma_start3A_799 : memref<128xf32, #tpu.memory_space<vmem>>) offsets(%dma_start3A_802 : memref<128xi32, #tpu.memory_space<vmem>>) semaphore(%arg17 : memref<!tpu.dma_semaphore, #tpu.memory_space<semaphore_mem>>)
    %dma_start3A_805 = arith.constant 14 : i32
    %dma_start3A_806 = arith.constant 14 : i32
    %dma_start3A_807 = arith.constant 0 : i32
    %dma_start3A_808 = tpu.memref_slice %arg13[%dma_start3A_806, %dma_start3A_807] : memref<26x128xf32, #tpu.memory_space<vmem>> -> memref<1x128xf32, #tpu.memory_space<vmem>>
    %dma_start3A_809 = tpu.memref_squeeze %dma_start3A_808 : memref<1x128xf32, #tpu.memory_space<vmem>> -> memref<128xf32, #tpu.memory_space<vmem>>
    %dma_start3A_810 = arith.constant 0 : i32
    %dma_start3A_811 = tpu.memref_slice %arg10[%dma_start3A_805, %dma_start3A_810] : memref<26x128xi32, #tpu.memory_space<vmem>> -> memref<1x128xi32, #tpu.memory_space<vmem>>
    %dma_start3A_812 = tpu.memref_squeeze %dma_start3A_811 : memref<1x128xi32, #tpu.memory_space<vmem>> -> memref<128xi32, #tpu.memory_space<vmem>>
    %dma_start3A_813 = arith.constant 0 : i32
    %dma_start3A_814 = tpu.memref_slice %arg5[%dma_start3A_813] : memref<100000xf32, #tpu.memory_space<hbm>> -> memref<100000xf32, #tpu.memory_space<hbm>>
    tpu.enqueue_indirect_dma source(%dma_start3A_814 : memref<100000xf32, #tpu.memory_space<hbm>>) target(%dma_start3A_809 : memref<128xf32, #tpu.memory_space<vmem>>) offsets(%dma_start3A_812 : memref<128xi32, #tpu.memory_space<vmem>>) semaphore(%arg17 : memref<!tpu.dma_semaphore, #tpu.memory_space<semaphore_mem>>)
    %dma_start3A_815 = arith.constant 15 : i32
    %dma_start3A_816 = arith.constant 15 : i32
    %dma_start3A_817 = arith.constant 0 : i32
    %dma_start3A_818 = tpu.memref_slice %arg13[%dma_start3A_816, %dma_start3A_817] : memref<26x128xf32, #tpu.memory_space<vmem>> -> memref<1x128xf32, #tpu.memory_space<vmem>>
    %dma_start3A_819 = tpu.memref_squeeze %dma_start3A_818 : memref<1x128xf32, #tpu.memory_space<vmem>> -> memref<128xf32, #tpu.memory_space<vmem>>
    %dma_start3A_820 = arith.constant 0 : i32
    %dma_start3A_821 = tpu.memref_slice %arg10[%dma_start3A_815, %dma_start3A_820] : memref<26x128xi32, #tpu.memory_space<vmem>> -> memref<1x128xi32, #tpu.memory_space<vmem>>
    %dma_start3A_822 = tpu.memref_squeeze %dma_start3A_821 : memref<1x128xi32, #tpu.memory_space<vmem>> -> memref<128xi32, #tpu.memory_space<vmem>>
    %dma_start3A_823 = arith.constant 0 : i32
    %dma_start3A_824 = tpu.memref_slice %arg5[%dma_start3A_823] : memref<100000xf32, #tpu.memory_space<hbm>> -> memref<100000xf32, #tpu.memory_space<hbm>>
    tpu.enqueue_indirect_dma source(%dma_start3A_824 : memref<100000xf32, #tpu.memory_space<hbm>>) target(%dma_start3A_819 : memref<128xf32, #tpu.memory_space<vmem>>) offsets(%dma_start3A_822 : memref<128xi32, #tpu.memory_space<vmem>>) semaphore(%arg17 : memref<!tpu.dma_semaphore, #tpu.memory_space<semaphore_mem>>)
    %dma_start3A_825 = arith.constant 16 : i32
    %dma_start3A_826 = arith.constant 16 : i32
    %dma_start3A_827 = arith.constant 0 : i32
    %dma_start3A_828 = tpu.memref_slice %arg13[%dma_start3A_826, %dma_start3A_827] : memref<26x128xf32, #tpu.memory_space<vmem>> -> memref<1x128xf32, #tpu.memory_space<vmem>>
    %dma_start3A_829 = tpu.memref_squeeze %dma_start3A_828 : memref<1x128xf32, #tpu.memory_space<vmem>> -> memref<128xf32, #tpu.memory_space<vmem>>
    %dma_start3A_830 = arith.constant 0 : i32
    %dma_start3A_831 = tpu.memref_slice %arg10[%dma_start3A_825, %dma_start3A_830] : memref<26x128xi32, #tpu.memory_space<vmem>> -> memref<1x128xi32, #tpu.memory_space<vmem>>
    %dma_start3A_832 = tpu.memref_squeeze %dma_start3A_831 : memref<1x128xi32, #tpu.memory_space<vmem>> -> memref<128xi32, #tpu.memory_space<vmem>>
    %dma_start3A_833 = arith.constant 0 : i32
    %dma_start3A_834 = tpu.memref_slice %arg5[%dma_start3A_833] : memref<100000xf32, #tpu.memory_space<hbm>> -> memref<100000xf32, #tpu.memory_space<hbm>>
    tpu.enqueue_indirect_dma source(%dma_start3A_834 : memref<100000xf32, #tpu.memory_space<hbm>>) target(%dma_start3A_829 : memref<128xf32, #tpu.memory_space<vmem>>) offsets(%dma_start3A_832 : memref<128xi32, #tpu.memory_space<vmem>>) semaphore(%arg17 : memref<!tpu.dma_semaphore, #tpu.memory_space<semaphore_mem>>)
    %dma_start3A_835 = arith.constant 17 : i32
    %dma_start3A_836 = arith.constant 17 : i32
    %dma_start3A_837 = arith.constant 0 : i32
    %dma_start3A_838 = tpu.memref_slice %arg13[%dma_start3A_836, %dma_start3A_837] : memref<26x128xf32, #tpu.memory_space<vmem>> -> memref<1x128xf32, #tpu.memory_space<vmem>>
    %dma_start3A_839 = tpu.memref_squeeze %dma_start3A_838 : memref<1x128xf32, #tpu.memory_space<vmem>> -> memref<128xf32, #tpu.memory_space<vmem>>
    %dma_start3A_840 = arith.constant 0 : i32
    %dma_start3A_841 = tpu.memref_slice %arg10[%dma_start3A_835, %dma_start3A_840] : memref<26x128xi32, #tpu.memory_space<vmem>> -> memref<1x128xi32, #tpu.memory_space<vmem>>
    %dma_start3A_842 = tpu.memref_squeeze %dma_start3A_841 : memref<1x128xi32, #tpu.memory_space<vmem>> -> memref<128xi32, #tpu.memory_space<vmem>>
    %dma_start3A_843 = arith.constant 0 : i32
    %dma_start3A_844 = tpu.memref_slice %arg5[%dma_start3A_843] : memref<100000xf32, #tpu.memory_space<hbm>> -> memref<100000xf32, #tpu.memory_space<hbm>>
    tpu.enqueue_indirect_dma source(%dma_start3A_844 : memref<100000xf32, #tpu.memory_space<hbm>>) target(%dma_start3A_839 : memref<128xf32, #tpu.memory_space<vmem>>) offsets(%dma_start3A_842 : memref<128xi32, #tpu.memory_space<vmem>>) semaphore(%arg17 : memref<!tpu.dma_semaphore, #tpu.memory_space<semaphore_mem>>)
    %dma_start3A_845 = arith.constant 18 : i32
    %dma_start3A_846 = arith.constant 18 : i32
    %dma_start3A_847 = arith.constant 0 : i32
    %dma_start3A_848 = tpu.memref_slice %arg13[%dma_start3A_846, %dma_start3A_847] : memref<26x128xf32, #tpu.memory_space<vmem>> -> memref<1x128xf32, #tpu.memory_space<vmem>>
    %dma_start3A_849 = tpu.memref_squeeze %dma_start3A_848 : memref<1x128xf32, #tpu.memory_space<vmem>> -> memref<128xf32, #tpu.memory_space<vmem>>
    %dma_start3A_850 = arith.constant 0 : i32
    %dma_start3A_851 = tpu.memref_slice %arg10[%dma_start3A_845, %dma_start3A_850] : memref<26x128xi32, #tpu.memory_space<vmem>> -> memref<1x128xi32, #tpu.memory_space<vmem>>
    %dma_start3A_852 = tpu.memref_squeeze %dma_start3A_851 : memref<1x128xi32, #tpu.memory_space<vmem>> -> memref<128xi32, #tpu.memory_space<vmem>>
    %dma_start3A_853 = arith.constant 0 : i32
    %dma_start3A_854 = tpu.memref_slice %arg5[%dma_start3A_853] : memref<100000xf32, #tpu.memory_space<hbm>> -> memref<100000xf32, #tpu.memory_space<hbm>>
    tpu.enqueue_indirect_dma source(%dma_start3A_854 : memref<100000xf32, #tpu.memory_space<hbm>>) target(%dma_start3A_849 : memref<128xf32, #tpu.memory_space<vmem>>) offsets(%dma_start3A_852 : memref<128xi32, #tpu.memory_space<vmem>>) semaphore(%arg17 : memref<!tpu.dma_semaphore, #tpu.memory_space<semaphore_mem>>)
    %dma_start3A_855 = arith.constant 19 : i32
    %dma_start3A_856 = arith.constant 19 : i32
    %dma_start3A_857 = arith.constant 0 : i32
    %dma_start3A_858 = tpu.memref_slice %arg13[%dma_start3A_856, %dma_start3A_857] : memref<26x128xf32, #tpu.memory_space<vmem>> -> memref<1x128xf32, #tpu.memory_space<vmem>>
    %dma_start3A_859 = tpu.memref_squeeze %dma_start3A_858 : memref<1x128xf32, #tpu.memory_space<vmem>> -> memref<128xf32, #tpu.memory_space<vmem>>
    %dma_start3A_860 = arith.constant 0 : i32
    %dma_start3A_861 = tpu.memref_slice %arg10[%dma_start3A_855, %dma_start3A_860] : memref<26x128xi32, #tpu.memory_space<vmem>> -> memref<1x128xi32, #tpu.memory_space<vmem>>
    %dma_start3A_862 = tpu.memref_squeeze %dma_start3A_861 : memref<1x128xi32, #tpu.memory_space<vmem>> -> memref<128xi32, #tpu.memory_space<vmem>>
    %dma_start3A_863 = arith.constant 0 : i32
    %dma_start3A_864 = tpu.memref_slice %arg5[%dma_start3A_863] : memref<100000xf32, #tpu.memory_space<hbm>> -> memref<100000xf32, #tpu.memory_space<hbm>>
    tpu.enqueue_indirect_dma source(%dma_start3A_864 : memref<100000xf32, #tpu.memory_space<hbm>>) target(%dma_start3A_859 : memref<128xf32, #tpu.memory_space<vmem>>) offsets(%dma_start3A_862 : memref<128xi32, #tpu.memory_space<vmem>>) semaphore(%arg17 : memref<!tpu.dma_semaphore, #tpu.memory_space<semaphore_mem>>)
    %dma_start3A_865 = arith.constant 20 : i32
    %dma_start3A_866 = arith.constant 20 : i32
    %dma_start3A_867 = arith.constant 0 : i32
    %dma_start3A_868 = tpu.memref_slice %arg13[%dma_start3A_866, %dma_start3A_867] : memref<26x128xf32, #tpu.memory_space<vmem>> -> memref<1x128xf32, #tpu.memory_space<vmem>>
    %dma_start3A_869 = tpu.memref_squeeze %dma_start3A_868 : memref<1x128xf32, #tpu.memory_space<vmem>> -> memref<128xf32, #tpu.memory_space<vmem>>
    %dma_start3A_870 = arith.constant 0 : i32
    %dma_start3A_871 = tpu.memref_slice %arg10[%dma_start3A_865, %dma_start3A_870] : memref<26x128xi32, #tpu.memory_space<vmem>> -> memref<1x128xi32, #tpu.memory_space<vmem>>
    %dma_start3A_872 = tpu.memref_squeeze %dma_start3A_871 : memref<1x128xi32, #tpu.memory_space<vmem>> -> memref<128xi32, #tpu.memory_space<vmem>>
    %dma_start3A_873 = arith.constant 0 : i32
    %dma_start3A_874 = tpu.memref_slice %arg5[%dma_start3A_873] : memref<100000xf32, #tpu.memory_space<hbm>> -> memref<100000xf32, #tpu.memory_space<hbm>>
    tpu.enqueue_indirect_dma source(%dma_start3A_874 : memref<100000xf32, #tpu.memory_space<hbm>>) target(%dma_start3A_869 : memref<128xf32, #tpu.memory_space<vmem>>) offsets(%dma_start3A_872 : memref<128xi32, #tpu.memory_space<vmem>>) semaphore(%arg17 : memref<!tpu.dma_semaphore, #tpu.memory_space<semaphore_mem>>)
    %dma_start3A_875 = arith.constant 21 : i32
    %dma_start3A_876 = arith.constant 21 : i32
    %dma_start3A_877 = arith.constant 0 : i32
    %dma_start3A_878 = tpu.memref_slice %arg13[%dma_start3A_876, %dma_start3A_877] : memref<26x128xf32, #tpu.memory_space<vmem>> -> memref<1x128xf32, #tpu.memory_space<vmem>>
    %dma_start3A_879 = tpu.memref_squeeze %dma_start3A_878 : memref<1x128xf32, #tpu.memory_space<vmem>> -> memref<128xf32, #tpu.memory_space<vmem>>
    %dma_start3A_880 = arith.constant 0 : i32
    %dma_start3A_881 = tpu.memref_slice %arg10[%dma_start3A_875, %dma_start3A_880] : memref<26x128xi32, #tpu.memory_space<vmem>> -> memref<1x128xi32, #tpu.memory_space<vmem>>
    %dma_start3A_882 = tpu.memref_squeeze %dma_start3A_881 : memref<1x128xi32, #tpu.memory_space<vmem>> -> memref<128xi32, #tpu.memory_space<vmem>>
    %dma_start3A_883 = arith.constant 0 : i32
    %dma_start3A_884 = tpu.memref_slice %arg5[%dma_start3A_883] : memref<100000xf32, #tpu.memory_space<hbm>> -> memref<100000xf32, #tpu.memory_space<hbm>>
    tpu.enqueue_indirect_dma source(%dma_start3A_884 : memref<100000xf32, #tpu.memory_space<hbm>>) target(%dma_start3A_879 : memref<128xf32, #tpu.memory_space<vmem>>) offsets(%dma_start3A_882 : memref<128xi32, #tpu.memory_space<vmem>>) semaphore(%arg17 : memref<!tpu.dma_semaphore, #tpu.memory_space<semaphore_mem>>)
    %dma_start3A_885 = arith.constant 22 : i32
    %dma_start3A_886 = arith.constant 22 : i32
    %dma_start3A_887 = arith.constant 0 : i32
    %dma_start3A_888 = tpu.memref_slice %arg13[%dma_start3A_886, %dma_start3A_887] : memref<26x128xf32, #tpu.memory_space<vmem>> -> memref<1x128xf32, #tpu.memory_space<vmem>>
    %dma_start3A_889 = tpu.memref_squeeze %dma_start3A_888 : memref<1x128xf32, #tpu.memory_space<vmem>> -> memref<128xf32, #tpu.memory_space<vmem>>
    %dma_start3A_890 = arith.constant 0 : i32
    %dma_start3A_891 = tpu.memref_slice %arg10[%dma_start3A_885, %dma_start3A_890] : memref<26x128xi32, #tpu.memory_space<vmem>> -> memref<1x128xi32, #tpu.memory_space<vmem>>
    %dma_start3A_892 = tpu.memref_squeeze %dma_start3A_891 : memref<1x128xi32, #tpu.memory_space<vmem>> -> memref<128xi32, #tpu.memory_space<vmem>>
    %dma_start3A_893 = arith.constant 0 : i32
    %dma_start3A_894 = tpu.memref_slice %arg5[%dma_start3A_893] : memref<100000xf32, #tpu.memory_space<hbm>> -> memref<100000xf32, #tpu.memory_space<hbm>>
    tpu.enqueue_indirect_dma source(%dma_start3A_894 : memref<100000xf32, #tpu.memory_space<hbm>>) target(%dma_start3A_889 : memref<128xf32, #tpu.memory_space<vmem>>) offsets(%dma_start3A_892 : memref<128xi32, #tpu.memory_space<vmem>>) semaphore(%arg17 : memref<!tpu.dma_semaphore, #tpu.memory_space<semaphore_mem>>)
    %dma_start3A_895 = arith.constant 23 : i32
    %dma_start3A_896 = arith.constant 23 : i32
    %dma_start3A_897 = arith.constant 0 : i32
    %dma_start3A_898 = tpu.memref_slice %arg13[%dma_start3A_896, %dma_start3A_897] : memref<26x128xf32, #tpu.memory_space<vmem>> -> memref<1x128xf32, #tpu.memory_space<vmem>>
    %dma_start3A_899 = tpu.memref_squeeze %dma_start3A_898 : memref<1x128xf32, #tpu.memory_space<vmem>> -> memref<128xf32, #tpu.memory_space<vmem>>
    %dma_start3A_900 = arith.constant 0 : i32
    %dma_start3A_901 = tpu.memref_slice %arg10[%dma_start3A_895, %dma_start3A_900] : memref<26x128xi32, #tpu.memory_space<vmem>> -> memref<1x128xi32, #tpu.memory_space<vmem>>
    %dma_start3A_902 = tpu.memref_squeeze %dma_start3A_901 : memref<1x128xi32, #tpu.memory_space<vmem>> -> memref<128xi32, #tpu.memory_space<vmem>>
    %dma_start3A_903 = arith.constant 0 : i32
    %dma_start3A_904 = tpu.memref_slice %arg5[%dma_start3A_903] : memref<100000xf32, #tpu.memory_space<hbm>> -> memref<100000xf32, #tpu.memory_space<hbm>>
    tpu.enqueue_indirect_dma source(%dma_start3A_904 : memref<100000xf32, #tpu.memory_space<hbm>>) target(%dma_start3A_899 : memref<128xf32, #tpu.memory_space<vmem>>) offsets(%dma_start3A_902 : memref<128xi32, #tpu.memory_space<vmem>>) semaphore(%arg17 : memref<!tpu.dma_semaphore, #tpu.memory_space<semaphore_mem>>)
    %dma_start3A_905 = arith.constant 24 : i32
    %dma_start3A_906 = arith.constant 24 : i32
    %dma_start3A_907 = arith.constant 0 : i32
    %dma_start3A_908 = tpu.memref_slice %arg13[%dma_start3A_906, %dma_start3A_907] : memref<26x128xf32, #tpu.memory_space<vmem>> -> memref<1x128xf32, #tpu.memory_space<vmem>>
    %dma_start3A_909 = tpu.memref_squeeze %dma_start3A_908 : memref<1x128xf32, #tpu.memory_space<vmem>> -> memref<128xf32, #tpu.memory_space<vmem>>
    %dma_start3A_910 = arith.constant 0 : i32
    %dma_start3A_911 = tpu.memref_slice %arg10[%dma_start3A_905, %dma_start3A_910] : memref<26x128xi32, #tpu.memory_space<vmem>> -> memref<1x128xi32, #tpu.memory_space<vmem>>
    %dma_start3A_912 = tpu.memref_squeeze %dma_start3A_911 : memref<1x128xi32, #tpu.memory_space<vmem>> -> memref<128xi32, #tpu.memory_space<vmem>>
    %dma_start3A_913 = arith.constant 0 : i32
    %dma_start3A_914 = tpu.memref_slice %arg5[%dma_start3A_913] : memref<100000xf32, #tpu.memory_space<hbm>> -> memref<100000xf32, #tpu.memory_space<hbm>>
    tpu.enqueue_indirect_dma source(%dma_start3A_914 : memref<100000xf32, #tpu.memory_space<hbm>>) target(%dma_start3A_909 : memref<128xf32, #tpu.memory_space<vmem>>) offsets(%dma_start3A_912 : memref<128xi32, #tpu.memory_space<vmem>>) semaphore(%arg17 : memref<!tpu.dma_semaphore, #tpu.memory_space<semaphore_mem>>)
    %dma_start3A_915 = arith.constant 25 : i32
    %dma_start3A_916 = arith.constant 25 : i32
    %dma_start3A_917 = arith.constant 0 : i32
    %dma_start3A_918 = tpu.memref_slice %arg13[%dma_start3A_916, %dma_start3A_917] : memref<26x128xf32, #tpu.memory_space<vmem>> -> memref<1x128xf32, #tpu.memory_space<vmem>>
    %dma_start3A_919 = tpu.memref_squeeze %dma_start3A_918 : memref<1x128xf32, #tpu.memory_space<vmem>> -> memref<128xf32, #tpu.memory_space<vmem>>
    %dma_start3A_920 = arith.constant 0 : i32
    %dma_start3A_921 = tpu.memref_slice %arg10[%dma_start3A_915, %dma_start3A_920] : memref<26x128xi32, #tpu.memory_space<vmem>> -> memref<1x128xi32, #tpu.memory_space<vmem>>
    %dma_start3A_922 = tpu.memref_squeeze %dma_start3A_921 : memref<1x128xi32, #tpu.memory_space<vmem>> -> memref<128xi32, #tpu.memory_space<vmem>>
    %dma_start3A_923 = arith.constant 0 : i32
    %dma_start3A_924 = tpu.memref_slice %arg5[%dma_start3A_923] : memref<100000xf32, #tpu.memory_space<hbm>> -> memref<100000xf32, #tpu.memory_space<hbm>>
    tpu.enqueue_indirect_dma source(%dma_start3A_924 : memref<100000xf32, #tpu.memory_space<hbm>>) target(%dma_start3A_919 : memref<128xf32, #tpu.memory_space<vmem>>) offsets(%dma_start3A_922 : memref<128xi32, #tpu.memory_space<vmem>>) semaphore(%arg17 : memref<!tpu.dma_semaphore, #tpu.memory_space<semaphore_mem>>)
    %dma_wait3A_925 = arith.constant 0 : i32
    %dma_wait3A_926 = arith.constant 0 : i32
    %dma_wait3A_927 = arith.constant 0 : i32
    %dma_wait3A_928 = tpu.memref_slice %arg13[%dma_wait3A_926, %dma_wait3A_927] : memref<26x128xf32, #tpu.memory_space<vmem>> -> memref<1x128xf32, #tpu.memory_space<vmem>>
    %dma_wait3A_929 = tpu.memref_squeeze %dma_wait3A_928 : memref<1x128xf32, #tpu.memory_space<vmem>> -> memref<128xf32, #tpu.memory_space<vmem>>
    %dma_wait3A_930 = arith.constant 0 : i32
    %dma_wait3A_931 = tpu.memref_slice %arg10[%dma_wait3A_925, %dma_wait3A_930] : memref<26x128xi32, #tpu.memory_space<vmem>> -> memref<1x128xi32, #tpu.memory_space<vmem>>
    %dma_wait3A_932 = tpu.memref_squeeze %dma_wait3A_931 : memref<1x128xi32, #tpu.memory_space<vmem>> -> memref<128xi32, #tpu.memory_space<vmem>>
    %dma_wait3A_933 = arith.constant 0 : i32
    %dma_wait3A_934 = tpu.memref_slice %arg5[%dma_wait3A_933] : memref<100000xf32, #tpu.memory_space<hbm>> -> memref<100000xf32, #tpu.memory_space<hbm>>
    tpu.wait_indirect_dma semaphore(%arg17 : memref<!tpu.dma_semaphore, #tpu.memory_space<semaphore_mem>>) src(%dma_wait3A_934 : memref<100000xf32, #tpu.memory_space<hbm>>) dst(%dma_wait3A_929 : memref<128xf32, #tpu.memory_space<vmem>>)
    %dma_wait3A_935 = arith.constant 0 : i32
    %dma_wait3A_936 = arith.constant 0 : i32
    %dma_wait3A_937 = arith.constant 0 : i32
    %dma_wait3A_938 = tpu.memref_slice %arg13[%dma_wait3A_936, %dma_wait3A_937] : memref<26x128xf32, #tpu.memory_space<vmem>> -> memref<1x128xf32, #tpu.memory_space<vmem>>
    %dma_wait3A_939 = tpu.memref_squeeze %dma_wait3A_938 : memref<1x128xf32, #tpu.memory_space<vmem>> -> memref<128xf32, #tpu.memory_space<vmem>>
    %dma_wait3A_940 = arith.constant 0 : i32
    %dma_wait3A_941 = tpu.memref_slice %arg10[%dma_wait3A_935, %dma_wait3A_940] : memref<26x128xi32, #tpu.memory_space<vmem>> -> memref<1x128xi32, #tpu.memory_space<vmem>>
    %dma_wait3A_942 = tpu.memref_squeeze %dma_wait3A_941 : memref<1x128xi32, #tpu.memory_space<vmem>> -> memref<128xi32, #tpu.memory_space<vmem>>
    %dma_wait3A_943 = arith.constant 0 : i32
    %dma_wait3A_944 = tpu.memref_slice %arg5[%dma_wait3A_943] : memref<100000xf32, #tpu.memory_space<hbm>> -> memref<100000xf32, #tpu.memory_space<hbm>>
    tpu.wait_indirect_dma semaphore(%arg17 : memref<!tpu.dma_semaphore, #tpu.memory_space<semaphore_mem>>) src(%dma_wait3A_944 : memref<100000xf32, #tpu.memory_space<hbm>>) dst(%dma_wait3A_939 : memref<128xf32, #tpu.memory_space<vmem>>)
    %dma_wait3A_945 = arith.constant 0 : i32
    %dma_wait3A_946 = arith.constant 0 : i32
    %dma_wait3A_947 = arith.constant 0 : i32
    %dma_wait3A_948 = tpu.memref_slice %arg13[%dma_wait3A_946, %dma_wait3A_947] : memref<26x128xf32, #tpu.memory_space<vmem>> -> memref<1x128xf32, #tpu.memory_space<vmem>>
    %dma_wait3A_949 = tpu.memref_squeeze %dma_wait3A_948 : memref<1x128xf32, #tpu.memory_space<vmem>> -> memref<128xf32, #tpu.memory_space<vmem>>
    %dma_wait3A_950 = arith.constant 0 : i32
    %dma_wait3A_951 = tpu.memref_slice %arg10[%dma_wait3A_945, %dma_wait3A_950] : memref<26x128xi32, #tpu.memory_space<vmem>> -> memref<1x128xi32, #tpu.memory_space<vmem>>
    %dma_wait3A_952 = tpu.memref_squeeze %dma_wait3A_951 : memref<1x128xi32, #tpu.memory_space<vmem>> -> memref<128xi32, #tpu.memory_space<vmem>>
    %dma_wait3A_953 = arith.constant 0 : i32
    %dma_wait3A_954 = tpu.memref_slice %arg5[%dma_wait3A_953] : memref<100000xf32, #tpu.memory_space<hbm>> -> memref<100000xf32, #tpu.memory_space<hbm>>
    tpu.wait_indirect_dma semaphore(%arg17 : memref<!tpu.dma_semaphore, #tpu.memory_space<semaphore_mem>>) src(%dma_wait3A_954 : memref<100000xf32, #tpu.memory_space<hbm>>) dst(%dma_wait3A_949 : memref<128xf32, #tpu.memory_space<vmem>>)
    %dma_wait3A_955 = arith.constant 0 : i32
    %dma_wait3A_956 = arith.constant 0 : i32
    %dma_wait3A_957 = arith.constant 0 : i32
    %dma_wait3A_958 = tpu.memref_slice %arg13[%dma_wait3A_956, %dma_wait3A_957] : memref<26x128xf32, #tpu.memory_space<vmem>> -> memref<1x128xf32, #tpu.memory_space<vmem>>
    %dma_wait3A_959 = tpu.memref_squeeze %dma_wait3A_958 : memref<1x128xf32, #tpu.memory_space<vmem>> -> memref<128xf32, #tpu.memory_space<vmem>>
    %dma_wait3A_960 = arith.constant 0 : i32
    %dma_wait3A_961 = tpu.memref_slice %arg10[%dma_wait3A_955, %dma_wait3A_960] : memref<26x128xi32, #tpu.memory_space<vmem>> -> memref<1x128xi32, #tpu.memory_space<vmem>>
    %dma_wait3A_962 = tpu.memref_squeeze %dma_wait3A_961 : memref<1x128xi32, #tpu.memory_space<vmem>> -> memref<128xi32, #tpu.memory_space<vmem>>
    %dma_wait3A_963 = arith.constant 0 : i32
    %dma_wait3A_964 = tpu.memref_slice %arg5[%dma_wait3A_963] : memref<100000xf32, #tpu.memory_space<hbm>> -> memref<100000xf32, #tpu.memory_space<hbm>>
    tpu.wait_indirect_dma semaphore(%arg17 : memref<!tpu.dma_semaphore, #tpu.memory_space<semaphore_mem>>) src(%dma_wait3A_964 : memref<100000xf32, #tpu.memory_space<hbm>>) dst(%dma_wait3A_959 : memref<128xf32, #tpu.memory_space<vmem>>)
    %dma_wait3A_965 = arith.constant 0 : i32
    %dma_wait3A_966 = arith.constant 0 : i32
    %dma_wait3A_967 = arith.constant 0 : i32
    %dma_wait3A_968 = tpu.memref_slice %arg13[%dma_wait3A_966, %dma_wait3A_967] : memref<26x128xf32, #tpu.memory_space<vmem>> -> memref<1x128xf32, #tpu.memory_space<vmem>>
    %dma_wait3A_969 = tpu.memref_squeeze %dma_wait3A_968 : memref<1x128xf32, #tpu.memory_space<vmem>> -> memref<128xf32, #tpu.memory_space<vmem>>
    %dma_wait3A_970 = arith.constant 0 : i32
    %dma_wait3A_971 = tpu.memref_slice %arg10[%dma_wait3A_965, %dma_wait3A_970] : memref<26x128xi32, #tpu.memory_space<vmem>> -> memref<1x128xi32, #tpu.memory_space<vmem>>
    %dma_wait3A_972 = tpu.memref_squeeze %dma_wait3A_971 : memref<1x128xi32, #tpu.memory_space<vmem>> -> memref<128xi32, #tpu.memory_space<vmem>>
    %dma_wait3A_973 = arith.constant 0 : i32
    %dma_wait3A_974 = tpu.memref_slice %arg5[%dma_wait3A_973] : memref<100000xf32, #tpu.memory_space<hbm>> -> memref<100000xf32, #tpu.memory_space<hbm>>
    tpu.wait_indirect_dma semaphore(%arg17 : memref<!tpu.dma_semaphore, #tpu.memory_space<semaphore_mem>>) src(%dma_wait3A_974 : memref<100000xf32, #tpu.memory_space<hbm>>) dst(%dma_wait3A_969 : memref<128xf32, #tpu.memory_space<vmem>>)
    %dma_wait3A_975 = arith.constant 0 : i32
    %dma_wait3A_976 = arith.constant 0 : i32
    %dma_wait3A_977 = arith.constant 0 : i32
    %dma_wait3A_978 = tpu.memref_slice %arg13[%dma_wait3A_976, %dma_wait3A_977] : memref<26x128xf32, #tpu.memory_space<vmem>> -> memref<1x128xf32, #tpu.memory_space<vmem>>
    %dma_wait3A_979 = tpu.memref_squeeze %dma_wait3A_978 : memref<1x128xf32, #tpu.memory_space<vmem>> -> memref<128xf32, #tpu.memory_space<vmem>>
    %dma_wait3A_980 = arith.constant 0 : i32
    %dma_wait3A_981 = tpu.memref_slice %arg10[%dma_wait3A_975, %dma_wait3A_980] : memref<26x128xi32, #tpu.memory_space<vmem>> -> memref<1x128xi32, #tpu.memory_space<vmem>>
    %dma_wait3A_982 = tpu.memref_squeeze %dma_wait3A_981 : memref<1x128xi32, #tpu.memory_space<vmem>> -> memref<128xi32, #tpu.memory_space<vmem>>
    %dma_wait3A_983 = arith.constant 0 : i32
    %dma_wait3A_984 = tpu.memref_slice %arg5[%dma_wait3A_983] : memref<100000xf32, #tpu.memory_space<hbm>> -> memref<100000xf32, #tpu.memory_space<hbm>>
    tpu.wait_indirect_dma semaphore(%arg17 : memref<!tpu.dma_semaphore, #tpu.memory_space<semaphore_mem>>) src(%dma_wait3A_984 : memref<100000xf32, #tpu.memory_space<hbm>>) dst(%dma_wait3A_979 : memref<128xf32, #tpu.memory_space<vmem>>)
    %dma_wait3A_985 = arith.constant 0 : i32
    %dma_wait3A_986 = arith.constant 0 : i32
    %dma_wait3A_987 = arith.constant 0 : i32
    %dma_wait3A_988 = tpu.memref_slice %arg13[%dma_wait3A_986, %dma_wait3A_987] : memref<26x128xf32, #tpu.memory_space<vmem>> -> memref<1x128xf32, #tpu.memory_space<vmem>>
    %dma_wait3A_989 = tpu.memref_squeeze %dma_wait3A_988 : memref<1x128xf32, #tpu.memory_space<vmem>> -> memref<128xf32, #tpu.memory_space<vmem>>
    %dma_wait3A_990 = arith.constant 0 : i32
    %dma_wait3A_991 = tpu.memref_slice %arg10[%dma_wait3A_985, %dma_wait3A_990] : memref<26x128xi32, #tpu.memory_space<vmem>> -> memref<1x128xi32, #tpu.memory_space<vmem>>
    %dma_wait3A_992 = tpu.memref_squeeze %dma_wait3A_991 : memref<1x128xi32, #tpu.memory_space<vmem>> -> memref<128xi32, #tpu.memory_space<vmem>>
    %dma_wait3A_993 = arith.constant 0 : i32
    %dma_wait3A_994 = tpu.memref_slice %arg5[%dma_wait3A_993] : memref<100000xf32, #tpu.memory_space<hbm>> -> memref<100000xf32, #tpu.memory_space<hbm>>
    tpu.wait_indirect_dma semaphore(%arg17 : memref<!tpu.dma_semaphore, #tpu.memory_space<semaphore_mem>>) src(%dma_wait3A_994 : memref<100000xf32, #tpu.memory_space<hbm>>) dst(%dma_wait3A_989 : memref<128xf32, #tpu.memory_space<vmem>>)
    %dma_wait3A_995 = arith.constant 0 : i32
    %dma_wait3A_996 = arith.constant 0 : i32
    %dma_wait3A_997 = arith.constant 0 : i32
    %dma_wait3A_998 = tpu.memref_slice %arg13[%dma_wait3A_996, %dma_wait3A_997] : memref<26x128xf32, #tpu.memory_space<vmem>> -> memref<1x128xf32, #tpu.memory_space<vmem>>
    %dma_wait3A_999 = tpu.memref_squeeze %dma_wait3A_998 : memref<1x128xf32, #tpu.memory_space<vmem>> -> memref<128xf32, #tpu.memory_space<vmem>>
    %dma_wait3A_1000 = arith.constant 0 : i32
    %dma_wait3A_1001 = tpu.memref_slice %arg10[%dma_wait3A_995, %dma_wait3A_1000] : memref<26x128xi32, #tpu.memory_space<vmem>> -> memref<1x128xi32, #tpu.memory_space<vmem>>
    %dma_wait3A_1002 = tpu.memref_squeeze %dma_wait3A_1001 : memref<1x128xi32, #tpu.memory_space<vmem>> -> memref<128xi32, #tpu.memory_space<vmem>>
    %dma_wait3A_1003 = arith.constant 0 : i32
    %dma_wait3A_1004 = tpu.memref_slice %arg5[%dma_wait3A_1003] : memref<100000xf32, #tpu.memory_space<hbm>> -> memref<100000xf32, #tpu.memory_space<hbm>>
    tpu.wait_indirect_dma semaphore(%arg17 : memref<!tpu.dma_semaphore, #tpu.memory_space<semaphore_mem>>) src(%dma_wait3A_1004 : memref<100000xf32, #tpu.memory_space<hbm>>) dst(%dma_wait3A_999 : memref<128xf32, #tpu.memory_space<vmem>>)
    %dma_wait3A_1005 = arith.constant 0 : i32
    %dma_wait3A_1006 = arith.constant 0 : i32
    %dma_wait3A_1007 = arith.constant 0 : i32
    %dma_wait3A_1008 = tpu.memref_slice %arg13[%dma_wait3A_1006, %dma_wait3A_1007] : memref<26x128xf32, #tpu.memory_space<vmem>> -> memref<1x128xf32, #tpu.memory_space<vmem>>
    %dma_wait3A_1009 = tpu.memref_squeeze %dma_wait3A_1008 : memref<1x128xf32, #tpu.memory_space<vmem>> -> memref<128xf32, #tpu.memory_space<vmem>>
    %dma_wait3A_1010 = arith.constant 0 : i32
    %dma_wait3A_1011 = tpu.memref_slice %arg10[%dma_wait3A_1005, %dma_wait3A_1010] : memref<26x128xi32, #tpu.memory_space<vmem>> -> memref<1x128xi32, #tpu.memory_space<vmem>>
    %dma_wait3A_1012 = tpu.memref_squeeze %dma_wait3A_1011 : memref<1x128xi32, #tpu.memory_space<vmem>> -> memref<128xi32, #tpu.memory_space<vmem>>
    %dma_wait3A_1013 = arith.constant 0 : i32
    %dma_wait3A_1014 = tpu.memref_slice %arg5[%dma_wait3A_1013] : memref<100000xf32, #tpu.memory_space<hbm>> -> memref<100000xf32, #tpu.memory_space<hbm>>
    tpu.wait_indirect_dma semaphore(%arg17 : memref<!tpu.dma_semaphore, #tpu.memory_space<semaphore_mem>>) src(%dma_wait3A_1014 : memref<100000xf32, #tpu.memory_space<hbm>>) dst(%dma_wait3A_1009 : memref<128xf32, #tpu.memory_space<vmem>>)
    %dma_wait3A_1015 = arith.constant 0 : i32
    %dma_wait3A_1016 = arith.constant 0 : i32
    %dma_wait3A_1017 = arith.constant 0 : i32
    %dma_wait3A_1018 = tpu.memref_slice %arg13[%dma_wait3A_1016, %dma_wait3A_1017] : memref<26x128xf32, #tpu.memory_space<vmem>> -> memref<1x128xf32, #tpu.memory_space<vmem>>
    %dma_wait3A_1019 = tpu.memref_squeeze %dma_wait3A_1018 : memref<1x128xf32, #tpu.memory_space<vmem>> -> memref<128xf32, #tpu.memory_space<vmem>>
    %dma_wait3A_1020 = arith.constant 0 : i32
    %dma_wait3A_1021 = tpu.memref_slice %arg10[%dma_wait3A_1015, %dma_wait3A_1020] : memref<26x128xi32, #tpu.memory_space<vmem>> -> memref<1x128xi32, #tpu.memory_space<vmem>>
    %dma_wait3A_1022 = tpu.memref_squeeze %dma_wait3A_1021 : memref<1x128xi32, #tpu.memory_space<vmem>> -> memref<128xi32, #tpu.memory_space<vmem>>
    %dma_wait3A_1023 = arith.constant 0 : i32
    %dma_wait3A_1024 = tpu.memref_slice %arg5[%dma_wait3A_1023] : memref<100000xf32, #tpu.memory_space<hbm>> -> memref<100000xf32, #tpu.memory_space<hbm>>
    tpu.wait_indirect_dma semaphore(%arg17 : memref<!tpu.dma_semaphore, #tpu.memory_space<semaphore_mem>>) src(%dma_wait3A_1024 : memref<100000xf32, #tpu.memory_space<hbm>>) dst(%dma_wait3A_1019 : memref<128xf32, #tpu.memory_space<vmem>>)
    %dma_wait3A_1025 = arith.constant 0 : i32
    %dma_wait3A_1026 = arith.constant 0 : i32
    %dma_wait3A_1027 = arith.constant 0 : i32
    %dma_wait3A_1028 = tpu.memref_slice %arg13[%dma_wait3A_1026, %dma_wait3A_1027] : memref<26x128xf32, #tpu.memory_space<vmem>> -> memref<1x128xf32, #tpu.memory_space<vmem>>
    %dma_wait3A_1029 = tpu.memref_squeeze %dma_wait3A_1028 : memref<1x128xf32, #tpu.memory_space<vmem>> -> memref<128xf32, #tpu.memory_space<vmem>>
    %dma_wait3A_1030 = arith.constant 0 : i32
    %dma_wait3A_1031 = tpu.memref_slice %arg10[%dma_wait3A_1025, %dma_wait3A_1030] : memref<26x128xi32, #tpu.memory_space<vmem>> -> memref<1x128xi32, #tpu.memory_space<vmem>>
    %dma_wait3A_1032 = tpu.memref_squeeze %dma_wait3A_1031 : memref<1x128xi32, #tpu.memory_space<vmem>> -> memref<128xi32, #tpu.memory_space<vmem>>
    %dma_wait3A_1033 = arith.constant 0 : i32
    %dma_wait3A_1034 = tpu.memref_slice %arg5[%dma_wait3A_1033] : memref<100000xf32, #tpu.memory_space<hbm>> -> memref<100000xf32, #tpu.memory_space<hbm>>
    tpu.wait_indirect_dma semaphore(%arg17 : memref<!tpu.dma_semaphore, #tpu.memory_space<semaphore_mem>>) src(%dma_wait3A_1034 : memref<100000xf32, #tpu.memory_space<hbm>>) dst(%dma_wait3A_1029 : memref<128xf32, #tpu.memory_space<vmem>>)
    %dma_wait3A_1035 = arith.constant 0 : i32
    %dma_wait3A_1036 = arith.constant 0 : i32
    %dma_wait3A_1037 = arith.constant 0 : i32
    %dma_wait3A_1038 = tpu.memref_slice %arg13[%dma_wait3A_1036, %dma_wait3A_1037] : memref<26x128xf32, #tpu.memory_space<vmem>> -> memref<1x128xf32, #tpu.memory_space<vmem>>
    %dma_wait3A_1039 = tpu.memref_squeeze %dma_wait3A_1038 : memref<1x128xf32, #tpu.memory_space<vmem>> -> memref<128xf32, #tpu.memory_space<vmem>>
    %dma_wait3A_1040 = arith.constant 0 : i32
    %dma_wait3A_1041 = tpu.memref_slice %arg10[%dma_wait3A_1035, %dma_wait3A_1040] : memref<26x128xi32, #tpu.memory_space<vmem>> -> memref<1x128xi32, #tpu.memory_space<vmem>>
    %dma_wait3A_1042 = tpu.memref_squeeze %dma_wait3A_1041 : memref<1x128xi32, #tpu.memory_space<vmem>> -> memref<128xi32, #tpu.memory_space<vmem>>
    %dma_wait3A_1043 = arith.constant 0 : i32
    %dma_wait3A_1044 = tpu.memref_slice %arg5[%dma_wait3A_1043] : memref<100000xf32, #tpu.memory_space<hbm>> -> memref<100000xf32, #tpu.memory_space<hbm>>
    tpu.wait_indirect_dma semaphore(%arg17 : memref<!tpu.dma_semaphore, #tpu.memory_space<semaphore_mem>>) src(%dma_wait3A_1044 : memref<100000xf32, #tpu.memory_space<hbm>>) dst(%dma_wait3A_1039 : memref<128xf32, #tpu.memory_space<vmem>>)
    %dma_wait3A_1045 = arith.constant 0 : i32
    %dma_wait3A_1046 = arith.constant 0 : i32
    %dma_wait3A_1047 = arith.constant 0 : i32
    %dma_wait3A_1048 = tpu.memref_slice %arg13[%dma_wait3A_1046, %dma_wait3A_1047] : memref<26x128xf32, #tpu.memory_space<vmem>> -> memref<1x128xf32, #tpu.memory_space<vmem>>
    %dma_wait3A_1049 = tpu.memref_squeeze %dma_wait3A_1048 : memref<1x128xf32, #tpu.memory_space<vmem>> -> memref<128xf32, #tpu.memory_space<vmem>>
    %dma_wait3A_1050 = arith.constant 0 : i32
    %dma_wait3A_1051 = tpu.memref_slice %arg10[%dma_wait3A_1045, %dma_wait3A_1050] : memref<26x128xi32, #tpu.memory_space<vmem>> -> memref<1x128xi32, #tpu.memory_space<vmem>>
    %dma_wait3A_1052 = tpu.memref_squeeze %dma_wait3A_1051 : memref<1x128xi32, #tpu.memory_space<vmem>> -> memref<128xi32, #tpu.memory_space<vmem>>
    %dma_wait3A_1053 = arith.constant 0 : i32
    %dma_wait3A_1054 = tpu.memref_slice %arg5[%dma_wait3A_1053] : memref<100000xf32, #tpu.memory_space<hbm>> -> memref<100000xf32, #tpu.memory_space<hbm>>
    tpu.wait_indirect_dma semaphore(%arg17 : memref<!tpu.dma_semaphore, #tpu.memory_space<semaphore_mem>>) src(%dma_wait3A_1054 : memref<100000xf32, #tpu.memory_space<hbm>>) dst(%dma_wait3A_1049 : memref<128xf32, #tpu.memory_space<vmem>>)
    "tpu.region"() ({
      %run_scoped3A = tpu.sem_alloc : memref<!tpu.dma_semaphore, #tpu.memory_space<semaphore_mem>>
      %dma_start3A_1060 = arith.constant 0 : i32
      %dma_start3A_1061 = arith.constant 0 : i32
      %dma_start3A_1062 = tpu.memref_slice %arg7[%add3A, %dma_start3A_1060, %dma_start3A_1061] : memref<32x26x128xf32, #tpu.memory_space<hbm>> -> memref<1x26x128xf32, #tpu.memory_space<hbm>>
      %dma_start3A_1063 = tpu.memref_squeeze %dma_start3A_1062 : memref<1x26x128xf32, #tpu.memory_space<hbm>> -> memref<26x128xf32, #tpu.memory_space<hbm>>
      %dma_start3A_1064 = arith.constant 0 : i32
      %dma_start3A_1065 = arith.constant 0 : i32
      %dma_start3A_1066 = tpu.memref_slice %arg7[%add3A, %dma_start3A_1064, %dma_start3A_1065] : memref<32x26x128xf32, #tpu.memory_space<hbm>> -> memref<1x26x128xf32, #tpu.memory_space<hbm>>
      %dma_start3A_1067 = tpu.memref_squeeze %dma_start3A_1066 : memref<1x26x128xf32, #tpu.memory_space<hbm>> -> memref<26x128xf32, #tpu.memory_space<hbm>>
      tpu.enqueue_dma source(%arg12 : memref<26x128xf32, #tpu.memory_space<vmem>>) target(%dma_start3A_1067 : memref<26x128xf32, #tpu.memory_space<hbm>>) target_semaphore(%run_scoped3A : memref<!tpu.dma_semaphore, #tpu.memory_space<semaphore_mem>>)
      %dma_wait3A_1068 = arith.constant 0 : i32
      %dma_wait3A_1069 = arith.constant 0 : i32
      %dma_wait3A_1070 = tpu.memref_slice %arg7[%add3A, %dma_wait3A_1068, %dma_wait3A_1069] : memref<32x26x128xf32, #tpu.memory_space<hbm>> -> memref<1x26x128xf32, #tpu.memory_space<hbm>>
      %dma_wait3A_1071 = tpu.memref_squeeze %dma_wait3A_1070 : memref<1x26x128xf32, #tpu.memory_space<hbm>> -> memref<26x128xf32, #tpu.memory_space<hbm>>
      %dma_wait3A_1072 = arith.constant 0 : i32
      %dma_wait3A_1073 = arith.constant 0 : i32
      %dma_wait3A_1074 = tpu.memref_slice %arg7[%add3A, %dma_wait3A_1072, %dma_wait3A_1073] : memref<32x26x128xf32, #tpu.memory_space<hbm>> -> memref<1x26x128xf32, #tpu.memory_space<hbm>>
      %dma_wait3A_1075 = tpu.memref_squeeze %dma_wait3A_1074 : memref<1x26x128xf32, #tpu.memory_space<hbm>> -> memref<26x128xf32, #tpu.memory_space<hbm>>
      tpu.wait_dma2 semaphore(%run_scoped3A : memref<!tpu.dma_semaphore, #tpu.memory_space<semaphore_mem>>) src(%arg12 : memref<26x128xf32, #tpu.memory_space<vmem>>) dst(%dma_wait3A_1075 : memref<26x128xf32, #tpu.memory_space<hbm>>)
      tpu.yield
    }) : () -> ()
    "tpu.region"() ({
      %run_scoped3A = tpu.sem_alloc : memref<!tpu.dma_semaphore, #tpu.memory_space<semaphore_mem>>
      %dma_start3A_1060 = arith.constant 0 : i32
      %dma_start3A_1061 = arith.constant 0 : i32
      %dma_start3A_1062 = tpu.memref_slice %arg8[%add3A, %dma_start3A_1060, %dma_start3A_1061] : memref<32x26x128xf32, #tpu.memory_space<hbm>> -> memref<1x26x128xf32, #tpu.memory_space<hbm>>
      %dma_start3A_1063 = tpu.memref_squeeze %dma_start3A_1062 : memref<1x26x128xf32, #tpu.memory_space<hbm>> -> memref<26x128xf32, #tpu.memory_space<hbm>>
      %dma_start3A_1064 = arith.constant 0 : i32
      %dma_start3A_1065 = arith.constant 0 : i32
      %dma_start3A_1066 = tpu.memref_slice %arg8[%add3A, %dma_start3A_1064, %dma_start3A_1065] : memref<32x26x128xf32, #tpu.memory_space<hbm>> -> memref<1x26x128xf32, #tpu.memory_space<hbm>>
      %dma_start3A_1067 = tpu.memref_squeeze %dma_start3A_1066 : memref<1x26x128xf32, #tpu.memory_space<hbm>> -> memref<26x128xf32, #tpu.memory_space<hbm>>
      tpu.enqueue_dma source(%arg13 : memref<26x128xf32, #tpu.memory_space<vmem>>) target(%dma_start3A_1067 : memref<26x128xf32, #tpu.memory_space<hbm>>) target_semaphore(%run_scoped3A : memref<!tpu.dma_semaphore, #tpu.memory_space<semaphore_mem>>)
      %dma_wait3A_1068 = arith.constant 0 : i32
      %dma_wait3A_1069 = arith.constant 0 : i32
      %dma_wait3A_1070 = tpu.memref_slice %arg8[%add3A, %dma_wait3A_1068, %dma_wait3A_1069] : memref<32x26x128xf32, #tpu.memory_space<hbm>> -> memref<1x26x128xf32, #tpu.memory_space<hbm>>
      %dma_wait3A_1071 = tpu.memref_squeeze %dma_wait3A_1070 : memref<1x26x128xf32, #tpu.memory_space<hbm>> -> memref<26x128xf32, #tpu.memory_space<hbm>>
      %dma_wait3A_1072 = arith.constant 0 : i32
      %dma_wait3A_1073 = arith.constant 0 : i32
      %dma_wait3A_1074 = tpu.memref_slice %arg8[%add3A, %dma_wait3A_1072, %dma_wait3A_1073] : memref<32x26x128xf32, #tpu.memory_space<hbm>> -> memref<1x26x128xf32, #tpu.memory_space<hbm>>
      %dma_wait3A_1075 = tpu.memref_squeeze %dma_wait3A_1074 : memref<1x26x128xf32, #tpu.memory_space<hbm>> -> memref<26x128xf32, #tpu.memory_space<hbm>>
      tpu.wait_dma2 semaphore(%run_scoped3A : memref<!tpu.dma_semaphore, #tpu.memory_space<semaphore_mem>>) src(%arg13 : memref<26x128xf32, #tpu.memory_space<vmem>>) dst(%dma_wait3A_1075 : memref<26x128xf32, #tpu.memory_space<hbm>>)
      tpu.yield
    }) : () -> ()
    %barrier3A_1055 = arith.constant 0 : index
    tpu.barrier barrier_id(%barrier3A_1055)
    %mul3A_1056 = arith.constant 640 : i32
    %mul3A_1057 = arith.muli %arg1, %mul3A_1056 : i32
    %mul3A_1058 = arith.constant 640 : i32
    %mul3A_1059 = arith.muli %arg1, %mul3A_1058 : i32
    "tpu.region"() ({
      %run_scoped3A = tpu.sem_alloc : memref<!tpu.dma_semaphore, #tpu.memory_space<semaphore_mem>>
      %dma_start3A_1060 = tpu.memref_slice %arg6[%arg0, %mul3A_1059] : memref<2x10240xf32, #tpu.memory_space<hbm>> -> memref<1x640xf32, #tpu.memory_space<hbm>>
      %dma_start3A_1061 = tpu.memref_squeeze %dma_start3A_1060 : memref<1x640xf32, #tpu.memory_space<hbm>> -> memref<640xf32, #tpu.memory_space<hbm>>
      %dma_start3A_1062 = tpu.memref_slice %arg15[%mul3A_1057] : memref<10240xf32, #tpu.memory_space<vmem_shared>> -> memref<640xf32, #tpu.memory_space<vmem_shared>>
      tpu.enqueue_dma source(%dma_start3A_1062 : memref<640xf32, #tpu.memory_space<vmem_shared>>) target(%dma_start3A_1061 : memref<640xf32, #tpu.memory_space<hbm>>) target_semaphore(%run_scoped3A : memref<!tpu.dma_semaphore, #tpu.memory_space<semaphore_mem>>)
      %dma_wait3A_1063 = tpu.memref_slice %arg6[%arg0, %mul3A_1059] : memref<2x10240xf32, #tpu.memory_space<hbm>> -> memref<1x640xf32, #tpu.memory_space<hbm>>
      %dma_wait3A_1064 = tpu.memref_squeeze %dma_wait3A_1063 : memref<1x640xf32, #tpu.memory_space<hbm>> -> memref<640xf32, #tpu.memory_space<hbm>>
      %dma_wait3A_1065 = tpu.memref_slice %arg15[%mul3A_1057] : memref<10240xf32, #tpu.memory_space<vmem_shared>> -> memref<640xf32, #tpu.memory_space<vmem_shared>>
      tpu.wait_dma2 semaphore(%run_scoped3A : memref<!tpu.dma_semaphore, #tpu.memory_space<semaphore_mem>>) src(%dma_wait3A_1065 : memref<640xf32, #tpu.memory_space<vmem_shared>>) dst(%dma_wait3A_1064 : memref<640xf32, #tpu.memory_space<hbm>>)
      tpu.yield
    }) : () -> ()
    return
  }
}

#map = affine_map<(d0, d1) -> (0, 0)>
#map1 = affine_map<(d0, d1) -> (0, 0, 0)>
module attributes {stable_mosaic.version = 14 : i64} {
  func.func @_sc_egather_body(%arg0: i32, %arg1: i32, %arg2: memref<10240x256xf32, #tpu.memory_space<hbm>>, %arg3: memref<32x26x128xi32, #tpu.memory_space<hbm>>, %arg4: memref<32x26x128xi32, #tpu.memory_space<hbm>>, %arg5: memref<106496x256xf32, #tpu.memory_space<hbm>>, %arg6: memref<106496x256xf32, #tpu.memory_space<hbm>>, %arg7: memref<26x128xi32, #tpu.memory_space<vmem>>, %arg8: memref<26x128xi32, #tpu.memory_space<vmem>>, %arg9: memref<128x256xf32, #tpu.memory_space<vmem>>, %arg10: memref<128x256xf32, #tpu.memory_space<vmem>>, %arg11: memref<!tpu.dma_semaphore, #tpu.memory_space<semaphore_mem>>, %arg12: memref<!tpu.dma_semaphore, #tpu.memory_space<semaphore_mem>>, %arg13: memref<!tpu.dma_semaphore, #tpu.memory_space<semaphore_mem>>, %arg14: memref<!tpu.dma_semaphore, #tpu.memory_space<semaphore_mem>>) attributes {dimension_semantics = [#tpu.dimension_semantics<core_parallel>, #tpu.dimension_semantics<subcore_parallel>], iteration_bounds = array<i64: 2, 16>, scalar_prefetch = 0 : i64, scratch_operands = 8 : i64, tpu.core_type = #tpu.core_type<sc_vector_subcore>, window_params = [{transform_indices = #map}, {transform_indices = #map1}, {transform_indices = #map1}, {transform_indices = #map}, {transform_indices = #map}]} {
    %mul3A = arith.constant 16 : i32
    %mul3A_0 = arith.muli %arg0, %mul3A : i32
    %add3A = arith.addi %mul3A_0, %arg1 : i32
    %mul3A_1 = arith.constant 3328 : i32
    %mul3A_2 = arith.muli %add3A, %mul3A_1 : i32
    "tpu.region"() ({
      %run_scoped3A = tpu.sem_alloc : memref<!tpu.dma_semaphore, #tpu.memory_space<semaphore_mem>>
      %dma_start3A = arith.constant 0 : i32
      %dma_start3A_7 = arith.constant 0 : i32
      %dma_start3A_8 = tpu.memref_slice %arg3[%add3A, %dma_start3A, %dma_start3A_7] : memref<32x26x128xi32, #tpu.memory_space<hbm>> -> memref<1x26x128xi32, #tpu.memory_space<hbm>>
      %dma_start3A_9 = tpu.memref_squeeze %dma_start3A_8 : memref<1x26x128xi32, #tpu.memory_space<hbm>> -> memref<26x128xi32, #tpu.memory_space<hbm>>
      %dma_start3A_10 = arith.constant 0 : i32
      %dma_start3A_11 = arith.constant 0 : i32
      %dma_start3A_12 = tpu.memref_slice %arg3[%add3A, %dma_start3A_10, %dma_start3A_11] : memref<32x26x128xi32, #tpu.memory_space<hbm>> -> memref<1x26x128xi32, #tpu.memory_space<hbm>>
      %dma_start3A_13 = tpu.memref_squeeze %dma_start3A_12 : memref<1x26x128xi32, #tpu.memory_space<hbm>> -> memref<26x128xi32, #tpu.memory_space<hbm>>
      tpu.enqueue_dma source(%dma_start3A_13 : memref<26x128xi32, #tpu.memory_space<hbm>>) target(%arg7 : memref<26x128xi32, #tpu.memory_space<vmem>>) target_semaphore(%run_scoped3A : memref<!tpu.dma_semaphore, #tpu.memory_space<semaphore_mem>>)
      %dma_wait3A = arith.constant 0 : i32
      %dma_wait3A_14 = arith.constant 0 : i32
      %dma_wait3A_15 = tpu.memref_slice %arg3[%add3A, %dma_wait3A, %dma_wait3A_14] : memref<32x26x128xi32, #tpu.memory_space<hbm>> -> memref<1x26x128xi32, #tpu.memory_space<hbm>>
      %dma_wait3A_16 = tpu.memref_squeeze %dma_wait3A_15 : memref<1x26x128xi32, #tpu.memory_space<hbm>> -> memref<26x128xi32, #tpu.memory_space<hbm>>
      %dma_wait3A_17 = arith.constant 0 : i32
      %dma_wait3A_18 = arith.constant 0 : i32
      %dma_wait3A_19 = tpu.memref_slice %arg3[%add3A, %dma_wait3A_17, %dma_wait3A_18] : memref<32x26x128xi32, #tpu.memory_space<hbm>> -> memref<1x26x128xi32, #tpu.memory_space<hbm>>
      %dma_wait3A_20 = tpu.memref_squeeze %dma_wait3A_19 : memref<1x26x128xi32, #tpu.memory_space<hbm>> -> memref<26x128xi32, #tpu.memory_space<hbm>>
      tpu.wait_dma2 semaphore(%run_scoped3A : memref<!tpu.dma_semaphore, #tpu.memory_space<semaphore_mem>>) src(%dma_wait3A_20 : memref<26x128xi32, #tpu.memory_space<hbm>>) dst(%arg7 : memref<26x128xi32, #tpu.memory_space<vmem>>)
      tpu.yield
    }) : () -> ()
    "tpu.region"() ({
      %run_scoped3A = tpu.sem_alloc : memref<!tpu.dma_semaphore, #tpu.memory_space<semaphore_mem>>
      %dma_start3A = arith.constant 0 : i32
      %dma_start3A_7 = arith.constant 0 : i32
      %dma_start3A_8 = tpu.memref_slice %arg4[%add3A, %dma_start3A, %dma_start3A_7] : memref<32x26x128xi32, #tpu.memory_space<hbm>> -> memref<1x26x128xi32, #tpu.memory_space<hbm>>
      %dma_start3A_9 = tpu.memref_squeeze %dma_start3A_8 : memref<1x26x128xi32, #tpu.memory_space<hbm>> -> memref<26x128xi32, #tpu.memory_space<hbm>>
      %dma_start3A_10 = arith.constant 0 : i32
      %dma_start3A_11 = arith.constant 0 : i32
      %dma_start3A_12 = tpu.memref_slice %arg4[%add3A, %dma_start3A_10, %dma_start3A_11] : memref<32x26x128xi32, #tpu.memory_space<hbm>> -> memref<1x26x128xi32, #tpu.memory_space<hbm>>
      %dma_start3A_13 = tpu.memref_squeeze %dma_start3A_12 : memref<1x26x128xi32, #tpu.memory_space<hbm>> -> memref<26x128xi32, #tpu.memory_space<hbm>>
      tpu.enqueue_dma source(%dma_start3A_13 : memref<26x128xi32, #tpu.memory_space<hbm>>) target(%arg8 : memref<26x128xi32, #tpu.memory_space<vmem>>) target_semaphore(%run_scoped3A : memref<!tpu.dma_semaphore, #tpu.memory_space<semaphore_mem>>)
      %dma_wait3A = arith.constant 0 : i32
      %dma_wait3A_14 = arith.constant 0 : i32
      %dma_wait3A_15 = tpu.memref_slice %arg4[%add3A, %dma_wait3A, %dma_wait3A_14] : memref<32x26x128xi32, #tpu.memory_space<hbm>> -> memref<1x26x128xi32, #tpu.memory_space<hbm>>
      %dma_wait3A_16 = tpu.memref_squeeze %dma_wait3A_15 : memref<1x26x128xi32, #tpu.memory_space<hbm>> -> memref<26x128xi32, #tpu.memory_space<hbm>>
      %dma_wait3A_17 = arith.constant 0 : i32
      %dma_wait3A_18 = arith.constant 0 : i32
      %dma_wait3A_19 = tpu.memref_slice %arg4[%add3A, %dma_wait3A_17, %dma_wait3A_18] : memref<32x26x128xi32, #tpu.memory_space<hbm>> -> memref<1x26x128xi32, #tpu.memory_space<hbm>>
      %dma_wait3A_20 = tpu.memref_squeeze %dma_wait3A_19 : memref<1x26x128xi32, #tpu.memory_space<hbm>> -> memref<26x128xi32, #tpu.memory_space<hbm>>
      tpu.wait_dma2 semaphore(%run_scoped3A : memref<!tpu.dma_semaphore, #tpu.memory_space<semaphore_mem>>) src(%dma_wait3A_20 : memref<26x128xi32, #tpu.memory_space<hbm>>) dst(%arg8 : memref<26x128xi32, #tpu.memory_space<vmem>>)
      tpu.yield
    }) : () -> ()
    %scan3A = arith.constant 0 : i32
    %scan3A_3 = arith.constant 26 : i32
    %scan3A_4 = arith.addi %scan3A, %scan3A_3 : i32
    %scan3A_5 = arith.constant 1 : i32
    scf.for %scan3A_7 = %scan3A to %scan3A_4 step %scan3A_5  : i32 {
      %mul3A_8 = arith.constant 1 : i32
      %mul3A_9 = arith.muli %scan3A_7, %mul3A_8 : i32
      %add3A_10 = arith.constant 0 : i32
      %add3A_11 = arith.addi %add3A_10, %mul3A_9 : i32
      %mul3A_12 = arith.constant 128 : i32
      %mul3A_13 = arith.muli %add3A_11, %mul3A_12 : i32
      %add3A_14 = arith.addi %mul3A_2, %mul3A_13 : i32
      %multiple_of3A = tpu.assume_multiple %add3A_14, 128 : i32
      %dma_start3A = arith.constant 0 : i32
      %dma_start3A_15 = tpu.memref_slice %arg7[%add3A_11, %dma_start3A] : memref<26x128xi32, #tpu.memory_space<vmem>> -> memref<1x128xi32, #tpu.memory_space<vmem>>
      %dma_start3A_16 = tpu.memref_squeeze %dma_start3A_15 : memref<1x128xi32, #tpu.memory_space<vmem>> -> memref<128xi32, #tpu.memory_space<vmem>>
      %dma_start3A_17 = arith.constant 0 : i32
      %dma_start3A_18 = arith.constant 0 : i32
      %dma_start3A_19 = tpu.memref_slice %arg2[%dma_start3A_17, %dma_start3A_18] : memref<10240x256xf32, #tpu.memory_space<hbm>> -> memref<10240x256xf32, #tpu.memory_space<hbm>>
      tpu.enqueue_indirect_dma source(%dma_start3A_19 : memref<10240x256xf32, #tpu.memory_space<hbm>>) target(%arg9 : memref<128x256xf32, #tpu.memory_space<vmem>>) offsets(%dma_start3A_16 : memref<128xi32, #tpu.memory_space<vmem>>) semaphore(%arg11 : memref<!tpu.dma_semaphore, #tpu.memory_space<semaphore_mem>>)
      %dma_start3A_20 = arith.constant 0 : i32
      %dma_start3A_21 = tpu.memref_slice %arg8[%add3A_11, %dma_start3A_20] : memref<26x128xi32, #tpu.memory_space<vmem>> -> memref<1x128xi32, #tpu.memory_space<vmem>>
      %dma_start3A_22 = tpu.memref_squeeze %dma_start3A_21 : memref<1x128xi32, #tpu.memory_space<vmem>> -> memref<128xi32, #tpu.memory_space<vmem>>
      %dma_start3A_23 = arith.constant 0 : i32
      %dma_start3A_24 = arith.constant 0 : i32
      %dma_start3A_25 = tpu.memref_slice %arg2[%dma_start3A_23, %dma_start3A_24] : memref<10240x256xf32, #tpu.memory_space<hbm>> -> memref<10240x256xf32, #tpu.memory_space<hbm>>
      tpu.enqueue_indirect_dma source(%dma_start3A_25 : memref<10240x256xf32, #tpu.memory_space<hbm>>) target(%arg10 : memref<128x256xf32, #tpu.memory_space<vmem>>) offsets(%dma_start3A_22 : memref<128xi32, #tpu.memory_space<vmem>>) semaphore(%arg12 : memref<!tpu.dma_semaphore, #tpu.memory_space<semaphore_mem>>)
      %dma_wait3A = arith.constant 0 : i32
      %dma_wait3A_26 = tpu.memref_slice %arg7[%add3A_11, %dma_wait3A] : memref<26x128xi32, #tpu.memory_space<vmem>> -> memref<1x128xi32, #tpu.memory_space<vmem>>
      %dma_wait3A_27 = tpu.memref_squeeze %dma_wait3A_26 : memref<1x128xi32, #tpu.memory_space<vmem>> -> memref<128xi32, #tpu.memory_space<vmem>>
      %dma_wait3A_28 = arith.constant 0 : i32
      %dma_wait3A_29 = arith.constant 0 : i32
      %dma_wait3A_30 = tpu.memref_slice %arg2[%dma_wait3A_28, %dma_wait3A_29] : memref<10240x256xf32, #tpu.memory_space<hbm>> -> memref<10240x256xf32, #tpu.memory_space<hbm>>
      tpu.wait_indirect_dma semaphore(%arg11 : memref<!tpu.dma_semaphore, #tpu.memory_space<semaphore_mem>>) src(%dma_wait3A_30 : memref<10240x256xf32, #tpu.memory_space<hbm>>) dst(%arg9 : memref<128x256xf32, #tpu.memory_space<vmem>>)
      "tpu.region"() ({
        %run_scoped3A = tpu.sem_alloc : memref<!tpu.dma_semaphore, #tpu.memory_space<semaphore_mem>>
        %dma_start3A_37 = arith.constant 0 : i32
        %dma_start3A_38 = tpu.memref_slice %arg5[%multiple_of3A, %dma_start3A_37] : memref<106496x256xf32, #tpu.memory_space<hbm>> -> memref<128x256xf32, #tpu.memory_space<hbm>>
        %dma_start3A_39 = arith.constant 0 : i32
        %dma_start3A_40 = tpu.memref_slice %arg5[%multiple_of3A, %dma_start3A_39] : memref<106496x256xf32, #tpu.memory_space<hbm>> -> memref<128x256xf32, #tpu.memory_space<hbm>>
        tpu.enqueue_dma source(%arg9 : memref<128x256xf32, #tpu.memory_space<vmem>>) target(%dma_start3A_40 : memref<128x256xf32, #tpu.memory_space<hbm>>) target_semaphore(%run_scoped3A : memref<!tpu.dma_semaphore, #tpu.memory_space<semaphore_mem>>)
        %dma_wait3A_41 = arith.constant 0 : i32
        %dma_wait3A_42 = tpu.memref_slice %arg5[%multiple_of3A, %dma_wait3A_41] : memref<106496x256xf32, #tpu.memory_space<hbm>> -> memref<128x256xf32, #tpu.memory_space<hbm>>
        %dma_wait3A_43 = arith.constant 0 : i32
        %dma_wait3A_44 = tpu.memref_slice %arg5[%multiple_of3A, %dma_wait3A_43] : memref<106496x256xf32, #tpu.memory_space<hbm>> -> memref<128x256xf32, #tpu.memory_space<hbm>>
        tpu.wait_dma2 semaphore(%run_scoped3A : memref<!tpu.dma_semaphore, #tpu.memory_space<semaphore_mem>>) src(%arg9 : memref<128x256xf32, #tpu.memory_space<vmem>>) dst(%dma_wait3A_44 : memref<128x256xf32, #tpu.memory_space<hbm>>)
        tpu.yield
      }) : () -> ()
      %dma_wait3A_31 = arith.constant 0 : i32
      %dma_wait3A_32 = tpu.memref_slice %arg8[%add3A_11, %dma_wait3A_31] : memref<26x128xi32, #tpu.memory_space<vmem>> -> memref<1x128xi32, #tpu.memory_space<vmem>>
      %dma_wait3A_33 = tpu.memref_squeeze %dma_wait3A_32 : memref<1x128xi32, #tpu.memory_space<vmem>> -> memref<128xi32, #tpu.memory_space<vmem>>
      %dma_wait3A_34 = arith.constant 0 : i32
      %dma_wait3A_35 = arith.constant 0 : i32
      %dma_wait3A_36 = tpu.memref_slice %arg2[%dma_wait3A_34, %dma_wait3A_35] : memref<10240x256xf32, #tpu.memory_space<hbm>> -> memref<10240x256xf32, #tpu.memory_space<hbm>>
      tpu.wait_indirect_dma semaphore(%arg12 : memref<!tpu.dma_semaphore, #tpu.memory_space<semaphore_mem>>) src(%dma_wait3A_36 : memref<10240x256xf32, #tpu.memory_space<hbm>>) dst(%arg10 : memref<128x256xf32, #tpu.memory_space<vmem>>)
      "tpu.region"() ({
        %run_scoped3A = tpu.sem_alloc : memref<!tpu.dma_semaphore, #tpu.memory_space<semaphore_mem>>
        %dma_start3A_37 = arith.constant 0 : i32
        %dma_start3A_38 = tpu.memref_slice %arg6[%multiple_of3A, %dma_start3A_37] : memref<106496x256xf32, #tpu.memory_space<hbm>> -> memref<128x256xf32, #tpu.memory_space<hbm>>
        %dma_start3A_39 = arith.constant 0 : i32
        %dma_start3A_40 = tpu.memref_slice %arg6[%multiple_of3A, %dma_start3A_39] : memref<106496x256xf32, #tpu.memory_space<hbm>> -> memref<128x256xf32, #tpu.memory_space<hbm>>
        tpu.enqueue_dma source(%arg10 : memref<128x256xf32, #tpu.memory_space<vmem>>) target(%dma_start3A_40 : memref<128x256xf32, #tpu.memory_space<hbm>>) target_semaphore(%run_scoped3A : memref<!tpu.dma_semaphore, #tpu.memory_space<semaphore_mem>>)
        %dma_wait3A_41 = arith.constant 0 : i32
        %dma_wait3A_42 = tpu.memref_slice %arg6[%multiple_of3A, %dma_wait3A_41] : memref<106496x256xf32, #tpu.memory_space<hbm>> -> memref<128x256xf32, #tpu.memory_space<hbm>>
        %dma_wait3A_43 = arith.constant 0 : i32
        %dma_wait3A_44 = tpu.memref_slice %arg6[%multiple_of3A, %dma_wait3A_43] : memref<106496x256xf32, #tpu.memory_space<hbm>> -> memref<128x256xf32, #tpu.memory_space<hbm>>
        tpu.wait_dma2 semaphore(%run_scoped3A : memref<!tpu.dma_semaphore, #tpu.memory_space<semaphore_mem>>) src(%arg10 : memref<128x256xf32, #tpu.memory_space<vmem>>) dst(%dma_wait3A_44 : memref<128x256xf32, #tpu.memory_space<hbm>>)
        tpu.yield
      }) : () -> ()
    }
    %scan3A_6 = arith.constant 26 : i32
    return
  }
}

#map = affine_map<(d0, d1) -> (0, 0)>
#map1 = affine_map<(d0, d1) -> (0, 0, 0)>
module attributes {stable_mosaic.version = 14 : i64} {
  func.func @_sc_agg_body(%arg0: i32, %arg1: i32, %arg2: memref<10240x128xf32, #tpu.memory_space<hbm>>, %arg3: memref<32x80x128xi32, #tpu.memory_space<hbm>>, %arg4: memref<32x80x128xi32, #tpu.memory_space<hbm>>, %arg5: memref<2x10240x128xf32, #tpu.memory_space<hbm>>, %arg6: memref<40x128xi32, #tpu.memory_space<vmem>>, %arg7: memref<40x128xi32, #tpu.memory_space<vmem>>, %arg8: memref<128x128xf32, #tpu.memory_space<vmem>>, %arg9: memref<128x128xf32, #tpu.memory_space<vmem>>, %arg10: memref<10240x128xf32, #tpu.memory_space<vmem_shared>>, %arg11: memref<!tpu.dma_semaphore, #tpu.memory_space<semaphore_mem>>, %arg12: memref<!tpu.dma_semaphore, #tpu.memory_space<semaphore_mem>>, %arg13: memref<!tpu.dma_semaphore, #tpu.memory_space<semaphore_mem>>, %arg14: memref<!tpu.dma_semaphore, #tpu.memory_space<semaphore_mem>>) attributes {dimension_semantics = [#tpu.dimension_semantics<core_parallel>, #tpu.dimension_semantics<subcore_parallel>], iteration_bounds = array<i64: 2, 16>, scalar_prefetch = 0 : i64, scratch_operands = 9 : i64, tpu.core_type = #tpu.core_type<sc_vector_subcore>, window_params = [{transform_indices = #map}, {transform_indices = #map1}, {transform_indices = #map1}, {transform_indices = #map1}]} {
    %mul3A = arith.constant 16 : i32
    %mul3A_0 = arith.muli %arg0, %mul3A : i32
    %add3A = arith.addi %mul3A_0, %arg1 : i32
    %scan3A = arith.constant 0 : i32
    %scan3A_1 = arith.constant 128 : i32
    %scan3A_2 = arith.addi %scan3A, %scan3A_1 : i32
    %scan3A_3 = arith.constant 1 : i32
    scf.for %scan3A_40 = %scan3A to %scan3A_2 step %scan3A_3  : i32 {
      %mul3A_41 = arith.constant 1 : i32
      %mul3A_42 = arith.muli %scan3A_40, %mul3A_41 : i32
      %add3A_43 = arith.constant 0 : i32
      %add3A_44 = arith.addi %add3A_43, %mul3A_42 : i32
      %broadcast_in_dim3A = arith.constant 0.000000e+00 : f32
      %broadcast_in_dim3A_45 = vector.broadcast %broadcast_in_dim3A : f32 to vector<16xf32>
      %swap3A = arith.index_cast %add3A_44 : i32 to index
      %swap3A_46 = arith.constant 0 : index
      %swap3A_47 = tpu.vector_load %arg8[%swap3A, %swap3A_46] {strides = array<i32>} : memref<128x128xf32, #tpu.memory_space<vmem>>, vector<1x16xf32>,
      %swap3A_48 = vector.shape_cast %swap3A_47 : vector<1x16xf32> to vector<16xf32>
      %swap3A_49 = vector.shape_cast %broadcast_in_dim3A_45 : vector<16xf32> to vector<1x16xf32>
      tpu.vector_store %arg8[%swap3A, %swap3A_46], %swap3A_49 {strides = array<i32>} : memref<128x128xf32, #tpu.memory_space<vmem>>, vector<1x16xf32>,
      %broadcast_in_dim3A_50 = arith.constant 0.000000e+00 : f32
      %broadcast_in_dim3A_51 = vector.broadcast %broadcast_in_dim3A_50 : f32 to vector<16xf32>
      %swap3A_52 = arith.index_cast %add3A_44 : i32 to index
      %swap3A_53 = arith.constant 16 : index
      %swap3A_54 = tpu.vector_load %arg8[%swap3A_52, %swap3A_53] {strides = array<i32>} : memref<128x128xf32, #tpu.memory_space<vmem>>, vector<1x16xf32>,
      %swap3A_55 = vector.shape_cast %swap3A_54 : vector<1x16xf32> to vector<16xf32>
      %swap3A_56 = vector.shape_cast %broadcast_in_dim3A_51 : vector<16xf32> to vector<1x16xf32>
      tpu.vector_store %arg8[%swap3A_52, %swap3A_53], %swap3A_56 {strides = array<i32>} : memref<128x128xf32, #tpu.memory_space<vmem>>, vector<1x16xf32>,
      %broadcast_in_dim3A_57 = arith.constant 0.000000e+00 : f32
      %broadcast_in_dim3A_58 = vector.broadcast %broadcast_in_dim3A_57 : f32 to vector<16xf32>
      %swap3A_59 = arith.index_cast %add3A_44 : i32 to index
      %swap3A_60 = arith.constant 32 : index
      %swap3A_61 = tpu.vector_load %arg8[%swap3A_59, %swap3A_60] {strides = array<i32>} : memref<128x128xf32, #tpu.memory_space<vmem>>, vector<1x16xf32>,
      %swap3A_62 = vector.shape_cast %swap3A_61 : vector<1x16xf32> to vector<16xf32>
      %swap3A_63 = vector.shape_cast %broadcast_in_dim3A_58 : vector<16xf32> to vector<1x16xf32>
      tpu.vector_store %arg8[%swap3A_59, %swap3A_60], %swap3A_63 {strides = array<i32>} : memref<128x128xf32, #tpu.memory_space<vmem>>, vector<1x16xf32>,
      %broadcast_in_dim3A_64 = arith.constant 0.000000e+00 : f32
      %broadcast_in_dim3A_65 = vector.broadcast %broadcast_in_dim3A_64 : f32 to vector<16xf32>
      %swap3A_66 = arith.index_cast %add3A_44 : i32 to index
      %swap3A_67 = arith.constant 48 : index
      %swap3A_68 = tpu.vector_load %arg8[%swap3A_66, %swap3A_67] {strides = array<i32>} : memref<128x128xf32, #tpu.memory_space<vmem>>, vector<1x16xf32>,
      %swap3A_69 = vector.shape_cast %swap3A_68 : vector<1x16xf32> to vector<16xf32>
      %swap3A_70 = vector.shape_cast %broadcast_in_dim3A_65 : vector<16xf32> to vector<1x16xf32>
      tpu.vector_store %arg8[%swap3A_66, %swap3A_67], %swap3A_70 {strides = array<i32>} : memref<128x128xf32, #tpu.memory_space<vmem>>, vector<1x16xf32>,
      %broadcast_in_dim3A_71 = arith.constant 0.000000e+00 : f32
      %broadcast_in_dim3A_72 = vector.broadcast %broadcast_in_dim3A_71 : f32 to vector<16xf32>
      %swap3A_73 = arith.index_cast %add3A_44 : i32 to index
      %swap3A_74 = arith.constant 64 : index
      %swap3A_75 = tpu.vector_load %arg8[%swap3A_73, %swap3A_74] {strides = array<i32>} : memref<128x128xf32, #tpu.memory_space<vmem>>, vector<1x16xf32>,
      %swap3A_76 = vector.shape_cast %swap3A_75 : vector<1x16xf32> to vector<16xf32>
      %swap3A_77 = vector.shape_cast %broadcast_in_dim3A_72 : vector<16xf32> to vector<1x16xf32>
      tpu.vector_store %arg8[%swap3A_73, %swap3A_74], %swap3A_77 {strides = array<i32>} : memref<128x128xf32, #tpu.memory_space<vmem>>, vector<1x16xf32>,
      %broadcast_in_dim3A_78 = arith.constant 0.000000e+00 : f32
      %broadcast_in_dim3A_79 = vector.broadcast %broadcast_in_dim3A_78 : f32 to vector<16xf32>
      %swap3A_80 = arith.index_cast %add3A_44 : i32 to index
      %swap3A_81 = arith.constant 80 : index
      %swap3A_82 = tpu.vector_load %arg8[%swap3A_80, %swap3A_81] {strides = array<i32>} : memref<128x128xf32, #tpu.memory_space<vmem>>, vector<1x16xf32>,
      %swap3A_83 = vector.shape_cast %swap3A_82 : vector<1x16xf32> to vector<16xf32>
      %swap3A_84 = vector.shape_cast %broadcast_in_dim3A_79 : vector<16xf32> to vector<1x16xf32>
      tpu.vector_store %arg8[%swap3A_80, %swap3A_81], %swap3A_84 {strides = array<i32>} : memref<128x128xf32, #tpu.memory_space<vmem>>, vector<1x16xf32>,
      %broadcast_in_dim3A_85 = arith.constant 0.000000e+00 : f32
      %broadcast_in_dim3A_86 = vector.broadcast %broadcast_in_dim3A_85 : f32 to vector<16xf32>
      %swap3A_87 = arith.index_cast %add3A_44 : i32 to index
      %swap3A_88 = arith.constant 96 : index
      %swap3A_89 = tpu.vector_load %arg8[%swap3A_87, %swap3A_88] {strides = array<i32>} : memref<128x128xf32, #tpu.memory_space<vmem>>, vector<1x16xf32>,
      %swap3A_90 = vector.shape_cast %swap3A_89 : vector<1x16xf32> to vector<16xf32>
      %swap3A_91 = vector.shape_cast %broadcast_in_dim3A_86 : vector<16xf32> to vector<1x16xf32>
      tpu.vector_store %arg8[%swap3A_87, %swap3A_88], %swap3A_91 {strides = array<i32>} : memref<128x128xf32, #tpu.memory_space<vmem>>, vector<1x16xf32>,
      %broadcast_in_dim3A_92 = arith.constant 0.000000e+00 : f32
      %broadcast_in_dim3A_93 = vector.broadcast %broadcast_in_dim3A_92 : f32 to vector<16xf32>
      %swap3A_94 = arith.index_cast %add3A_44 : i32 to index
      %swap3A_95 = arith.constant 112 : index
      %swap3A_96 = tpu.vector_load %arg8[%swap3A_94, %swap3A_95] {strides = array<i32>} : memref<128x128xf32, #tpu.memory_space<vmem>>, vector<1x16xf32>,
      %swap3A_97 = vector.shape_cast %swap3A_96 : vector<1x16xf32> to vector<16xf32>
      %swap3A_98 = vector.shape_cast %broadcast_in_dim3A_93 : vector<16xf32> to vector<1x16xf32>
      tpu.vector_store %arg8[%swap3A_94, %swap3A_95], %swap3A_98 {strides = array<i32>} : memref<128x128xf32, #tpu.memory_space<vmem>>, vector<1x16xf32>,
    }
    %scan3A_4 = arith.constant 128 : i32
    %mul3A_5 = arith.constant 640 : i32
    %mul3A_6 = arith.muli %arg1, %mul3A_5 : i32
    %add3A_7 = arith.constant 0 : i32
    %add3A_8 = arith.addi %mul3A_6, %add3A_7 : i32
    "tpu.region"() ({
      %run_scoped3A = tpu.sem_alloc : memref<!tpu.dma_semaphore, #tpu.memory_space<semaphore_mem>>
      %dma_start3A = arith.constant 0 : i32
      %dma_start3A_40 = tpu.memref_slice %arg10[%add3A_8, %dma_start3A] : memref<10240x128xf32, #tpu.memory_space<vmem_shared>> -> memref<128x128xf32, #tpu.memory_space<vmem_shared>>
      %dma_start3A_41 = arith.constant 0 : i32
      %dma_start3A_42 = tpu.memref_slice %arg10[%add3A_8, %dma_start3A_41] : memref<10240x128xf32, #tpu.memory_space<vmem_shared>> -> memref<128x128xf32, #tpu.memory_space<vmem_shared>>
      tpu.enqueue_dma source(%arg8 : memref<128x128xf32, #tpu.memory_space<vmem>>) target(%dma_start3A_42 : memref<128x128xf32, #tpu.memory_space<vmem_shared>>) target_semaphore(%run_scoped3A : memref<!tpu.dma_semaphore, #tpu.memory_space<semaphore_mem>>)
      %dma_wait3A = arith.constant 0 : i32
      %dma_wait3A_43 = tpu.memref_slice %arg10[%add3A_8, %dma_wait3A] : memref<10240x128xf32, #tpu.memory_space<vmem_shared>> -> memref<128x128xf32, #tpu.memory_space<vmem_shared>>
      %dma_wait3A_44 = arith.constant 0 : i32
      %dma_wait3A_45 = tpu.memref_slice %arg10[%add3A_8, %dma_wait3A_44] : memref<10240x128xf32, #tpu.memory_space<vmem_shared>> -> memref<128x128xf32, #tpu.memory_space<vmem_shared>>
      tpu.wait_dma2 semaphore(%run_scoped3A : memref<!tpu.dma_semaphore, #tpu.memory_space<semaphore_mem>>) src(%arg8 : memref<128x128xf32, #tpu.memory_space<vmem>>) dst(%dma_wait3A_45 : memref<128x128xf32, #tpu.memory_space<vmem_shared>>)
      tpu.yield
    }) : () -> ()
    %mul3A_9 = arith.constant 640 : i32
    %mul3A_10 = arith.muli %arg1, %mul3A_9 : i32
    %add3A_11 = arith.constant 128 : i32
    %add3A_12 = arith.addi %mul3A_10, %add3A_11 : i32
    "tpu.region"() ({
      %run_scoped3A = tpu.sem_alloc : memref<!tpu.dma_semaphore, #tpu.memory_space<semaphore_mem>>
      %dma_start3A = arith.constant 0 : i32
      %dma_start3A_40 = tpu.memref_slice %arg10[%add3A_12, %dma_start3A] : memref<10240x128xf32, #tpu.memory_space<vmem_shared>> -> memref<128x128xf32, #tpu.memory_space<vmem_shared>>
      %dma_start3A_41 = arith.constant 0 : i32
      %dma_start3A_42 = tpu.memref_slice %arg10[%add3A_12, %dma_start3A_41] : memref<10240x128xf32, #tpu.memory_space<vmem_shared>> -> memref<128x128xf32, #tpu.memory_space<vmem_shared>>
      tpu.enqueue_dma source(%arg8 : memref<128x128xf32, #tpu.memory_space<vmem>>) target(%dma_start3A_42 : memref<128x128xf32, #tpu.memory_space<vmem_shared>>) target_semaphore(%run_scoped3A : memref<!tpu.dma_semaphore, #tpu.memory_space<semaphore_mem>>)
      %dma_wait3A = arith.constant 0 : i32
      %dma_wait3A_43 = tpu.memref_slice %arg10[%add3A_12, %dma_wait3A] : memref<10240x128xf32, #tpu.memory_space<vmem_shared>> -> memref<128x128xf32, #tpu.memory_space<vmem_shared>>
      %dma_wait3A_44 = arith.constant 0 : i32
      %dma_wait3A_45 = tpu.memref_slice %arg10[%add3A_12, %dma_wait3A_44] : memref<10240x128xf32, #tpu.memory_space<vmem_shared>> -> memref<128x128xf32, #tpu.memory_space<vmem_shared>>
      tpu.wait_dma2 semaphore(%run_scoped3A : memref<!tpu.dma_semaphore, #tpu.memory_space<semaphore_mem>>) src(%arg8 : memref<128x128xf32, #tpu.memory_space<vmem>>) dst(%dma_wait3A_45 : memref<128x128xf32, #tpu.memory_space<vmem_shared>>)
      tpu.yield
    }) : () -> ()
    %mul3A_13 = arith.constant 640 : i32
    %mul3A_14 = arith.muli %arg1, %mul3A_13 : i32
    %add3A_15 = arith.constant 256 : i32
    %add3A_16 = arith.addi %mul3A_14, %add3A_15 : i32
    "tpu.region"() ({
      %run_scoped3A = tpu.sem_alloc : memref<!tpu.dma_semaphore, #tpu.memory_space<semaphore_mem>>
      %dma_start3A = arith.constant 0 : i32
      %dma_start3A_40 = tpu.memref_slice %arg10[%add3A_16, %dma_start3A] : memref<10240x128xf32, #tpu.memory_space<vmem_shared>> -> memref<128x128xf32, #tpu.memory_space<vmem_shared>>
      %dma_start3A_41 = arith.constant 0 : i32
      %dma_start3A_42 = tpu.memref_slice %arg10[%add3A_16, %dma_start3A_41] : memref<10240x128xf32, #tpu.memory_space<vmem_shared>> -> memref<128x128xf32, #tpu.memory_space<vmem_shared>>
      tpu.enqueue_dma source(%arg8 : memref<128x128xf32, #tpu.memory_space<vmem>>) target(%dma_start3A_42 : memref<128x128xf32, #tpu.memory_space<vmem_shared>>) target_semaphore(%run_scoped3A : memref<!tpu.dma_semaphore, #tpu.memory_space<semaphore_mem>>)
      %dma_wait3A = arith.constant 0 : i32
      %dma_wait3A_43 = tpu.memref_slice %arg10[%add3A_16, %dma_wait3A] : memref<10240x128xf32, #tpu.memory_space<vmem_shared>> -> memref<128x128xf32, #tpu.memory_space<vmem_shared>>
      %dma_wait3A_44 = arith.constant 0 : i32
      %dma_wait3A_45 = tpu.memref_slice %arg10[%add3A_16, %dma_wait3A_44] : memref<10240x128xf32, #tpu.memory_space<vmem_shared>> -> memref<128x128xf32, #tpu.memory_space<vmem_shared>>
      tpu.wait_dma2 semaphore(%run_scoped3A : memref<!tpu.dma_semaphore, #tpu.memory_space<semaphore_mem>>) src(%arg8 : memref<128x128xf32, #tpu.memory_space<vmem>>) dst(%dma_wait3A_45 : memref<128x128xf32, #tpu.memory_space<vmem_shared>>)
      tpu.yield
    }) : () -> ()
    %mul3A_17 = arith.constant 640 : i32
    %mul3A_18 = arith.muli %arg1, %mul3A_17 : i32
    %add3A_19 = arith.constant 384 : i32
    %add3A_20 = arith.addi %mul3A_18, %add3A_19 : i32
    "tpu.region"() ({
      %run_scoped3A = tpu.sem_alloc : memref<!tpu.dma_semaphore, #tpu.memory_space<semaphore_mem>>
      %dma_start3A = arith.constant 0 : i32
      %dma_start3A_40 = tpu.memref_slice %arg10[%add3A_20, %dma_start3A] : memref<10240x128xf32, #tpu.memory_space<vmem_shared>> -> memref<128x128xf32, #tpu.memory_space<vmem_shared>>
      %dma_start3A_41 = arith.constant 0 : i32
      %dma_start3A_42 = tpu.memref_slice %arg10[%add3A_20, %dma_start3A_41] : memref<10240x128xf32, #tpu.memory_space<vmem_shared>> -> memref<128x128xf32, #tpu.memory_space<vmem_shared>>
      tpu.enqueue_dma source(%arg8 : memref<128x128xf32, #tpu.memory_space<vmem>>) target(%dma_start3A_42 : memref<128x128xf32, #tpu.memory_space<vmem_shared>>) target_semaphore(%run_scoped3A : memref<!tpu.dma_semaphore, #tpu.memory_space<semaphore_mem>>)
      %dma_wait3A = arith.constant 0 : i32
      %dma_wait3A_43 = tpu.memref_slice %arg10[%add3A_20, %dma_wait3A] : memref<10240x128xf32, #tpu.memory_space<vmem_shared>> -> memref<128x128xf32, #tpu.memory_space<vmem_shared>>
      %dma_wait3A_44 = arith.constant 0 : i32
      %dma_wait3A_45 = tpu.memref_slice %arg10[%add3A_20, %dma_wait3A_44] : memref<10240x128xf32, #tpu.memory_space<vmem_shared>> -> memref<128x128xf32, #tpu.memory_space<vmem_shared>>
      tpu.wait_dma2 semaphore(%run_scoped3A : memref<!tpu.dma_semaphore, #tpu.memory_space<semaphore_mem>>) src(%arg8 : memref<128x128xf32, #tpu.memory_space<vmem>>) dst(%dma_wait3A_45 : memref<128x128xf32, #tpu.memory_space<vmem_shared>>)
      tpu.yield
    }) : () -> ()
    %mul3A_21 = arith.constant 640 : i32
    %mul3A_22 = arith.muli %arg1, %mul3A_21 : i32
    %add3A_23 = arith.constant 512 : i32
    %add3A_24 = arith.addi %mul3A_22, %add3A_23 : i32
    "tpu.region"() ({
      %run_scoped3A = tpu.sem_alloc : memref<!tpu.dma_semaphore, #tpu.memory_space<semaphore_mem>>
      %dma_start3A = arith.constant 0 : i32
      %dma_start3A_40 = tpu.memref_slice %arg10[%add3A_24, %dma_start3A] : memref<10240x128xf32, #tpu.memory_space<vmem_shared>> -> memref<128x128xf32, #tpu.memory_space<vmem_shared>>
      %dma_start3A_41 = arith.constant 0 : i32
      %dma_start3A_42 = tpu.memref_slice %arg10[%add3A_24, %dma_start3A_41] : memref<10240x128xf32, #tpu.memory_space<vmem_shared>> -> memref<128x128xf32, #tpu.memory_space<vmem_shared>>
      tpu.enqueue_dma source(%arg8 : memref<128x128xf32, #tpu.memory_space<vmem>>) target(%dma_start3A_42 : memref<128x128xf32, #tpu.memory_space<vmem_shared>>) target_semaphore(%run_scoped3A : memref<!tpu.dma_semaphore, #tpu.memory_space<semaphore_mem>>)
      %dma_wait3A = arith.constant 0 : i32
      %dma_wait3A_43 = tpu.memref_slice %arg10[%add3A_24, %dma_wait3A] : memref<10240x128xf32, #tpu.memory_space<vmem_shared>> -> memref<128x128xf32, #tpu.memory_space<vmem_shared>>
      %dma_wait3A_44 = arith.constant 0 : i32
      %dma_wait3A_45 = tpu.memref_slice %arg10[%add3A_24, %dma_wait3A_44] : memref<10240x128xf32, #tpu.memory_space<vmem_shared>> -> memref<128x128xf32, #tpu.memory_space<vmem_shared>>
      tpu.wait_dma2 semaphore(%run_scoped3A : memref<!tpu.dma_semaphore, #tpu.memory_space<semaphore_mem>>) src(%arg8 : memref<128x128xf32, #tpu.memory_space<vmem>>) dst(%dma_wait3A_45 : memref<128x128xf32, #tpu.memory_space<vmem_shared>>)
      tpu.yield
    }) : () -> ()
    %barrier3A = arith.constant 0 : index
    tpu.barrier barrier_id(%barrier3A)
    "tpu.region"() ({
      %run_scoped3A = tpu.sem_alloc : memref<!tpu.dma_semaphore, #tpu.memory_space<semaphore_mem>>
      %dma_start3A = arith.constant 0 : i32
      %dma_start3A_40 = arith.constant 0 : i32
      %dma_start3A_41 = tpu.memref_slice %arg3[%add3A, %dma_start3A, %dma_start3A_40] : memref<32x80x128xi32, #tpu.memory_space<hbm>> -> memref<1x40x128xi32, #tpu.memory_space<hbm>>
      %dma_start3A_42 = tpu.memref_squeeze %dma_start3A_41 : memref<1x40x128xi32, #tpu.memory_space<hbm>> -> memref<40x128xi32, #tpu.memory_space<hbm>>
      %dma_start3A_43 = arith.constant 0 : i32
      %dma_start3A_44 = arith.constant 0 : i32
      %dma_start3A_45 = tpu.memref_slice %arg3[%add3A, %dma_start3A_43, %dma_start3A_44] : memref<32x80x128xi32, #tpu.memory_space<hbm>> -> memref<1x40x128xi32, #tpu.memory_space<hbm>>
      %dma_start3A_46 = tpu.memref_squeeze %dma_start3A_45 : memref<1x40x128xi32, #tpu.memory_space<hbm>> -> memref<40x128xi32, #tpu.memory_space<hbm>>
      tpu.enqueue_dma source(%dma_start3A_46 : memref<40x128xi32, #tpu.memory_space<hbm>>) target(%arg6 : memref<40x128xi32, #tpu.memory_space<vmem>>) target_semaphore(%run_scoped3A : memref<!tpu.dma_semaphore, #tpu.memory_space<semaphore_mem>>)
      %dma_wait3A = arith.constant 0 : i32
      %dma_wait3A_47 = arith.constant 0 : i32
      %dma_wait3A_48 = tpu.memref_slice %arg3[%add3A, %dma_wait3A, %dma_wait3A_47] : memref<32x80x128xi32, #tpu.memory_space<hbm>> -> memref<1x40x128xi32, #tpu.memory_space<hbm>>
      %dma_wait3A_49 = tpu.memref_squeeze %dma_wait3A_48 : memref<1x40x128xi32, #tpu.memory_space<hbm>> -> memref<40x128xi32, #tpu.memory_space<hbm>>
      %dma_wait3A_50 = arith.constant 0 : i32
      %dma_wait3A_51 = arith.constant 0 : i32
      %dma_wait3A_52 = tpu.memref_slice %arg3[%add3A, %dma_wait3A_50, %dma_wait3A_51] : memref<32x80x128xi32, #tpu.memory_space<hbm>> -> memref<1x40x128xi32, #tpu.memory_space<hbm>>
      %dma_wait3A_53 = tpu.memref_squeeze %dma_wait3A_52 : memref<1x40x128xi32, #tpu.memory_space<hbm>> -> memref<40x128xi32, #tpu.memory_space<hbm>>
      tpu.wait_dma2 semaphore(%run_scoped3A : memref<!tpu.dma_semaphore, #tpu.memory_space<semaphore_mem>>) src(%dma_wait3A_53 : memref<40x128xi32, #tpu.memory_space<hbm>>) dst(%arg6 : memref<40x128xi32, #tpu.memory_space<vmem>>)
      tpu.yield
    }) : () -> ()
    "tpu.region"() ({
      %run_scoped3A = tpu.sem_alloc : memref<!tpu.dma_semaphore, #tpu.memory_space<semaphore_mem>>
      %dma_start3A = arith.constant 0 : i32
      %dma_start3A_40 = arith.constant 0 : i32
      %dma_start3A_41 = tpu.memref_slice %arg4[%add3A, %dma_start3A, %dma_start3A_40] : memref<32x80x128xi32, #tpu.memory_space<hbm>> -> memref<1x40x128xi32, #tpu.memory_space<hbm>>
      %dma_start3A_42 = tpu.memref_squeeze %dma_start3A_41 : memref<1x40x128xi32, #tpu.memory_space<hbm>> -> memref<40x128xi32, #tpu.memory_space<hbm>>
      %dma_start3A_43 = arith.constant 0 : i32
      %dma_start3A_44 = arith.constant 0 : i32
      %dma_start3A_45 = tpu.memref_slice %arg4[%add3A, %dma_start3A_43, %dma_start3A_44] : memref<32x80x128xi32, #tpu.memory_space<hbm>> -> memref<1x40x128xi32, #tpu.memory_space<hbm>>
      %dma_start3A_46 = tpu.memref_squeeze %dma_start3A_45 : memref<1x40x128xi32, #tpu.memory_space<hbm>> -> memref<40x128xi32, #tpu.memory_space<hbm>>
      tpu.enqueue_dma source(%dma_start3A_46 : memref<40x128xi32, #tpu.memory_space<hbm>>) target(%arg7 : memref<40x128xi32, #tpu.memory_space<vmem>>) target_semaphore(%run_scoped3A : memref<!tpu.dma_semaphore, #tpu.memory_space<semaphore_mem>>)
      %dma_wait3A = arith.constant 0 : i32
      %dma_wait3A_47 = arith.constant 0 : i32
      %dma_wait3A_48 = tpu.memref_slice %arg4[%add3A, %dma_wait3A, %dma_wait3A_47] : memref<32x80x128xi32, #tpu.memory_space<hbm>> -> memref<1x40x128xi32, #tpu.memory_space<hbm>>
      %dma_wait3A_49 = tpu.memref_squeeze %dma_wait3A_48 : memref<1x40x128xi32, #tpu.memory_space<hbm>> -> memref<40x128xi32, #tpu.memory_space<hbm>>
      %dma_wait3A_50 = arith.constant 0 : i32
      %dma_wait3A_51 = arith.constant 0 : i32
      %dma_wait3A_52 = tpu.memref_slice %arg4[%add3A, %dma_wait3A_50, %dma_wait3A_51] : memref<32x80x128xi32, #tpu.memory_space<hbm>> -> memref<1x40x128xi32, #tpu.memory_space<hbm>>
      %dma_wait3A_53 = tpu.memref_squeeze %dma_wait3A_52 : memref<1x40x128xi32, #tpu.memory_space<hbm>> -> memref<40x128xi32, #tpu.memory_space<hbm>>
      tpu.wait_dma2 semaphore(%run_scoped3A : memref<!tpu.dma_semaphore, #tpu.memory_space<semaphore_mem>>) src(%dma_wait3A_53 : memref<40x128xi32, #tpu.memory_space<hbm>>) dst(%arg7 : memref<40x128xi32, #tpu.memory_space<vmem>>)
      tpu.yield
    }) : () -> ()
    %scan3A_25 = arith.constant 0 : i32
    %scan3A_26 = arith.constant 40 : i32
    %scan3A_27 = arith.addi %scan3A_25, %scan3A_26 : i32
    %scan3A_28 = arith.constant 1 : i32
    scf.for %scan3A_40 = %scan3A_25 to %scan3A_27 step %scan3A_28  : i32 {
      %mul3A_41 = arith.constant 1 : i32
      %mul3A_42 = arith.muli %scan3A_40, %mul3A_41 : i32
      %add3A_43 = arith.constant 0 : i32
      %add3A_44 = arith.addi %add3A_43, %mul3A_42 : i32
      %dma_start3A = arith.constant 0 : i32
      %dma_start3A_45 = tpu.memref_slice %arg6[%add3A_44, %dma_start3A] : memref<40x128xi32, #tpu.memory_space<vmem>> -> memref<1x128xi32, #tpu.memory_space<vmem>>
      %dma_start3A_46 = tpu.memref_squeeze %dma_start3A_45 : memref<1x128xi32, #tpu.memory_space<vmem>> -> memref<128xi32, #tpu.memory_space<vmem>>
      %dma_start3A_47 = arith.constant 0 : i32
      %dma_start3A_48 = arith.constant 0 : i32
      %dma_start3A_49 = tpu.memref_slice %arg2[%dma_start3A_47, %dma_start3A_48] : memref<10240x128xf32, #tpu.memory_space<hbm>> -> memref<10240x128xf32, #tpu.memory_space<hbm>>
      tpu.enqueue_indirect_dma source(%dma_start3A_49 : memref<10240x128xf32, #tpu.memory_space<hbm>>) target(%arg8 : memref<128x128xf32, #tpu.memory_space<vmem>>) offsets(%dma_start3A_46 : memref<128xi32, #tpu.memory_space<vmem>>) semaphore(%arg11 : memref<!tpu.dma_semaphore, #tpu.memory_space<semaphore_mem>>)
      %dma_wait3A = arith.constant 0 : i32
      %dma_wait3A_50 = tpu.memref_slice %arg6[%add3A_44, %dma_wait3A] : memref<40x128xi32, #tpu.memory_space<vmem>> -> memref<1x128xi32, #tpu.memory_space<vmem>>
      %dma_wait3A_51 = tpu.memref_squeeze %dma_wait3A_50 : memref<1x128xi32, #tpu.memory_space<vmem>> -> memref<128xi32, #tpu.memory_space<vmem>>
      %dma_wait3A_52 = arith.constant 0 : i32
      %dma_wait3A_53 = arith.constant 0 : i32
      %dma_wait3A_54 = tpu.memref_slice %arg2[%dma_wait3A_52, %dma_wait3A_53] : memref<10240x128xf32, #tpu.memory_space<hbm>> -> memref<10240x128xf32, #tpu.memory_space<hbm>>
      tpu.wait_indirect_dma semaphore(%arg11 : memref<!tpu.dma_semaphore, #tpu.memory_space<semaphore_mem>>) src(%dma_wait3A_54 : memref<10240x128xf32, #tpu.memory_space<hbm>>) dst(%arg8 : memref<128x128xf32, #tpu.memory_space<vmem>>)
      "tpu.region"() ({
        %run_scoped3A = tpu.sem_alloc : memref<!tpu.dma_semaphore, #tpu.memory_space<semaphore_mem>>
        %dma_start3A_55 = arith.constant 0 : i32
        %dma_start3A_56 = tpu.memref_slice %arg7[%add3A_44, %dma_start3A_55] : memref<40x128xi32, #tpu.memory_space<vmem>> -> memref<1x128xi32, #tpu.memory_space<vmem>>
        %dma_start3A_57 = tpu.memref_squeeze %dma_start3A_56 : memref<1x128xi32, #tpu.memory_space<vmem>> -> memref<128xi32, #tpu.memory_space<vmem>>
        %dma_start3A_58 = arith.constant 0 : i32
        %dma_start3A_59 = arith.constant 0 : i32
        %dma_start3A_60 = tpu.memref_slice %arg10[%dma_start3A_58, %dma_start3A_59] : memref<10240x128xf32, #tpu.memory_space<vmem_shared>> -> memref<10240x128xf32, #tpu.memory_space<vmem_shared>>
        tpu.enqueue_indirect_dma source(%arg8 : memref<128x128xf32, #tpu.memory_space<vmem>>) target(%dma_start3A_60 : memref<10240x128xf32, #tpu.memory_space<vmem_shared>>) offsets(%dma_start3A_57 : memref<128xi32, #tpu.memory_space<vmem>>) semaphore(%run_scoped3A : memref<!tpu.dma_semaphore, #tpu.memory_space<semaphore_mem>>) {add = true}
        %dma_wait3A_61 = arith.constant 0 : i32
        %dma_wait3A_62 = tpu.memref_slice %arg7[%add3A_44, %dma_wait3A_61] : memref<40x128xi32, #tpu.memory_space<vmem>> -> memref<1x128xi32, #tpu.memory_space<vmem>>
        %dma_wait3A_63 = tpu.memref_squeeze %dma_wait3A_62 : memref<1x128xi32, #tpu.memory_space<vmem>> -> memref<128xi32, #tpu.memory_space<vmem>>
        %dma_wait3A_64 = arith.constant 0 : i32
        %dma_wait3A_65 = arith.constant 0 : i32
        %dma_wait3A_66 = tpu.memref_slice %arg10[%dma_wait3A_64, %dma_wait3A_65] : memref<10240x128xf32, #tpu.memory_space<vmem_shared>> -> memref<10240x128xf32, #tpu.memory_space<vmem_shared>>
        tpu.wait_indirect_dma semaphore(%run_scoped3A : memref<!tpu.dma_semaphore, #tpu.memory_space<semaphore_mem>>) src(%arg8 : memref<128x128xf32, #tpu.memory_space<vmem>>) dst(%dma_wait3A_66 : memref<10240x128xf32, #tpu.memory_space<vmem_shared>>)
        tpu.yield
      }) : () -> ()
    }
    %scan3A_29 = arith.constant 40 : i32
    "tpu.region"() ({
      %run_scoped3A = tpu.sem_alloc : memref<!tpu.dma_semaphore, #tpu.memory_space<semaphore_mem>>
      %dma_start3A = arith.constant 40 : i32
      %dma_start3A_40 = arith.constant 0 : i32
      %dma_start3A_41 = tpu.memref_slice %arg3[%add3A, %dma_start3A, %dma_start3A_40] : memref<32x80x128xi32, #tpu.memory_space<hbm>> -> memref<1x40x128xi32, #tpu.memory_space<hbm>>
      %dma_start3A_42 = tpu.memref_squeeze %dma_start3A_41 : memref<1x40x128xi32, #tpu.memory_space<hbm>> -> memref<40x128xi32, #tpu.memory_space<hbm>>
      %dma_start3A_43 = arith.constant 40 : i32
      %dma_start3A_44 = arith.constant 0 : i32
      %dma_start3A_45 = tpu.memref_slice %arg3[%add3A, %dma_start3A_43, %dma_start3A_44] : memref<32x80x128xi32, #tpu.memory_space<hbm>> -> memref<1x40x128xi32, #tpu.memory_space<hbm>>
      %dma_start3A_46 = tpu.memref_squeeze %dma_start3A_45 : memref<1x40x128xi32, #tpu.memory_space<hbm>> -> memref<40x128xi32, #tpu.memory_space<hbm>>
      tpu.enqueue_dma source(%dma_start3A_46 : memref<40x128xi32, #tpu.memory_space<hbm>>) target(%arg6 : memref<40x128xi32, #tpu.memory_space<vmem>>) target_semaphore(%run_scoped3A : memref<!tpu.dma_semaphore, #tpu.memory_space<semaphore_mem>>)
      %dma_wait3A = arith.constant 40 : i32
      %dma_wait3A_47 = arith.constant 0 : i32
      %dma_wait3A_48 = tpu.memref_slice %arg3[%add3A, %dma_wait3A, %dma_wait3A_47] : memref<32x80x128xi32, #tpu.memory_space<hbm>> -> memref<1x40x128xi32, #tpu.memory_space<hbm>>
      %dma_wait3A_49 = tpu.memref_squeeze %dma_wait3A_48 : memref<1x40x128xi32, #tpu.memory_space<hbm>> -> memref<40x128xi32, #tpu.memory_space<hbm>>
      %dma_wait3A_50 = arith.constant 40 : i32
      %dma_wait3A_51 = arith.constant 0 : i32
      %dma_wait3A_52 = tpu.memref_slice %arg3[%add3A, %dma_wait3A_50, %dma_wait3A_51] : memref<32x80x128xi32, #tpu.memory_space<hbm>> -> memref<1x40x128xi32, #tpu.memory_space<hbm>>
      %dma_wait3A_53 = tpu.memref_squeeze %dma_wait3A_52 : memref<1x40x128xi32, #tpu.memory_space<hbm>> -> memref<40x128xi32, #tpu.memory_space<hbm>>
      tpu.wait_dma2 semaphore(%run_scoped3A : memref<!tpu.dma_semaphore, #tpu.memory_space<semaphore_mem>>) src(%dma_wait3A_53 : memref<40x128xi32, #tpu.memory_space<hbm>>) dst(%arg6 : memref<40x128xi32, #tpu.memory_space<vmem>>)
      tpu.yield
    }) : () -> ()
    "tpu.region"() ({
      %run_scoped3A = tpu.sem_alloc : memref<!tpu.dma_semaphore, #tpu.memory_space<semaphore_mem>>
      %dma_start3A = arith.constant 40 : i32
      %dma_start3A_40 = arith.constant 0 : i32
      %dma_start3A_41 = tpu.memref_slice %arg4[%add3A, %dma_start3A, %dma_start3A_40] : memref<32x80x128xi32, #tpu.memory_space<hbm>> -> memref<1x40x128xi32, #tpu.memory_space<hbm>>
      %dma_start3A_42 = tpu.memref_squeeze %dma_start3A_41 : memref<1x40x128xi32, #tpu.memory_space<hbm>> -> memref<40x128xi32, #tpu.memory_space<hbm>>
      %dma_start3A_43 = arith.constant 40 : i32
      %dma_start3A_44 = arith.constant 0 : i32
      %dma_start3A_45 = tpu.memref_slice %arg4[%add3A, %dma_start3A_43, %dma_start3A_44] : memref<32x80x128xi32, #tpu.memory_space<hbm>> -> memref<1x40x128xi32, #tpu.memory_space<hbm>>
      %dma_start3A_46 = tpu.memref_squeeze %dma_start3A_45 : memref<1x40x128xi32, #tpu.memory_space<hbm>> -> memref<40x128xi32, #tpu.memory_space<hbm>>
      tpu.enqueue_dma source(%dma_start3A_46 : memref<40x128xi32, #tpu.memory_space<hbm>>) target(%arg7 : memref<40x128xi32, #tpu.memory_space<vmem>>) target_semaphore(%run_scoped3A : memref<!tpu.dma_semaphore, #tpu.memory_space<semaphore_mem>>)
      %dma_wait3A = arith.constant 40 : i32
      %dma_wait3A_47 = arith.constant 0 : i32
      %dma_wait3A_48 = tpu.memref_slice %arg4[%add3A, %dma_wait3A, %dma_wait3A_47] : memref<32x80x128xi32, #tpu.memory_space<hbm>> -> memref<1x40x128xi32, #tpu.memory_space<hbm>>
      %dma_wait3A_49 = tpu.memref_squeeze %dma_wait3A_48 : memref<1x40x128xi32, #tpu.memory_space<hbm>> -> memref<40x128xi32, #tpu.memory_space<hbm>>
      %dma_wait3A_50 = arith.constant 40 : i32
      %dma_wait3A_51 = arith.constant 0 : i32
      %dma_wait3A_52 = tpu.memref_slice %arg4[%add3A, %dma_wait3A_50, %dma_wait3A_51] : memref<32x80x128xi32, #tpu.memory_space<hbm>> -> memref<1x40x128xi32, #tpu.memory_space<hbm>>
      %dma_wait3A_53 = tpu.memref_squeeze %dma_wait3A_52 : memref<1x40x128xi32, #tpu.memory_space<hbm>> -> memref<40x128xi32, #tpu.memory_space<hbm>>
      tpu.wait_dma2 semaphore(%run_scoped3A : memref<!tpu.dma_semaphore, #tpu.memory_space<semaphore_mem>>) src(%dma_wait3A_53 : memref<40x128xi32, #tpu.memory_space<hbm>>) dst(%arg7 : memref<40x128xi32, #tpu.memory_space<vmem>>)
      tpu.yield
    }) : () -> ()
    %scan3A_30 = arith.constant 0 : i32
    %scan3A_31 = arith.constant 40 : i32
    %scan3A_32 = arith.addi %scan3A_30, %scan3A_31 : i32
    %scan3A_33 = arith.constant 1 : i32
    scf.for %scan3A_40 = %scan3A_30 to %scan3A_32 step %scan3A_33  : i32 {
      %mul3A_41 = arith.constant 1 : i32
      %mul3A_42 = arith.muli %scan3A_40, %mul3A_41 : i32
      %add3A_43 = arith.constant 0 : i32
      %add3A_44 = arith.addi %add3A_43, %mul3A_42 : i32
      %dma_start3A = arith.constant 0 : i32
      %dma_start3A_45 = tpu.memref_slice %arg6[%add3A_44, %dma_start3A] : memref<40x128xi32, #tpu.memory_space<vmem>> -> memref<1x128xi32, #tpu.memory_space<vmem>>
      %dma_start3A_46 = tpu.memref_squeeze %dma_start3A_45 : memref<1x128xi32, #tpu.memory_space<vmem>> -> memref<128xi32, #tpu.memory_space<vmem>>
      %dma_start3A_47 = arith.constant 0 : i32
      %dma_start3A_48 = arith.constant 0 : i32
      %dma_start3A_49 = tpu.memref_slice %arg2[%dma_start3A_47, %dma_start3A_48] : memref<10240x128xf32, #tpu.memory_space<hbm>> -> memref<10240x128xf32, #tpu.memory_space<hbm>>
      tpu.enqueue_indirect_dma source(%dma_start3A_49 : memref<10240x128xf32, #tpu.memory_space<hbm>>) target(%arg8 : memref<128x128xf32, #tpu.memory_space<vmem>>) offsets(%dma_start3A_46 : memref<128xi32, #tpu.memory_space<vmem>>) semaphore(%arg11 : memref<!tpu.dma_semaphore, #tpu.memory_space<semaphore_mem>>)
      %dma_wait3A = arith.constant 0 : i32
      %dma_wait3A_50 = tpu.memref_slice %arg6[%add3A_44, %dma_wait3A] : memref<40x128xi32, #tpu.memory_space<vmem>> -> memref<1x128xi32, #tpu.memory_space<vmem>>
      %dma_wait3A_51 = tpu.memref_squeeze %dma_wait3A_50 : memref<1x128xi32, #tpu.memory_space<vmem>> -> memref<128xi32, #tpu.memory_space<vmem>>
      %dma_wait3A_52 = arith.constant 0 : i32
      %dma_wait3A_53 = arith.constant 0 : i32
      %dma_wait3A_54 = tpu.memref_slice %arg2[%dma_wait3A_52, %dma_wait3A_53] : memref<10240x128xf32, #tpu.memory_space<hbm>> -> memref<10240x128xf32, #tpu.memory_space<hbm>>
      tpu.wait_indirect_dma semaphore(%arg11 : memref<!tpu.dma_semaphore, #tpu.memory_space<semaphore_mem>>) src(%dma_wait3A_54 : memref<10240x128xf32, #tpu.memory_space<hbm>>) dst(%arg8 : memref<128x128xf32, #tpu.memory_space<vmem>>)
      "tpu.region"() ({
        %run_scoped3A = tpu.sem_alloc : memref<!tpu.dma_semaphore, #tpu.memory_space<semaphore_mem>>
        %dma_start3A_55 = arith.constant 0 : i32
        %dma_start3A_56 = tpu.memref_slice %arg7[%add3A_44, %dma_start3A_55] : memref<40x128xi32, #tpu.memory_space<vmem>> -> memref<1x128xi32, #tpu.memory_space<vmem>>
        %dma_start3A_57 = tpu.memref_squeeze %dma_start3A_56 : memref<1x128xi32, #tpu.memory_space<vmem>> -> memref<128xi32, #tpu.memory_space<vmem>>
        %dma_start3A_58 = arith.constant 0 : i32
        %dma_start3A_59 = arith.constant 0 : i32
        %dma_start3A_60 = tpu.memref_slice %arg10[%dma_start3A_58, %dma_start3A_59] : memref<10240x128xf32, #tpu.memory_space<vmem_shared>> -> memref<10240x128xf32, #tpu.memory_space<vmem_shared>>
        tpu.enqueue_indirect_dma source(%arg8 : memref<128x128xf32, #tpu.memory_space<vmem>>) target(%dma_start3A_60 : memref<10240x128xf32, #tpu.memory_space<vmem_shared>>) offsets(%dma_start3A_57 : memref<128xi32, #tpu.memory_space<vmem>>) semaphore(%run_scoped3A : memref<!tpu.dma_semaphore, #tpu.memory_space<semaphore_mem>>) {add = true}
        %dma_wait3A_61 = arith.constant 0 : i32
        %dma_wait3A_62 = tpu.memref_slice %arg7[%add3A_44, %dma_wait3A_61] : memref<40x128xi32, #tpu.memory_space<vmem>> -> memref<1x128xi32, #tpu.memory_space<vmem>>
        %dma_wait3A_63 = tpu.memref_squeeze %dma_wait3A_62 : memref<1x128xi32, #tpu.memory_space<vmem>> -> memref<128xi32, #tpu.memory_space<vmem>>
        %dma_wait3A_64 = arith.constant 0 : i32
        %dma_wait3A_65 = arith.constant 0 : i32
        %dma_wait3A_66 = tpu.memref_slice %arg10[%dma_wait3A_64, %dma_wait3A_65] : memref<10240x128xf32, #tpu.memory_space<vmem_shared>> -> memref<10240x128xf32, #tpu.memory_space<vmem_shared>>
        tpu.wait_indirect_dma semaphore(%run_scoped3A : memref<!tpu.dma_semaphore, #tpu.memory_space<semaphore_mem>>) src(%arg8 : memref<128x128xf32, #tpu.memory_space<vmem>>) dst(%dma_wait3A_66 : memref<10240x128xf32, #tpu.memory_space<vmem_shared>>)
        tpu.yield
      }) : () -> ()
    }
    %scan3A_34 = arith.constant 40 : i32
    %barrier3A_35 = arith.constant 0 : index
    tpu.barrier barrier_id(%barrier3A_35)
    %mul3A_36 = arith.constant 640 : i32
    %mul3A_37 = arith.muli %arg1, %mul3A_36 : i32
    %mul3A_38 = arith.constant 640 : i32
    %mul3A_39 = arith.muli %arg1, %mul3A_38 : i32
    "tpu.region"() ({
      %run_scoped3A = tpu.sem_alloc : memref<!tpu.dma_semaphore, #tpu.memory_space<semaphore_mem>>
      %dma_start3A = arith.constant 0 : i32
      %dma_start3A_40 = tpu.memref_slice %arg5[%arg0, %mul3A_39, %dma_start3A] : memref<2x10240x128xf32, #tpu.memory_space<hbm>> -> memref<1x640x128xf32, #tpu.memory_space<hbm>>
      %dma_start3A_41 = tpu.memref_squeeze %dma_start3A_40 : memref<1x640x128xf32, #tpu.memory_space<hbm>> -> memref<640x128xf32, #tpu.memory_space<hbm>>
      %dma_start3A_42 = arith.constant 0 : i32
      %dma_start3A_43 = tpu.memref_slice %arg10[%mul3A_37, %dma_start3A_42] : memref<10240x128xf32, #tpu.memory_space<vmem_shared>> -> memref<640x128xf32, #tpu.memory_space<vmem_shared>>
      tpu.enqueue_dma source(%dma_start3A_43 : memref<640x128xf32, #tpu.memory_space<vmem_shared>>) target(%dma_start3A_41 : memref<640x128xf32, #tpu.memory_space<hbm>>) target_semaphore(%run_scoped3A : memref<!tpu.dma_semaphore, #tpu.memory_space<semaphore_mem>>)
      %dma_wait3A = arith.constant 0 : i32
      %dma_wait3A_44 = tpu.memref_slice %arg5[%arg0, %mul3A_39, %dma_wait3A] : memref<2x10240x128xf32, #tpu.memory_space<hbm>> -> memref<1x640x128xf32, #tpu.memory_space<hbm>>
      %dma_wait3A_45 = tpu.memref_squeeze %dma_wait3A_44 : memref<1x640x128xf32, #tpu.memory_space<hbm>> -> memref<640x128xf32, #tpu.memory_space<hbm>>
      %dma_wait3A_46 = arith.constant 0 : i32
      %dma_wait3A_47 = tpu.memref_slice %arg10[%mul3A_37, %dma_wait3A_46] : memref<10240x128xf32, #tpu.memory_space<vmem_shared>> -> memref<640x128xf32, #tpu.memory_space<vmem_shared>>
      tpu.wait_dma2 semaphore(%run_scoped3A : memref<!tpu.dma_semaphore, #tpu.memory_space<semaphore_mem>>) src(%dma_wait3A_47 : memref<640x128xf32, #tpu.memory_space<vmem_shared>>) dst(%dma_wait3A_45 : memref<640x128xf32, #tpu.memory_space<hbm>>)
      tpu.yield
    }) : () -> ()
    return
  }
}

module attributes {stable_mosaic.version = 14 : i64} {
  func.func @_k2_body(%arg0: i32, %arg1: memref<1024x128xf32, #tpu.memory_space<vmem>>, %arg2: memref<2x1024xf32, #tpu.memory_space<vmem>>, %arg3: memref<128x128xf32, #tpu.memory_space<vmem>>, %arg4: memref<1024xf32, #tpu.memory_space<vmem>>, %arg5: memref<1024x128xf32, #tpu.memory_space<vmem>>) attributes {dimension_semantics = [#tpu.dimension_semantics<arbitrary>], iteration_bounds = array<i64: 10>, scalar_prefetch = 0 : i64, scratch_operands = 0 : i64, tpu.core_type = #tpu.core_type<tc>, window_params = [{transform_indices = @transform_0, window_bounds = array<i64: 1024, 128>}, {transform_indices = @transform_1, window_bounds = array<i64: 2, 1024>}, {pipeline_mode = #tpu.pipeline_mode<synchronous>, transform_indices = @transform_2, window_bounds = array<i64: 128, 128>}, {transform_indices = @transform_3, window_bounds = array<i64: 1024>}, {transform_indices = @transform_4, window_bounds = array<i64: 1024, 128>}]} {
    %get3A = arith.constant 0 : index
    %get3A_0 = arith.constant 0 : index
    %get3A_1 = vector.load %arg2[%get3A, %get3A_0] : memref<2x1024xf32, #tpu.memory_space<vmem>>, vector<1x1024xf32>
    %get3A_2 = vector.shape_cast %get3A_1 : vector<1x1024xf32> to vector<1024xf32>
    %get3A_3 = arith.constant 1 : index
    %get3A_4 = arith.constant 0 : index
    %get3A_5 = vector.load %arg2[%get3A_3, %get3A_4] : memref<2x1024xf32, #tpu.memory_space<vmem>>, vector<1x1024xf32>
    %get3A_6 = vector.shape_cast %get3A_5 : vector<1x1024xf32> to vector<1024xf32>
    %add3A = arith.addf %get3A_2, %get3A_6 : vector<1024xf32>
    %add3A_7 = arith.constant 1.000000e+00 : f32
    %add3A_8 = vector.broadcast %add3A_7 : f32 to vector<1024xf32>
    %add3A_9 = arith.addf %add3A, %add3A_8 : vector<1024xf32>
    %rsqrt3A = math.rsqrt %add3A_9 : vector<1024xf32>
    %swap3A = arith.constant 0 : index
    %swap3A_10 = vector.load %arg4[%swap3A] : memref<1024xf32, #tpu.memory_space<vmem>>, vector<1024xf32>
    tpu.vector_store %arg4[%swap3A], %rsqrt3A {strides = array<i32>} : memref<1024xf32, #tpu.memory_space<vmem>>, vector<1024xf32>,
    %get3A_11 = arith.constant 0 : index
    %get3A_12 = arith.constant 0 : index
    %get3A_13 = vector.load %arg1[%get3A_11, %get3A_12] : memref<1024x128xf32, #tpu.memory_space<vmem>>, vector<1024x128xf32>
    %get3A_14 = arith.constant 0 : index
    %get3A_15 = arith.constant 0 : index
    %get3A_16 = vector.load %arg3[%get3A_14, %get3A_15] : memref<128x128xf32, #tpu.memory_space<vmem>>, vector<128x128xf32>
    %dot_general3A = arith.constant dense<0.000000e+00> : vector<1024x128xf32>
    %dot_general3A_17 = tpu.matmul %get3A_13, %get3A_16, %dot_general3A {dimension_numbers = #tpu.dot_dimension_numbers<[1], [0], [0], [1], [0, 0, 1, 1], [], []>, precision = #tpu.contract_precision<fp32>, transpose_lhs_hint = false} : vector<1024x128xf32>, vector<128x128xf32>, vector<1024x128xf32> -> vector<1024x128xf32>
    %broadcast_in_dim3A = vector.shape_cast %rsqrt3A : vector<1024xf32> to vector<1024x1xf32>
    %mul3A = vector.broadcast %broadcast_in_dim3A : vector<1024x1xf32> to vector<1024x128xf32>
    %mul3A_18 = arith.mulf %dot_general3A_17, %mul3A : vector<1024x128xf32>
    %swap3A_19 = arith.constant 0 : index
    %swap3A_20 = arith.constant 0 : index
    %swap3A_21 = vector.load %arg5[%swap3A_19, %swap3A_20] : memref<1024x128xf32, #tpu.memory_space<vmem>>, vector<1024x128xf32>
    tpu.vector_store %arg5[%swap3A_19, %swap3A_20], %mul3A_18 {strides = array<i32>} : memref<1024x128xf32, #tpu.memory_space<vmem>>, vector<1024x128xf32>,
    return
  }
  func.func @transform_0(%arg0: i32) -> (i32, i32) {
    %c0_i32 = arith.constant 0 : i32
    %c0_i32_0 = arith.constant 0 : i32
    return %arg0, %c0_i32 : i32, i32
  }
  func.func @transform_1(%arg0: i32) -> (i32, i32) {
    %c0_i32 = arith.constant 0 : i32
    %c0_i32_0 = arith.constant 0 : i32
    return %c0_i32, %arg0 : i32, i32
  }
  func.func @transform_2(%arg0: i32) -> (i32, i32) {
    %c0_i32 = arith.constant 0 : i32
    %c0_i32_0 = arith.constant 0 : i32
    %c0_i32_1 = arith.constant 0 : i32
    return %c0_i32, %c0_i32_0 : i32, i32
  }
  func.func @transform_3(%arg0: i32) -> i32 {
    %c0_i32 = arith.constant 0 : i32
    return %arg0 : i32
  }
  func.func @transform_4(%arg0: i32) -> (i32, i32) {
    %c0_i32 = arith.constant 0 : i32
    %c0_i32_0 = arith.constant 0 : i32
    return %arg0, %c0_i32 : i32, i32
  }
}

module attributes {stable_mosaic.version = 14 : i64} {
  func.func @_k4_body(%arg0: i32, %arg1: memref<2x1024x128xf32, #tpu.memory_space<vmem>>, %arg2: memref<1024x128xf32, #tpu.memory_space<vmem>>, %arg3: memref<1024xf32, #tpu.memory_space<vmem>>, %arg4: memref<128xf32, #tpu.memory_space<vmem>>, %arg5: memref<128x128xf32, #tpu.memory_space<vmem>>, %arg6: memref<1024x128xf32, #tpu.memory_space<vmem>>) attributes {dimension_semantics = [#tpu.dimension_semantics<arbitrary>], iteration_bounds = array<i64: 10>, scalar_prefetch = 0 : i64, scratch_operands = 0 : i64, tpu.core_type = #tpu.core_type<tc>, window_params = [{transform_indices = @transform_0, window_bounds = array<i64: 2, 1024, 128>}, {transform_indices = @transform_1, window_bounds = array<i64: 1024, 128>}, {transform_indices = @transform_2, window_bounds = array<i64: 1024>}, {pipeline_mode = #tpu.pipeline_mode<synchronous>, transform_indices = @transform_3, window_bounds = array<i64: 128>}, {pipeline_mode = #tpu.pipeline_mode<synchronous>, transform_indices = @transform_4, window_bounds = array<i64: 128, 128>}, {transform_indices = @transform_5, window_bounds = array<i64: 1024, 128>}]} {
    %get3A = arith.constant 0 : index
    %get3A_0 = vector.load %arg3[%get3A] : memref<1024xf32, #tpu.memory_space<vmem>>, vector<1024xf32>
    %get3A_1 = arith.constant 0 : index
    %get3A_2 = arith.constant 0 : index
    %get3A_3 = arith.constant 0 : index
    %get3A_4 = vector.load %arg1[%get3A_1, %get3A_2, %get3A_3] : memref<2x1024x128xf32, #tpu.memory_space<vmem>>, vector<1x1024x128xf32>
    %get3A_5 = vector.shape_cast %get3A_4 : vector<1x1024x128xf32> to vector<1024x128xf32>
    %get3A_6 = arith.constant 1 : index
    %get3A_7 = arith.constant 0 : index
    %get3A_8 = arith.constant 0 : index
    %get3A_9 = vector.load %arg1[%get3A_6, %get3A_7, %get3A_8] : memref<2x1024x128xf32, #tpu.memory_space<vmem>>, vector<1x1024x128xf32>
    %get3A_10 = vector.shape_cast %get3A_9 : vector<1x1024x128xf32> to vector<1024x128xf32>
    %add3A = arith.addf %get3A_5, %get3A_10 : vector<1024x128xf32>
    %get3A_11 = arith.constant 0 : index
    %get3A_12 = arith.constant 0 : index
    %get3A_13 = vector.load %arg2[%get3A_11, %get3A_12] : memref<1024x128xf32, #tpu.memory_space<vmem>>, vector<1024x128xf32>
    %add3A_14 = arith.addf %add3A, %get3A_13 : vector<1024x128xf32>
    %broadcast_in_dim3A = vector.shape_cast %get3A_0 : vector<1024xf32> to vector<1024x1xf32>
    %mul3A = vector.broadcast %broadcast_in_dim3A : vector<1024x1xf32> to vector<1024x128xf32>
    %mul3A_15 = arith.mulf %add3A_14, %mul3A : vector<1024x128xf32>
    %get3A_16 = arith.constant 0 : index
    %get3A_17 = vector.load %arg4[%get3A_16] : memref<128xf32, #tpu.memory_space<vmem>>, vector<128xf32>
    %broadcast_in_dim3A_18 = vector.shape_cast %get3A_17 : vector<128xf32> to vector<1x128xf32>
    %add3A_19 = vector.broadcast %broadcast_in_dim3A_18 : vector<1x128xf32> to vector<1024x128xf32>
    %add3A_20 = arith.addf %mul3A_15, %add3A_19 : vector<1024x128xf32>
    %tanh3A = math.tanh %add3A_20 : vector<1024x128xf32>
    %get3A_21 = arith.constant 0 : index
    %get3A_22 = arith.constant 0 : index
    %get3A_23 = vector.load %arg5[%get3A_21, %get3A_22] : memref<128x128xf32, #tpu.memory_space<vmem>>, vector<128x128xf32>
    %dot_general3A = arith.constant dense<0.000000e+00> : vector<1024x128xf32>
    %dot_general3A_24 = tpu.matmul %tanh3A, %get3A_23, %dot_general3A {dimension_numbers = #tpu.dot_dimension_numbers<[1], [0], [0], [1], [0, 0, 1, 1], [], []>, precision = #tpu.contract_precision<fp32>, transpose_lhs_hint = false} : vector<1024x128xf32>, vector<128x128xf32>, vector<1024x128xf32> -> vector<1024x128xf32>
    %broadcast_in_dim3A_25 = vector.shape_cast %get3A_0 : vector<1024xf32> to vector<1024x1xf32>
    %mul3A_26 = vector.broadcast %broadcast_in_dim3A_25 : vector<1024x1xf32> to vector<1024x128xf32>
    %mul3A_27 = arith.mulf %dot_general3A_24, %mul3A_26 : vector<1024x128xf32>
    %swap3A = arith.constant 0 : index
    %swap3A_28 = arith.constant 0 : index
    %swap3A_29 = vector.load %arg6[%swap3A, %swap3A_28] : memref<1024x128xf32, #tpu.memory_space<vmem>>, vector<1024x128xf32>
    tpu.vector_store %arg6[%swap3A, %swap3A_28], %mul3A_27 {strides = array<i32>} : memref<1024x128xf32, #tpu.memory_space<vmem>>, vector<1024x128xf32>,
    return
  }
  func.func @transform_0(%arg0: i32) -> (i32, i32, i32) {
    %c0_i32 = arith.constant 0 : i32
    %c0_i32_0 = arith.constant 0 : i32
    %c0_i32_1 = arith.constant 0 : i32
    return %c0_i32, %arg0, %c0_i32_0 : i32, i32, i32
  }
  func.func @transform_1(%arg0: i32) -> (i32, i32) {
    %c0_i32 = arith.constant 0 : i32
    %c0_i32_0 = arith.constant 0 : i32
    return %arg0, %c0_i32 : i32, i32
  }
  func.func @transform_2(%arg0: i32) -> i32 {
    %c0_i32 = arith.constant 0 : i32
    return %arg0 : i32
  }
  func.func @transform_3(%arg0: i32) -> i32 {
    %c0_i32 = arith.constant 0 : i32
    %c0_i32_0 = arith.constant 0 : i32
    return %c0_i32 : i32
  }
  func.func @transform_4(%arg0: i32) -> (i32, i32) {
    %c0_i32 = arith.constant 0 : i32
    %c0_i32_0 = arith.constant 0 : i32
    %c0_i32_1 = arith.constant 0 : i32
    return %c0_i32, %c0_i32_0 : i32, i32
  }
  func.func @transform_5(%arg0: i32) -> (i32, i32) {
    %c0_i32 = arith.constant 0 : i32
    %c0_i32_0 = arith.constant 0 : i32
    return %arg0, %c0_i32 : i32, i32
  }
}

module attributes {stable_mosaic.version = 14 : i64} {
  func.func @_k6_body(%arg0: i32, %arg1: memref<2x1024x128xf32, #tpu.memory_space<vmem>>, %arg2: memref<1024x128xf32, #tpu.memory_space<vmem>>, %arg3: memref<1024xf32, #tpu.memory_space<vmem>>, %arg4: memref<128xf32, #tpu.memory_space<vmem>>, %arg5: memref<128x128xf32, #tpu.memory_space<vmem>>, %arg6: memref<256x128xf32, #tpu.memory_space<vmem>>, %arg7: memref<128xf32, #tpu.memory_space<vmem>>, %arg8: memref<1024x64xf32, #tpu.memory_space<vmem>>, %arg9: memref<64x128xf32, #tpu.memory_space<vmem>>, %arg10: memref<128xf32, #tpu.memory_space<vmem>>, %arg11: memref<1024x256xf32, #tpu.memory_space<vmem>>) attributes {dimension_semantics = [#tpu.dimension_semantics<arbitrary>], iteration_bounds = array<i64: 10>, scalar_prefetch = 0 : i64, scratch_operands = 0 : i64, tpu.core_type = #tpu.core_type<tc>, window_params = [{transform_indices = @transform_0, window_bounds = array<i64: 2, 1024, 128>}, {transform_indices = @transform_1, window_bounds = array<i64: 1024, 128>}, {transform_indices = @transform_2, window_bounds = array<i64: 1024>}, {pipeline_mode = #tpu.pipeline_mode<synchronous>, transform_indices = @transform_3, window_bounds = array<i64: 128>}, {pipeline_mode = #tpu.pipeline_mode<synchronous>, transform_indices = @transform_4, window_bounds = array<i64: 128, 128>}, {pipeline_mode = #tpu.pipeline_mode<synchronous>, transform_indices = @transform_5, window_bounds = array<i64: 256, 128>}, {pipeline_mode = #tpu.pipeline_mode<synchronous>, transform_indices = @transform_6, window_bounds = array<i64: 128>}, {transform_indices = @transform_7, window_bounds = array<i64: 1024, 64>}, {pipeline_mode = #tpu.pipeline_mode<synchronous>, transform_indices = @transform_8, window_bounds = array<i64: 64, 128>}, {pipeline_mode = #tpu.pipeline_mode<synchronous>, transform_indices = @transform_9, window_bounds = array<i64: 128>}, {transform_indices = @transform_10, window_bounds = array<i64: 1024, 256>}]} {
    %get3A = arith.constant 0 : index
    %get3A_0 = vector.load %arg3[%get3A] : memref<1024xf32, #tpu.memory_space<vmem>>, vector<1024xf32>
    %get3A_1 = arith.constant 0 : index
    %get3A_2 = arith.constant 0 : index
    %get3A_3 = arith.constant 0 : index
    %get3A_4 = vector.load %arg1[%get3A_1, %get3A_2, %get3A_3] : memref<2x1024x128xf32, #tpu.memory_space<vmem>>, vector<1x1024x128xf32>
    %get3A_5 = vector.shape_cast %get3A_4 : vector<1x1024x128xf32> to vector<1024x128xf32>
    %get3A_6 = arith.constant 1 : index
    %get3A_7 = arith.constant 0 : index
    %get3A_8 = arith.constant 0 : index
    %get3A_9 = vector.load %arg1[%get3A_6, %get3A_7, %get3A_8] : memref<2x1024x128xf32, #tpu.memory_space<vmem>>, vector<1x1024x128xf32>
    %get3A_10 = vector.shape_cast %get3A_9 : vector<1x1024x128xf32> to vector<1024x128xf32>
    %add3A = arith.addf %get3A_5, %get3A_10 : vector<1024x128xf32>
    %get3A_11 = arith.constant 0 : index
    %get3A_12 = arith.constant 0 : index
    %get3A_13 = vector.load %arg2[%get3A_11, %get3A_12] : memref<1024x128xf32, #tpu.memory_space<vmem>>, vector<1024x128xf32>
    %add3A_14 = arith.addf %add3A, %get3A_13 : vector<1024x128xf32>
    %broadcast_in_dim3A = vector.shape_cast %get3A_0 : vector<1024xf32> to vector<1024x1xf32>
    %mul3A = vector.broadcast %broadcast_in_dim3A : vector<1024x1xf32> to vector<1024x128xf32>
    %mul3A_15 = arith.mulf %add3A_14, %mul3A : vector<1024x128xf32>
    %get3A_16 = arith.constant 0 : index
    %get3A_17 = vector.load %arg4[%get3A_16] : memref<128xf32, #tpu.memory_space<vmem>>, vector<128xf32>
    %broadcast_in_dim3A_18 = vector.shape_cast %get3A_17 : vector<128xf32> to vector<1x128xf32>
    %add3A_19 = vector.broadcast %broadcast_in_dim3A_18 : vector<1x128xf32> to vector<1024x128xf32>
    %add3A_20 = arith.addf %mul3A_15, %add3A_19 : vector<1024x128xf32>
    %tanh3A = math.tanh %add3A_20 : vector<1024x128xf32>
    %get3A_21 = arith.constant 0 : index
    %get3A_22 = arith.constant 0 : index
    %get3A_23 = vector.load %arg5[%get3A_21, %get3A_22] : memref<128x128xf32, #tpu.memory_space<vmem>>, vector<128x128xf32>
    %dot_general3A = arith.constant dense<0.000000e+00> : vector<1024x128xf32>
    %dot_general3A_24 = tpu.matmul %tanh3A, %get3A_23, %dot_general3A {dimension_numbers = #tpu.dot_dimension_numbers<[1], [0], [0], [1], [0, 0, 1, 1], [], []>, precision = #tpu.contract_precision<fp32>, transpose_lhs_hint = false} : vector<1024x128xf32>, vector<128x128xf32>, vector<1024x128xf32> -> vector<1024x128xf32>
    %get3A_25 = arith.constant 0 : index
    %get3A_26 = arith.constant 0 : index
    %get3A_27 = vector.load %arg6[%get3A_25, %get3A_26] : memref<256x128xf32, #tpu.memory_space<vmem>>, vector<128x128xf32>
    %dot_general3A_28 = arith.constant dense<0.000000e+00> : vector<1024x128xf32>
    %dot_general3A_29 = tpu.matmul %tanh3A, %get3A_27, %dot_general3A_28 {dimension_numbers = #tpu.dot_dimension_numbers<[1], [0], [0], [1], [0, 0, 1, 1], [], []>, precision = #tpu.contract_precision<fp32>, transpose_lhs_hint = false} : vector<1024x128xf32>, vector<128x128xf32>, vector<1024x128xf32> -> vector<1024x128xf32>
    %get3A_30 = arith.constant 128 : index
    %get3A_31 = arith.constant 0 : index
    %get3A_32 = vector.load %arg6[%get3A_30, %get3A_31] : memref<256x128xf32, #tpu.memory_space<vmem>>, vector<128x128xf32>
    %dot_general3A_33 = arith.constant dense<0.000000e+00> : vector<1024x128xf32>
    %dot_general3A_34 = tpu.matmul %dot_general3A_24, %get3A_32, %dot_general3A_33 {dimension_numbers = #tpu.dot_dimension_numbers<[1], [0], [0], [1], [0, 0, 1, 1], [], []>, precision = #tpu.contract_precision<fp32>, transpose_lhs_hint = false} : vector<1024x128xf32>, vector<128x128xf32>, vector<1024x128xf32> -> vector<1024x128xf32>
    %add3A_35 = arith.addf %dot_general3A_29, %dot_general3A_34 : vector<1024x128xf32>
    %get3A_36 = arith.constant 0 : index
    %get3A_37 = vector.load %arg7[%get3A_36] : memref<128xf32, #tpu.memory_space<vmem>>, vector<128xf32>
    %broadcast_in_dim3A_38 = vector.shape_cast %get3A_37 : vector<128xf32> to vector<1x128xf32>
    %add3A_39 = vector.broadcast %broadcast_in_dim3A_38 : vector<1x128xf32> to vector<1024x128xf32>
    %add3A_40 = arith.addf %add3A_35, %add3A_39 : vector<1024x128xf32>
    %tanh3A_41 = math.tanh %add3A_40 : vector<1024x128xf32>
    %get3A_42 = arith.constant 0 : index
    %get3A_43 = arith.constant 0 : index
    %get3A_44 = vector.load %arg8[%get3A_42, %get3A_43] : memref<1024x64xf32, #tpu.memory_space<vmem>>, vector<1024x64xf32>
    %get3A_45 = arith.constant 0 : index
    %get3A_46 = arith.constant 0 : index
    %get3A_47 = vector.load %arg9[%get3A_45, %get3A_46] : memref<64x128xf32, #tpu.memory_space<vmem>>, vector<64x128xf32>
    %dot_general3A_48 = arith.constant dense<0.000000e+00> : vector<1024x128xf32>
    %dot_general3A_49 = tpu.matmul %get3A_44, %get3A_47, %dot_general3A_48 {dimension_numbers = #tpu.dot_dimension_numbers<[1], [0], [0], [1], [0, 0, 1, 1], [], []>, precision = #tpu.contract_precision<fp32>, transpose_lhs_hint = false} : vector<1024x64xf32>, vector<64x128xf32>, vector<1024x128xf32> -> vector<1024x128xf32>
    %get3A_50 = arith.constant 0 : index
    %get3A_51 = vector.load %arg10[%get3A_50] : memref<128xf32, #tpu.memory_space<vmem>>, vector<128xf32>
    %broadcast_in_dim3A_52 = vector.shape_cast %get3A_51 : vector<128xf32> to vector<1x128xf32>
    %add3A_53 = vector.broadcast %broadcast_in_dim3A_52 : vector<1x128xf32> to vector<1024x128xf32>
    %add3A_54 = arith.addf %dot_general3A_49, %add3A_53 : vector<1024x128xf32>
    %tanh3A_55 = math.tanh %add3A_54 : vector<1024x128xf32>
    %concatenate3A = tpu.concatenate %tanh3A_41, %tanh3A_55 in 1 : vector<1024x128xf32>, vector<1024x128xf32> -> vector<1024x256xf32>
    %swap3A = arith.constant 0 : index
    %swap3A_56 = arith.constant 0 : index
    %swap3A_57 = vector.load %arg11[%swap3A, %swap3A_56] : memref<1024x256xf32, #tpu.memory_space<vmem>>, vector<1024x256xf32>
    tpu.vector_store %arg11[%swap3A, %swap3A_56], %concatenate3A {strides = array<i32>} : memref<1024x256xf32, #tpu.memory_space<vmem>>, vector<1024x256xf32>,
    return
  }
  func.func @transform_0(%arg0: i32) -> (i32, i32, i32) {
    %c0_i32 = arith.constant 0 : i32
    %c0_i32_0 = arith.constant 0 : i32
    %c0_i32_1 = arith.constant 0 : i32
    return %c0_i32, %arg0, %c0_i32_0 : i32, i32, i32
  }
  func.func @transform_1(%arg0: i32) -> (i32, i32) {
    %c0_i32 = arith.constant 0 : i32
    %c0_i32_0 = arith.constant 0 : i32
    return %arg0, %c0_i32 : i32, i32
  }
  func.func @transform_2(%arg0: i32) -> i32 {
    %c0_i32 = arith.constant 0 : i32
    return %arg0 : i32
  }
  func.func @transform_3(%arg0: i32) -> i32 {
    %c0_i32 = arith.constant 0 : i32
    %c0_i32_0 = arith.constant 0 : i32
    return %c0_i32 : i32
  }
  func.func @transform_4(%arg0: i32) -> (i32, i32) {
    %c0_i32 = arith.constant 0 : i32
    %c0_i32_0 = arith.constant 0 : i32
    %c0_i32_1 = arith.constant 0 : i32
    return %c0_i32, %c0_i32_0 : i32, i32
  }
  func.func @transform_5(%arg0: i32) -> (i32, i32) {
    %c0_i32 = arith.constant 0 : i32
    %c0_i32_0 = arith.constant 0 : i32
    %c0_i32_1 = arith.constant 0 : i32
    return %c0_i32, %c0_i32_0 : i32, i32
  }
  func.func @transform_6(%arg0: i32) -> i32 {
    %c0_i32 = arith.constant 0 : i32
    %c0_i32_0 = arith.constant 0 : i32
    return %c0_i32 : i32
  }
  func.func @transform_7(%arg0: i32) -> (i32, i32) {
    %c0_i32 = arith.constant 0 : i32
    %c0_i32_0 = arith.constant 0 : i32
    return %arg0, %c0_i32 : i32, i32
  }
  func.func @transform_8(%arg0: i32) -> (i32, i32) {
    %c0_i32 = arith.constant 0 : i32
    %c0_i32_0 = arith.constant 0 : i32
    %c0_i32_1 = arith.constant 0 : i32
    return %c0_i32, %c0_i32_0 : i32, i32
  }
  func.func @transform_9(%arg0: i32) -> i32 {
    %c0_i32 = arith.constant 0 : i32
    %c0_i32_0 = arith.constant 0 : i32
    return %c0_i32 : i32
  }
  func.func @transform_10(%arg0: i32) -> (i32, i32) {
    %c0_i32 = arith.constant 0 : i32
    %c0_i32_0 = arith.constant 0 : i32
    return %arg0, %c0_i32 : i32, i32
  }
}

module attributes {stable_mosaic.version = 14 : i64} {
  func.func @_k8_body(%arg0: i32, %arg1: memref<1024x256xf32, #tpu.memory_space<vmem>>, %arg2: memref<1024x256xf32, #tpu.memory_space<vmem>>, %arg3: memref<1024xf32, #tpu.memory_space<vmem>>, %arg4: memref<1024xf32, #tpu.memory_space<vmem>>, %arg5: memref<128x128xf32, #tpu.memory_space<vmem>>, %arg6: memref<128xf32, #tpu.memory_space<vmem>>, %arg7: memref<256x128xf32, #tpu.memory_space<vmem>>, %arg8: memref<128xf32, #tpu.memory_space<vmem>>, %arg9: memref<128xf32, #tpu.memory_space<vmem>>, %arg10: memref<1xf32, #tpu.memory_space<vmem>>, %arg11: memref<256x128xf32, #tpu.memory_space<vmem>>, %arg12: memref<128xf32, #tpu.memory_space<vmem>>, %arg13: memref<128xf32, #tpu.memory_space<vmem>>, %arg14: memref<1xf32, #tpu.memory_space<vmem>>, %arg15: memref<1024xf32, #tpu.memory_space<vmem>>) attributes {dimension_semantics = [#tpu.dimension_semantics<arbitrary>], iteration_bounds = array<i64: 104>, scalar_prefetch = 0 : i64, scratch_operands = 0 : i64, tpu.core_type = #tpu.core_type<tc>, window_params = [{transform_indices = @transform_0, window_bounds = array<i64: 1024, 256>}, {transform_indices = @transform_1, window_bounds = array<i64: 1024, 256>}, {transform_indices = @transform_2, window_bounds = array<i64: 1024>}, {transform_indices = @transform_3, window_bounds = array<i64: 1024>}, {pipeline_mode = #tpu.pipeline_mode<synchronous>, transform_indices = @transform_4, window_bounds = array<i64: 128, 128>}, {pipeline_mode = #tpu.pipeline_mode<synchronous>, transform_indices = @transform_5, window_bounds = array<i64: 128>}, {pipeline_mode = #tpu.pipeline_mode<synchronous>, transform_indices = @transform_6, window_bounds = array<i64: 256, 128>}, {pipeline_mode = #tpu.pipeline_mode<synchronous>, transform_indices = @transform_7, window_bounds = array<i64: 128>}, {pipeline_mode = #tpu.pipeline_mode<synchronous>, transform_indices = @transform_8, window_bounds = array<i64: 128>}, {pipeline_mode = #tpu.pipeline_mode<synchronous>, transform_indices = @transform_9, window_bounds = array<i64: 1>}, {pipeline_mode = #tpu.pipeline_mode<synchronous>, transform_indices = @transform_10, window_bounds = array<i64: 256, 128>}, {pipeline_mode = #tpu.pipeline_mode<synchronous>, transform_indices = @transform_11, window_bounds = array<i64: 128>}, {pipeline_mode = #tpu.pipeline_mode<synchronous>, transform_indices = @transform_12, window_bounds = array<i64: 128>}, {pipeline_mode = #tpu.pipeline_mode<synchronous>, transform_indices = @transform_13, window_bounds = array<i64: 1>}, {transform_indices = @transform_14, window_bounds = array<i64: 1024>}]} {
    %get3A = arith.constant 0 : index
    %get3A_0 = arith.constant 0 : index
    %get3A_1 = vector.load %arg1[%get3A, %get3A_0] : memref<1024x256xf32, #tpu.memory_space<vmem>>, vector<1024x128xf32>
    %get3A_2 = arith.constant 0 : index
    %get3A_3 = arith.constant 128 : index
    %get3A_4 = vector.load %arg1[%get3A_2, %get3A_3] : memref<1024x256xf32, #tpu.memory_space<vmem>>, vector<1024x128xf32>
    %get3A_5 = arith.constant 0 : index
    %get3A_6 = arith.constant 0 : index
    %get3A_7 = vector.load %arg2[%get3A_5, %get3A_6] : memref<1024x256xf32, #tpu.memory_space<vmem>>, vector<1024x128xf32>
    %get3A_8 = arith.constant 0 : index
    %get3A_9 = arith.constant 128 : index
    %get3A_10 = vector.load %arg2[%get3A_8, %get3A_9] : memref<1024x256xf32, #tpu.memory_space<vmem>>, vector<1024x128xf32>
    %get3A_11 = arith.constant 0 : index
    %get3A_12 = arith.constant 0 : index
    %get3A_13 = vector.load %arg5[%get3A_11, %get3A_12] : memref<128x128xf32, #tpu.memory_space<vmem>>, vector<128x128xf32>
    %transpose3A = tpu.transpose %get3A_13, [1, 0] : vector<128x128xf32> -> vector<128x128xf32>
    %add3A = arith.addf %get3A_13, %transpose3A : vector<128x128xf32>
    %mul3A = arith.constant 5.000000e-01 : f32
    %mul3A_14 = vector.broadcast %mul3A : f32 to vector<128x128xf32>
    %mul3A_15 = arith.mulf %add3A, %mul3A_14 : vector<128x128xf32>
    %dot_general3A = arith.constant dense<0.000000e+00> : vector<1024x128xf32>
    %dot_general3A_16 = tpu.matmul %get3A_1, %mul3A_15, %dot_general3A {dimension_numbers = #tpu.dot_dimension_numbers<[1], [0], [0], [1], [0, 0, 1, 1], [], []>, precision = #tpu.contract_precision<fp32>, transpose_lhs_hint = false} : vector<1024x128xf32>, vector<128x128xf32>, vector<1024x128xf32> -> vector<1024x128xf32>
    %mul3A_17 = arith.mulf %dot_general3A_16, %get3A_7 : vector<1024x128xf32>
    %reduce_sum3A = arith.constant dense<0.000000e+00> : vector<1024xf32>
    %reduce_sum3A_18 = vector.multi_reduction <add>, %mul3A_17, %reduce_sum3A [1] : vector<1024x128xf32> to vector<1024xf32>
    %get3A_19 = arith.constant 0 : index
    %get3A_20 = vector.load %arg6[%get3A_19] : memref<128xf32, #tpu.memory_space<vmem>>, vector<128xf32>
    %reduce_sum3A_21 = vector.shape_cast %get3A_20 : vector<128xf32> to vector<1x128xf32>
    %reduce_sum3A_22 = arith.constant dense<0.000000e+00> : vector<1xf32>
    %reduce_sum3A_23 = vector.multi_reduction <add>, %reduce_sum3A_21, %reduce_sum3A_22 [1] : vector<1x128xf32> to vector<1xf32>
    %reduce_sum3A_24 = vector.shape_cast %reduce_sum3A_23 : vector<1xf32> to vector<1x1xf32>
    %reduce_sum3A_25 = vector.extract %reduce_sum3A_24[0, 0] : f32 from vector<1x1xf32>
    %add3A_26 = vector.broadcast %reduce_sum3A_25 : f32 to vector<1024xf32>
    %add3A_27 = arith.addf %reduce_sum3A_18, %add3A_26 : vector<1024xf32>
    %logistic3A = arith.negf %add3A_27 : vector<1024xf32>
    %logistic3A_28 = math.exp %logistic3A : vector<1024xf32>
    %logistic3A_29 = arith.constant 1.000000e+00 : f32
    %logistic3A_30 = vector.broadcast %logistic3A_29 : f32 to vector<1024xf32>
    %logistic3A_31 = arith.addf %logistic3A_30, %logistic3A_28 : vector<1024xf32>
    %logistic3A_32 = arith.divf %logistic3A_30, %logistic3A_31 : vector<1024xf32>
    %add3A_33 = arith.addf %get3A_1, %get3A_7 : vector<1024x128xf32>
    %mul3A_34 = arith.constant 5.000000e-01 : f32
    %mul3A_35 = vector.broadcast %mul3A_34 : f32 to vector<1024x128xf32>
    %mul3A_36 = arith.mulf %add3A_33, %mul3A_35 : vector<1024x128xf32>
    %max3A = arith.maximumf %get3A_1, %get3A_7 : vector<1024x128xf32>
    %get3A_37 = arith.constant 0 : index
    %get3A_38 = arith.constant 0 : index
    %get3A_39 = vector.load %arg7[%get3A_37, %get3A_38] : memref<256x128xf32, #tpu.memory_space<vmem>>, vector<128x128xf32>
    %dot_general3A_40 = arith.constant dense<0.000000e+00> : vector<1024x128xf32>
    %dot_general3A_41 = tpu.matmul %mul3A_36, %get3A_39, %dot_general3A_40 {dimension_numbers = #tpu.dot_dimension_numbers<[1], [0], [0], [1], [0, 0, 1, 1], [], []>, precision = #tpu.contract_precision<fp32>, transpose_lhs_hint = false} : vector<1024x128xf32>, vector<128x128xf32>, vector<1024x128xf32> -> vector<1024x128xf32>
    %get3A_42 = arith.constant 128 : index
    %get3A_43 = arith.constant 0 : index
    %get3A_44 = vector.load %arg7[%get3A_42, %get3A_43] : memref<256x128xf32, #tpu.memory_space<vmem>>, vector<128x128xf32>
    %dot_general3A_45 = arith.constant dense<0.000000e+00> : vector<1024x128xf32>
    %dot_general3A_46 = tpu.matmul %max3A, %get3A_44, %dot_general3A_45 {dimension_numbers = #tpu.dot_dimension_numbers<[1], [0], [0], [1], [0, 0, 1, 1], [], []>, precision = #tpu.contract_precision<fp32>, transpose_lhs_hint = false} : vector<1024x128xf32>, vector<128x128xf32>, vector<1024x128xf32> -> vector<1024x128xf32>
    %add3A_47 = arith.addf %dot_general3A_41, %dot_general3A_46 : vector<1024x128xf32>
    %get3A_48 = arith.constant 0 : index
    %get3A_49 = vector.load %arg8[%get3A_48] : memref<128xf32, #tpu.memory_space<vmem>>, vector<128xf32>
    %broadcast_in_dim3A = vector.shape_cast %get3A_49 : vector<128xf32> to vector<1x128xf32>
    %add3A_50 = vector.broadcast %broadcast_in_dim3A : vector<1x128xf32> to vector<1024x128xf32>
    %add3A_51 = arith.addf %add3A_47, %add3A_50 : vector<1024x128xf32>
    %tanh3A = math.tanh %add3A_51 : vector<1024x128xf32>
    %get3A_52 = arith.constant 0 : index
    %get3A_53 = vector.load %arg9[%get3A_52] : memref<128xf32, #tpu.memory_space<vmem>>, vector<128xf32>
    %broadcast_in_dim3A_54 = vector.shape_cast %get3A_53 : vector<128xf32> to vector<1x128xf32>
    %mul3A_55 = vector.broadcast %broadcast_in_dim3A_54 : vector<1x128xf32> to vector<1024x128xf32>
    %mul3A_56 = arith.mulf %tanh3A, %mul3A_55 : vector<1024x128xf32>
    %reduce_sum3A_57 = arith.constant dense<0.000000e+00> : vector<1024xf32>
    %reduce_sum3A_58 = vector.multi_reduction <add>, %mul3A_56, %reduce_sum3A_57 [1] : vector<1024x128xf32> to vector<1024xf32>
    %get3A_59 = arith.constant 0 : index
    %get3A_60 = vector.load %arg10[%get3A_59] : memref<1xf32, #tpu.memory_space<vmem>>, vector<1xf32>
    %add3A_61 = vector.broadcast %get3A_60 : vector<1xf32> to vector<1024xf32>
    %add3A_62 = arith.addf %reduce_sum3A_58, %add3A_61 : vector<1024xf32>
    %tanh3A_63 = math.tanh %add3A_62 : vector<1024xf32>
    %add3A_64 = arith.addf %get3A_4, %get3A_10 : vector<1024x128xf32>
    %mul3A_65 = arith.constant 5.000000e-01 : f32
    %mul3A_66 = vector.broadcast %mul3A_65 : f32 to vector<1024x128xf32>
    %mul3A_67 = arith.mulf %add3A_64, %mul3A_66 : vector<1024x128xf32>
    %max3A_68 = arith.maximumf %get3A_4, %get3A_10 : vector<1024x128xf32>
    %get3A_69 = arith.constant 0 : index
    %get3A_70 = arith.constant 0 : index
    %get3A_71 = vector.load %arg11[%get3A_69, %get3A_70] : memref<256x128xf32, #tpu.memory_space<vmem>>, vector<128x128xf32>
    %dot_general3A_72 = arith.constant dense<0.000000e+00> : vector<1024x128xf32>
    %dot_general3A_73 = tpu.matmul %mul3A_67, %get3A_71, %dot_general3A_72 {dimension_numbers = #tpu.dot_dimension_numbers<[1], [0], [0], [1], [0, 0, 1, 1], [], []>, precision = #tpu.contract_precision<fp32>, transpose_lhs_hint = false} : vector<1024x128xf32>, vector<128x128xf32>, vector<1024x128xf32> -> vector<1024x128xf32>
    %get3A_74 = arith.constant 128 : index
    %get3A_75 = arith.constant 0 : index
    %get3A_76 = vector.load %arg11[%get3A_74, %get3A_75] : memref<256x128xf32, #tpu.memory_space<vmem>>, vector<128x128xf32>
    %dot_general3A_77 = arith.constant dense<0.000000e+00> : vector<1024x128xf32>
    %dot_general3A_78 = tpu.matmul %max3A_68, %get3A_76, %dot_general3A_77 {dimension_numbers = #tpu.dot_dimension_numbers<[1], [0], [0], [1], [0, 0, 1, 1], [], []>, precision = #tpu.contract_precision<fp32>, transpose_lhs_hint = false} : vector<1024x128xf32>, vector<128x128xf32>, vector<1024x128xf32> -> vector<1024x128xf32>
    %add3A_79 = arith.addf %dot_general3A_73, %dot_general3A_78 : vector<1024x128xf32>
    %get3A_80 = arith.constant 0 : index
    %get3A_81 = vector.load %arg12[%get3A_80] : memref<128xf32, #tpu.memory_space<vmem>>, vector<128xf32>
    %broadcast_in_dim3A_82 = vector.shape_cast %get3A_81 : vector<128xf32> to vector<1x128xf32>
    %add3A_83 = vector.broadcast %broadcast_in_dim3A_82 : vector<1x128xf32> to vector<1024x128xf32>
    %add3A_84 = arith.addf %add3A_79, %add3A_83 : vector<1024x128xf32>
    %tanh3A_85 = math.tanh %add3A_84 : vector<1024x128xf32>
    %get3A_86 = arith.constant 0 : index
    %get3A_87 = vector.load %arg13[%get3A_86] : memref<128xf32, #tpu.memory_space<vmem>>, vector<128xf32>
    %broadcast_in_dim3A_88 = vector.shape_cast %get3A_87 : vector<128xf32> to vector<1x128xf32>
    %mul3A_89 = vector.broadcast %broadcast_in_dim3A_88 : vector<1x128xf32> to vector<1024x128xf32>
    %mul3A_90 = arith.mulf %tanh3A_85, %mul3A_89 : vector<1024x128xf32>
    %reduce_sum3A_91 = arith.constant dense<0.000000e+00> : vector<1024xf32>
    %reduce_sum3A_92 = vector.multi_reduction <add>, %mul3A_90, %reduce_sum3A_91 [1] : vector<1024x128xf32> to vector<1024xf32>
    %get3A_93 = arith.constant 0 : index
    %get3A_94 = vector.load %arg14[%get3A_93] : memref<1xf32, #tpu.memory_space<vmem>>, vector<1xf32>
    %add3A_95 = vector.broadcast %get3A_94 : vector<1xf32> to vector<1024xf32>
    %add3A_96 = arith.addf %reduce_sum3A_92, %add3A_95 : vector<1024xf32>
    %tanh3A_97 = math.tanh %add3A_96 : vector<1024xf32>
    %max3A_98 = arith.maximumf %tanh3A_63, %tanh3A_97 : vector<1024xf32>
    %max3A_99 = arith.constant 3.000000e-01 : f32
    %max3A_100 = vector.broadcast %max3A_99 : f32 to vector<1024xf32>
    %max3A_101 = arith.maximumf %max3A_98, %max3A_100 : vector<1024xf32>
    %sub3A = arith.subf %tanh3A_63, %max3A_101 : vector<1024xf32>
    %exp3A = math.exp %sub3A : vector<1024xf32>
    %sub3A_102 = arith.subf %tanh3A_97, %max3A_101 : vector<1024xf32>
    %exp3A_103 = math.exp %sub3A_102 : vector<1024xf32>
    %sub3A_104 = arith.constant 3.000000e-01 : f32
    %sub3A_105 = vector.broadcast %sub3A_104 : f32 to vector<1024xf32>
    %sub3A_106 = arith.subf %sub3A_105, %max3A_101 : vector<1024xf32>
    %exp3A_107 = math.exp %sub3A_106 : vector<1024xf32>
    %add3A_108 = arith.addf %exp3A, %exp3A_103 : vector<1024xf32>
    %add3A_109 = arith.addf %add3A_108, %exp3A_107 : vector<1024xf32>
    %get3A_110 = arith.constant 0 : index
    %get3A_111 = vector.load %arg3[%get3A_110] : memref<1024xf32, #tpu.memory_space<vmem>>, vector<1024xf32>
    %get3A_112 = arith.constant 0 : index
    %get3A_113 = vector.load %arg4[%get3A_112] : memref<1024xf32, #tpu.memory_space<vmem>>, vector<1024xf32>
    %mul3A_114 = arith.mulf %logistic3A_32, %exp3A : vector<1024xf32>
    %mul3A_115 = arith.mulf %get3A_111, %exp3A_103 : vector<1024xf32>
    %add3A_116 = arith.addf %mul3A_114, %mul3A_115 : vector<1024xf32>
    %mul3A_117 = arith.mulf %get3A_113, %exp3A_107 : vector<1024xf32>
    %add3A_118 = arith.addf %add3A_116, %mul3A_117 : vector<1024xf32>
    %div3A = arith.divf %add3A_118, %add3A_109 : vector<1024xf32>
    %jit3A = arith.constant 0.000000e+00 : f32
    %jit3A_119 = arith.constant 1.000000e+00 : f32
    %max3A_120 = vector.broadcast %jit3A : f32 to vector<1024xf32>
    %max3A_121 = arith.maximumf %max3A_120, %div3A : vector<1024xf32>
    %min3A = vector.broadcast %jit3A_119 : f32 to vector<1024xf32>
    %min3A_122 = arith.minimumf %min3A, %max3A_121 : vector<1024xf32>
    %swap3A = arith.constant 0 : index
    %swap3A_123 = vector.load %arg15[%swap3A] : memref<1024xf32, #tpu.memory_space<vmem>>, vector<1024xf32>
    tpu.vector_store %arg15[%swap3A], %min3A_122 {strides = array<i32>} : memref<1024xf32, #tpu.memory_space<vmem>>, vector<1024xf32>,
    return
  }
  func.func @transform_0(%arg0: i32) -> (i32, i32) {
    %c0_i32 = arith.constant 0 : i32
    %c0_i32_0 = arith.constant 0 : i32
    return %arg0, %c0_i32 : i32, i32
  }
  func.func @transform_1(%arg0: i32) -> (i32, i32) {
    %c0_i32 = arith.constant 0 : i32
    %c0_i32_0 = arith.constant 0 : i32
    return %arg0, %c0_i32 : i32, i32
  }
  func.func @transform_2(%arg0: i32) -> i32 {
    %c0_i32 = arith.constant 0 : i32
    return %arg0 : i32
  }
  func.func @transform_3(%arg0: i32) -> i32 {
    %c0_i32 = arith.constant 0 : i32
    return %arg0 : i32
  }
  func.func @transform_4(%arg0: i32) -> (i32, i32) {
    %c0_i32 = arith.constant 0 : i32
    %c0_i32_0 = arith.constant 0 : i32
    %c0_i32_1 = arith.constant 0 : i32
    return %c0_i32, %c0_i32_0 : i32, i32
  }
  func.func @transform_5(%arg0: i32) -> i32 {
    %c0_i32 = arith.constant 0 : i32
    %c0_i32_0 = arith.constant 0 : i32
    return %c0_i32 : i32
  }
  func.func @transform_6(%arg0: i32) -> (i32, i32) {
    %c0_i32 = arith.constant 0 : i32
    %c0_i32_0 = arith.constant 0 : i32
    %c0_i32_1 = arith.constant 0 : i32
    return %c0_i32, %c0_i32_0 : i32, i32
  }
  func.func @transform_7(%arg0: i32) -> i32 {
    %c0_i32 = arith.constant 0 : i32
    %c0_i32_0 = arith.constant 0 : i32
    return %c0_i32 : i32
  }
  func.func @transform_8(%arg0: i32) -> i32 {
    %c0_i32 = arith.constant 0 : i32
    %c0_i32_0 = arith.constant 0 : i32
    return %c0_i32 : i32
  }
  func.func @transform_9(%arg0: i32) -> i32 {
    %c0_i32 = arith.constant 0 : i32
    %c0_i32_0 = arith.constant 0 : i32
    return %c0_i32 : i32
  }
  func.func @transform_10(%arg0: i32) -> (i32, i32) {
    %c0_i32 = arith.constant 0 : i32
    %c0_i32_0 = arith.constant 0 : i32
    %c0_i32_1 = arith.constant 0 : i32
    return %c0_i32, %c0_i32_0 : i32, i32
  }
  func.func @transform_11(%arg0: i32) -> i32 {
    %c0_i32 = arith.constant 0 : i32
    %c0_i32_0 = arith.constant 0 : i32
    return %c0_i32 : i32
  }
  func.func @transform_12(%arg0: i32) -> i32 {
    %c0_i32 = arith.constant 0 : i32
    %c0_i32_0 = arith.constant 0 : i32
    return %c0_i32 : i32
  }
  func.func @transform_13(%arg0: i32) -> i32 {
    %c0_i32 = arith.constant 0 : i32
    %c0_i32_0 = arith.constant 0 : i32
    return %c0_i32 : i32
  }
  func.func @transform_14(%arg0: i32) -> i32 {
    %c0_i32 = arith.constant 0 : i32
    return %arg0 : i32
  }
}

</mosaic_0001>

<sc_bundles>
// kernel: kernel.10.cloned.1.call-start
scs
__scs_entry_jumppad:
0x0: {  	(pc) =	sbr.rel $0x88, $3  }
0x1: {  	(tag) =	ssettag $0x0;
	lr =	simm.s32 $0x1  }
0x2: {  	[smem:$0x3F87] =	sst lr;
	_ =	strace $0xD0000000  }
0x3: {  	_ = 	snop  }
0x4: {  	_ = 	snop  }
0x5: {  	_ = 	snop  }
0x6: {  	_ = 	snop  }
0x7: {  	_ = 	snop  }
__scs_overlays_trampoline_lowered:
0x8: {  	[smem:$0x3F96] =	sst s0  }
0x9: {  	[smem:$0x3F97] =	sst s1  }
0xa: {  	[smem:$0x3F98] =	sst s2  }
0xb: {  	[smem:$0x3F99] =	sst s3  }
0xc: {  	[smem:$0x3F9A] =	sst s4  }
0xd: {  	[smem:$0x3F9B] =	sst s5  }
0xe: {  	[smem:$0x3F9C] =	sst s6  }
0xf: {  	[smem:$0x3F9D] =	sst s7  }
0x10: {  	[smem:$0x3F9E] =	sst s8  }
0x11: {  	[smem:$0x3F9F] =	sst s9;
	s0 =	simm.s32 @!p0 $0x0  }
0x12: {  	s1 =	sld [smem:$0x3F85];
	s0 =	simm.s32 @p0 $0x1  }
0x13: {  	[smem:$0x3FA0] =	sst s0;
	s0 =	simm.s32 @!p1 $0x0  }
0x14: {  	s2 =	sld [smem:$0x3F84];
	s0 =	simm.s32 @p1 $0x1  }
0x15: {  	[smem:$0x3FA1] =	sst s0;
	s0 =	simm.s32 @!p2 $0x0  }
0x16: {  	s3 =	sld [smem:$0x3FDB];
	s0 =	simm.s32 @p2 $0x1  }
0x17: {  	s4 =	simm.s32 $0x1BF5;
	[smem:$0x3FA3] =	sst s0  }
0x18: {  	s0 =	sld [smem:$0x3F86];
	_ =	swait.ge [sflag:s4], $0x0  }
0x19: {  	s7 =	sld [smem:$0x3F87]  }
0x1a: {  	s8 =	sadd.s32 $0xFFFFE003, lr  }
0x1b: {  	s9 =	sadd.s32 $0xFFFFFEF7, lr;
	s5 =	simm.s32 $0xFFFFFFFF;
	p2 =	slt.u32 s8, $0xFFFFF086  }
0x1c: {  	p1 =	slt.u32 s9, $0xF7A;
	s5 =	simm.s32 @!p2 $0x0  }
0x1d: {  	s5 =	simm.s32 @p1 $0x1;
	p0 =	seq.s32 s7, s2  }
0x1e: {  	s7 =	smul.u32 @!p0 $0xF7A, s2;
	p2 =	seq.s32 @!p0 s5, $0x0  }
0x1f: {  	s9 =	smul.u32 $0xF7A, s1;
	s8 =	simm.s32 @!p0 $0x1BF5;
	p2 =	por !p2, p0  }
0x20: {  	[sflag:s8] =	ssyncset.s32 @!p0 $0xFFFFF086;
	s6 =	sadd.s32 @!p0 s3, s7;
	s7 =	simm.s32 @!p0 $0x108  }
0x21: {  	s3 =	sadd.s32 s3, s9;
	s6 =	sadd.s32 @!p0 $0x88, s6;
	s7 =	simm.s32 @p2 $0x1082  }
0x22: {  	[simem:s7], [sflag:s8] =	dma.local @!p0 [hbm:s6], $0xF7A  }
0x23: {  	s9 =	sor.u32 $0xD0000000, s2;
	s6 =	simm.s32 $0x108;
	_ =	swait.ge @!p0 [sflag:s8], $0x0  }
0x24: {  	s3 =	sadd.s32 $0x88, s3;
	s6 =	simm.s32 @!p1 $0x1082;
	[sflag:s4] =	ssyncset.s32 $0xFFFFF086  }
0x25: {  	[simem:s6], [sflag:s4] =	dma.local [hbm:s3], $0xF7A  }
0x26: {  	[smem:$0x3F87] =	sst s1;
	(tag) =	ssettag s2;
	_ =	strace s9  }
0x27: {  	s1 =	sld [smem:$0x3F97]  }
0x28: {  	s2 =	sld [smem:$0x3F98]  }
0x29: {  	s4 =	sld [smem:$0x3F9A]  }
0x2a: {  	p0 =	seq.s32 s5, $0x0;
	s5 =	sld [smem:$0x3F9B]  }
0x2b: {  	s6 =	sld [smem:$0x3F9C]  }
0x2c: {  	s7 =	sld [smem:$0x3F9D]  }
0x2d: {  	s3 =	simm.s32 $0x108;
	s8 =	sld [smem:$0x3F9E]  }
0x2e: {  	s3 =	simm.s32 @!p0 $0x1082;
	s9 =	sld [smem:$0x3F9F]  }
0x2f: {  	lr =	sadd.s32 s0, s3;
	s0 =	sld [smem:$0x3F96]  }
0x30: {  	s3 =	sld [smem:$0x3F99]  }
0x31: {  	[smem:$0x3FA2] =	sst s10  }
0x32: {  	s10 =	sld [smem:$0x3FA0];
	_ =	sdelay $0x3  }
0x33: {  	p0 =	seq.s32 s10, $0x1;
	s10 =	sld [smem:$0x3FA2];
	_ =	sdelay $0x3  }
0x34: {  	[smem:$0x3FA2] =	sst s10  }
0x35: {  	s10 =	sld [smem:$0x3FA1];
	_ =	sdelay $0x3  }
0x36: {  	p1 =	seq.s32 s10, $0x1;
	s10 =	sld [smem:$0x3FA2];
	_ =	sdelay $0x3  }
0x37: {  	[smem:$0x3FA2] =	sst s10  }
0x38: {  	s10 =	sld [smem:$0x3FA3]  }
0x39: {  	_ = 	snop;
	(pc) =	sbr.ind lr, $3  }
0x3a: {  	_ = 	snop  }
0x3b: {  	_ = 	snop  }
0x3c: {  	p2 =	seq.s32 s10, $0x1;
	s10 =	sld [smem:$0x3FA2]  }
0x3d: {  	_ =	shalt  }
0x3e: {  	_ =	shalt  }
0x3f: {  	_ =	shalt  }
0x40: {  	_ =	shalt  }
0x41: {  	_ =	shalt  }
0x42: {  	_ =	shalt  }
0x43: {  	_ =	shalt  }
0x44: {  	_ =	shalt  }
0x45: {  	_ =	shalt  }
0x46: {  	_ =	shalt  }
0x47: {  	_ =	shalt  }
0x48: {  	_ =	shalt  }
0x49: {  	_ =	shalt  }
0x4a: {  	_ =	shalt  }
0x4b: {  	_ =	shalt  }
0x4c: {  	_ =	shalt  }
0x4d: {  	_ =	shalt  }
0x4e: {  	_ =	shalt  }
0x4f: {  	_ =	shalt  }
0x50: {  	_ =	shalt  }
0x51: {  	_ =	shalt  }
0x52: {  	_ =	shalt  }
0x53: {  	_ =	shalt  }
0x54: {  	_ =	shalt  }
0x55: {  	_ =	shalt  }
0x56: {  	_ =	shalt  }
0x57: {  	_ =	shalt  }
0x58: {  	_ =	shalt  }
0x59: {  	_ =	shalt  }
0x5a: {  	_ =	shalt  }
0x5b: {  	_ =	shalt  }
0x5c: {  	_ =	shalt  }
0x5d: {  	_ =	shalt  }
0x5e: {  	_ =	shalt  }
0x5f: {  	_ =	shalt  }
0x60: {  	_ =	shalt  }
0x61: {  	_ =	shalt  }
0x62: {  	_ =	shalt  }
0x63: {  	_ =	shalt  }
0x64: {  	_ =	shalt  }
0x65: {  	_ =	shalt  }
0x66: {  	_ =	shalt  }
0x67: {  	_ =	shalt  }
0x68: {  	_ =	shalt  }
0x69: {  	_ =	shalt  }
0x6a: {  	_ =	shalt  }
0x6b: {  	_ =	shalt  }
0x6c: {  	_ =	shalt  }
0x6d: {  	_ =	shalt  }
0x6e: {  	_ =	shalt  }
0x6f: {  	_ =	shalt  }
0x70: {  	_ =	shalt  }
0x71: {  	_ =	shalt  }
0x72: {  	_ =	shalt  }
0x73: {  	_ =	shalt  }
0x74: {  	_ =	shalt  }
0x75: {  	_ =	shalt  }
0x76: {  	_ =	shalt  }
0x77: {  	_ =	shalt  }
0x78: {  	_ =	shalt  }
0x79: {  	_ =	shalt  }
0x7a: {  	_ =	shalt  }
0x7b: {  	_ =	shalt  }
0x7c: {  	_ =	shalt  }
0x7d: {  	_ =	shalt  }
0x7e: {  	_ =	shalt  }
0x7f: {  	_ =	shalt  }
0x80: {  	_ =	shalt  }
0x81: {  	_ =	shalt  }
0x82: {  	_ =	shalt  }
0x83: {  	_ =	shalt  }
0x84: {  	_ =	shalt  }
0x85: {  	_ =	shalt  }
0x86: {  	_ =	shalt  }
0x87: {  	_ =	shalt  }
.Lfunc_end0:
.L_simem_size_0:
called_computation_lowered:
.L_overlay_start_0:
0x88: {  	s2 =	sld [smem:$0x3FD9]  }
0x89: {  	s3 =	sld [smem:$0x3FFE];
	_ =	sdelay $0x1  }
0x8a: {  	s1 =	srdreg.scid  }
0x8b: {  	s0 =	sand.u32 $0x1, s1  }
0x8c: {  	s17 =	sshll.u32 s0, $0xA;
	s2 =	sadd.s32 s3, s2  }
0x8d: {  	s2 =	sadd.s32 s2, s17  }
0x8e: {  	[smem:$0x3FAE] =	sst s2  }
0x8f: {  	_ = 	snop  }
0x90: {  	s2 =	sld [smem:$0x3FBC]  }
0x91: {  	s18 =	sld [smem:$0x3FBB]  }
0x92: {  	s4 =	sld [smem:$0x3FD0];
	(tm) =	ssettm $0x1  }
0x93: {  	s5 =	sld [smem:$0x3FFB];
	_ =	sdelay $0x3  }
0x94: {  	_ =	strace s5  }
0x95: {  	s5 =	sld [smem:$0x3FFC];
	_ =	sdelay $0x3  }
0x96: {  	_ =	strace s5  }
0x97: {  	s5 =	sld [smem:$0x3FFD];
	_ =	sdelay $0x3  }
0x98: {  	_ =	strace s5  }
0x99: {  	_ =	strace $0x8FFFFFFF  }
0x9a: {  	s19 =	sld [smem:$0x3FDB];
	_ =	sdelay $0x1  }
0x9b: {  	s6 =	simm.s32 $_scs_section_size  }
0x9c: {  	s7 =	simm.s32 $_size__tile_overlayer_lowered;
	s8 =	simm.s32 $_tile_overlayer_lowered  }
0x9d: {  	s22 =	simm.s32 $0x1BFF;
	s21 =	sshll.u32 s8, $0x1;
	s5 =	sadd.s32 s6, s19  }
0x9e: {  	s9 =	simm.s32 $0x0;
	s20 =	sshll.u32 s7, $0x1;
	s7 =	sadd.s32 s21, s5  }
0x9f: {  	[timem:s9], [sflag:s22] =	dma.local [hbm:s7], s20  }
0xa0: {  	_ =	swait.ge [sflag:s22], s20  }
0xa1: {  	s6 =	ssub.s32 $0x0, s20;
	[sflag:s22] =	ssyncset.done $0x0  }
0xa2: {  	[sflag:s22] =	ssyncadd.s32 s6;
	_ =	sdelay $0x1  }
0xa3: {  	s23 =	simm.s32 $0x1B8B  }
0xa4: {  	_ =	swait.ge [sflag:s23], $0x1  }
0xa5: {  	[sflag:s23] =	ssyncset.done $0x0  }
0xa6: {  	s25 =	simm.s32 $0x1B8E;
	s24 =	sld [smem:$0x3FFE];
	[sflag:s23] =	ssyncadd.s32 $0xFFFFFFFF  }
0xa7: {  	s26 =	simm.s32 $execute0_lowered;
	[smem:$0x3FD2] =	sst s25  }
0xa8: {  	s7 =	sshll.u32 s26, $0x1;
	_ =	strace $0x80000046;
	[dreg:$0x1] =	wrdreg $0xFFFFFFFF  }
0xa9: {  	s28 =	simm.s32 $_size_execute0_lowered;
	s5 =	sadd.s32 s5, s7;
	[dreg:$0x0] =	wrdreg $0x0  }
0xaa: {  	s7 =	sshll.u32 s28, $0x1;
	[dreg:$0x2] =	wrdreg s5  }
0xab: {  	[dreg:$0x3] =	wrdreg s7  }
0xac: {  	[dreg:$0x4] =	wrdreg $0xC0  }
0xad: {  	_ =	task [dreg:s9], $0x5FFFF  }
0xae: {  	[dreg:$0x1] =	wrdreg $0xFFFFFFFF  }
0xaf: {  	[dreg:$0x0] =	wrdreg $0x60  }
0xb0: {  	[dreg:$0x2] =	wrdreg s24  }
0xb1: {  	[dreg:$0x3] =	wrdreg s2  }
0xb2: {  	[dreg:$0x4] =	wrdreg s18  }
0xb3: {  	[dreg:$0x5] =	wrdreg s4  }
0xb4: {  	[dreg:$0x6] =	wrdreg $0x5B000  }
0xb5: {  	[dreg:$0x7] =	wrdreg $0x9  }
0xb6: {  	_ =	task.clear_ibuf [dreg:s9], $0x8FFFF;
	_ =	strace $0x90000046  }
0xb7: {  	s29 =	simm.s32 $0x9;
	_ =	strace $0x80000048  }
0xb8: {  	_ =	swait.ge [sflag:s29], $0x1  }
0xb9: {  	[sflag:s29] =	ssyncadd.s32 $0xFFFFFFFF  }
0xba: {  	_ =	strace $0x90000048  }
0xbb: {  	_ =	sfence  }
0xbc: {  	s30 =	sld [smem:$0x0];
	_ =	sdelay $0x2  }
0xbd: {  	s31 =	sshll.u32 s1, $0xD;
	s1 =	sshrl.u32 s1, $0x2  }
0xbe: {  	s3 =	sand.u32 $0x4000, s31;
	s1 =	sadd.s32 s1, s30  }
0xbf: {  	s0 =	sor.u32 s3, s0;
	s1 =	sshll.u32 s1, $0x11  }
0xc0: {  	s0 =	sor.u32 s1, s0  }
0xc1: {  	s0 =	sadd.s32 $0x8F2B, s0  }
0xc2: {  	[sflag:s0] =	ssyncadd.remote.s32 $0x1  }
0xc3: {  	_ =	sfence.sel $0xFFFF  }
0xc4: {  	[dreg:$0x0] =	wrdreg $0xFFFFFFFF;
	(pc) =	sbr.abs _section_cstart, $3  }
0xc5: {  	[dreg:$0x1] =	wrdreg $0xFFFFFFFF  }
0xc6: {  	_ =	task.clear_ibuf [dreg:s9], $0x2FFFF;
	_ =	strace $0x9FFFFFFF  }
0xc7: {  	(tm) =	ssettm $0x7FFFFFFF  }
tec
execute0_lowered:
.L_overlay_start_1:
0x0: {  	(tag) =	ssettag $0x1  }
0x1: {  	s1 =	rddreg [dreg:$0x0]  }
0x2: {  	s0 =	rddreg [dreg:$0x1]  }
0x3: {  	s2 =	rddreg [dreg:$0x2]  }
0x4: {  	s3 =	srdreg.scid;
	s7 =	rddreg [dreg:$0x3]  }
0x5: {  	s11 =	stileid.u32;
	s4 =	rddreg [dreg:$0x4];
	s14 =	simm.s32 $0x3  }
0x6: {  	s15 =	simm.s32 $0x2800;
	s16 =	simm.s32 $0x80;
	s3 =	sand.u32 $0x1, s3  }
0x7: {  	s17 =	simm.s32 $0x3800;
	s10 =	smul.u32 $0xA00, s11;
	s5 =	sshll.u32 s3, $0x4  }
0x8: {  	s9 =	ssub.s32 $0x2, s3;
	s6 =	sor.u32 s11, s5;
	s5 =	simm.s32 $0x0  }
0x9: {  	s24 =	sshrl.u32 s9, $0x1;
	s25 =	sshrl.u32 s10, $0x2;
	s8 =	smul.u32 $0x500, s6  }
0xa: {  	[smem:$0x7FF] =	sst s5;
	s6 =	sshll.u32 s6, $0x9;
	s9 =	ssub.s32 s9, s24  }
0xb: {  	_ =	strace $0x80000047;
	s30 =	smax.u32 s9, $0x1;
	s8 =	sadd.s32 s8, s1  }
0xc: {  	s1 =	sadd.s32 s6, s1;
	s6 =	sadd.s32 s25, s4;
	[dreg:$0xb] =	wrdreg s30  }
0xd: {  	s11 =	smul.u32 $0x500, s11;
	s8 =	sadd.s32 $0x8E00, s8;
	[dreg:$0xc] =	wrdreg s6  }
0xe: {  	s3 =	sshll.u32 s3, $0x7;
	s26 =	sadd.s32 $0x4E00, s1;
	[dreg:$0x6] =	wrdreg s8  }
0xf: {  	s3 =	sor.u32 s3, s11;
	s28 =	sadd.s32 $0x12E00, s1;
	[dreg:$0x7] =	wrdreg s26  }
0x10: {  	s3 =	sshrl.u32 s3, $0x3;
	s1 =	sadd.s32 $0x16E00, s1;
	[dreg:$0x8] =	wrdreg s28  }
0x11: {  	s18 =	simm.s32 $0x1;
	s29 =	sadd.s32 s7, s3;
	[dreg:$0x9] =	wrdreg s1  }
0x12: {  	s31 =	simm.s32 $0x2;
	v0 =	vimm.f32 $1.000000000e+00;
	v1 =	vimm.f32 $0.0e+00;
	s13 =	simm.s32 $0x0;
	[dreg:$0xa] =	wrdreg s29  }
.LBB2_1:
0x13: {  	[tilespmem:$0x3800] =	vst v0  }
0x14: {  	[tilespmem:$0x3810] =	vst v0  }
0x15: {  	[tilespmem:$0x3820] =	vst v0  }
0x16: {  	[tilespmem:$0x3830] =	vst v0  }
0x17: {  	[tilespmem:$0x3840] =	vst v0  }
0x18: {  	[tilespmem:$0x3850] =	vst v0  }
0x19: {  	[tilespmem:$0x3860] =	vst v0  }
0x1a: {  	[tilespmem:$0x3870] =	vst v0  }
0x1b: {  	[tilespmem:$0x5880] =	vst v1  }
0x1c: {  	[tilespmem:$0x5890] =	vst v1  }
0x1d: {  	[tilespmem:$0x58A0] =	vst v1  }
0x1e: {  	[tilespmem:$0x58B0] =	vst v1  }
0x1f: {  	[tilespmem:$0x58C0] =	vst v1  }
0x20: {  	[tilespmem:$0x58D0] =	vst v1  }
0x21: {  	[tilespmem:$0x58E0] =	vst v1  }
0x22: {  	[tilespmem:$0x58F0] =	vst v1  }
0x23: {  	[tilespmem:$0x5900] =	vst v1  }
0x24: {  	[tilespmem:$0x5910] =	vst v1  }
0x25: {  	[tilespmem:$0x5920] =	vst v1  }
0x26: {  	[tilespmem:$0x5930] =	vst v1  }
0x27: {  	[tilespmem:$0x5940] =	vst v1  }
0x28: {  	[tilespmem:$0x5950] =	vst v1  }
0x29: {  	[tilespmem:$0x5960] =	vst v1  }
0x2a: {  	[tilespmem:$0x5970] =	vst v1  }
0x2b: {  	[tilespmem:$0x5980] =	vst v1  }
0x2c: {  	[tilespmem:$0x5990] =	vst v1  }
0x2d: {  	[tilespmem:$0x59A0] =	vst v1  }
0x2e: {  	[tilespmem:$0x59B0] =	vst v1  }
0x2f: {  	[tilespmem:$0x59C0] =	vst v1  }
0x30: {  	[tilespmem:$0x59D0] =	vst v1  }
0x31: {  	[tilespmem:$0x59E0] =	vst v1  }
0x32: {  	[tilespmem:$0x59F0] =	vst v1  }
0x33: {  	[tilespmem:$0x5A00] =	vst v1  }
0x34: {  	[tilespmem:$0x5A10] =	vst v1  }
0x35: {  	[tilespmem:$0x5A20] =	vst v1  }
0x36: {  	[tilespmem:$0x5A30] =	vst v1  }
0x37: {  	[tilespmem:$0x5A40] =	vst v1  }
0x38: {  	[tilespmem:$0x5A50] =	vst v1  }
0x39: {  	[tilespmem:$0x5A60] =	vst v1  }
0x3a: {  	[tilespmem:$0x5A70] =	vst v1  }
0x3b: {  	[tilespmem:$0x5A80] =	vst v1  }
0x3c: {  	[tilespmem:$0x5A90] =	vst v1  }
0x3d: {  	[tilespmem:$0x5AA0] =	vst v1  }
0x3e: {  	[tilespmem:$0x5AB0] =	vst v1  }
0x3f: {  	[tilespmem:$0x5AC0] =	vst v1  }
0x40: {  	[tilespmem:$0x5AD0] =	vst v1  }
0x41: {  	[tilespmem:$0x5AE0] =	vst v1  }
0x42: {  	[tilespmem:$0x5AF0] =	vst v1;
	s3 =	simm.s32 $0x5880  }
0x43: {  	[spmem:s6] =	stream.linear.scatter [tilespmem:s3], [sflag:$0x3], $0x280, $0x38;
	[tilespmem:$0x5D80] =	vst v63  }
0x44: {  	_ =	swait.ge [sflag:s14], $0x280  }
0x45: {  	[sflag:s14] =	ssyncset.done $0x0  }
0x46: {  	s19 =	rddreg [dreg:$0x6];
	[sflag:s14] =	ssyncadd.s32 $0xFFFFFD80  }
0x47: {  	[tilespmem:s5], [sflag:$0x3] =	stream.linear.gather [hbm4b:s19+s5], $0x2800, $0x38;
	[tilespmem:$0x5D80] =	vst v63  }
0x48: {  	_ =	swait.ge [sflag:s14], $0x2800  }
0x49: {  	[sflag:s14] =	ssyncset.done $0x0  }
0x4a: {  	s20 =	rddreg [dreg:$0x7];
	[sflag:s14] =	ssyncadd.s32 $0xFFFFD800  }
0x4b: {  	[tilespmem:s15], [sflag:$0x3] =	stream.linear.gather [hbm4b:s20+s5], $0xD00, $0x38;
	[tilespmem:$0x5D80] =	vst v63  }
0x4c: {  	_ =	swait.ge [sflag:s14], $0xD00  }
0x4d: {  	[sflag:s14] =	ssyncset.done $0x0  }
0x4e: {  	[sflag:s14] =	ssyncadd.s32 $0xFFFFF300  }
0x4f: {  	s21 =	simm.s32 $0x0;
	[bflag:$0x0] =	sbarrier.arrive $0xFFFF  }
0x50: {  	[spmem:s4] =	stream.indirect.scatter.add.f32 [tilespmem:s17], [sflag:$0x1], $0x1, s21, s16, $0xb8;
	[tilespmem:$0x5D80] =	vst v63  }
0x51: {  	s22 =	simm.s32 $0x80  }
0x52: {  	[spmem:s4] =	stream.indirect.scatter.add.f32 [tilespmem:s17], [sflag:$0x1], $0x1, s22, s16, $0xb8;
	[tilespmem:$0x5D80] =	vst v63  }
0x53: {  	s23 =	simm.s32 $0x100  }
0x54: {  	[spmem:s4] =	stream.indirect.scatter.add.f32 [tilespmem:s17], [sflag:$0x1], $0x1, s23, s16, $0xb8;
	[tilespmem:$0x5D80] =	vst v63  }
0x55: {  	s24 =	simm.s32 $0x180  }
0x56: {  	[spmem:s4] =	stream.indirect.scatter.add.f32 [tilespmem:s17], [sflag:$0x1], $0x1, s24, s16, $0xb8;
	[tilespmem:$0x5D80] =	vst v63  }
0x57: {  	s25 =	simm.s32 $0x200  }
0x58: {  	[spmem:s4] =	stream.indirect.scatter.add.f32 [tilespmem:s17], [sflag:$0x1], $0x1, s25, s16, $0xb8;
	[tilespmem:$0x5D80] =	vst v63  }
0x59: {  	s26 =	simm.s32 $0x280  }
0x5a: {  	[spmem:s4] =	stream.indirect.scatter.add.f32 [tilespmem:s17], [sflag:$0x1], $0x1, s26, s16, $0xb8;
	[tilespmem:$0x5D80] =	vst v63  }
0x5b: {  	s29 =	simm.s32 $0x300  }
0x5c: {  	[spmem:s4] =	stream.indirect.scatter.add.f32 [tilespmem:s17], [sflag:$0x1], $0x1, s29, s16, $0xb8;
	[tilespmem:$0x5D80] =	vst v63  }
0x5d: {  	s30 =	simm.s32 $0x380  }
0x5e: {  	[spmem:s4] =	stream.indirect.scatter.add.f32 [tilespmem:s17], [sflag:$0x1], $0x1, s30, s16, $0xb8;
	[tilespmem:$0x5D80] =	vst v63  }
0x5f: {  	_ =	swait.ge [sflag:s18], $0x80  }
0x60: {  	[sflag:s18] =	ssyncset.done $0x0  }
0x61: {  	[sflag:s18] =	ssyncadd.s32 $0xFFFFFF80  }
0x62: {  	_ =	swait.ge [sflag:s18], $0x80  }
0x63: {  	[sflag:s18] =	ssyncset.done $0x0  }
0x64: {  	[sflag:s18] =	ssyncadd.s32 $0xFFFFFF80  }
0x65: {  	_ =	swait.ge [sflag:s18], $0x80  }
0x66: {  	[sflag:s18] =	ssyncset.done $0x0  }
0x67: {  	[sflag:s18] =	ssyncadd.s32 $0xFFFFFF80  }
0x68: {  	_ =	swait.ge [sflag:s18], $0x80  }
0x69: {  	[sflag:s18] =	ssyncset.done $0x0  }
0x6a: {  	[sflag:s18] =	ssyncadd.s32 $0xFFFFFF80  }
0x6b: {  	_ =	swait.ge [sflag:s18], $0x80  }
0x6c: {  	[sflag:s18] =	ssyncset.done $0x0  }
0x6d: {  	[sflag:s18] =	ssyncadd.s32 $0xFFFFFF80  }
0x6e: {  	_ =	swait.ge [sflag:s18], $0x80  }
0x6f: {  	[sflag:s18] =	ssyncset.done $0x0  }
0x70: {  	[sflag:s18] =	ssyncadd.s32 $0xFFFFFF80  }
0x71: {  	_ =	swait.ge [sflag:s18], $0x80  }
0x72: {  	[sflag:s18] =	ssyncset.done $0x0  }
0x73: {  	[sflag:s18] =	ssyncadd.s32 $0xFFFFFF80  }
0x74: {  	_ =	swait.ge [sflag:s18], $0x80  }
0x75: {  	s28 =	simm.s32 $0x2000;
	s23 =	simm.s32 $0x1000;
	[sflag:s18] =	ssyncset.done $0x0  }
.LBB2_2:
0x76: {  	s25 =	sshra.s32 s23, $0x2  }
0x77: {  	[sflag:s18] =	ssyncadd.s32 $0xFFFFFF80;
	s23 =	smov.u32 s28;
	s3 =	sadd.s32 $0x1000, s28  }
0x78: {  	[spmem:s4] =	stream.indirect.scatter.add.f32 [tilespmem:s17], [sflag:$0x1], $0x1, s25, s16, $0xb8;
	[tilespmem:$0x5D80] =	vst v63  }
0x79: {  	p0 =	sne.s32 s28, $0x9000;
	s28 =	sadd.s32 $0x80, s25  }
0x7a: {  	[spmem:s4] =	stream.indirect.scatter.add.f32 [tilespmem:s17], [sflag:$0x1], $0x1, s28, s16, $0xb8;
	[tilespmem:$0x5D80] =	vst v63  }
0x7b: {  	s28 =	sadd.s32 $0x100, s25  }
0x7c: {  	[spmem:s4] =	stream.indirect.scatter.add.f32 [tilespmem:s17], [sflag:$0x1], $0x1, s28, s16, $0xb8;
	[tilespmem:$0x5D80] =	vst v63  }
0x7d: {  	s28 =	sadd.s32 $0x180, s25  }
0x7e: {  	[spmem:s4] =	stream.indirect.scatter.add.f32 [tilespmem:s17], [sflag:$0x1], $0x1, s28, s16, $0xb8;
	[tilespmem:$0x5D80] =	vst v63  }
0x7f: {  	s28 =	sadd.s32 $0x200, s25  }
0x80: {  	[spmem:s4] =	stream.indirect.scatter.add.f32 [tilespmem:s17], [sflag:$0x1], $0x1, s28, s16, $0xb8;
	[tilespmem:$0x5D80] =	vst v63  }
0x81: {  	s28 =	sadd.s32 $0x280, s25  }
0x82: {  	[spmem:s4] =	stream.indirect.scatter.add.f32 [tilespmem:s17], [sflag:$0x1], $0x1, s28, s16, $0xb8;
	[tilespmem:$0x5D80] =	vst v63  }
0x83: {  	s28 =	sadd.s32 $0x300, s25  }
0x84: {  	[spmem:s4] =	stream.indirect.scatter.add.f32 [tilespmem:s17], [sflag:$0x1], $0x1, s28, s16, $0xb8;
	[tilespmem:$0x5D80] =	vst v63  }
0x85: {  	s25 =	sadd.s32 $0x380, s25  }
0x86: {  	[spmem:s4] =	stream.indirect.scatter.add.f32 [tilespmem:s17], [sflag:$0x1], $0x1, s25, s16, $0xb8;
	[tilespmem:$0x5D80] =	vst v63  }
0x87: {  	_ =	swait.ge [sflag:s18], $0x80  }
0x88: {  	[sflag:s18] =	ssyncset.done $0x0  }
0x89: {  	[sflag:s18] =	ssyncadd.s32 $0xFFFFFF80  }
0x8a: {  	_ =	swait.ge [sflag:s18], $0x80  }
0x8b: {  	[sflag:s18] =	ssyncset.done $0x0  }
0x8c: {  	[sflag:s18] =	ssyncadd.s32 $0xFFFFFF80  }
0x8d: {  	_ =	swait.ge [sflag:s18], $0x80  }
0x8e: {  	[sflag:s18] =	ssyncset.done $0x0  }
0x8f: {  	[sflag:s18] =	ssyncadd.s32 $0xFFFFFF80  }
0x90: {  	_ =	swait.ge [sflag:s18], $0x80  }
0x91: {  	[sflag:s18] =	ssyncset.done $0x0  }
0x92: {  	[sflag:s18] =	ssyncadd.s32 $0xFFFFFF80  }
0x93: {  	_ =	swait.ge [sflag:s18], $0x80  }
0x94: {  	[sflag:s18] =	ssyncset.done $0x0  }
0x95: {  	[sflag:s18] =	ssyncadd.s32 $0xFFFFFF80  }
0x96: {  	_ =	swait.ge [sflag:s18], $0x80  }
0x97: {  	[sflag:s18] =	ssyncset.done $0x0  }
0x98: {  	[sflag:s18] =	ssyncadd.s32 $0xFFFFFF80  }
.Ltmp0:
0x99: {  	_ =	swait.ge [sflag:s18], $0x80;
	(pc) =	sbr.rel @p0 .LBB2_2-.Ltmp0, $4  }
0x9a: {  	[sflag:s18] =	ssyncset.done $0x0  }
0x9b: {  	[sflag:s18] =	ssyncadd.s32 $0xFFFFFF80  }
0x9c: {  	_ =	swait.ge [sflag:s18], $0x80  }
0x9d: {  	s28 =	smov.u32 s3;
	[sflag:s18] =	ssyncset.done $0x0  }
0x9e: {  	s3 =	sshra.s32 s23, $0x2;
	[sflag:s18] =	ssyncadd.s32 $0xFFFFFF80  }
0x9f: {  	[spmem:s4] =	stream.indirect.scatter.add.f32 [tilespmem:s17], [sflag:$0x1], $0x1, s3, s16, $0xb8;
	[tilespmem:$0x5D80] =	vst v63  }
0xa0: {  	s23 =	sadd.s32 $0x80, s3  }
0xa1: {  	[spmem:s4] =	stream.indirect.scatter.add.f32 [tilespmem:s17], [sflag:$0x1], $0x1, s23, s16, $0xb8;
	[tilespmem:$0x5D80] =	vst v63  }
0xa2: {  	s5 =	sadd.s32 $0x100, s3  }
0xa3: {  	[spmem:s4] =	stream.indirect.scatter.add.f32 [tilespmem:s17], [sflag:$0x1], $0x1, s5, s16, $0xb8;
	[tilespmem:$0x5D80] =	vst v63  }
0xa4: {  	s6 =	sadd.s32 $0x180, s3  }
0xa5: {  	[spmem:s4] =	stream.indirect.scatter.add.f32 [tilespmem:s17], [sflag:$0x1], $0x1, s6, s16, $0xb8;
	[tilespmem:$0x5D80] =	vst v63  }
0xa6: {  	s7 =	sadd.s32 $0x200, s3  }
0xa7: {  	[spmem:s4] =	stream.indirect.scatter.add.f32 [tilespmem:s17], [sflag:$0x1], $0x1, s7, s16, $0xb8;
	[tilespmem:$0x5D80] =	vst v63  }
0xa8: {  	s8 =	sadd.s32 $0x280, s3  }
0xa9: {  	[spmem:s4] =	stream.indirect.scatter.add.f32 [tilespmem:s17], [sflag:$0x1], $0x1, s8, s16, $0xb8;
	[tilespmem:$0x5D80] =	vst v63  }
0xaa: {  	s9 =	sadd.s32 $0x300, s3  }
0xab: {  	[spmem:s4] =	stream.indirect.scatter.add.f32 [tilespmem:s17], [sflag:$0x1], $0x1, s9, s16, $0xb8;
	[tilespmem:$0x5D80] =	vst v63  }
0xac: {  	s3 =	sadd.s32 $0x380, s3  }
0xad: {  	[spmem:s4] =	stream.indirect.scatter.add.f32 [tilespmem:s17], [sflag:$0x1], $0x1, s3, s16, $0xb8;
	[tilespmem:$0x5D80] =	vst v63  }
0xae: {  	_ =	swait.ge [sflag:s18], $0x80  }
0xaf: {  	[sflag:s18] =	ssyncset.done $0x0  }
0xb0: {  	[sflag:s18] =	ssyncadd.s32 $0xFFFFFF80  }
0xb1: {  	_ =	swait.ge [sflag:s18], $0x80  }
0xb2: {  	[sflag:s18] =	ssyncset.done $0x0  }
0xb3: {  	[sflag:s18] =	ssyncadd.s32 $0xFFFFFF80  }
0xb4: {  	_ =	swait.ge [sflag:s18], $0x80  }
0xb5: {  	[sflag:s18] =	ssyncset.done $0x0  }
0xb6: {  	[sflag:s18] =	ssyncadd.s32 $0xFFFFFF80  }
0xb7: {  	_ =	swait.ge [sflag:s18], $0x80  }
0xb8: {  	[sflag:s18] =	ssyncset.done $0x0  }
0xb9: {  	[sflag:s18] =	ssyncadd.s32 $0xFFFFFF80  }
0xba: {  	_ =	swait.ge [sflag:s18], $0x80  }
0xbb: {  	[sflag:s18] =	ssyncset.done $0x0  }
0xbc: {  	[sflag:s18] =	ssyncadd.s32 $0xFFFFFF80  }
0xbd: {  	_ =	swait.ge [sflag:s18], $0x80  }
0xbe: {  	[sflag:s18] =	ssyncset.done $0x0  }
0xbf: {  	[sflag:s18] =	ssyncadd.s32 $0xFFFFFF80  }
0xc0: {  	_ =	swait.ge [sflag:s18], $0x80  }
0xc1: {  	[sflag:s18] =	ssyncset.done $0x0  }
0xc2: {  	[sflag:s18] =	ssyncadd.s32 $0xFFFFFF80  }
0xc3: {  	_ =	swait.ge [sflag:s18], $0x80  }
0xc4: {  	[sflag:s18] =	ssyncset.done $0x0  }
0xc5: {  	s1 =	simm.s32 $0x3880;
	[sflag:s18] =	ssyncadd.s32 $0xFFFFFF80  }
0xc6: {  	[tilespmem:s1], [sflag:$0x1] =	stream.indirect.gather [hbm4b:s0+s16], $0x1, s15, s16, $0xb8;
	[tilespmem:$0x5D80] =	vst v63  }
0xc7: {  	s10 =	simm.s32 $0x2880;
	s25 =	simm.s32 $0x3900  }
0xc8: {  	[tilespmem:s25], [sflag:$0x1] =	stream.indirect.gather [hbm4b:s0+s16], $0x1, s10, s16, $0xb8;
	[tilespmem:$0x5D80] =	vst v63  }
0xc9: {  	s28 =	simm.s32 $0x3980;
	s25 =	simm.s32 $0x2900  }
0xca: {  	[tilespmem:s28], [sflag:$0x1] =	stream.indirect.gather [hbm4b:s0+s16], $0x1, s25, s16, $0xb8;
	[tilespmem:$0x5D80] =	vst v63  }
0xcb: {  	s21 =	simm.s32 $0x3A00;
	s28 =	simm.s32 $0x2980  }
0xcc: {  	[tilespmem:s21], [sflag:$0x1] =	stream.indirect.gather [hbm4b:s0+s16], $0x1, s28, s16, $0xb8;
	[tilespmem:$0x5D80] =	vst v63  }
0xcd: {  	s30 =	simm.s32 $0x3A80;
	s21 =	simm.s32 $0x2A00  }
0xce: {  	[tilespmem:s30], [sflag:$0x1] =	stream.indirect.gather [hbm4b:s0+s16], $0x1, s21, s16, $0xb8;
	[tilespmem:$0x5D80] =	vst v63  }
0xcf: {  	s11 =	simm.s32 $0x3B00;
	s30 =	simm.s32 $0x2A80  }
0xd0: {  	[tilespmem:s11], [sflag:$0x1] =	stream.indirect.gather [hbm4b:s0+s16], $0x1, s30, s16, $0xb8;
	[tilespmem:$0x5D80] =	vst v63  }
0xd1: {  	s12 =	simm.s32 $0x2B00;
	s7 =	simm.s32 $0x3B80  }
0xd2: {  	[tilespmem:s7], [sflag:$0x1] =	stream.indirect.gather [hbm4b:s0+s16], $0x1, s12, s16, $0xb8;
	[tilespmem:$0x5D80] =	vst v63  }
0xd3: {  	s8 =	simm.s32 $0x3C00;
	s15 =	simm.s32 $0x2B80  }
0xd4: {  	[tilespmem:s8], [sflag:$0x1] =	stream.indirect.gather [hbm4b:s0+s16], $0x1, s15, s16, $0xb8;
	[tilespmem:$0x5D80] =	vst v63  }
0xd5: {  	s19 =	simm.s32 $0x2C00;
	s9 =	simm.s32 $0x3C80  }
0xd6: {  	[tilespmem:s9], [sflag:$0x1] =	stream.indirect.gather [hbm4b:s0+s16], $0x1, s19, s16, $0xb8;
	[tilespmem:$0x5D80] =	vst v63  }
0xd7: {  	s20 =	simm.s32 $0x2C80;
	s10 =	simm.s32 $0x3D00  }
0xd8: {  	[tilespmem:s10], [sflag:$0x1] =	stream.indirect.gather [hbm4b:s0+s16], $0x1, s20, s16, $0xb8;
	[tilespmem:$0x5D80] =	vst v63  }
0xd9: {  	s22 =	simm.s32 $0x2D00;
	s19 =	simm.s32 $0x3D80  }
0xda: {  	[tilespmem:s19], [sflag:$0x1] =	stream.indirect.gather [hbm4b:s0+s16], $0x1, s22, s16, $0xb8;
	[tilespmem:$0x5D80] =	vst v63  }
0xdb: {  	s11 =	simm.s32 $0x3E00;
	s19 =	simm.s32 $0x2D80  }
0xdc: {  	[tilespmem:s11], [sflag:$0x1] =	stream.indirect.gather [hbm4b:s0+s16], $0x1, s19, s16, $0xb8;
	[tilespmem:$0x5D80] =	vst v63  }
0xdd: {  	s20 =	simm.s32 $0x3E80;
	s11 =	simm.s32 $0x2E00  }
0xde: {  	[tilespmem:s20], [sflag:$0x1] =	stream.indirect.gather [hbm4b:s0+s16], $0x1, s11, s16, $0xb8;
	[tilespmem:$0x5D80] =	vst v63  }
0xdf: {  	_ =	swait.ge [sflag:s18], $0x80  }
0xe0: {  	[sflag:s18] =	ssyncset.done $0x0  }
0xe1: {  	[sflag:s18] =	ssyncadd.s32 $0xFFFFFF80  }
0xe2: {  	_ =	swait.ge [sflag:s18], $0x80  }
0xe3: {  	[sflag:s18] =	ssyncset.done $0x0  }
0xe4: {  	[sflag:s18] =	ssyncadd.s32 $0xFFFFFF80  }
0xe5: {  	_ =	swait.ge [sflag:s18], $0x80  }
0xe6: {  	[sflag:s18] =	ssyncset.done $0x0  }
0xe7: {  	[sflag:s18] =	ssyncadd.s32 $0xFFFFFF80  }
0xe8: {  	_ =	swait.ge [sflag:s18], $0x80  }
0xe9: {  	[sflag:s18] =	ssyncset.done $0x0  }
0xea: {  	[sflag:s18] =	ssyncadd.s32 $0xFFFFFF80  }
0xeb: {  	_ =	swait.ge [sflag:s18], $0x80  }
0xec: {  	[sflag:s18] =	ssyncset.done $0x0  }
0xed: {  	[sflag:s18] =	ssyncadd.s32 $0xFFFFFF80  }
0xee: {  	_ =	swait.ge [sflag:s18], $0x80  }
0xef: {  	[sflag:s18] =	ssyncset.done $0x0  }
0xf0: {  	[sflag:s18] =	ssyncadd.s32 $0xFFFFFF80  }
0xf1: {  	_ =	swait.ge [sflag:s18], $0x80  }
0xf2: {  	[sflag:s18] =	ssyncset.done $0x0  }
0xf3: {  	[sflag:s18] =	ssyncadd.s32 $0xFFFFFF80  }
0xf4: {  	_ =	swait.ge [sflag:s18], $0x80  }
0xf5: {  	[sflag:s18] =	ssyncset.done $0x0  }
0xf6: {  	[sflag:s18] =	ssyncadd.s32 $0xFFFFFF80  }
0xf7: {  	_ =	swait.ge [sflag:s18], $0x80  }
0xf8: {  	[sflag:s18] =	ssyncset.done $0x0  }
0xf9: {  	[sflag:s18] =	ssyncadd.s32 $0xFFFFFF80  }
0xfa: {  	_ =	swait.ge [sflag:s18], $0x80  }
0xfb: {  	[sflag:s18] =	ssyncset.done $0x0  }
0xfc: {  	[sflag:s18] =	ssyncadd.s32 $0xFFFFFF80  }
0xfd: {  	_ =	swait.ge [sflag:s18], $0x80  }
0xfe: {  	[sflag:s18] =	ssyncset.done $0x0  }
0xff: {  	[sflag:s18] =	ssyncadd.s32 $0xFFFFFF80  }
0x100: {  	_ =	swait.ge [sflag:s18], $0x80  }
0x101: {  	[sflag:s18] =	ssyncset.done $0x0  }
0x102: {  	[sflag:s18] =	ssyncadd.s32 $0xFFFFFF80  }
0x103: {  	_ =	swait.ge [sflag:s18], $0x80  }
0x104: {  	[sflag:s18] =	ssyncset.done $0x0  }
0x105: {  	s12 =	simm.s32 $0x3F00;
	s20 =	simm.s32 $0x2E80;
	[sflag:s18] =	ssyncadd.s32 $0xFFFFFF80  }
0x106: {  	[tilespmem:s12], [sflag:$0x1] =	stream.indirect.gather [hbm4b:s0+s16], $0x1, s20, s16, $0xb8;
	[tilespmem:$0x5D80] =	vst v63  }
0x107: {  	s22 =	simm.s32 $0x3F80;
	s12 =	simm.s32 $0x2F00  }
0x108: {  	[tilespmem:s22], [sflag:$0x1] =	stream.indirect.gather [hbm4b:s0+s16], $0x1, s12, s16, $0xb8;
	[tilespmem:$0x5D80] =	vst v63  }
0x109: {  	s24 =	simm.s32 $0x4000;
	s22 =	simm.s32 $0x2F80  }
0x10a: {  	[tilespmem:s24], [sflag:$0x1] =	stream.indirect.gather [hbm4b:s0+s16], $0x1, s22, s16, $0xb8;
	[tilespmem:$0x5D80] =	vst v63  }
0x10b: {  	s26 =	simm.s32 $0x4080;
	s24 =	simm.s32 $0x3000  }
0x10c: {  	[tilespmem:s26], [sflag:$0x1] =	stream.indirect.gather [hbm4b:s0+s16], $0x1, s24, s16, $0xb8;
	[tilespmem:$0x5D80] =	vst v63  }
0x10d: {  	s29 =	simm.s32 $0x4100;
	s26 =	simm.s32 $0x3080  }
0x10e: {  	[tilespmem:s29], [sflag:$0x1] =	stream.indirect.gather [hbm4b:s0+s16], $0x1, s26, s16, $0xb8;
	[tilespmem:$0x5D80] =	vst v63  }
0x10f: {  	s23 =	simm.s32 $0x4180;
	s29 =	simm.s32 $0x3100  }
0x110: {  	[tilespmem:s23], [sflag:$0x1] =	stream.indirect.gather [hbm4b:s0+s16], $0x1, s29, s16, $0xb8;
	[tilespmem:$0x5D80] =	vst v63  }
0x111: {  	s5 =	simm.s32 $0x3180;
	s6 =	simm.s32 $0x4200  }
0x112: {  	[tilespmem:s6], [sflag:$0x1] =	stream.indirect.gather [hbm4b:s0+s16], $0x1, s5, s16, $0xb8;
	[tilespmem:$0x5D80] =	vst v63  }
0x113: {  	s1 =	simm.s32 $0x4280;
	s6 =	simm.s32 $0x3200  }
0x114: {  	[tilespmem:s1], [sflag:$0x1] =	stream.indirect.gather [hbm4b:s0+s16], $0x1, s6, s16, $0xb8;
	[tilespmem:$0x5D80] =	vst v63  }
0x115: {  	s3 =	simm.s32 $0x4300;
	s23 =	simm.s32 $0x3280  }
0x116: {  	[tilespmem:s3], [sflag:$0x1] =	stream.indirect.gather [hbm4b:s0+s16], $0x1, s23, s16, $0xb8;
	[tilespmem:$0x5D80] =	vst v63  }
0x117: {  	s7 =	simm.s32 $0x4380;
	s1 =	simm.s32 $0x3300  }
0x118: {  	[tilespmem:s7], [sflag:$0x1] =	stream.indirect.gather [hbm4b:s0+s16], $0x1, s1, s16, $0xb8;
	[tilespmem:$0x5D80] =	vst v63  }
0x119: {  	s8 =	simm.s32 $0x4400;
	s3 =	simm.s32 $0x3380  }
0x11a: {  	[tilespmem:s8], [sflag:$0x1] =	stream.indirect.gather [hbm4b:s0+s16], $0x1, s3, s16, $0xb8;
	[tilespmem:$0x5D80] =	vst v63  }
0x11b: {  	s9 =	simm.s32 $0x4480;
	s7 =	simm.s32 $0x3400  }
0x11c: {  	[tilespmem:s9], [sflag:$0x1] =	stream.indirect.gather [hbm4b:s0+s16], $0x1, s7, s16, $0xb8;
	[tilespmem:$0x5D80] =	vst v63  }
0x11d: {  	s10 =	simm.s32 $0x4500;
	s8 =	simm.s32 $0x3480  }
0x11e: {  	[tilespmem:s10], [sflag:$0x1] =	stream.indirect.gather [hbm4b:s0+s16], $0x1, s8, s16, $0xb8;
	[tilespmem:$0x5D80] =	vst v63  }
0x11f: {  	_ =	swait.ge [sflag:s18], $0x80  }
0x120: {  	[sflag:s18] =	ssyncset.done $0x0  }
0x121: {  	[sflag:s18] =	ssyncadd.s32 $0xFFFFFF80  }
0x122: {  	_ =	swait.ge [sflag:s18], $0x80  }
0x123: {  	[sflag:s18] =	ssyncset.done $0x0  }
0x124: {  	[sflag:s18] =	ssyncadd.s32 $0xFFFFFF80  }
0x125: {  	_ =	swait.ge [sflag:s18], $0x80  }
0x126: {  	[sflag:s18] =	ssyncset.done $0x0  }
0x127: {  	[sflag:s18] =	ssyncadd.s32 $0xFFFFFF80  }
0x128: {  	_ =	swait.ge [sflag:s18], $0x80  }
0x129: {  	[sflag:s18] =	ssyncset.done $0x0  }
0x12a: {  	[sflag:s18] =	ssyncadd.s32 $0xFFFFFF80  }
0x12b: {  	_ =	swait.ge [sflag:s18], $0x80  }
0x12c: {  	[sflag:s18] =	ssyncset.done $0x0  }
0x12d: {  	[sflag:s18] =	ssyncadd.s32 $0xFFFFFF80  }
0x12e: {  	_ =	swait.ge [sflag:s18], $0x80  }
0x12f: {  	[sflag:s18] =	ssyncset.done $0x0  }
0x130: {  	[sflag:s18] =	ssyncadd.s32 $0xFFFFFF80  }
0x131: {  	_ =	swait.ge [sflag:s18], $0x80  }
0x132: {  	[sflag:s18] =	ssyncset.done $0x0  }
0x133: {  	[sflag:s18] =	ssyncadd.s32 $0xFFFFFF80  }
0x134: {  	_ =	swait.ge [sflag:s18], $0x80  }
0x135: {  	[sflag:s18] =	ssyncset.done $0x0  }
0x136: {  	[sflag:s18] =	ssyncadd.s32 $0xFFFFFF80  }
0x137: {  	_ =	swait.ge [sflag:s18], $0x80  }
0x138: {  	[sflag:s18] =	ssyncset.done $0x0  }
0x139: {  	[sflag:s18] =	ssyncadd.s32 $0xFFFFFF80  }
0x13a: {  	_ =	swait.ge [sflag:s18], $0x80  }
0x13b: {  	[sflag:s18] =	ssyncset.done $0x0  }
0x13c: {  	[sflag:s18] =	ssyncadd.s32 $0xFFFFFF80  }
0x13d: {  	_ =	swait.ge [sflag:s18], $0x80  }
0x13e: {  	[sflag:s18] =	ssyncset.done $0x0  }
0x13f: {  	[sflag:s18] =	ssyncadd.s32 $0xFFFFFF80  }
0x140: {  	_ =	swait.ge [sflag:s18], $0x80  }
0x141: {  	[sflag:s18] =	ssyncset.done $0x0  }
0x142: {  	[sflag:s18] =	ssyncadd.s32 $0xFFFFFF80  }
0x143: {  	_ =	swait.ge [sflag:s18], $0x80  }
0x144: {  	[sflag:s18] =	ssyncset.done $0x0  }
0x145: {  	s15 =	simm.s32 $0x2800;
	s10 =	simm.s32 $0x4880;
	[sflag:s18] =	ssyncadd.s32 $0xFFFFFF80  }
0x146: {  	[tilespmem:s10], [sflag:$0x2] =	stream.indirect.gather [hbm4b:s2+s16], $0x1, s15, s16, $0xb8;
	[tilespmem:$0x5D80] =	vst v63  }
0x147: {  	s9 =	simm.s32 $0x4900;
	s10 =	simm.s32 $0x2880  }
0x148: {  	[tilespmem:s9], [sflag:$0x2] =	stream.indirect.gather [hbm4b:s2+s16], $0x1, s10, s16, $0xb8;
	[tilespmem:$0x5D80] =	vst v63  }
0x149: {  	s10 =	simm.s32 $0x4980  }
0x14a: {  	[tilespmem:s10], [sflag:$0x2] =	stream.indirect.gather [hbm4b:s2+s16], $0x1, s25, s16, $0xb8;
	[tilespmem:$0x5D80] =	vst v63  }
0x14b: {  	s25 =	simm.s32 $0x4A00  }
0x14c: {  	[tilespmem:s25], [sflag:$0x2] =	stream.indirect.gather [hbm4b:s2+s16], $0x1, s28, s16, $0xb8;
	[tilespmem:$0x5D80] =	vst v63  }
0x14d: {  	s10 =	simm.s32 $0x4A80  }
0x14e: {  	[tilespmem:s10], [sflag:$0x2] =	stream.indirect.gather [hbm4b:s2+s16], $0x1, s21, s16, $0xb8;
	[tilespmem:$0x5D80] =	vst v63  }
0x14f: {  	s25 =	simm.s32 $0x4B00  }
0x150: {  	[tilespmem:s25], [sflag:$0x2] =	stream.indirect.gather [hbm4b:s2+s16], $0x1, s30, s16, $0xb8;
	[tilespmem:$0x5D80] =	vst v63  }
0x151: {  	s28 =	simm.s32 $0x4B80;
	s30 =	simm.s32 $0x2B00  }
0x152: {  	[tilespmem:s28], [sflag:$0x2] =	stream.indirect.gather [hbm4b:s2+s16], $0x1, s30, s16, $0xb8;
	[tilespmem:$0x5D80] =	vst v63  }
0x153: {  	s21 =	simm.s32 $0x4C00;
	s25 =	simm.s32 $0x2B80  }
0x154: {  	[tilespmem:s21], [sflag:$0x2] =	stream.indirect.gather [hbm4b:s2+s16], $0x1, s25, s16, $0xb8;
	[tilespmem:$0x5D80] =	vst v63  }
0x155: {  	s28 =	simm.s32 $0x4C80;
	s30 =	simm.s32 $0x2C00  }
0x156: {  	[tilespmem:s28], [sflag:$0x2] =	stream.indirect.gather [hbm4b:s2+s16], $0x1, s30, s16, $0xb8;
	[tilespmem:$0x5D80] =	vst v63  }
0x157: {  	s10 =	simm.s32 $0x4D00;
	s21 =	simm.s32 $0x2C80  }
0x158: {  	[tilespmem:s10], [sflag:$0x2] =	stream.indirect.gather [hbm4b:s2+s16], $0x1, s21, s16, $0xb8;
	[tilespmem:$0x5D80] =	vst v63  }
0x159: {  	s25 =	simm.s32 $0x4D80;
	s28 =	simm.s32 $0x2D00  }
0x15a: {  	[tilespmem:s25], [sflag:$0x2] =	stream.indirect.gather [hbm4b:s2+s16], $0x1, s28, s16, $0xb8;
	[tilespmem:$0x5D80] =	vst v63  }
0x15b: {  	s30 =	simm.s32 $0x4E00  }
0x15c: {  	[tilespmem:s30], [sflag:$0x2] =	stream.indirect.gather [hbm4b:s2+s16], $0x1, s19, s16, $0xb8;
	[tilespmem:$0x5D80] =	vst v63  }
0x15d: {  	s10 =	simm.s32 $0x4E80  }
0x15e: {  	[tilespmem:s10], [sflag:$0x2] =	stream.indirect.gather [hbm4b:s2+s16], $0x1, s11, s16, $0xb8;
	[tilespmem:$0x5D80] =	vst v63  }
0x15f: {  	_ =	swait.ge [sflag:s31], $0x80  }
0x160: {  	[sflag:s31] =	ssyncset.done $0x0  }
0x161: {  	[sflag:s31] =	ssyncadd.s32 $0xFFFFFF80  }
0x162: {  	_ =	swait.ge [sflag:s31], $0x80  }
0x163: {  	[sflag:s31] =	ssyncset.done $0x0  }
0x164: {  	[sflag:s31] =	ssyncadd.s32 $0xFFFFFF80  }
0x165: {  	_ =	swait.ge [sflag:s31], $0x80  }
0x166: {  	[sflag:s31] =	ssyncset.done $0x0  }
0x167: {  	[sflag:s31] =	ssyncadd.s32 $0xFFFFFF80  }
0x168: {  	_ =	swait.ge [sflag:s31], $0x80  }
0x169: {  	[sflag:s31] =	ssyncset.done $0x0  }
0x16a: {  	[sflag:s31] =	ssyncadd.s32 $0xFFFFFF80  }
0x16b: {  	_ =	swait.ge [sflag:s31], $0x80  }
0x16c: {  	[sflag:s31] =	ssyncset.done $0x0  }
0x16d: {  	[sflag:s31] =	ssyncadd.s32 $0xFFFFFF80  }
0x16e: {  	_ =	swait.ge [sflag:s31], $0x80  }
0x16f: {  	[sflag:s31] =	ssyncset.done $0x0  }
0x170: {  	[sflag:s31] =	ssyncadd.s32 $0xFFFFFF80  }
0x171: {  	_ =	swait.ge [sflag:s31], $0x80  }
0x172: {  	[sflag:s31] =	ssyncset.done $0x0  }
0x173: {  	[sflag:s31] =	ssyncadd.s32 $0xFFFFFF80  }
0x174: {  	_ =	swait.ge [sflag:s31], $0x80  }
0x175: {  	[sflag:s31] =	ssyncset.done $0x0  }
0x176: {  	[sflag:s31] =	ssyncadd.s32 $0xFFFFFF80  }
0x177: {  	_ =	swait.ge [sflag:s31], $0x80  }
0x178: {  	[sflag:s31] =	ssyncset.done $0x0  }
0x179: {  	[sflag:s31] =	ssyncadd.s32 $0xFFFFFF80  }
0x17a: {  	_ =	swait.ge [sflag:s31], $0x80  }
0x17b: {  	[sflag:s31] =	ssyncset.done $0x0  }
0x17c: {  	[sflag:s31] =	ssyncadd.s32 $0xFFFFFF80  }
0x17d: {  	_ =	swait.ge [sflag:s31], $0x80  }
0x17e: {  	[sflag:s31] =	ssyncset.done $0x0  }
0x17f: {  	[sflag:s31] =	ssyncadd.s32 $0xFFFFFF80  }
0x180: {  	_ =	swait.ge [sflag:s31], $0x80  }
0x181: {  	[sflag:s31] =	ssyncset.done $0x0  }
0x182: {  	[sflag:s31] =	ssyncadd.s32 $0xFFFFFF80  }
0x183: {  	_ =	swait.ge [sflag:s31], $0x80  }
0x184: {  	[sflag:s31] =	ssyncset.done $0x0  }
0x185: {  	s19 =	simm.s32 $0x4F00;
	[sflag:s31] =	ssyncadd.s32 $0xFFFFFF80  }
0x186: {  	[tilespmem:s19], [sflag:$0x2] =	stream.indirect.gather [hbm4b:s2+s16], $0x1, s20, s16, $0xb8;
	[tilespmem:$0x5D80] =	vst v63  }
0x187: {  	s20 =	simm.s32 $0x4F80  }
0x188: {  	[tilespmem:s20], [sflag:$0x2] =	stream.indirect.gather [hbm4b:s2+s16], $0x1, s12, s16, $0xb8;
	[tilespmem:$0x5D80] =	vst v63  }
0x189: {  	s21 =	simm.s32 $0x5000  }
0x18a: {  	[tilespmem:s21], [sflag:$0x2] =	stream.indirect.gather [hbm4b:s2+s16], $0x1, s22, s16, $0xb8;
	[tilespmem:$0x5D80] =	vst v63  }
0x18b: {  	s22 =	simm.s32 $0x5080  }
0x18c: {  	[tilespmem:s22], [sflag:$0x2] =	stream.indirect.gather [hbm4b:s2+s16], $0x1, s24, s16, $0xb8;
	[tilespmem:$0x5D80] =	vst v63  }
0x18d: {  	s25 =	simm.s32 $0x5100  }
0x18e: {  	[tilespmem:s25], [sflag:$0x2] =	stream.indirect.gather [hbm4b:s2+s16], $0x1, s26, s16, $0xb8;
	[tilespmem:$0x5D80] =	vst v63  }
0x18f: {  	s28 =	simm.s32 $0x5180  }
0x190: {  	[tilespmem:s28], [sflag:$0x2] =	stream.indirect.gather [hbm4b:s2+s16], $0x1, s29, s16, $0xb8;
	[tilespmem:$0x5D80] =	vst v63  }
0x191: {  	s29 =	simm.s32 $0x5200  }
0x192: {  	[tilespmem:s29], [sflag:$0x2] =	stream.indirect.gather [hbm4b:s2+s16], $0x1, s5, s16, $0xb8;
	[tilespmem:$0x5D80] =	vst v63  }
0x193: {  	s30 =	simm.s32 $0x5280  }
0x194: {  	[tilespmem:s30], [sflag:$0x2] =	stream.indirect.gather [hbm4b:s2+s16], $0x1, s6, s16, $0xb8;
	[tilespmem:$0x5D80] =	vst v63  }
0x195: {  	s9 =	simm.s32 $0x5300  }
0x196: {  	[tilespmem:s9], [sflag:$0x2] =	stream.indirect.gather [hbm4b:s2+s16], $0x1, s23, s16, $0xb8;
	[tilespmem:$0x5D80] =	vst v63  }
0x197: {  	s10 =	simm.s32 $0x5380  }
0x198: {  	[tilespmem:s10], [sflag:$0x2] =	stream.indirect.gather [hbm4b:s2+s16], $0x1, s1, s16, $0xb8;
	[tilespmem:$0x5D80] =	vst v63  }
0x199: {  	s11 =	simm.s32 $0x5400  }
0x19a: {  	[tilespmem:s11], [sflag:$0x2] =	stream.indirect.gather [hbm4b:s2+s16], $0x1, s3, s16, $0xb8;
	[tilespmem:$0x5D80] =	vst v63  }
0x19b: {  	s12 =	simm.s32 $0x5480  }
0x19c: {  	[tilespmem:s12], [sflag:$0x2] =	stream.indirect.gather [hbm4b:s2+s16], $0x1, s7, s16, $0xb8;
	[tilespmem:$0x5D80] =	vst v63  }
0x19d: {  	s19 =	simm.s32 $0x5500  }
0x19e: {  	[tilespmem:s19], [sflag:$0x2] =	stream.indirect.gather [hbm4b:s2+s16], $0x1, s8, s16, $0xb8;
	[tilespmem:$0x5D80] =	vst v63  }
0x19f: {  	_ =	swait.ge [sflag:s31], $0x80  }
0x1a0: {  	[sflag:s31] =	ssyncset.done $0x0  }
0x1a1: {  	[sflag:s31] =	ssyncadd.s32 $0xFFFFFF80  }
0x1a2: {  	_ =	swait.ge [sflag:s31], $0x80  }
0x1a3: {  	[sflag:s31] =	ssyncset.done $0x0  }
0x1a4: {  	[sflag:s31] =	ssyncadd.s32 $0xFFFFFF80  }
0x1a5: {  	_ =	swait.ge [sflag:s31], $0x80  }
0x1a6: {  	[sflag:s31] =	ssyncset.done $0x0  }
0x1a7: {  	[sflag:s31] =	ssyncadd.s32 $0xFFFFFF80  }
0x1a8: {  	_ =	swait.ge [sflag:s31], $0x80  }
0x1a9: {  	[sflag:s31] =	ssyncset.done $0x0  }
0x1aa: {  	[sflag:s31] =	ssyncadd.s32 $0xFFFFFF80  }
0x1ab: {  	_ =	swait.ge [sflag:s31], $0x80  }
0x1ac: {  	[sflag:s31] =	ssyncset.done $0x0  }
0x1ad: {  	[sflag:s31] =	ssyncadd.s32 $0xFFFFFF80  }
0x1ae: {  	_ =	swait.ge [sflag:s31], $0x80  }
0x1af: {  	[sflag:s31] =	ssyncset.done $0x0  }
0x1b0: {  	[sflag:s31] =	ssyncadd.s32 $0xFFFFFF80  }
0x1b1: {  	_ =	swait.ge [sflag:s31], $0x80  }
0x1b2: {  	[sflag:s31] =	ssyncset.done $0x0  }
0x1b3: {  	[sflag:s31] =	ssyncadd.s32 $0xFFFFFF80  }
0x1b4: {  	_ =	swait.ge [sflag:s31], $0x80  }
0x1b5: {  	[sflag:s31] =	ssyncset.done $0x0  }
0x1b6: {  	[sflag:s31] =	ssyncadd.s32 $0xFFFFFF80  }
0x1b7: {  	_ =	swait.ge [sflag:s31], $0x80  }
0x1b8: {  	[sflag:s31] =	ssyncset.done $0x0  }
0x1b9: {  	[sflag:s31] =	ssyncadd.s32 $0xFFFFFF80  }
0x1ba: {  	_ =	swait.ge [sflag:s31], $0x80  }
0x1bb: {  	[sflag:s31] =	ssyncset.done $0x0  }
0x1bc: {  	[sflag:s31] =	ssyncadd.s32 $0xFFFFFF80  }
0x1bd: {  	_ =	swait.ge [sflag:s31], $0x80  }
0x1be: {  	[sflag:s31] =	ssyncset.done $0x0  }
0x1bf: {  	[sflag:s31] =	ssyncadd.s32 $0xFFFFFF80  }
0x1c0: {  	_ =	swait.ge [sflag:s31], $0x80  }
0x1c1: {  	[sflag:s31] =	ssyncset.done $0x0  }
0x1c2: {  	[sflag:s31] =	ssyncadd.s32 $0xFFFFFF80  }
0x1c3: {  	_ =	swait.ge [sflag:s31], $0x80  }
0x1c4: {  	s21 =	simm.s32 $0x3880;
	[sflag:s31] =	ssyncset.done $0x0  }
0x1c5: {  	s5 =	simm.s32 $0x0;
	s20 =	rddreg [dreg:$0x8];
	[sflag:s31] =	ssyncadd.s32 $0xFFFFFF80  }
0x1c6: {  	[hbm4b:s20+s5] =	stream.linear.scatter [tilespmem:s21], [sflag:$0x3], $0xD00, $0x38;
	[tilespmem:$0x5D80] =	vst v63  }
0x1c7: {  	_ =	swait.ge [sflag:s14], $0xD00  }
0x1c8: {  	[sflag:s14] =	ssyncset.done $0x0  }
0x1c9: {  	s23 =	simm.s32 $0x4880;
	s22 =	rddreg [dreg:$0x9];
	[sflag:s14] =	ssyncadd.s32 $0xFFFFF300  }
0x1ca: {  	[hbm4b:s22+s5] =	stream.linear.scatter [tilespmem:s23], [sflag:$0x3], $0xD00, $0x38;
	[tilespmem:$0x5D80] =	vst v63  }
0x1cb: {  	_ =	swait.ge [sflag:s14], $0xD00  }
0x1cc: {  	[sflag:s14] =	ssyncset.done $0x0  }
0x1cd: {  	[sflag:s14] =	ssyncadd.s32 $0xFFFFF300  }
0x1ce: {  	s24 =	stileid.u32;
	s28 =	simm.s32 $0x20;
	[bflag:$0x0] =	sbarrier.arrive $0xFFFF  }
0x1cf: {  	s29 =	simm.s32 $0x10;
	s3 =	sshll.u32 s24, $0x6;
	s6 =	rddreg [dreg:$0xc]  }
0x1d0: {  	s3 =	sor.u32 $0x1C03, s3;
	s26 =	rddreg [dreg:$0xa];
	s25 =	sshrl.u32 s6, $0x3  }
0x1d1: {  	[hbm:s26@s28], [sflag:s3] =	dma.strided [spmem:s25@s29], $0x50, s18, $0x10   }
0x1d2: {  	_ =	swait.ge [sflag:s14], $0x50  }
0x1d3: {  	s13 =	sadd.s32 $0x1, s13;
	s30 =	rddreg [dreg:$0xb]  }
0x1d4: {  	p0 =	sne.s32 s13, s30  }
.Ltmp1:
0x1d5: {  	_ = 	snop;
	(pc) =	sbr.rel @p0 .LBB2_1-.Ltmp1, $3  }
0x1d6: {  	_ =	sdelay $0x1  }
0x1d7: {  	[sflag:s14] =	ssyncset.done $0x0  }
0x1d8: {  	[sflag:s14] =	ssyncadd.s32 $0xFFFFFFB0  }
0x1d9: {  	_ =	sfence.sel $0x180000  }
0x1da: {  	[bflag:$0x0] =	sbarrier.arrive $0xFFFF  }
0x1db: {  	_ =	strace $0x90000047  }
0x1dc: {  	s0 =	stileid.u32;
	[bflag:$0x2] =	sbarrier.arrive $0xFFFF  }
0x1dd: {  	p0 =	sne.s32 s0, $0x0;
	s0 =	rddreg [dreg:$0x5]  }
0x1de: {  	s0 =	sadd.s32 @!p0 $0x100000, s0  }
0x1df: {  	[sflag:s0] =	ssyncadd.tile.s32 @!p0 $0x1;
	_ =	shalt  }
.Lfunc_end2:
_tile_overlayer_lowered:
.L_overlay_start_2:
0x1e0: {  	(tag) =	ssettag $0x2  }
0x1e1: {  	s0 =	rddreg [dreg:$0x0];
	s2 =	stileid.u32  }
0x1e2: {  	s1 =	rddreg [dreg:$0x1];
	p0 =	sne.s32 s2, $0x0  }
0x1e3: {  	s3 =	rddreg [dreg:$0x2];
	[bflag:$0x3] =	sbarrier.arrive $0xFFFF;
	s2 =	simm.s32 @!p0 $0x1C03  }
0x1e4: {  	[timem:s3], [sflag:s2] =	dma.local @!p0 [hbm:s0], s1  }
0x1e5: {  	s0 =	simm.s32 @!p0 $0x3  }
0x1e6: {  	_ =	swait.ge @!p0 [sflag:s0], s1  }
0x1e7: {  	s1 =	ssub.s32 @!p0 $0x0, s1;
	[sflag:s0] =	ssyncset.done @!p0 $0x0  }
0x1e8: {  	[sflag:s0] =	ssyncadd.s32 @!p0 s1  }
0x1e9: {  	[bflag:$0x3] =	sbarrier.arrive $0xFFFF  }
0x1ea: {  	_ =	shalt  }

// kernel: kernel.13.cloned.1.call-start
scs
__scs_entry_jumppad:
0x0: {  	(pc) =	sbr.rel $0x88, $3  }
0x1: {  	(tag) =	ssettag $0x0;
	lr =	simm.s32 $0x1  }
0x2: {  	[smem:$0x3F87] =	sst lr;
	_ =	strace $0xD0000000  }
0x3: {  	_ = 	snop  }
0x4: {  	_ = 	snop  }
0x5: {  	_ = 	snop  }
0x6: {  	_ = 	snop  }
0x7: {  	_ = 	snop  }
__scs_overlays_trampoline_lowered:
0x8: {  	[smem:$0x3F96] =	sst s0  }
0x9: {  	[smem:$0x3F97] =	sst s1  }
0xa: {  	[smem:$0x3F98] =	sst s2  }
0xb: {  	[smem:$0x3F99] =	sst s3  }
0xc: {  	[smem:$0x3F9A] =	sst s4  }
0xd: {  	[smem:$0x3F9B] =	sst s5  }
0xe: {  	[smem:$0x3F9C] =	sst s6  }
0xf: {  	[smem:$0x3F9D] =	sst s7  }
0x10: {  	[smem:$0x3F9E] =	sst s8  }
0x11: {  	[smem:$0x3F9F] =	sst s9;
	s0 =	simm.s32 @!p0 $0x0  }
0x12: {  	s1 =	sld [smem:$0x3F85];
	s0 =	simm.s32 @p0 $0x1  }
0x13: {  	[smem:$0x3FA0] =	sst s0;
	s0 =	simm.s32 @!p1 $0x0  }
0x14: {  	s2 =	sld [smem:$0x3F84];
	s0 =	simm.s32 @p1 $0x1  }
0x15: {  	[smem:$0x3FA1] =	sst s0;
	s0 =	simm.s32 @!p2 $0x0  }
0x16: {  	s3 =	sld [smem:$0x3FDB];
	s0 =	simm.s32 @p2 $0x1  }
0x17: {  	s4 =	simm.s32 $0x1BF5;
	[smem:$0x3FA3] =	sst s0  }
0x18: {  	s0 =	sld [smem:$0x3F86];
	_ =	swait.ge [sflag:s4], $0x0  }
0x19: {  	s7 =	sld [smem:$0x3F87]  }
0x1a: {  	s8 =	sadd.s32 $0xFFFFE003, lr  }
0x1b: {  	s9 =	sadd.s32 $0xFFFFFEF7, lr;
	s5 =	simm.s32 $0xFFFFFFFF;
	p2 =	slt.u32 s8, $0xFFFFF086  }
0x1c: {  	p1 =	slt.u32 s9, $0xF7A;
	s5 =	simm.s32 @!p2 $0x0  }
0x1d: {  	s5 =	simm.s32 @p1 $0x1;
	p0 =	seq.s32 s7, s2  }
0x1e: {  	s7 =	smul.u32 @!p0 $0xF7A, s2;
	p2 =	seq.s32 @!p0 s5, $0x0  }
0x1f: {  	s9 =	smul.u32 $0xF7A, s1;
	s8 =	simm.s32 @!p0 $0x1BF5;
	p2 =	por !p2, p0  }
0x20: {  	[sflag:s8] =	ssyncset.s32 @!p0 $0xFFFFF086;
	s6 =	sadd.s32 @!p0 s3, s7;
	s7 =	simm.s32 @!p0 $0x108  }
0x21: {  	s3 =	sadd.s32 s3, s9;
	s6 =	sadd.s32 @!p0 $0x88, s6;
	s7 =	simm.s32 @p2 $0x1082  }
0x22: {  	[simem:s7], [sflag:s8] =	dma.local @!p0 [hbm:s6], $0xF7A  }
0x23: {  	s9 =	sor.u32 $0xD0000000, s2;
	s6 =	simm.s32 $0x108;
	_ =	swait.ge @!p0 [sflag:s8], $0x0  }
0x24: {  	s3 =	sadd.s32 $0x88, s3;
	s6 =	simm.s32 @!p1 $0x1082;
	[sflag:s4] =	ssyncset.s32 $0xFFFFF086  }
0x25: {  	[simem:s6], [sflag:s4] =	dma.local [hbm:s3], $0xF7A  }
0x26: {  	[smem:$0x3F87] =	sst s1;
	(tag) =	ssettag s2;
	_ =	strace s9  }
0x27: {  	s1 =	sld [smem:$0x3F97]  }
0x28: {  	s2 =	sld [smem:$0x3F98]  }
0x29: {  	s4 =	sld [smem:$0x3F9A]  }
0x2a: {  	p0 =	seq.s32 s5, $0x0;
	s5 =	sld [smem:$0x3F9B]  }
0x2b: {  	s6 =	sld [smem:$0x3F9C]  }
0x2c: {  	s7 =	sld [smem:$0x3F9D]  }
0x2d: {  	s3 =	simm.s32 $0x108;
	s8 =	sld [smem:$0x3F9E]  }
0x2e: {  	s3 =	simm.s32 @!p0 $0x1082;
	s9 =	sld [smem:$0x3F9F]  }
0x2f: {  	lr =	sadd.s32 s0, s3;
	s0 =	sld [smem:$0x3F96]  }
0x30: {  	s3 =	sld [smem:$0x3F99]  }
0x31: {  	[smem:$0x3FA2] =	sst s10  }
0x32: {  	s10 =	sld [smem:$0x3FA0];
	_ =	sdelay $0x3  }
0x33: {  	p0 =	seq.s32 s10, $0x1;
	s10 =	sld [smem:$0x3FA2];
	_ =	sdelay $0x3  }
0x34: {  	[smem:$0x3FA2] =	sst s10  }
0x35: {  	s10 =	sld [smem:$0x3FA1];
	_ =	sdelay $0x3  }
0x36: {  	p1 =	seq.s32 s10, $0x1;
	s10 =	sld [smem:$0x3FA2];
	_ =	sdelay $0x3  }
0x37: {  	[smem:$0x3FA2] =	sst s10  }
0x38: {  	s10 =	sld [smem:$0x3FA3]  }
0x39: {  	_ = 	snop;
	(pc) =	sbr.ind lr, $3  }
0x3a: {  	_ = 	snop  }
0x3b: {  	_ = 	snop  }
0x3c: {  	p2 =	seq.s32 s10, $0x1;
	s10 =	sld [smem:$0x3FA2]  }
0x3d: {  	_ =	shalt  }
0x3e: {  	_ =	shalt  }
0x3f: {  	_ =	shalt  }
0x40: {  	_ =	shalt  }
0x41: {  	_ =	shalt  }
0x42: {  	_ =	shalt  }
0x43: {  	_ =	shalt  }
0x44: {  	_ =	shalt  }
0x45: {  	_ =	shalt  }
0x46: {  	_ =	shalt  }
0x47: {  	_ =	shalt  }
0x48: {  	_ =	shalt  }
0x49: {  	_ =	shalt  }
0x4a: {  	_ =	shalt  }
0x4b: {  	_ =	shalt  }
0x4c: {  	_ =	shalt  }
0x4d: {  	_ =	shalt  }
0x4e: {  	_ =	shalt  }
0x4f: {  	_ =	shalt  }
0x50: {  	_ =	shalt  }
0x51: {  	_ =	shalt  }
0x52: {  	_ =	shalt  }
0x53: {  	_ =	shalt  }
0x54: {  	_ =	shalt  }
0x55: {  	_ =	shalt  }
0x56: {  	_ =	shalt  }
0x57: {  	_ =	shalt  }
0x58: {  	_ =	shalt  }
0x59: {  	_ =	shalt  }
0x5a: {  	_ =	shalt  }
0x5b: {  	_ =	shalt  }
0x5c: {  	_ =	shalt  }
0x5d: {  	_ =	shalt  }
0x5e: {  	_ =	shalt  }
0x5f: {  	_ =	shalt  }
0x60: {  	_ =	shalt  }
0x61: {  	_ =	shalt  }
0x62: {  	_ =	shalt  }
0x63: {  	_ =	shalt  }
0x64: {  	_ =	shalt  }
0x65: {  	_ =	shalt  }
0x66: {  	_ =	shalt  }
0x67: {  	_ =	shalt  }
0x68: {  	_ =	shalt  }
0x69: {  	_ =	shalt  }
0x6a: {  	_ =	shalt  }
0x6b: {  	_ =	shalt  }
0x6c: {  	_ =	shalt  }
0x6d: {  	_ =	shalt  }
0x6e: {  	_ =	shalt  }
0x6f: {  	_ =	shalt  }
0x70: {  	_ =	shalt  }
0x71: {  	_ =	shalt  }
0x72: {  	_ =	shalt  }
0x73: {  	_ =	shalt  }
0x74: {  	_ =	shalt  }
0x75: {  	_ =	shalt  }
0x76: {  	_ =	shalt  }
0x77: {  	_ =	shalt  }
0x78: {  	_ =	shalt  }
0x79: {  	_ =	shalt  }
0x7a: {  	_ =	shalt  }
0x7b: {  	_ =	shalt  }
0x7c: {  	_ =	shalt  }
0x7d: {  	_ =	shalt  }
0x7e: {  	_ =	shalt  }
0x7f: {  	_ =	shalt  }
0x80: {  	_ =	shalt  }
0x81: {  	_ =	shalt  }
0x82: {  	_ =	shalt  }
0x83: {  	_ =	shalt  }
0x84: {  	_ =	shalt  }
0x85: {  	_ =	shalt  }
0x86: {  	_ =	shalt  }
0x87: {  	_ =	shalt  }
.Lfunc_end0:
.L_simem_size_0:
called_computation.1_lowered:
.L_overlay_start_0:
0x88: {  	s2 =	sld [smem:$0x3FD9]  }
0x89: {  	s3 =	sld [smem:$0x3FFE];
	_ =	sdelay $0x1  }
0x8a: {  	s1 =	srdreg.scid  }
0x8b: {  	s0 =	sand.u32 $0x1, s1  }
0x8c: {  	s16 =	sshll.u32 s0, $0xA;
	s2 =	sadd.s32 s3, s2  }
0x8d: {  	s2 =	sadd.s32 s2, s16  }
0x8e: {  	[smem:$0x3FAE] =	sst s2  }
0x8f: {  	_ = 	snop  }
0x90: {  	(tm) =	ssettm $0x1  }
0x91: {  	s17 =	sld [smem:$0x3FFB];
	_ =	sdelay $0x3  }
0x92: {  	_ =	strace s17  }
0x93: {  	s2 =	sld [smem:$0x3FFC];
	_ =	sdelay $0x3  }
0x94: {  	_ =	strace s2  }
0x95: {  	s2 =	sld [smem:$0x3FFD];
	_ =	sdelay $0x3  }
0x96: {  	_ =	strace s2  }
0x97: {  	_ =	strace $0x8FFFFFFF  }
0x98: {  	s18 =	sld [smem:$0x3FDB];
	_ =	sdelay $0x1  }
0x99: {  	s19 =	simm.s32 $_scs_section_size  }
0x9a: {  	s4 =	simm.s32 $_size__tile_overlayer_lowered;
	s5 =	simm.s32 $_tile_overlayer_lowered  }
0x9b: {  	s22 =	simm.s32 $0x1BFF;
	s21 =	sshll.u32 s5, $0x1;
	s2 =	sadd.s32 s19, s18  }
0x9c: {  	s6 =	simm.s32 $0x0;
	s20 =	sshll.u32 s4, $0x1;
	s4 =	sadd.s32 s21, s2  }
0x9d: {  	[timem:s6], [sflag:s22] =	dma.local [hbm:s4], s20  }
0x9e: {  	_ =	swait.ge [sflag:s22], s20  }
0x9f: {  	s3 =	ssub.s32 $0x0, s20;
	[sflag:s22] =	ssyncset.done $0x0  }
0xa0: {  	[sflag:s22] =	ssyncadd.s32 s3;
	_ =	sdelay $0x1  }
0xa1: {  	s23 =	simm.s32 $0x1B8B  }
0xa2: {  	_ =	swait.ge [sflag:s23], $0x1  }
0xa3: {  	[sflag:s23] =	ssyncset.done $0x0  }
0xa4: {  	s25 =	simm.s32 $0x1B8E;
	s24 =	sld [smem:$0x3FFE];
	[sflag:s23] =	ssyncadd.s32 $0xFFFFFFFF  }
0xa5: {  	s26 =	simm.s32 $execute0_lowered;
	[smem:$0x3FD2] =	sst s25  }
0xa6: {  	s4 =	sshll.u32 s26, $0x1;
	_ =	strace $0x80000049;
	[dreg:$0x1] =	wrdreg $0xFFFFFFFF  }
0xa7: {  	s28 =	simm.s32 $_size_execute0_lowered;
	s2 =	sadd.s32 s2, s4;
	[dreg:$0x0] =	wrdreg $0x0  }
0xa8: {  	s4 =	sshll.u32 s28, $0x1;
	[dreg:$0x2] =	wrdreg s2  }
0xa9: {  	[dreg:$0x3] =	wrdreg s4  }
0xaa: {  	[dreg:$0x4] =	wrdreg $0xC0  }
0xab: {  	_ =	task [dreg:s6], $0x5FFFF  }
0xac: {  	[dreg:$0x1] =	wrdreg $0xFFFFFFFF  }
0xad: {  	[dreg:$0x0] =	wrdreg $0x60  }
0xae: {  	[dreg:$0x2] =	wrdreg s24  }
0xaf: {  	[dreg:$0x3] =	wrdreg $0x68000  }
0xb0: {  	[dreg:$0x4] =	wrdreg $0x9  }
0xb1: {  	_ =	task.clear_ibuf [dreg:s6], $0x5FFFF;
	_ =	strace $0x90000049  }
0xb2: {  	s29 =	simm.s32 $0x9;
	_ =	strace $0x8000004B  }
0xb3: {  	_ =	swait.ge [sflag:s29], $0x1  }
0xb4: {  	[sflag:s29] =	ssyncadd.s32 $0xFFFFFFFF  }
0xb5: {  	_ =	strace $0x9000004B  }
0xb6: {  	_ =	sfence  }
0xb7: {  	s30 =	sld [smem:$0x0];
	_ =	sdelay $0x2  }
0xb8: {  	s31 =	sshll.u32 s1, $0xD;
	s1 =	sshrl.u32 s1, $0x2  }
0xb9: {  	s3 =	sand.u32 $0x4000, s31;
	s1 =	sadd.s32 s1, s30  }
0xba: {  	s0 =	sor.u32 s3, s0;
	s1 =	sshll.u32 s1, $0x11  }
0xbb: {  	s0 =	sor.u32 s1, s0  }
0xbc: {  	s0 =	sadd.s32 $0x8F2B, s0  }
0xbd: {  	[sflag:s0] =	ssyncadd.remote.s32 $0x1  }
0xbe: {  	_ =	sfence.sel $0xFFFF  }
0xbf: {  	[dreg:$0x0] =	wrdreg $0xFFFFFFFF;
	(pc) =	sbr.abs _section_cstart, $3  }
0xc0: {  	[dreg:$0x1] =	wrdreg $0xFFFFFFFF  }
0xc1: {  	_ =	task.clear_ibuf [dreg:s6], $0x2FFFF;
	_ =	strace $0x9FFFFFFF  }
0xc2: {  	(tm) =	ssettm $0x7FFFFFFF  }
0xc3: {  	_ =	shalt  }
tec
execute0_lowered:
.L_overlay_start_1:
0x0: {  	(tag) =	ssettag $0x1  }
0x1: {  	s5 =	rddreg [dreg:$0x0];
	s0 =	srdreg.scid  }
0x2: {  	s2 =	rddreg [dreg:$0x1];
	s1 =	stileid.u32  }
0x3: {  	s3 =	simm.s32 $0x0;
	s17 =	simm.s32 $0x2;
	s18 =	simm.s32 $0x1400  }
0x4: {  	s19 =	simm.s32 $0x80;
	s6 =	sand.u32 $0x1, s0;
	s0 =	rddreg [dreg:$0x2]  }
0x5: {  	s20 =	simm.s32 $0x1;
	s8 =	smul.u32 $0x14000, s1;
	[smem:$0x7FF] =	sst s3  }
0x6: {  	s4 =	sadd.s32 $0x24E00, s5;
	s12 =	sadd.s32 $0x1AE00, s5;
	s26 =	smul.u32 $0x50000, s1  }
0x7: {  	s13 =	sadd.s32 $0x8E00, s5;
	s7 =	smul.u32 $0x140000, s6;
	s28 =	sshll.u32 s6, $0x4  }
0x8: {  	_ =	strace $0x8000004A;
	s6 =	ssub.s32 $0x2, s6;
	s29 =	sor.u32 s1, s28  }
0x9: {  	s30 =	sshrl.u32 s26, $0x2;
	s31 =	sshrl.u32 s6, $0x1;
	s7 =	sadd.s32 s8, s7  }
0xa: {  	s10 =	smul.u32 $0x2800, s29;
	s15 =	ssub.s32 s6, s31;
	s7 =	sshrl.u32 s7, $0x3  }
0xb: {  	s15 =	smax.u32 s15, $0x1;
	s14 =	sadd.s32 s7, s5;
	s5 =	sadd.s32 s30, s2  }
0xc: {  	s16 =	sshrl.u32 s10, $0x3;
	s6 =	sadd.s32 $0x4000, s5;
	s7 =	sadd.s32 $0x8000, s5  }
0xd: {  	s8 =	sadd.s32 $0xC000, s5;
	s9 =	sadd.s32 $0x10000, s5;
	s10 =	sadd.s32 s12, s16  }
0xe: {  	s11 =	sadd.s32 s13, s16;
	s16 =	sadd.s32 $0x280, s16;
	s14 =	sadd.s32 $0x4CE00, s14  }
0xf: {  	v0 =	vimm.f32 $0.0e+00;
	s12 =	sadd.s32 s12, s16;
	s13 =	sadd.s32 s13, s16;
	s16 =	simm.s32 $0x2800  }
.LBB2_1:
0x10: {  	s21 =	simm.s32 $0x0;
	s22 =	simm.s32 $0x200  }
.LBB2_2:
0x11: {  	p0 =	sne.s32 s22, $0xFE00;
	[tilespmem:s21+$0x2870] =	vst v0  }
0x12: {  	[tilespmem:s21+$0x2800] =	vst v0  }
0x13: {  	[tilespmem:s21+$0x2810] =	vst v0  }
.Ltmp0:
0x14: {  	[tilespmem:s21+$0x2820] =	vst v0;
	(pc) =	sbr.rel @p0 .LBB2_2-.Ltmp0, $4  }
0x15: {  	[tilespmem:s21+$0x2830] =	vst v0  }
0x16: {  	[tilespmem:s21+$0x2840] =	vst v0  }
0x17: {  	[tilespmem:s21+$0x2850] =	vst v0  }
0x18: {  	[tilespmem:s21+$0x2860] =	vst v0;
	s21 =	sshra.s32 s22, $0x2;
	s22 =	sadd.s32 $0x200, s22  }
0x19: {  	[tilespmem:s21+$0x2870] =	vst v0  }
0x1a: {  	[tilespmem:s21+$0x2800] =	vst v0  }
0x1b: {  	[tilespmem:s21+$0x2810] =	vst v0  }
0x1c: {  	[tilespmem:s21+$0x2820] =	vst v0  }
0x1d: {  	[tilespmem:s21+$0x2830] =	vst v0  }
0x1e: {  	[tilespmem:s21+$0x2840] =	vst v0  }
0x1f: {  	[tilespmem:s21+$0x2850] =	vst v0  }
0x20: {  	[tilespmem:s21+$0x2860] =	vst v0  }
0x21: {  	[spmem:s5] =	stream.linear.scatter [tilespmem:s16], [sflag:$0x2], $0x4000, $0x38;
	[tilespmem:$0x1A800] =	vst v63  }
0x22: {  	_ =	swait.ge [sflag:s17], $0x4000  }
0x23: {  	[sflag:s17] =	ssyncset.done $0x0  }
0x24: {  	[sflag:s17] =	ssyncadd.s32 $0xFFFFC000  }
0x25: {  	[spmem:s6] =	stream.linear.scatter [tilespmem:s16], [sflag:$0x2], $0x4000, $0x38;
	[tilespmem:$0x1A800] =	vst v63  }
0x26: {  	_ =	swait.ge [sflag:s17], $0x4000  }
0x27: {  	[sflag:s17] =	ssyncset.done $0x0  }
0x28: {  	[sflag:s17] =	ssyncadd.s32 $0xFFFFC000  }
0x29: {  	[spmem:s7] =	stream.linear.scatter [tilespmem:s16], [sflag:$0x2], $0x4000, $0x38;
	[tilespmem:$0x1A800] =	vst v63  }
0x2a: {  	_ =	swait.ge [sflag:s17], $0x4000  }
0x2b: {  	[sflag:s17] =	ssyncset.done $0x0  }
0x2c: {  	[sflag:s17] =	ssyncadd.s32 $0xFFFFC000  }
0x2d: {  	[spmem:s8] =	stream.linear.scatter [tilespmem:s16], [sflag:$0x2], $0x4000, $0x38;
	[tilespmem:$0x1A800] =	vst v63  }
0x2e: {  	_ =	swait.ge [sflag:s17], $0x4000  }
0x2f: {  	[sflag:s17] =	ssyncset.done $0x0  }
0x30: {  	[sflag:s17] =	ssyncadd.s32 $0xFFFFC000  }
0x31: {  	[spmem:s9] =	stream.linear.scatter [tilespmem:s16], [sflag:$0x2], $0x4000, $0x38;
	[tilespmem:$0x1A800] =	vst v63  }
0x32: {  	_ =	swait.ge [sflag:s17], $0x4000  }
0x33: {  	[sflag:s17] =	ssyncset.done $0x0  }
0x34: {  	[sflag:s17] =	ssyncadd.s32 $0xFFFFC000  }
0x35: {  	s29 =	simm.s32 $0x0;
	[bflag:$0x0] =	sbarrier.arrive $0xFFFF  }
0x36: {  	[tilespmem:s29], [sflag:$0x2] =	stream.linear.gather [hbm4b:s10+s29], $0x1400, $0x38;
	[tilespmem:$0x1A800] =	vst v63  }
0x37: {  	_ =	swait.ge [sflag:s17], $0x1400  }
0x38: {  	[sflag:s17] =	ssyncset.done $0x0  }
0x39: {  	[sflag:s17] =	ssyncadd.s32 $0xFFFFEC00  }
0x3a: {  	[tilespmem:s18], [sflag:$0x2] =	stream.linear.gather [hbm4b:s11+s29], $0x1400, $0x38;
	[tilespmem:$0x1A800] =	vst v63  }
0x3b: {  	_ =	swait.ge [sflag:s17], $0x1400  }
0x3c: {  	[sflag:s17] =	ssyncset.done $0x0  }
0x3d: {  	s30 =	simm.s32 $0x0;
	[sflag:s17] =	ssyncadd.s32 $0xFFFFEC00  }
0x3e: {  	[tilespmem:s16], [sflag:$0x1] =	stream.indirect.gather [hbm4b:s4+s19], $0x80, s30, s19, $0xb8;
	[tilespmem:$0x1A800] =	vst v63  }
0x3f: {  	_ =	swait.ge [sflag:s20], $0x4000  }
0x40: {  	[sflag:s20] =	ssyncset.done $0x0  }
0x41: {  	s31 =	simm.s32 $0x1400;
	[sflag:s20] =	ssyncadd.s32 $0xFFFFC000  }
0x42: {  	[spmem:s2] =	stream.indirect.scatter.add.f32 [tilespmem:s16], [sflag:$0x2], $0x80, s31, s19, $0xb8;
	[tilespmem:$0x1A800] =	vst v63  }
0x43: {  	_ =	swait.ge [sflag:s17], $0x4000  }
0x44: {  	s21 =	simm.s32 $0x200;
	s22 =	simm.s32 $0x400;
	[sflag:s17] =	ssyncset.done $0x0  }
.LBB2_4:
0x45: {  	s23 =	sshra.s32 s21, $0x2  }
0x46: {  	[sflag:s17] =	ssyncadd.s32 $0xFFFFC000;
	s21 =	smov.u32 s22;
	s24 =	sadd.s32 $0x200, s22  }
0x47: {  	[tilespmem:s16], [sflag:$0x1] =	stream.indirect.gather [hbm4b:s4+s19], $0x80, s23, s19, $0xb8;
	[tilespmem:$0x1A800] =	vst v63  }
0x48: {  	p0 =	sne.s32 s22, $0x4E00;
	_ =	swait.ge [sflag:s20], $0x4000  }
.Ltmp1:
0x49: {  	[sflag:s20] =	ssyncset.done $0x0;
	(pc) =	sbr.rel @p0 .LBB2_4-.Ltmp1, $4  }
0x4a: {  	s22 =	sadd.s32 $0x1400, s23;
	[sflag:s20] =	ssyncadd.s32 $0xFFFFC000  }
0x4b: {  	[spmem:s2] =	stream.indirect.scatter.add.f32 [tilespmem:s16], [sflag:$0x2], $0x80, s22, s19, $0xb8;
	[tilespmem:$0x1A800] =	vst v63  }
0x4c: {  	_ =	swait.ge [sflag:s17], $0x4000  }
0x4d: {  	s22 =	smov.u32 s24;
	[sflag:s17] =	ssyncset.done $0x0  }
0x4e: {  	s21 =	sshra.s32 s21, $0x2;
	[sflag:s17] =	ssyncadd.s32 $0xFFFFC000  }
0x4f: {  	[tilespmem:s16], [sflag:$0x1] =	stream.indirect.gather [hbm4b:s4+s19], $0x80, s21, s19, $0xb8;
	[tilespmem:$0x1A800] =	vst v63  }
0x50: {  	_ =	swait.ge [sflag:s20], $0x4000  }
0x51: {  	[sflag:s20] =	ssyncset.done $0x0  }
0x52: {  	s21 =	sadd.s32 $0x1400, s21;
	[sflag:s20] =	ssyncadd.s32 $0xFFFFC000  }
0x53: {  	[spmem:s2] =	stream.indirect.scatter.add.f32 [tilespmem:s16], [sflag:$0x2], $0x80, s21, s19, $0xb8;
	[tilespmem:$0x1A800] =	vst v63  }
0x54: {  	_ =	swait.ge [sflag:s17], $0x4000  }
0x55: {  	[sflag:s17] =	ssyncset.done $0x0  }
0x56: {  	s29 =	simm.s32 $0x0;
	[sflag:s17] =	ssyncadd.s32 $0xFFFFC000  }
0x57: {  	[tilespmem:s29], [sflag:$0x2] =	stream.linear.gather [hbm4b:s12+s29], $0x1400, $0x38;
	[tilespmem:$0x1A800] =	vst v63  }
0x58: {  	_ =	swait.ge [sflag:s17], $0x1400  }
0x59: {  	[sflag:s17] =	ssyncset.done $0x0  }
0x5a: {  	[sflag:s17] =	ssyncadd.s32 $0xFFFFEC00  }
0x5b: {  	[tilespmem:s18], [sflag:$0x2] =	stream.linear.gather [hbm4b:s13+s29], $0x1400, $0x38;
	[tilespmem:$0x1A800] =	vst v63  }
0x5c: {  	_ =	swait.ge [sflag:s17], $0x1400  }
0x5d: {  	[sflag:s17] =	ssyncset.done $0x0  }
0x5e: {  	s30 =	simm.s32 $0x0;
	[sflag:s17] =	ssyncadd.s32 $0xFFFFEC00  }
0x5f: {  	[tilespmem:s16], [sflag:$0x1] =	stream.indirect.gather [hbm4b:s4+s19], $0x80, s30, s19, $0xb8;
	[tilespmem:$0x1A800] =	vst v63  }
0x60: {  	_ =	swait.ge [sflag:s20], $0x4000  }
0x61: {  	[sflag:s20] =	ssyncset.done $0x0  }
0x62: {  	s31 =	simm.s32 $0x1400;
	[sflag:s20] =	ssyncadd.s32 $0xFFFFC000  }
0x63: {  	[spmem:s2] =	stream.indirect.scatter.add.f32 [tilespmem:s16], [sflag:$0x2], $0x80, s31, s19, $0xb8;
	[tilespmem:$0x1A800] =	vst v63  }
0x64: {  	_ =	swait.ge [sflag:s17], $0x4000  }
0x65: {  	s22 =	simm.s32 $0x400;
	s21 =	simm.s32 $0x200;
	[sflag:s17] =	ssyncset.done $0x0  }
.LBB2_6:
0x66: {  	s23 =	sshra.s32 s21, $0x2  }
0x67: {  	[sflag:s17] =	ssyncadd.s32 $0xFFFFC000;
	s21 =	smov.u32 s22;
	s24 =	sadd.s32 $0x200, s22  }
0x68: {  	[tilespmem:s16], [sflag:$0x1] =	stream.indirect.gather [hbm4b:s4+s19], $0x80, s23, s19, $0xb8;
	[tilespmem:$0x1A800] =	vst v63  }
0x69: {  	p0 =	sne.s32 s22, $0x4E00;
	_ =	swait.ge [sflag:s20], $0x4000  }
.Ltmp2:
0x6a: {  	[sflag:s20] =	ssyncset.done $0x0;
	(pc) =	sbr.rel @p0 .LBB2_6-.Ltmp2, $4  }
0x6b: {  	s22 =	sadd.s32 $0x1400, s23;
	[sflag:s20] =	ssyncadd.s32 $0xFFFFC000  }
0x6c: {  	[spmem:s2] =	stream.indirect.scatter.add.f32 [tilespmem:s16], [sflag:$0x2], $0x80, s22, s19, $0xb8;
	[tilespmem:$0x1A800] =	vst v63  }
0x6d: {  	_ =	swait.ge [sflag:s17], $0x4000  }
0x6e: {  	s22 =	smov.u32 s24;
	[sflag:s17] =	ssyncset.done $0x0  }
0x6f: {  	s21 =	sshra.s32 s21, $0x2;
	[sflag:s17] =	ssyncadd.s32 $0xFFFFC000  }
0x70: {  	[tilespmem:s16], [sflag:$0x1] =	stream.indirect.gather [hbm4b:s4+s19], $0x80, s21, s19, $0xb8;
	[tilespmem:$0x1A800] =	vst v63  }
0x71: {  	_ =	swait.ge [sflag:s20], $0x4000  }
0x72: {  	[sflag:s20] =	ssyncset.done $0x0  }
0x73: {  	s21 =	sadd.s32 $0x1400, s21;
	[sflag:s20] =	ssyncadd.s32 $0xFFFFC000  }
0x74: {  	[spmem:s2] =	stream.indirect.scatter.add.f32 [tilespmem:s16], [sflag:$0x2], $0x80, s21, s19, $0xb8;
	[tilespmem:$0x1A800] =	vst v63  }
0x75: {  	_ =	swait.ge [sflag:s17], $0x4000  }
0x76: {  	s31 =	sshll.u32 s1, $0x6;
	s3 =	sadd.s32 $0x1, s3;
	[sflag:s17] =	ssyncset.done $0x0  }
0x77: {  	s22 =	sshrl.u32 s5, $0x3;
	p0 =	sne.s32 s3, s15;
	[sflag:s17] =	ssyncadd.s32 $0xFFFFC000  }
.Ltmp3:
0x78: {  	s21 =	sor.u32 $0x1C02, s31;
	[bflag:$0x0] =	sbarrier.arrive $0xFFFF;
	(pc) =	sbr.rel @p0 .LBB2_1-.Ltmp3, $4  }
0x79: {  	[hbm:s14], [sflag:s21] =	dma.local [spmem:s22], $0x2800  }
0x7a: {  	_ =	swait.ge [sflag:s17], $0x2800  }
0x7b: {  	[sflag:s17] =	ssyncset.done $0x0  }
0x7c: {  	[sflag:s17] =	ssyncadd.s32 $0xFFFFD800  }
0x7d: {  	_ =	sfence.sel $0x180000  }
0x7e: {  	[bflag:$0x0] =	sbarrier.arrive $0xFFFF  }
0x7f: {  	p0 =	sne.s32 s1, $0x0;
	_ =	strace $0x9000004A  }
0x80: {  	s0 =	sadd.s32 @!p0 $0x100000, s0;
	[bflag:$0x2] =	sbarrier.arrive $0xFFFF  }
0x81: {  	[sflag:s0] =	ssyncadd.tile.s32 @!p0 $0x1;
	_ =	shalt  }
.Lfunc_end2:
_tile_overlayer_lowered:
.L_overlay_start_2:
0x82: {  	(tag) =	ssettag $0x2  }
0x83: {  	s0 =	rddreg [dreg:$0x0];
	s2 =	stileid.u32  }
0x84: {  	s1 =	rddreg [dreg:$0x1];
	p0 =	sne.s32 s2, $0x0  }
0x85: {  	s3 =	rddreg [dreg:$0x2];
	[bflag:$0x3] =	sbarrier.arrive $0xFFFF;
	s2 =	simm.s32 @!p0 $0x1C02  }
0x86: {  	[timem:s3], [sflag:s2] =	dma.local @!p0 [hbm:s0], s1  }
0x87: {  	s0 =	simm.s32 @!p0 $0x2  }
0x88: {  	_ =	swait.ge @!p0 [sflag:s0], s1  }
0x89: {  	s1 =	ssub.s32 @!p0 $0x0, s1;
	[sflag:s0] =	ssyncset.done @!p0 $0x0  }
0x8a: {  	[sflag:s0] =	ssyncadd.s32 @!p0 s1  }
0x8b: {  	[bflag:$0x3] =	sbarrier.arrive $0xFFFF  }
0x8c: {  	_ =	shalt  }

// kernel: kernel.16.cloned.1.call-start
scs
__scs_entry_jumppad:
0x0: {  	(pc) =	sbr.rel $0x88, $3  }
0x1: {  	(tag) =	ssettag $0x0;
	lr =	simm.s32 $0x1  }
0x2: {  	[smem:$0x3F87] =	sst lr;
	_ =	strace $0xD0000000  }
0x3: {  	_ = 	snop  }
0x4: {  	_ = 	snop  }
0x5: {  	_ = 	snop  }
0x6: {  	_ = 	snop  }
0x7: {  	_ = 	snop  }
__scs_overlays_trampoline_lowered:
0x8: {  	[smem:$0x3F96] =	sst s0  }
0x9: {  	[smem:$0x3F97] =	sst s1  }
0xa: {  	[smem:$0x3F98] =	sst s2  }
0xb: {  	[smem:$0x3F99] =	sst s3  }
0xc: {  	[smem:$0x3F9A] =	sst s4  }
0xd: {  	[smem:$0x3F9B] =	sst s5  }
0xe: {  	[smem:$0x3F9C] =	sst s6  }
0xf: {  	[smem:$0x3F9D] =	sst s7  }
0x10: {  	[smem:$0x3F9E] =	sst s8  }
0x11: {  	[smem:$0x3F9F] =	sst s9;
	s0 =	simm.s32 @!p0 $0x0  }
0x12: {  	s1 =	sld [smem:$0x3F85];
	s0 =	simm.s32 @p0 $0x1  }
0x13: {  	[smem:$0x3FA0] =	sst s0;
	s0 =	simm.s32 @!p1 $0x0  }
0x14: {  	s2 =	sld [smem:$0x3F84];
	s0 =	simm.s32 @p1 $0x1  }
0x15: {  	[smem:$0x3FA1] =	sst s0;
	s0 =	simm.s32 @!p2 $0x0  }
0x16: {  	s3 =	sld [smem:$0x3FDB];
	s0 =	simm.s32 @p2 $0x1  }
0x17: {  	s4 =	simm.s32 $0x1BF5;
	[smem:$0x3FA3] =	sst s0  }
0x18: {  	s0 =	sld [smem:$0x3F86];
	_ =	swait.ge [sflag:s4], $0x0  }
0x19: {  	s7 =	sld [smem:$0x3F87]  }
0x1a: {  	s8 =	sadd.s32 $0xFFFFE003, lr  }
0x1b: {  	s9 =	sadd.s32 $0xFFFFFEF7, lr;
	s5 =	simm.s32 $0xFFFFFFFF;
	p2 =	slt.u32 s8, $0xFFFFF086  }
0x1c: {  	p1 =	slt.u32 s9, $0xF7A;
	s5 =	simm.s32 @!p2 $0x0  }
0x1d: {  	s5 =	simm.s32 @p1 $0x1;
	p0 =	seq.s32 s7, s2  }
0x1e: {  	s7 =	smul.u32 @!p0 $0xF7A, s2;
	p2 =	seq.s32 @!p0 s5, $0x0  }
0x1f: {  	s9 =	smul.u32 $0xF7A, s1;
	s8 =	simm.s32 @!p0 $0x1BF5;
	p2 =	por !p2, p0  }
0x20: {  	[sflag:s8] =	ssyncset.s32 @!p0 $0xFFFFF086;
	s6 =	sadd.s32 @!p0 s3, s7;
	s7 =	simm.s32 @!p0 $0x108  }
0x21: {  	s3 =	sadd.s32 s3, s9;
	s6 =	sadd.s32 @!p0 $0x88, s6;
	s7 =	simm.s32 @p2 $0x1082  }
0x22: {  	[simem:s7], [sflag:s8] =	dma.local @!p0 [hbm:s6], $0xF7A  }
0x23: {  	s9 =	sor.u32 $0xD0000000, s2;
	s6 =	simm.s32 $0x108;
	_ =	swait.ge @!p0 [sflag:s8], $0x0  }
0x24: {  	s3 =	sadd.s32 $0x88, s3;
	s6 =	simm.s32 @!p1 $0x1082;
	[sflag:s4] =	ssyncset.s32 $0xFFFFF086  }
0x25: {  	[simem:s6], [sflag:s4] =	dma.local [hbm:s3], $0xF7A  }
0x26: {  	[smem:$0x3F87] =	sst s1;
	(tag) =	ssettag s2;
	_ =	strace s9  }
0x27: {  	s1 =	sld [smem:$0x3F97]  }
0x28: {  	s2 =	sld [smem:$0x3F98]  }
0x29: {  	s4 =	sld [smem:$0x3F9A]  }
0x2a: {  	p0 =	seq.s32 s5, $0x0;
	s5 =	sld [smem:$0x3F9B]  }
0x2b: {  	s6 =	sld [smem:$0x3F9C]  }
0x2c: {  	s7 =	sld [smem:$0x3F9D]  }
0x2d: {  	s3 =	simm.s32 $0x108;
	s8 =	sld [smem:$0x3F9E]  }
0x2e: {  	s3 =	simm.s32 @!p0 $0x1082;
	s9 =	sld [smem:$0x3F9F]  }
0x2f: {  	lr =	sadd.s32 s0, s3;
	s0 =	sld [smem:$0x3F96]  }
0x30: {  	s3 =	sld [smem:$0x3F99]  }
0x31: {  	[smem:$0x3FA2] =	sst s10  }
0x32: {  	s10 =	sld [smem:$0x3FA0];
	_ =	sdelay $0x3  }
0x33: {  	p0 =	seq.s32 s10, $0x1;
	s10 =	sld [smem:$0x3FA2];
	_ =	sdelay $0x3  }
0x34: {  	[smem:$0x3FA2] =	sst s10  }
0x35: {  	s10 =	sld [smem:$0x3FA1];
	_ =	sdelay $0x3  }
0x36: {  	p1 =	seq.s32 s10, $0x1;
	s10 =	sld [smem:$0x3FA2];
	_ =	sdelay $0x3  }
0x37: {  	[smem:$0x3FA2] =	sst s10  }
0x38: {  	s10 =	sld [smem:$0x3FA3]  }
0x39: {  	_ = 	snop;
	(pc) =	sbr.ind lr, $3  }
0x3a: {  	_ = 	snop  }
0x3b: {  	_ = 	snop  }
0x3c: {  	p2 =	seq.s32 s10, $0x1;
	s10 =	sld [smem:$0x3FA2]  }
0x3d: {  	_ =	shalt  }
0x3e: {  	_ =	shalt  }
0x3f: {  	_ =	shalt  }
0x40: {  	_ =	shalt  }
0x41: {  	_ =	shalt  }
0x42: {  	_ =	shalt  }
0x43: {  	_ =	shalt  }
0x44: {  	_ =	shalt  }
0x45: {  	_ =	shalt  }
0x46: {  	_ =	shalt  }
0x47: {  	_ =	shalt  }
0x48: {  	_ =	shalt  }
0x49: {  	_ =	shalt  }
0x4a: {  	_ =	shalt  }
0x4b: {  	_ =	shalt  }
0x4c: {  	_ =	shalt  }
0x4d: {  	_ =	shalt  }
0x4e: {  	_ =	shalt  }
0x4f: {  	_ =	shalt  }
0x50: {  	_ =	shalt  }
0x51: {  	_ =	shalt  }
0x52: {  	_ =	shalt  }
0x53: {  	_ =	shalt  }
0x54: {  	_ =	shalt  }
0x55: {  	_ =	shalt  }
0x56: {  	_ =	shalt  }
0x57: {  	_ =	shalt  }
0x58: {  	_ =	shalt  }
0x59: {  	_ =	shalt  }
0x5a: {  	_ =	shalt  }
0x5b: {  	_ =	shalt  }
0x5c: {  	_ =	shalt  }
0x5d: {  	_ =	shalt  }
0x5e: {  	_ =	shalt  }
0x5f: {  	_ =	shalt  }
0x60: {  	_ =	shalt  }
0x61: {  	_ =	shalt  }
0x62: {  	_ =	shalt  }
0x63: {  	_ =	shalt  }
0x64: {  	_ =	shalt  }
0x65: {  	_ =	shalt  }
0x66: {  	_ =	shalt  }
0x67: {  	_ =	shalt  }
0x68: {  	_ =	shalt  }
0x69: {  	_ =	shalt  }
0x6a: {  	_ =	shalt  }
0x6b: {  	_ =	shalt  }
0x6c: {  	_ =	shalt  }
0x6d: {  	_ =	shalt  }
0x6e: {  	_ =	shalt  }
0x6f: {  	_ =	shalt  }
0x70: {  	_ =	shalt  }
0x71: {  	_ =	shalt  }
0x72: {  	_ =	shalt  }
0x73: {  	_ =	shalt  }
0x74: {  	_ =	shalt  }
0x75: {  	_ =	shalt  }
0x76: {  	_ =	shalt  }
0x77: {  	_ =	shalt  }
0x78: {  	_ =	shalt  }
0x79: {  	_ =	shalt  }
0x7a: {  	_ =	shalt  }
0x7b: {  	_ =	shalt  }
0x7c: {  	_ =	shalt  }
0x7d: {  	_ =	shalt  }
0x7e: {  	_ =	shalt  }
0x7f: {  	_ =	shalt  }
0x80: {  	_ =	shalt  }
0x81: {  	_ =	shalt  }
0x82: {  	_ =	shalt  }
0x83: {  	_ =	shalt  }
0x84: {  	_ =	shalt  }
0x85: {  	_ =	shalt  }
0x86: {  	_ =	shalt  }
0x87: {  	_ =	shalt  }
.Lfunc_end0:
.L_simem_size_0:
called_computation.2_lowered:
.L_overlay_start_0:
0x88: {  	s2 =	sld [smem:$0x3FD9]  }
0x89: {  	s3 =	sld [smem:$0x3FFE];
	_ =	sdelay $0x1  }
0x8a: {  	s1 =	srdreg.scid  }
0x8b: {  	s0 =	sand.u32 $0x1, s1  }
0x8c: {  	s16 =	sshll.u32 s0, $0xA;
	s2 =	sadd.s32 s3, s2  }
0x8d: {  	s2 =	sadd.s32 s2, s16  }
0x8e: {  	[smem:$0x3FAE] =	sst s2  }
0x8f: {  	_ = 	snop  }
0x90: {  	(tm) =	ssettm $0x1  }
0x91: {  	s17 =	sld [smem:$0x3FFB];
	_ =	sdelay $0x3  }
0x92: {  	_ =	strace s17  }
0x93: {  	s2 =	sld [smem:$0x3FFC];
	_ =	sdelay $0x3  }
0x94: {  	_ =	strace s2  }
0x95: {  	s2 =	sld [smem:$0x3FFD];
	_ =	sdelay $0x3  }
0x96: {  	_ =	strace s2  }
0x97: {  	_ =	strace $0x8FFFFFFF  }
0x98: {  	s18 =	sld [smem:$0x3FDB];
	_ =	sdelay $0x1  }
0x99: {  	s19 =	simm.s32 $_scs_section_size  }
0x9a: {  	s4 =	simm.s32 $_size__tile_overlayer_lowered;
	s5 =	simm.s32 $_tile_overlayer_lowered  }
0x9b: {  	s22 =	simm.s32 $0x1BFF;
	s21 =	sshll.u32 s5, $0x1;
	s2 =	sadd.s32 s19, s18  }
0x9c: {  	s6 =	simm.s32 $0x0;
	s20 =	sshll.u32 s4, $0x1;
	s4 =	sadd.s32 s21, s2  }
0x9d: {  	[timem:s6], [sflag:s22] =	dma.local [hbm:s4], s20  }
0x9e: {  	_ =	swait.ge [sflag:s22], s20  }
0x9f: {  	s3 =	ssub.s32 $0x0, s20;
	[sflag:s22] =	ssyncset.done $0x0  }
0xa0: {  	[sflag:s22] =	ssyncadd.s32 s3;
	_ =	sdelay $0x1  }
0xa1: {  	s23 =	simm.s32 $0x1B8B  }
0xa2: {  	_ =	swait.ge [sflag:s23], $0x1  }
0xa3: {  	[sflag:s23] =	ssyncset.done $0x0  }
0xa4: {  	s25 =	simm.s32 $0x1B8E;
	s24 =	sld [smem:$0x3FFE];
	[sflag:s23] =	ssyncadd.s32 $0xFFFFFFFF  }
0xa5: {  	s26 =	simm.s32 $execute0_lowered;
	[smem:$0x3FD2] =	sst s25  }
0xa6: {  	s4 =	sshll.u32 s26, $0x1;
	_ =	strace $0x8000004C;
	[dreg:$0x1] =	wrdreg $0xFFFFFFFF  }
0xa7: {  	s28 =	simm.s32 $_size_execute0_lowered;
	s2 =	sadd.s32 s2, s4;
	[dreg:$0x0] =	wrdreg $0x0  }
0xa8: {  	s4 =	sshll.u32 s28, $0x1;
	[dreg:$0x2] =	wrdreg s2  }
0xa9: {  	[dreg:$0x3] =	wrdreg s4  }
0xaa: {  	[dreg:$0x4] =	wrdreg $0xC0  }
0xab: {  	_ =	task [dreg:s6], $0x5FFFF  }
0xac: {  	[dreg:$0x1] =	wrdreg $0xFFFFFFFF  }
0xad: {  	[dreg:$0x0] =	wrdreg $0x60  }
0xae: {  	[dreg:$0x2] =	wrdreg s24  }
0xaf: {  	[dreg:$0x3] =	wrdreg $0x68000  }
0xb0: {  	[dreg:$0x4] =	wrdreg $0x9  }
0xb1: {  	_ =	task.clear_ibuf [dreg:s6], $0x5FFFF;
	_ =	strace $0x9000004C  }
0xb2: {  	s29 =	simm.s32 $0x9;
	_ =	strace $0x8000004E  }
0xb3: {  	_ =	swait.ge [sflag:s29], $0x1  }
0xb4: {  	[sflag:s29] =	ssyncadd.s32 $0xFFFFFFFF  }
0xb5: {  	_ =	strace $0x9000004E  }
0xb6: {  	_ =	sfence  }
0xb7: {  	s30 =	sld [smem:$0x0];
	_ =	sdelay $0x2  }
0xb8: {  	s31 =	sshll.u32 s1, $0xD;
	s1 =	sshrl.u32 s1, $0x2  }
0xb9: {  	s3 =	sand.u32 $0x4000, s31;
	s1 =	sadd.s32 s1, s30  }
0xba: {  	s0 =	sor.u32 s3, s0;
	s1 =	sshll.u32 s1, $0x11  }
0xbb: {  	s0 =	sor.u32 s1, s0  }
0xbc: {  	s0 =	sadd.s32 $0x8F2B, s0  }
0xbd: {  	[sflag:s0] =	ssyncadd.remote.s32 $0x1  }
0xbe: {  	_ =	sfence.sel $0xFFFF  }
0xbf: {  	[dreg:$0x0] =	wrdreg $0xFFFFFFFF;
	(pc) =	sbr.abs _section_cstart, $3  }
0xc0: {  	[dreg:$0x1] =	wrdreg $0xFFFFFFFF  }
0xc1: {  	_ =	task.clear_ibuf [dreg:s6], $0x2FFFF;
	_ =	strace $0x9FFFFFFF  }
0xc2: {  	(tm) =	ssettm $0x7FFFFFFF  }
0xc3: {  	_ =	shalt  }
tec
execute0_lowered:
.L_overlay_start_1:
0x0: {  	(tag) =	ssettag $0x1  }
0x1: {  	s5 =	rddreg [dreg:$0x0];
	s0 =	srdreg.scid  }
0x2: {  	s2 =	rddreg [dreg:$0x1];
	s1 =	stileid.u32  }
0x3: {  	s3 =	simm.s32 $0x0;
	s17 =	simm.s32 $0x2;
	s18 =	simm.s32 $0x1400  }
0x4: {  	s19 =	simm.s32 $0x80;
	s6 =	sand.u32 $0x1, s0;
	s0 =	rddreg [dreg:$0x2]  }
0x5: {  	s20 =	simm.s32 $0x1;
	s8 =	smul.u32 $0x14000, s1;
	[smem:$0x7FF] =	sst s3  }
0x6: {  	s4 =	sadd.s32 $0x24E00, s5;
	s12 =	sadd.s32 $0x1AE00, s5;
	s26 =	smul.u32 $0x50000, s1  }
0x7: {  	s13 =	sadd.s32 $0x8E00, s5;
	s7 =	smul.u32 $0x140000, s6;
	s28 =	sshll.u32 s6, $0x4  }
0x8: {  	_ =	strace $0x8000004D;
	s6 =	ssub.s32 $0x2, s6;
	s29 =	sor.u32 s1, s28  }
0x9: {  	s30 =	sshrl.u32 s26, $0x2;
	s31 =	sshrl.u32 s6, $0x1;
	s7 =	sadd.s32 s8, s7  }
0xa: {  	s10 =	smul.u32 $0x2800, s29;
	s15 =	ssub.s32 s6, s31;
	s7 =	sshrl.u32 s7, $0x3  }
0xb: {  	s15 =	smax.u32 s15, $0x1;
	s14 =	sadd.s32 s7, s5;
	s5 =	sadd.s32 s30, s2  }
0xc: {  	s16 =	sshrl.u32 s10, $0x3;
	s6 =	sadd.s32 $0x4000, s5;
	s7 =	sadd.s32 $0x8000, s5  }
0xd: {  	s8 =	sadd.s32 $0xC000, s5;
	s9 =	sadd.s32 $0x10000, s5;
	s10 =	sadd.s32 s12, s16  }
0xe: {  	s11 =	sadd.s32 s13, s16;
	s16 =	sadd.s32 $0x280, s16;
	s14 =	sadd.s32 $0x4CE00, s14  }
0xf: {  	v0 =	vimm.f32 $0.0e+00;
	s12 =	sadd.s32 s12, s16;
	s13 =	sadd.s32 s13, s16;
	s16 =	simm.s32 $0x2800  }
.LBB2_1:
0x10: {  	s21 =	simm.s32 $0x0;
	s22 =	simm.s32 $0x200  }
.LBB2_2:
0x11: {  	p0 =	sne.s32 s22, $0xFE00;
	[tilespmem:s21+$0x2870] =	vst v0  }
0x12: {  	[tilespmem:s21+$0x2800] =	vst v0  }
0x13: {  	[tilespmem:s21+$0x2810] =	vst v0  }
.Ltmp0:
0x14: {  	[tilespmem:s21+$0x2820] =	vst v0;
	(pc) =	sbr.rel @p0 .LBB2_2-.Ltmp0, $4  }
0x15: {  	[tilespmem:s21+$0x2830] =	vst v0  }
0x16: {  	[tilespmem:s21+$0x2840] =	vst v0  }
0x17: {  	[tilespmem:s21+$0x2850] =	vst v0  }
0x18: {  	[tilespmem:s21+$0x2860] =	vst v0;
	s21 =	sshra.s32 s22, $0x2;
	s22 =	sadd.s32 $0x200, s22  }
0x19: {  	[tilespmem:s21+$0x2870] =	vst v0  }
0x1a: {  	[tilespmem:s21+$0x2800] =	vst v0  }
0x1b: {  	[tilespmem:s21+$0x2810] =	vst v0  }
0x1c: {  	[tilespmem:s21+$0x2820] =	vst v0  }
0x1d: {  	[tilespmem:s21+$0x2830] =	vst v0  }
0x1e: {  	[tilespmem:s21+$0x2840] =	vst v0  }
0x1f: {  	[tilespmem:s21+$0x2850] =	vst v0  }
0x20: {  	[tilespmem:s21+$0x2860] =	vst v0  }
0x21: {  	[spmem:s5] =	stream.linear.scatter [tilespmem:s16], [sflag:$0x2], $0x4000, $0x38;
	[tilespmem:$0x1A800] =	vst v63  }
0x22: {  	_ =	swait.ge [sflag:s17], $0x4000  }
0x23: {  	[sflag:s17] =	ssyncset.done $0x0  }
0x24: {  	[sflag:s17] =	ssyncadd.s32 $0xFFFFC000  }
0x25: {  	[spmem:s6] =	stream.linear.scatter [tilespmem:s16], [sflag:$0x2], $0x4000, $0x38;
	[tilespmem:$0x1A800] =	vst v63  }
0x26: {  	_ =	swait.ge [sflag:s17], $0x4000  }
0x27: {  	[sflag:s17] =	ssyncset.done $0x0  }
0x28: {  	[sflag:s17] =	ssyncadd.s32 $0xFFFFC000  }
0x29: {  	[spmem:s7] =	stream.linear.scatter [tilespmem:s16], [sflag:$0x2], $0x4000, $0x38;
	[tilespmem:$0x1A800] =	vst v63  }
0x2a: {  	_ =	swait.ge [sflag:s17], $0x4000  }
0x2b: {  	[sflag:s17] =	ssyncset.done $0x0  }
0x2c: {  	[sflag:s17] =	ssyncadd.s32 $0xFFFFC000  }
0x2d: {  	[spmem:s8] =	stream.linear.scatter [tilespmem:s16], [sflag:$0x2], $0x4000, $0x38;
	[tilespmem:$0x1A800] =	vst v63  }
0x2e: {  	_ =	swait.ge [sflag:s17], $0x4000  }
0x2f: {  	[sflag:s17] =	ssyncset.done $0x0  }
0x30: {  	[sflag:s17] =	ssyncadd.s32 $0xFFFFC000  }
0x31: {  	[spmem:s9] =	stream.linear.scatter [tilespmem:s16], [sflag:$0x2], $0x4000, $0x38;
	[tilespmem:$0x1A800] =	vst v63  }
0x32: {  	_ =	swait.ge [sflag:s17], $0x4000  }
0x33: {  	[sflag:s17] =	ssyncset.done $0x0  }
0x34: {  	[sflag:s17] =	ssyncadd.s32 $0xFFFFC000  }
0x35: {  	s29 =	simm.s32 $0x0;
	[bflag:$0x0] =	sbarrier.arrive $0xFFFF  }
0x36: {  	[tilespmem:s29], [sflag:$0x2] =	stream.linear.gather [hbm4b:s10+s29], $0x1400, $0x38;
	[tilespmem:$0x1A800] =	vst v63  }
0x37: {  	_ =	swait.ge [sflag:s17], $0x1400  }
0x38: {  	[sflag:s17] =	ssyncset.done $0x0  }
0x39: {  	[sflag:s17] =	ssyncadd.s32 $0xFFFFEC00  }
0x3a: {  	[tilespmem:s18], [sflag:$0x2] =	stream.linear.gather [hbm4b:s11+s29], $0x1400, $0x38;
	[tilespmem:$0x1A800] =	vst v63  }
0x3b: {  	_ =	swait.ge [sflag:s17], $0x1400  }
0x3c: {  	[sflag:s17] =	ssyncset.done $0x0  }
0x3d: {  	s30 =	simm.s32 $0x0;
	[sflag:s17] =	ssyncadd.s32 $0xFFFFEC00  }
0x3e: {  	[tilespmem:s16], [sflag:$0x1] =	stream.indirect.gather [hbm4b:s4+s19], $0x80, s30, s19, $0xb8;
	[tilespmem:$0x1A800] =	vst v63  }
0x3f: {  	_ =	swait.ge [sflag:s20], $0x4000  }
0x40: {  	[sflag:s20] =	ssyncset.done $0x0  }
0x41: {  	s31 =	simm.s32 $0x1400;
	[sflag:s20] =	ssyncadd.s32 $0xFFFFC000  }
0x42: {  	[spmem:s2] =	stream.indirect.scatter.add.f32 [tilespmem:s16], [sflag:$0x2], $0x80, s31, s19, $0xb8;
	[tilespmem:$0x1A800] =	vst v63  }
0x43: {  	_ =	swait.ge [sflag:s17], $0x4000  }
0x44: {  	s21 =	simm.s32 $0x200;
	s22 =	simm.s32 $0x400;
	[sflag:s17] =	ssyncset.done $0x0  }
.LBB2_4:
0x45: {  	s23 =	sshra.s32 s21, $0x2  }
0x46: {  	[sflag:s17] =	ssyncadd.s32 $0xFFFFC000;
	s21 =	smov.u32 s22;
	s24 =	sadd.s32 $0x200, s22  }
0x47: {  	[tilespmem:s16], [sflag:$0x1] =	stream.indirect.gather [hbm4b:s4+s19], $0x80, s23, s19, $0xb8;
	[tilespmem:$0x1A800] =	vst v63  }
0x48: {  	p0 =	sne.s32 s22, $0x4E00;
	_ =	swait.ge [sflag:s20], $0x4000  }
.Ltmp1:
0x49: {  	[sflag:s20] =	ssyncset.done $0x0;
	(pc) =	sbr.rel @p0 .LBB2_4-.Ltmp1, $4  }
0x4a: {  	s22 =	sadd.s32 $0x1400, s23;
	[sflag:s20] =	ssyncadd.s32 $0xFFFFC000  }
0x4b: {  	[spmem:s2] =	stream.indirect.scatter.add.f32 [tilespmem:s16], [sflag:$0x2], $0x80, s22, s19, $0xb8;
	[tilespmem:$0x1A800] =	vst v63  }
0x4c: {  	_ =	swait.ge [sflag:s17], $0x4000  }
0x4d: {  	s22 =	smov.u32 s24;
	[sflag:s17] =	ssyncset.done $0x0  }
0x4e: {  	s21 =	sshra.s32 s21, $0x2;
	[sflag:s17] =	ssyncadd.s32 $0xFFFFC000  }
0x4f: {  	[tilespmem:s16], [sflag:$0x1] =	stream.indirect.gather [hbm4b:s4+s19], $0x80, s21, s19, $0xb8;
	[tilespmem:$0x1A800] =	vst v63  }
0x50: {  	_ =	swait.ge [sflag:s20], $0x4000  }
0x51: {  	[sflag:s20] =	ssyncset.done $0x0  }
0x52: {  	s21 =	sadd.s32 $0x1400, s21;
	[sflag:s20] =	ssyncadd.s32 $0xFFFFC000  }
0x53: {  	[spmem:s2] =	stream.indirect.scatter.add.f32 [tilespmem:s16], [sflag:$0x2], $0x80, s21, s19, $0xb8;
	[tilespmem:$0x1A800] =	vst v63  }
0x54: {  	_ =	swait.ge [sflag:s17], $0x4000  }
0x55: {  	[sflag:s17] =	ssyncset.done $0x0  }
0x56: {  	s29 =	simm.s32 $0x0;
	[sflag:s17] =	ssyncadd.s32 $0xFFFFC000  }
0x57: {  	[tilespmem:s29], [sflag:$0x2] =	stream.linear.gather [hbm4b:s12+s29], $0x1400, $0x38;
	[tilespmem:$0x1A800] =	vst v63  }
0x58: {  	_ =	swait.ge [sflag:s17], $0x1400  }
0x59: {  	[sflag:s17] =	ssyncset.done $0x0  }
0x5a: {  	[sflag:s17] =	ssyncadd.s32 $0xFFFFEC00  }
0x5b: {  	[tilespmem:s18], [sflag:$0x2] =	stream.linear.gather [hbm4b:s13+s29], $0x1400, $0x38;
	[tilespmem:$0x1A800] =	vst v63  }
0x5c: {  	_ =	swait.ge [sflag:s17], $0x1400  }
0x5d: {  	[sflag:s17] =	ssyncset.done $0x0  }
0x5e: {  	s30 =	simm.s32 $0x0;
	[sflag:s17] =	ssyncadd.s32 $0xFFFFEC00  }
0x5f: {  	[tilespmem:s16], [sflag:$0x1] =	stream.indirect.gather [hbm4b:s4+s19], $0x80, s30, s19, $0xb8;
	[tilespmem:$0x1A800] =	vst v63  }
0x60: {  	_ =	swait.ge [sflag:s20], $0x4000  }
0x61: {  	[sflag:s20] =	ssyncset.done $0x0  }
0x62: {  	s31 =	simm.s32 $0x1400;
	[sflag:s20] =	ssyncadd.s32 $0xFFFFC000  }
0x63: {  	[spmem:s2] =	stream.indirect.scatter.add.f32 [tilespmem:s16], [sflag:$0x2], $0x80, s31, s19, $0xb8;
	[tilespmem:$0x1A800] =	vst v63  }
0x64: {  	_ =	swait.ge [sflag:s17], $0x4000  }
0x65: {  	s22 =	simm.s32 $0x400;
	s21 =	simm.s32 $0x200;
	[sflag:s17] =	ssyncset.done $0x0  }
.LBB2_6:
0x66: {  	s23 =	sshra.s32 s21, $0x2  }
0x67: {  	[sflag:s17] =	ssyncadd.s32 $0xFFFFC000;
	s21 =	smov.u32 s22;
	s24 =	sadd.s32 $0x200, s22  }
0x68: {  	[tilespmem:s16], [sflag:$0x1] =	stream.indirect.gather [hbm4b:s4+s19], $0x80, s23, s19, $0xb8;
	[tilespmem:$0x1A800] =	vst v63  }
0x69: {  	p0 =	sne.s32 s22, $0x4E00;
	_ =	swait.ge [sflag:s20], $0x4000  }
.Ltmp2:
0x6a: {  	[sflag:s20] =	ssyncset.done $0x0;
	(pc) =	sbr.rel @p0 .LBB2_6-.Ltmp2, $4  }
0x6b: {  	s22 =	sadd.s32 $0x1400, s23;
	[sflag:s20] =	ssyncadd.s32 $0xFFFFC000  }
0x6c: {  	[spmem:s2] =	stream.indirect.scatter.add.f32 [tilespmem:s16], [sflag:$0x2], $0x80, s22, s19, $0xb8;
	[tilespmem:$0x1A800] =	vst v63  }
0x6d: {  	_ =	swait.ge [sflag:s17], $0x4000  }
0x6e: {  	s22 =	smov.u32 s24;
	[sflag:s17] =	ssyncset.done $0x0  }
0x6f: {  	s21 =	sshra.s32 s21, $0x2;
	[sflag:s17] =	ssyncadd.s32 $0xFFFFC000  }
0x70: {  	[tilespmem:s16], [sflag:$0x1] =	stream.indirect.gather [hbm4b:s4+s19], $0x80, s21, s19, $0xb8;
	[tilespmem:$0x1A800] =	vst v63  }
0x71: {  	_ =	swait.ge [sflag:s20], $0x4000  }
0x72: {  	[sflag:s20] =	ssyncset.done $0x0  }
0x73: {  	s21 =	sadd.s32 $0x1400, s21;
	[sflag:s20] =	ssyncadd.s32 $0xFFFFC000  }
0x74: {  	[spmem:s2] =	stream.indirect.scatter.add.f32 [tilespmem:s16], [sflag:$0x2], $0x80, s21, s19, $0xb8;
	[tilespmem:$0x1A800] =	vst v63  }
0x75: {  	_ =	swait.ge [sflag:s17], $0x4000  }
0x76: {  	s31 =	sshll.u32 s1, $0x6;
	s3 =	sadd.s32 $0x1, s3;
	[sflag:s17] =	ssyncset.done $0x0  }
0x77: {  	s22 =	sshrl.u32 s5, $0x3;
	p0 =	sne.s32 s3, s15;
	[sflag:s17] =	ssyncadd.s32 $0xFFFFC000  }
.Ltmp3:
0x78: {  	s21 =	sor.u32 $0x1C02, s31;
	[bflag:$0x0] =	sbarrier.arrive $0xFFFF;
	(pc) =	sbr.rel @p0 .LBB2_1-.Ltmp3, $4  }
0x79: {  	[hbm:s14], [sflag:s21] =	dma.local [spmem:s22], $0x2800  }
0x7a: {  	_ =	swait.ge [sflag:s17], $0x2800  }
0x7b: {  	[sflag:s17] =	ssyncset.done $0x0  }
0x7c: {  	[sflag:s17] =	ssyncadd.s32 $0xFFFFD800  }
0x7d: {  	_ =	sfence.sel $0x180000  }
0x7e: {  	[bflag:$0x0] =	sbarrier.arrive $0xFFFF  }
0x7f: {  	p0 =	sne.s32 s1, $0x0;
	_ =	strace $0x9000004D  }
0x80: {  	s0 =	sadd.s32 @!p0 $0x100000, s0;
	[bflag:$0x2] =	sbarrier.arrive $0xFFFF  }
0x81: {  	[sflag:s0] =	ssyncadd.tile.s32 @!p0 $0x1;
	_ =	shalt  }
.Lfunc_end2:
_tile_overlayer_lowered:
.L_overlay_start_2:
0x82: {  	(tag) =	ssettag $0x2  }
0x83: {  	s0 =	rddreg [dreg:$0x0];
	s2 =	stileid.u32  }
0x84: {  	s1 =	rddreg [dreg:$0x1];
	p0 =	sne.s32 s2, $0x0  }
0x85: {  	s3 =	rddreg [dreg:$0x2];
	[bflag:$0x3] =	sbarrier.arrive $0xFFFF;
	s2 =	simm.s32 @!p0 $0x1C02  }
0x86: {  	[timem:s3], [sflag:s2] =	dma.local @!p0 [hbm:s0], s1  }
0x87: {  	s0 =	simm.s32 @!p0 $0x2  }
0x88: {  	_ =	swait.ge @!p0 [sflag:s0], s1  }
0x89: {  	s1 =	ssub.s32 @!p0 $0x0, s1;
	[sflag:s0] =	ssyncset.done @!p0 $0x0  }
0x8a: {  	[sflag:s0] =	ssyncadd.s32 @!p0 s1  }
0x8b: {  	[bflag:$0x3] =	sbarrier.arrive $0xFFFF  }
0x8c: {  	_ =	shalt  }

// kernel: kernel.19.cloned.1.call-start
scs
__scs_entry_jumppad:
0x0: {  	(pc) =	sbr.rel $0x88, $3  }
0x1: {  	(tag) =	ssettag $0x0;
	lr =	simm.s32 $0x1  }
0x2: {  	[smem:$0x3F87] =	sst lr;
	_ =	strace $0xD0000000  }
0x3: {  	_ = 	snop  }
0x4: {  	_ = 	snop  }
0x5: {  	_ = 	snop  }
0x6: {  	_ = 	snop  }
0x7: {  	_ = 	snop  }
__scs_overlays_trampoline_lowered:
0x8: {  	[smem:$0x3F96] =	sst s0  }
0x9: {  	[smem:$0x3F97] =	sst s1  }
0xa: {  	[smem:$0x3F98] =	sst s2  }
0xb: {  	[smem:$0x3F99] =	sst s3  }
0xc: {  	[smem:$0x3F9A] =	sst s4  }
0xd: {  	[smem:$0x3F9B] =	sst s5  }
0xe: {  	[smem:$0x3F9C] =	sst s6  }
0xf: {  	[smem:$0x3F9D] =	sst s7  }
0x10: {  	[smem:$0x3F9E] =	sst s8  }
0x11: {  	[smem:$0x3F9F] =	sst s9;
	s0 =	simm.s32 @!p0 $0x0  }
0x12: {  	s1 =	sld [smem:$0x3F85];
	s0 =	simm.s32 @p0 $0x1  }
0x13: {  	[smem:$0x3FA0] =	sst s0;
	s0 =	simm.s32 @!p1 $0x0  }
0x14: {  	s2 =	sld [smem:$0x3F84];
	s0 =	simm.s32 @p1 $0x1  }
0x15: {  	[smem:$0x3FA1] =	sst s0;
	s0 =	simm.s32 @!p2 $0x0  }
0x16: {  	s3 =	sld [smem:$0x3FDB];
	s0 =	simm.s32 @p2 $0x1  }
0x17: {  	s4 =	simm.s32 $0x1BF5;
	[smem:$0x3FA3] =	sst s0  }
0x18: {  	s0 =	sld [smem:$0x3F86];
	_ =	swait.ge [sflag:s4], $0x0  }
0x19: {  	s7 =	sld [smem:$0x3F87]  }
0x1a: {  	s8 =	sadd.s32 $0xFFFFE003, lr  }
0x1b: {  	s9 =	sadd.s32 $0xFFFFFEF7, lr;
	s5 =	simm.s32 $0xFFFFFFFF;
	p2 =	slt.u32 s8, $0xFFFFF086  }
0x1c: {  	p1 =	slt.u32 s9, $0xF7A;
	s5 =	simm.s32 @!p2 $0x0  }
0x1d: {  	s5 =	simm.s32 @p1 $0x1;
	p0 =	seq.s32 s7, s2  }
0x1e: {  	s7 =	smul.u32 @!p0 $0xF7A, s2;
	p2 =	seq.s32 @!p0 s5, $0x0  }
0x1f: {  	s9 =	smul.u32 $0xF7A, s1;
	s8 =	simm.s32 @!p0 $0x1BF5;
	p2 =	por !p2, p0  }
0x20: {  	[sflag:s8] =	ssyncset.s32 @!p0 $0xFFFFF086;
	s6 =	sadd.s32 @!p0 s3, s7;
	s7 =	simm.s32 @!p0 $0x108  }
0x21: {  	s3 =	sadd.s32 s3, s9;
	s6 =	sadd.s32 @!p0 $0x88, s6;
	s7 =	simm.s32 @p2 $0x1082  }
0x22: {  	[simem:s7], [sflag:s8] =	dma.local @!p0 [hbm:s6], $0xF7A  }
0x23: {  	s9 =	sor.u32 $0xD0000000, s2;
	s6 =	simm.s32 $0x108;
	_ =	swait.ge @!p0 [sflag:s8], $0x0  }
0x24: {  	s3 =	sadd.s32 $0x88, s3;
	s6 =	simm.s32 @!p1 $0x1082;
	[sflag:s4] =	ssyncset.s32 $0xFFFFF086  }
0x25: {  	[simem:s6], [sflag:s4] =	dma.local [hbm:s3], $0xF7A  }
0x26: {  	[smem:$0x3F87] =	sst s1;
	(tag) =	ssettag s2;
	_ =	strace s9  }
0x27: {  	s1 =	sld [smem:$0x3F97]  }
0x28: {  	s2 =	sld [smem:$0x3F98]  }
0x29: {  	s4 =	sld [smem:$0x3F9A]  }
0x2a: {  	p0 =	seq.s32 s5, $0x0;
	s5 =	sld [smem:$0x3F9B]  }
0x2b: {  	s6 =	sld [smem:$0x3F9C]  }
0x2c: {  	s7 =	sld [smem:$0x3F9D]  }
0x2d: {  	s3 =	simm.s32 $0x108;
	s8 =	sld [smem:$0x3F9E]  }
0x2e: {  	s3 =	simm.s32 @!p0 $0x1082;
	s9 =	sld [smem:$0x3F9F]  }
0x2f: {  	lr =	sadd.s32 s0, s3;
	s0 =	sld [smem:$0x3F96]  }
0x30: {  	s3 =	sld [smem:$0x3F99]  }
0x31: {  	[smem:$0x3FA2] =	sst s10  }
0x32: {  	s10 =	sld [smem:$0x3FA0];
	_ =	sdelay $0x3  }
0x33: {  	p0 =	seq.s32 s10, $0x1;
	s10 =	sld [smem:$0x3FA2];
	_ =	sdelay $0x3  }
0x34: {  	[smem:$0x3FA2] =	sst s10  }
0x35: {  	s10 =	sld [smem:$0x3FA1];
	_ =	sdelay $0x3  }
0x36: {  	p1 =	seq.s32 s10, $0x1;
	s10 =	sld [smem:$0x3FA2];
	_ =	sdelay $0x3  }
0x37: {  	[smem:$0x3FA2] =	sst s10  }
0x38: {  	s10 =	sld [smem:$0x3FA3]  }
0x39: {  	_ = 	snop;
	(pc) =	sbr.ind lr, $3  }
0x3a: {  	_ = 	snop  }
0x3b: {  	_ = 	snop  }
0x3c: {  	p2 =	seq.s32 s10, $0x1;
	s10 =	sld [smem:$0x3FA2]  }
0x3d: {  	_ =	shalt  }
0x3e: {  	_ =	shalt  }
0x3f: {  	_ =	shalt  }
0x40: {  	_ =	shalt  }
0x41: {  	_ =	shalt  }
0x42: {  	_ =	shalt  }
0x43: {  	_ =	shalt  }
0x44: {  	_ =	shalt  }
0x45: {  	_ =	shalt  }
0x46: {  	_ =	shalt  }
0x47: {  	_ =	shalt  }
0x48: {  	_ =	shalt  }
0x49: {  	_ =	shalt  }
0x4a: {  	_ =	shalt  }
0x4b: {  	_ =	shalt  }
0x4c: {  	_ =	shalt  }
0x4d: {  	_ =	shalt  }
0x4e: {  	_ =	shalt  }
0x4f: {  	_ =	shalt  }
0x50: {  	_ =	shalt  }
0x51: {  	_ =	shalt  }
0x52: {  	_ =	shalt  }
0x53: {  	_ =	shalt  }
0x54: {  	_ =	shalt  }
0x55: {  	_ =	shalt  }
0x56: {  	_ =	shalt  }
0x57: {  	_ =	shalt  }
0x58: {  	_ =	shalt  }
0x59: {  	_ =	shalt  }
0x5a: {  	_ =	shalt  }
0x5b: {  	_ =	shalt  }
0x5c: {  	_ =	shalt  }
0x5d: {  	_ =	shalt  }
0x5e: {  	_ =	shalt  }
0x5f: {  	_ =	shalt  }
0x60: {  	_ =	shalt  }
0x61: {  	_ =	shalt  }
0x62: {  	_ =	shalt  }
0x63: {  	_ =	shalt  }
0x64: {  	_ =	shalt  }
0x65: {  	_ =	shalt  }
0x66: {  	_ =	shalt  }
0x67: {  	_ =	shalt  }
0x68: {  	_ =	shalt  }
0x69: {  	_ =	shalt  }
0x6a: {  	_ =	shalt  }
0x6b: {  	_ =	shalt  }
0x6c: {  	_ =	shalt  }
0x6d: {  	_ =	shalt  }
0x6e: {  	_ =	shalt  }
0x6f: {  	_ =	shalt  }
0x70: {  	_ =	shalt  }
0x71: {  	_ =	shalt  }
0x72: {  	_ =	shalt  }
0x73: {  	_ =	shalt  }
0x74: {  	_ =	shalt  }
0x75: {  	_ =	shalt  }
0x76: {  	_ =	shalt  }
0x77: {  	_ =	shalt  }
0x78: {  	_ =	shalt  }
0x79: {  	_ =	shalt  }
0x7a: {  	_ =	shalt  }
0x7b: {  	_ =	shalt  }
0x7c: {  	_ =	shalt  }
0x7d: {  	_ =	shalt  }
0x7e: {  	_ =	shalt  }
0x7f: {  	_ =	shalt  }
0x80: {  	_ =	shalt  }
0x81: {  	_ =	shalt  }
0x82: {  	_ =	shalt  }
0x83: {  	_ =	shalt  }
0x84: {  	_ =	shalt  }
0x85: {  	_ =	shalt  }
0x86: {  	_ =	shalt  }
0x87: {  	_ =	shalt  }
.Lfunc_end0:
.L_simem_size_0:
called_computation.3_lowered:
.L_overlay_start_0:
0x88: {  	s2 =	sld [smem:$0x3FD9]  }
0x89: {  	s3 =	sld [smem:$0x3FFE];
	_ =	sdelay $0x1  }
0x8a: {  	s1 =	srdreg.scid  }
0x8b: {  	s0 =	sand.u32 $0x1, s1  }
0x8c: {  	s16 =	sshll.u32 s0, $0xA;
	s2 =	sadd.s32 s3, s2  }
0x8d: {  	s2 =	sadd.s32 s2, s16  }
0x8e: {  	[smem:$0x3FAE] =	sst s2  }
0x8f: {  	_ = 	snop  }
0x90: {  	(tm) =	ssettm $0x1  }
0x91: {  	s17 =	sld [smem:$0x3FFB];
	_ =	sdelay $0x3  }
0x92: {  	_ =	strace s17  }
0x93: {  	s2 =	sld [smem:$0x3FFC];
	_ =	sdelay $0x3  }
0x94: {  	_ =	strace s2  }
0x95: {  	s2 =	sld [smem:$0x3FFD];
	_ =	sdelay $0x3  }
0x96: {  	_ =	strace s2  }
0x97: {  	_ =	strace $0x8FFFFFFF  }
0x98: {  	s18 =	sld [smem:$0x3FDB];
	_ =	sdelay $0x1  }
0x99: {  	s19 =	simm.s32 $_scs_section_size  }
0x9a: {  	s4 =	simm.s32 $_size__tile_overlayer_lowered;
	s5 =	simm.s32 $_tile_overlayer_lowered  }
0x9b: {  	s22 =	simm.s32 $0x1BFF;
	s21 =	sshll.u32 s5, $0x1;
	s2 =	sadd.s32 s19, s18  }
0x9c: {  	s6 =	simm.s32 $0x0;
	s20 =	sshll.u32 s4, $0x1;
	s4 =	sadd.s32 s21, s2  }
0x9d: {  	[timem:s6], [sflag:s22] =	dma.local [hbm:s4], s20  }
0x9e: {  	_ =	swait.ge [sflag:s22], s20  }
0x9f: {  	s3 =	ssub.s32 $0x0, s20;
	[sflag:s22] =	ssyncset.done $0x0  }
0xa0: {  	[sflag:s22] =	ssyncadd.s32 s3;
	_ =	sdelay $0x1  }
0xa1: {  	s23 =	simm.s32 $0x1B8B  }
0xa2: {  	_ =	swait.ge [sflag:s23], $0x1  }
0xa3: {  	[sflag:s23] =	ssyncset.done $0x0  }
0xa4: {  	s25 =	simm.s32 $0x1B8E;
	s24 =	sld [smem:$0x3FFE];
	[sflag:s23] =	ssyncadd.s32 $0xFFFFFFFF  }
0xa5: {  	s26 =	simm.s32 $execute0_lowered;
	[smem:$0x3FD2] =	sst s25  }
0xa6: {  	s4 =	sshll.u32 s26, $0x1;
	_ =	strace $0x8000004F;
	[dreg:$0x1] =	wrdreg $0xFFFFFFFF  }
0xa7: {  	s28 =	simm.s32 $_size_execute0_lowered;
	s2 =	sadd.s32 s2, s4;
	[dreg:$0x0] =	wrdreg $0x0  }
0xa8: {  	s4 =	sshll.u32 s28, $0x1;
	[dreg:$0x2] =	wrdreg s2  }
0xa9: {  	[dreg:$0x3] =	wrdreg s4  }
0xaa: {  	[dreg:$0x4] =	wrdreg $0xC0  }
0xab: {  	_ =	task [dreg:s6], $0x5FFFF  }
0xac: {  	[dreg:$0x1] =	wrdreg $0xFFFFFFFF  }
0xad: {  	[dreg:$0x0] =	wrdreg $0x60  }
0xae: {  	[dreg:$0x2] =	wrdreg s24  }
0xaf: {  	[dreg:$0x3] =	wrdreg $0x9  }
0xb0: {  	_ =	task.clear_ibuf [dreg:s6], $0x4FFFF;
	_ =	strace $0x9000004F  }
0xb1: {  	s29 =	simm.s32 $0x9;
	_ =	strace $0x80000051  }
0xb2: {  	_ =	swait.ge [sflag:s29], $0x1  }
0xb3: {  	[sflag:s29] =	ssyncadd.s32 $0xFFFFFFFF  }
0xb4: {  	_ =	strace $0x90000051  }
0xb5: {  	_ =	sfence  }
0xb6: {  	s30 =	sld [smem:$0x0];
	_ =	sdelay $0x2  }
0xb7: {  	s31 =	sshll.u32 s1, $0xD;
	s1 =	sshrl.u32 s1, $0x2  }
0xb8: {  	s3 =	sand.u32 $0x4000, s31;
	s1 =	sadd.s32 s1, s30  }
0xb9: {  	s0 =	sor.u32 s3, s0;
	s1 =	sshll.u32 s1, $0x11  }
0xba: {  	s0 =	sor.u32 s1, s0  }
0xbb: {  	s0 =	sadd.s32 $0x8F2B, s0  }
0xbc: {  	[sflag:s0] =	ssyncadd.remote.s32 $0x1  }
0xbd: {  	_ =	sfence.sel $0xFFFF  }
0xbe: {  	[dreg:$0x0] =	wrdreg $0xFFFFFFFF;
	(pc) =	sbr.abs _section_cstart, $3  }
0xbf: {  	[dreg:$0x1] =	wrdreg $0xFFFFFFFF  }
0xc0: {  	_ =	task.clear_ibuf [dreg:s6], $0x2FFFF;
	_ =	strace $0x9FFFFFFF  }
0xc1: {  	(tm) =	ssettm $0x7FFFFFFF  }
tec
execute0_lowered:
.L_overlay_start_1:
0x0: {  	(tag) =	ssettag $0x1  }
0x1: {  	s4 =	rddreg [dreg:$0x0];
	s2 =	simm.s32 $0x0  }
0x2: {  	s0 =	srdreg.scid;
	s12 =	simm.s32 $0x2800;
	[smem:$0x7FF] =	sst s2  }
0x3: {  	s13 =	simm.s32 $0x3000;
	_ =	strace $0x80000050;
	[dreg:$0x4] =	wrdreg s12  }
0x4: {  	s5 =	stileid.u32;
	s14 =	simm.s32 $0x3800;
	[dreg:$0x5] =	wrdreg s13  }
0x5: {  	s15 =	simm.s32 $0x4000;
	s16 =	simm.s32 $0x4800;
	[dreg:$0x6] =	wrdreg s14  }
0x6: {  	s17 =	simm.s32 $0x5000;
	s19 =	simm.s32 $0x5800;
	[dreg:$0x7] =	wrdreg s15  }
0x7: {  	s20 =	simm.s32 $0x6000;
	s22 =	simm.s32 $0x6800;
	[dreg:$0x8] =	wrdreg s16  }
0x8: {  	s23 =	simm.s32 $0x7000;
	s24 =	simm.s32 $0x7800;
	[dreg:$0x9] =	wrdreg s17  }
0x9: {  	s7 =	simm.s32 $0x3;
	s25 =	simm.s32 $0x8000;
	[dreg:$0xa] =	wrdreg s19  }
0xa: {  	s26 =	simm.s32 $0x8800;
	s9 =	simm.s32 $0x2000;
	[dreg:$0xb] =	wrdreg s20  }
0xb: {  	s31 =	simm.s32 $0x9000;
	s10 =	simm.s32 $0x9800;
	[dreg:$0xc] =	wrdreg s22  }
0xc: {  	s11 =	simm.s32 $0xA000;
	s28 =	simm.s32 $0x1;
	[dreg:$0xd] =	wrdreg s23  }
0xd: {  	s29 =	simm.s32 $0x2;
	s30 =	simm.s32 $0x0;
	[dreg:$0xe] =	wrdreg s24  }
0xe: {  	s0 =	sand.u32 $0x1, s0;
	s3 =	smul.u32 $0x1A000, s5;
	[dreg:$0xf] =	wrdreg s25  }
0xf: {  	s5 =	sshll.u32 s5, $0x9;
	s1 =	smul.u32 $0x1A0000, s0;
	[dreg:$0x10] =	wrdreg s26  }
0x10: {  	s6 =	sshll.u32 s0, $0xD;
	s0 =	ssub.s32 $0x2, s0;
	[dreg:$0x11] =	wrdreg s31  }
0x11: {  	s12 =	simm.s32 $0xA800;
	s13 =	simm.s32 $0xB000;
	s14 =	simm.s32 $0xB800  }
0x12: {  	s15 =	simm.s32 $0xC000;
	s16 =	simm.s32 $0xC800;
	s17 =	simm.s32 $0xD000  }
0x13: {  	s19 =	simm.s32 $0xE000;
	s20 =	simm.s32 $0xE800;
	s22 =	simm.s32 $0xF800  }
0x14: {  	s23 =	simm.s32 $0x10000;
	s24 =	simm.s32 $0x10800;
	s25 =	simm.s32 $0x11000  }
0x15: {  	s26 =	simm.s32 $0x11800;
	s5 =	sor.u32 s5, s6;
	s18 =	sshrl.u32 s0, $0x1  }
0x16: {  	s1 =	sadd.s32 s1, s4;
	s5 =	sadd.s32 s5, s4;
	s0 =	ssub.s32 s0, s18  }
0x17: {  	s18 =	simm.s32 $0xD800;
	s1 =	sadd.s32 s3, s1;
	s21 =	sadd.s32 $0x9CE00, s5  }
0x18: {  	v2 =	vlaneseq.u32;
	s5 =	sadd.s32 $0x4E00, s5;
	s3 =	sadd.s32 $0xA0E00, s1;
	[dreg:$0x12] =	wrdreg s21  }
0x19: {  	vm0 =	vmmov $0xffff;
	v1 =	vshrl.u32 v2, $0x3;
	s6 =	smax.u32 s0, $0x1;
	s1 =	sadd.s32 $0x3E0E00, s1;
	[dreg:$0x2] =	wrdreg s3  }
0x1a: {  	v0 =	vand.u32 $0x7, v2;
	v2 =	vor.u32 $0x8, v2;
	v1 =	vmul.u32 $0x8, v1;
	s21 =	simm.s32 $0xF000;
	s3 =	sadd.s32 $0x1AE00, s4;
	[dreg:$0x3] =	wrdreg s1  }
.LBB2_1:
0x1b: {  	s0 =	rddreg [dreg:$0x12]  }
0x1c: {  	[tilespmem:s2], [sflag:$0x3] =	stream.linear.gather [hbm4b:s0+s2], $0xD00, $0x38;
	[tilespmem:$0x12000] =	vst v63  }
0x1d: {  	_ =	swait.ge [sflag:s7], $0xD00  }
0x1e: {  	[sflag:s7] =	ssyncset.done $0x0  }
0x1f: {  	s8 =	simm.s32 $0x1000;
	[sflag:s7] =	ssyncadd.s32 $0xFFFFF300  }
0x20: {  	[tilespmem:s8], [sflag:$0x3] =	stream.linear.gather [hbm4b:s5+s2], $0xD00, $0x38;
	[tilespmem:$0x12000] =	vst v63  }
0x21: {  	_ =	swait.ge [sflag:s7], $0xD00  }
0x22: {  	s31 =	simm.s32 $0x1040;
	[sflag:s7] =	ssyncset.done $0x0  }
0x23: {  	s1 =	simm.s32 $0x40;
	s0 =	simm.s32 $0x0;
	[sflag:s7] =	ssyncadd.s32 $0xFFFFF300  }
.LBB2_2:
0x24: {  	v3 =	vld [tilespmem:s1+$0xFFFFFFC0];
	_ =	sdelay $0x4  }
0x25: {  	v4 =	vshll.u32 v3, $0x1  }
0x26: {  	v3 =	vand.u32 $0x7, v3;
	v4 =	vand.u32 $0xFFFFFFF0, v4  }
0x27: {  	v3 =	vor.u32 v3, v4  }
0x28: {  	v4 =	vperm.xlane v3, v0;
	_ =	sdelay $0x1  }
0x29: {  	v3 =	vperm.xlane v3, v2;
	v4 =	vadd.s32 v1, v4;
	_ =	sdelay $0x1  }
0x2a: {  	v3 =	vadd.s32 v1, v3;
	_ =	sdelay $0x2  }
0x2b: {  	[tilespmem:s9], [sflag:$0x1] =	stream.indirect_vreg.gather [hbm4b:s3+s2], $0x80, v4, vm0, $0xb8;
	[tilespmem:$0x12000] =	vst v63  }
0x2c: {  	s8 =	rddreg [dreg:$0x4]  }
0x2d: {  	[tilespmem:s8], [sflag:$0x1] =	stream.indirect_vreg.gather [hbm4b:s3+s2], $0x80, v3, vm0, $0xb8;
	[tilespmem:$0x12000] =	vst v63  }
0x2e: {  	v3 =	vld [tilespmem:s1+$0xFFFFFFD0];
	_ =	sdelay $0x4  }
0x2f: {  	v49 =	vshll.u32 v3, $0x1  }
0x30: {  	v3 =	vand.u32 $0x7, v3;
	v4 =	vand.u32 $0xFFFFFFF0, v49  }
0x31: {  	v3 =	vor.u32 v3, v4  }
0x32: {  	v4 =	vperm.xlane v3, v0;
	_ =	sdelay $0x1  }
0x33: {  	v3 =	vperm.xlane v3, v2;
	v4 =	vadd.s32 v1, v4;
	_ =	sdelay $0x1  }
0x34: {  	v3 =	vadd.s32 v1, v3;
	_ =	sdelay $0x1  }
0x35: {  	s8 =	rddreg [dreg:$0x5]  }
0x36: {  	[tilespmem:s8], [sflag:$0x1] =	stream.indirect_vreg.gather [hbm4b:s3+s2], $0x80, v4, vm0, $0xb8;
	[tilespmem:$0x12000] =	vst v63  }
0x37: {  	s4 =	rddreg [dreg:$0x6]  }
0x38: {  	[tilespmem:s4], [sflag:$0x1] =	stream.indirect_vreg.gather [hbm4b:s3+s2], $0x80, v3, vm0, $0xb8;
	[tilespmem:$0x12000] =	vst v63  }
0x39: {  	v3 =	vld [tilespmem:s1+$0xFFFFFFE0];
	_ =	sdelay $0x4  }
0x3a: {  	v50 =	vshll.u32 v3, $0x1  }
0x3b: {  	v3 =	vand.u32 $0x7, v3;
	v4 =	vand.u32 $0xFFFFFFF0, v50  }
0x3c: {  	v3 =	vor.u32 v3, v4  }
0x3d: {  	v4 =	vperm.xlane v3, v0;
	_ =	sdelay $0x1  }
0x3e: {  	v3 =	vperm.xlane v3, v2;
	v4 =	vadd.s32 v1, v4;
	_ =	sdelay $0x1  }
0x3f: {  	v3 =	vadd.s32 v1, v3;
	_ =	sdelay $0x1  }
0x40: {  	s4 =	rddreg [dreg:$0x7]  }
0x41: {  	[tilespmem:s4], [sflag:$0x1] =	stream.indirect_vreg.gather [hbm4b:s3+s2], $0x80, v4, vm0, $0xb8;
	[tilespmem:$0x12000] =	vst v63  }
0x42: {  	s8 =	rddreg [dreg:$0x8]  }
0x43: {  	[tilespmem:s8], [sflag:$0x1] =	stream.indirect_vreg.gather [hbm4b:s3+s2], $0x80, v3, vm0, $0xb8;
	[tilespmem:$0x12000] =	vst v63  }
0x44: {  	v3 =	vld [tilespmem:s1+$0xFFFFFFF0];
	_ =	sdelay $0x4  }
0x45: {  	v51 =	vshll.u32 v3, $0x1  }
0x46: {  	v3 =	vand.u32 $0x7, v3;
	v4 =	vand.u32 $0xFFFFFFF0, v51  }
0x47: {  	v3 =	vor.u32 v3, v4  }
0x48: {  	v4 =	vperm.xlane v3, v0;
	_ =	sdelay $0x1  }
0x49: {  	v3 =	vperm.xlane v3, v2;
	v4 =	vadd.s32 v1, v4;
	_ =	sdelay $0x1  }
0x4a: {  	v3 =	vadd.s32 v1, v3;
	_ =	sdelay $0x1  }
0x4b: {  	s4 =	rddreg [dreg:$0x9]  }
0x4c: {  	[tilespmem:s4], [sflag:$0x1] =	stream.indirect_vreg.gather [hbm4b:s3+s2], $0x80, v4, vm0, $0xb8;
	[tilespmem:$0x12000] =	vst v63  }
0x4d: {  	s8 =	rddreg [dreg:$0xa]  }
0x4e: {  	[tilespmem:s8], [sflag:$0x1] =	stream.indirect_vreg.gather [hbm4b:s3+s2], $0x80, v3, vm0, $0xb8;
	[tilespmem:$0x12000] =	vst v63  }
0x4f: {  	v3 =	vld [tilespmem:s1+$0x0];
	_ =	sdelay $0x4  }
0x50: {  	v52 =	vshll.u32 v3, $0x1  }
0x51: {  	v3 =	vand.u32 $0x7, v3;
	v4 =	vand.u32 $0xFFFFFFF0, v52  }
0x52: {  	v3 =	vor.u32 v3, v4  }
0x53: {  	v4 =	vperm.xlane v3, v0;
	_ =	sdelay $0x1  }
0x54: {  	v3 =	vperm.xlane v3, v2;
	v4 =	vadd.s32 v1, v4;
	_ =	sdelay $0x1  }
0x55: {  	v3 =	vadd.s32 v1, v3;
	_ =	sdelay $0x1  }
0x56: {  	s4 =	rddreg [dreg:$0xb]  }
0x57: {  	[tilespmem:s4], [sflag:$0x1] =	stream.indirect_vreg.gather [hbm4b:s3+s2], $0x80, v4, vm0, $0xb8;
	[tilespmem:$0x12000] =	vst v63  }
0x58: {  	s8 =	rddreg [dreg:$0xc]  }
0x59: {  	[tilespmem:s8], [sflag:$0x1] =	stream.indirect_vreg.gather [hbm4b:s3+s2], $0x80, v3, vm0, $0xb8;
	[tilespmem:$0x12000] =	vst v63  }
0x5a: {  	v3 =	vld [tilespmem:s1+$0x10];
	_ =	sdelay $0x4  }
0x5b: {  	v53 =	vshll.u32 v3, $0x1  }
0x5c: {  	v3 =	vand.u32 $0x7, v3;
	v4 =	vand.u32 $0xFFFFFFF0, v53  }
0x5d: {  	v3 =	vor.u32 v3, v4  }
0x5e: {  	v4 =	vperm.xlane v3, v0;
	_ =	sdelay $0x1  }
0x5f: {  	v3 =	vperm.xlane v3, v2;
	v4 =	vadd.s32 v1, v4;
	_ =	sdelay $0x1  }
0x60: {  	v3 =	vadd.s32 v1, v3;
	_ =	sdelay $0x1  }
0x61: {  	s4 =	rddreg [dreg:$0xd]  }
0x62: {  	[tilespmem:s4], [sflag:$0x1] =	stream.indirect_vreg.gather [hbm4b:s3+s2], $0x80, v4, vm0, $0xb8;
	[tilespmem:$0x12000] =	vst v63  }
0x63: {  	s8 =	rddreg [dreg:$0xe]  }
0x64: {  	[tilespmem:s8], [sflag:$0x1] =	stream.indirect_vreg.gather [hbm4b:s3+s2], $0x80, v3, vm0, $0xb8;
	[tilespmem:$0x12000] =	vst v63  }
0x65: {  	v3 =	vld [tilespmem:s1+$0x20];
	_ =	sdelay $0x4  }
0x66: {  	v54 =	vshll.u32 v3, $0x1  }
0x67: {  	v3 =	vand.u32 $0x7, v3;
	v4 =	vand.u32 $0xFFFFFFF0, v54  }
0x68: {  	v3 =	vor.u32 v3, v4  }
0x69: {  	v4 =	vperm.xlane v3, v0;
	_ =	sdelay $0x1  }
0x6a: {  	v3 =	vperm.xlane v3, v2;
	v4 =	vadd.s32 v1, v4;
	_ =	sdelay $0x1  }
0x6b: {  	v3 =	vadd.s32 v1, v3;
	_ =	sdelay $0x1  }
0x6c: {  	s4 =	rddreg [dreg:$0xf]  }
0x6d: {  	[tilespmem:s4], [sflag:$0x1] =	stream.indirect_vreg.gather [hbm4b:s3+s2], $0x80, v4, vm0, $0xb8;
	[tilespmem:$0x12000] =	vst v63  }
0x6e: {  	s8 =	rddreg [dreg:$0x10]  }
0x6f: {  	[tilespmem:s8], [sflag:$0x1] =	stream.indirect_vreg.gather [hbm4b:s3+s2], $0x80, v3, vm0, $0xb8;
	[tilespmem:$0x12000] =	vst v63  }
0x70: {  	v3 =	vld [tilespmem:s1+$0x30];
	_ =	sdelay $0x4  }
0x71: {  	v55 =	vshll.u32 v3, $0x1  }
0x72: {  	v3 =	vand.u32 $0x7, v3;
	v4 =	vand.u32 $0xFFFFFFF0, v55  }
0x73: {  	v3 =	vor.u32 v3, v4  }
0x74: {  	v4 =	vperm.xlane v3, v0;
	_ =	sdelay $0x1  }
0x75: {  	v3 =	vperm.xlane v3, v2;
	v4 =	vadd.s32 v1, v4;
	_ =	sdelay $0x1  }
0x76: {  	v3 =	vadd.s32 v1, v3;
	_ =	sdelay $0x1  }
0x77: {  	s8 =	rddreg [dreg:$0x11]  }
0x78: {  	[tilespmem:s8], [sflag:$0x1] =	stream.indirect_vreg.gather [hbm4b:s3+s2], $0x80, v4, vm0, $0xb8;
	[tilespmem:$0x12000] =	vst v63  }
0x79: {  	_ = 	snop  }
0x7a: {  	[tilespmem:s10], [sflag:$0x1] =	stream.indirect_vreg.gather [hbm4b:s3+s2], $0x80, v3, vm0, $0xb8;
	[tilespmem:$0x12000] =	vst v63  }
0x7b: {  	v3 =	vld [tilespmem:s31+$0xFFFFFFC0];
	_ =	sdelay $0x4  }
0x7c: {  	v56 =	vshll.u32 v3, $0x1  }
0x7d: {  	v3 =	vand.u32 $0x7, v3;
	v4 =	vand.u32 $0xFFFFFFF0, v56  }
0x7e: {  	v3 =	vor.u32 v3, v4  }
0x7f: {  	v4 =	vperm.xlane v3, v0;
	_ =	sdelay $0x1  }
0x80: {  	v3 =	vperm.xlane v3, v2;
	v4 =	vadd.s32 v1, v4;
	_ =	sdelay $0x1  }
0x81: {  	v3 =	vadd.s32 v1, v3;
	_ =	sdelay $0x2  }
0x82: {  	[tilespmem:s11], [sflag:$0x2] =	stream.indirect_vreg.gather [hbm4b:s3+s2], $0x80, v4, vm0, $0xb8;
	[tilespmem:$0x12000] =	vst v63  }
0x83: {  	_ = 	snop  }
0x84: {  	[tilespmem:s12], [sflag:$0x2] =	stream.indirect_vreg.gather [hbm4b:s3+s2], $0x80, v3, vm0, $0xb8;
	[tilespmem:$0x12000] =	vst v63  }
0x85: {  	v3 =	vld [tilespmem:s31+$0xFFFFFFD0];
	_ =	sdelay $0x4  }
0x86: {  	v57 =	vshll.u32 v3, $0x1  }
0x87: {  	v3 =	vand.u32 $0x7, v3;
	v4 =	vand.u32 $0xFFFFFFF0, v57  }
0x88: {  	v3 =	vor.u32 v3, v4  }
0x89: {  	v4 =	vperm.xlane v3, v0;
	_ =	sdelay $0x1  }
0x8a: {  	v3 =	vperm.xlane v3, v2;
	v4 =	vadd.s32 v1, v4;
	_ =	sdelay $0x1  }
0x8b: {  	v3 =	vadd.s32 v1, v3;
	_ =	sdelay $0x2  }
0x8c: {  	[tilespmem:s13], [sflag:$0x2] =	stream.indirect_vreg.gather [hbm4b:s3+s2], $0x80, v4, vm0, $0xb8;
	[tilespmem:$0x12000] =	vst v63  }
0x8d: {  	_ = 	snop  }
0x8e: {  	[tilespmem:s14], [sflag:$0x2] =	stream.indirect_vreg.gather [hbm4b:s3+s2], $0x80, v3, vm0, $0xb8;
	[tilespmem:$0x12000] =	vst v63  }
0x8f: {  	v3 =	vld [tilespmem:s31+$0xFFFFFFE0];
	_ =	sdelay $0x4  }
0x90: {  	v58 =	vshll.u32 v3, $0x1  }
0x91: {  	v3 =	vand.u32 $0x7, v3;
	v4 =	vand.u32 $0xFFFFFFF0, v58  }
0x92: {  	v3 =	vor.u32 v3, v4  }
0x93: {  	v4 =	vperm.xlane v3, v0;
	_ =	sdelay $0x1  }
0x94: {  	v3 =	vperm.xlane v3, v2;
	v4 =	vadd.s32 v1, v4;
	_ =	sdelay $0x1  }
0x95: {  	v3 =	vadd.s32 v1, v3;
	_ =	sdelay $0x2  }
0x96: {  	[tilespmem:s15], [sflag:$0x2] =	stream.indirect_vreg.gather [hbm4b:s3+s2], $0x80, v4, vm0, $0xb8;
	[tilespmem:$0x12000] =	vst v63  }
0x97: {  	_ = 	snop  }
0x98: {  	[tilespmem:s16], [sflag:$0x2] =	stream.indirect_vreg.gather [hbm4b:s3+s2], $0x80, v3, vm0, $0xb8;
	[tilespmem:$0x12000] =	vst v63  }
0x99: {  	v3 =	vld [tilespmem:s31+$0xFFFFFFF0];
	_ =	sdelay $0x4  }
0x9a: {  	v59 =	vshll.u32 v3, $0x1  }
0x9b: {  	v3 =	vand.u32 $0x7, v3;
	v4 =	vand.u32 $0xFFFFFFF0, v59  }
0x9c: {  	v3 =	vor.u32 v3, v4  }
0x9d: {  	v4 =	vperm.xlane v3, v0;
	_ =	sdelay $0x1  }
0x9e: {  	v3 =	vperm.xlane v3, v2;
	v4 =	vadd.s32 v1, v4;
	_ =	sdelay $0x1  }
0x9f: {  	v3 =	vadd.s32 v1, v3;
	_ =	sdelay $0x2  }
0xa0: {  	[tilespmem:s17], [sflag:$0x2] =	stream.indirect_vreg.gather [hbm4b:s3+s2], $0x80, v4, vm0, $0xb8;
	[tilespmem:$0x12000] =	vst v63  }
0xa1: {  	_ = 	snop  }
0xa2: {  	[tilespmem:s18], [sflag:$0x2] =	stream.indirect_vreg.gather [hbm4b:s3+s2], $0x80, v3, vm0, $0xb8;
	[tilespmem:$0x12000] =	vst v63  }
0xa3: {  	v3 =	vld [tilespmem:s31+$0x0];
	_ =	sdelay $0x4  }
0xa4: {  	v60 =	vshll.u32 v3, $0x1  }
0xa5: {  	v3 =	vand.u32 $0x7, v3;
	v4 =	vand.u32 $0xFFFFFFF0, v60  }
0xa6: {  	v3 =	vor.u32 v3, v4  }
0xa7: {  	v4 =	vperm.xlane v3, v0;
	_ =	sdelay $0x1  }
0xa8: {  	v3 =	vperm.xlane v3, v2;
	v4 =	vadd.s32 v1, v4;
	_ =	sdelay $0x1  }
0xa9: {  	v3 =	vadd.s32 v1, v3;
	_ =	sdelay $0x2  }
0xaa: {  	[tilespmem:s19], [sflag:$0x2] =	stream.indirect_vreg.gather [hbm4b:s3+s2], $0x80, v4, vm0, $0xb8;
	[tilespmem:$0x12000] =	vst v63  }
0xab: {  	_ = 	snop  }
0xac: {  	[tilespmem:s20], [sflag:$0x2] =	stream.indirect_vreg.gather [hbm4b:s3+s2], $0x80, v3, vm0, $0xb8;
	[tilespmem:$0x12000] =	vst v63  }
0xad: {  	v3 =	vld [tilespmem:s31+$0x10];
	_ =	sdelay $0x4  }
0xae: {  	v61 =	vshll.u32 v3, $0x1  }
0xaf: {  	v3 =	vand.u32 $0x7, v3;
	v4 =	vand.u32 $0xFFFFFFF0, v61  }
0xb0: {  	v3 =	vor.u32 v3, v4  }
0xb1: {  	v4 =	vperm.xlane v3, v0;
	_ =	sdelay $0x1  }
0xb2: {  	v3 =	vperm.xlane v3, v2;
	v4 =	vadd.s32 v1, v4;
	_ =	sdelay $0x1  }
0xb3: {  	v3 =	vadd.s32 v1, v3;
	_ =	sdelay $0x2  }
0xb4: {  	[tilespmem:s21], [sflag:$0x2] =	stream.indirect_vreg.gather [hbm4b:s3+s2], $0x80, v4, vm0, $0xb8;
	[tilespmem:$0x12000] =	vst v63  }
0xb5: {  	_ = 	snop  }
0xb6: {  	[tilespmem:s22], [sflag:$0x2] =	stream.indirect_vreg.gather [hbm4b:s3+s2], $0x80, v3, vm0, $0xb8;
	[tilespmem:$0x12000] =	vst v63  }
0xb7: {  	v3 =	vld [tilespmem:s31+$0x20];
	_ =	sdelay $0x4  }
0xb8: {  	v62 =	vshll.u32 v3, $0x1  }
0xb9: {  	v3 =	vand.u32 $0x7, v3;
	v4 =	vand.u32 $0xFFFFFFF0, v62  }
0xba: {  	v3 =	vor.u32 v3, v4  }
0xbb: {  	v4 =	vperm.xlane v3, v0;
	_ =	sdelay $0x1  }
0xbc: {  	v3 =	vperm.xlane v3, v2;
	v4 =	vadd.s32 v1, v4;
	_ =	sdelay $0x1  }
0xbd: {  	v3 =	vadd.s32 v1, v3;
	_ =	sdelay $0x2  }
0xbe: {  	[tilespmem:s23], [sflag:$0x2] =	stream.indirect_vreg.gather [hbm4b:s3+s2], $0x80, v4, vm0, $0xb8;
	[tilespmem:$0x12000] =	vst v63  }
0xbf: {  	_ = 	snop  }
0xc0: {  	[tilespmem:s24], [sflag:$0x2] =	stream.indirect_vreg.gather [hbm4b:s3+s2], $0x80, v3, vm0, $0xb8;
	[tilespmem:$0x12000] =	vst v63  }
0xc1: {  	v3 =	vld [tilespmem:s31+$0x30];
	_ =	sdelay $0x4  }
0xc2: {  	v63 =	vshll.u32 v3, $0x1  }
0xc3: {  	v3 =	vand.u32 $0x7, v3;
	v4 =	vand.u32 $0xFFFFFFF0, v63  }
0xc4: {  	v3 =	vor.u32 v3, v4  }
0xc5: {  	v4 =	vperm.xlane v3, v0;
	_ =	sdelay $0x1  }
0xc6: {  	v3 =	vperm.xlane v3, v2;
	v4 =	vadd.s32 v1, v4;
	_ =	sdelay $0x1  }
0xc7: {  	v3 =	vadd.s32 v1, v3;
	_ =	sdelay $0x2  }
0xc8: {  	[tilespmem:s25], [sflag:$0x2] =	stream.indirect_vreg.gather [hbm4b:s3+s2], $0x80, v4, vm0, $0xb8;
	[tilespmem:$0x12000] =	vst v63  }
0xc9: {  	_ = 	snop  }
0xca: {  	[tilespmem:s26], [sflag:$0x2] =	stream.indirect_vreg.gather [hbm4b:s3+s2], $0x80, v3, vm0, $0xb8;
	[tilespmem:$0x12000] =	vst v63  }
0xcb: {  	_ =	swait.ge [sflag:s28], $0x8000  }
0xcc: {  	s8 =	rddreg [dreg:$0x2];
	[sflag:s28] =	ssyncset.done $0x0  }
0xcd: {  	[sflag:s28] =	ssyncadd.s32 $0xFFFF8000;
	s4 =	sadd.s32 s0, s8  }
0xce: {  	[hbm4b:s4+s2] =	stream.linear.scatter [tilespmem:s9], [sflag:$0x3], $0x8000, $0x38;
	[tilespmem:$0x12000] =	vst v63  }
0xcf: {  	_ =	swait.ge [sflag:s7], $0x8000  }
0xd0: {  	[sflag:s7] =	ssyncset.done $0x0  }
0xd1: {  	[sflag:s7] =	ssyncadd.s32 $0xFFFF8000  }
0xd2: {  	_ =	swait.ge [sflag:s29], $0x8000  }
0xd3: {  	p0 =	sne.s32 s0, $0x19000;
	s8 =	rddreg [dreg:$0x3];
	[sflag:s29] =	ssyncset.done $0x0  }
.Ltmp0:
0xd4: {  	[sflag:s29] =	ssyncadd.s32 $0xFFFF8000;
	s4 =	sadd.s32 s0, s8;
	(pc) =	sbr.rel @p0 .LBB2_2-.Ltmp0, $4  }
0xd5: {  	[hbm4b:s4+s2] =	stream.linear.scatter [tilespmem:s11], [sflag:$0x3], $0x8000, $0x38;
	[tilespmem:$0x12000] =	vst v63  }
0xd6: {  	_ =	swait.ge [sflag:s7], $0x8000  }
0xd7: {  	s1 =	sadd.s32 $0x80, s1;
	[sflag:s7] =	ssyncset.done $0x0  }
0xd8: {  	s31 =	sadd.s32 $0x80, s31;
	s0 =	sadd.s32 $0x1000, s0;
	[sflag:s7] =	ssyncadd.s32 $0xFFFF8000  }
0xd9: {  	s30 =	sadd.s32 $0x1, s30  }
0xda: {  	p0 =	sne.s32 s30, s6  }
.Ltmp1:
0xdb: {  	_ = 	snop;
	(pc) =	sbr.rel @p0 .LBB2_1-.Ltmp1, $1  }
0xdc: {  	_ =	sdelay $0x3  }
0xdd: {  	_ =	sfence.sel $0x180000  }
0xde: {  	[bflag:$0x0] =	sbarrier.arrive $0xFFFF  }
0xdf: {  	_ =	strace $0x90000050  }
0xe0: {  	s0 =	stileid.u32;
	[bflag:$0x2] =	sbarrier.arrive $0xFFFF  }
0xe1: {  	p0 =	sne.s32 s0, $0x0;
	s0 =	rddreg [dreg:$0x1]  }
0xe2: {  	s0 =	sadd.s32 @!p0 $0x100000, s0  }
0xe3: {  	[sflag:s0] =	ssyncadd.tile.s32 @!p0 $0x1;
	_ =	shalt  }
.Lfunc_end2:
_tile_overlayer_lowered:
.L_overlay_start_2:
0xe4: {  	(tag) =	ssettag $0x2  }
0xe5: {  	s0 =	rddreg [dreg:$0x0];
	s2 =	stileid.u32  }
0xe6: {  	s1 =	rddreg [dreg:$0x1];
	p0 =	sne.s32 s2, $0x0  }
0xe7: {  	s3 =	rddreg [dreg:$0x2];
	[bflag:$0x3] =	sbarrier.arrive $0xFFFF;
	s2 =	simm.s32 @!p0 $0x1C03  }
0xe8: {  	[timem:s3], [sflag:s2] =	dma.local @!p0 [hbm:s0], s1  }
0xe9: {  	s0 =	simm.s32 @!p0 $0x3  }
0xea: {  	_ =	swait.ge @!p0 [sflag:s0], s1  }
0xeb: {  	s1 =	ssub.s32 @!p0 $0x0, s1;
	[sflag:s0] =	ssyncset.done @!p0 $0x0  }
0xec: {  	[sflag:s0] =	ssyncadd.s32 @!p0 s1  }
0xed: {  	[bflag:$0x3] =	sbarrier.arrive $0xFFFF  }
0xee: {  	_ =	shalt  }

</sc_bundles>
